<compile_context>
chip_gen: v7x
topology: tpu7x:2x2x1
jax: 0.10.2.dev20260603
libtpu: 0.0.44.dev20260713+nightly
codegen_flags: <defaults>
</compile_context>

<pallas_src>
import functools

import jax
import jax.numpy as jnp
from jax import lax
from jax.experimental import pallas as pl
from jax.experimental.pallas import tpu as pltpu
from jax.experimental.pallas import tpu_sc as plsc

N = 10000
NP = 10240
E = 320000
EP = 327680
G = 256
BM = 1024
NTILE = 32
NBLK = 80
ROWS_PER_TILE = NP // NTILE

def _mesh():
    return plsc.VectorSubcoreMesh(core_axis_name="c", subcore_axis_name="s",
                                  num_cores=2)


_HI = jax.lax.Precision.HIGHEST



def _sc_count(dst3, zeros16, ones16):

    @functools.partial(
        pl.kernel,
        out_type=jax.ShapeDtypeStruct((2, NP, 16), jnp.float32),
        mesh=_mesh(),
        scratch_types=[
            pltpu.VMEM((128,), jnp.int32),
            pltpu.VMEM((128, 16), jnp.float32),
            pltpu.VMEM_SHARED((NP, 16), jnp.float32),
        ],
    )
    def k(dst_h, zeros_h, ones_h, out_h, idx_d, ones_v, slab):
        c = lax.axis_index("c")
        s = lax.axis_index("s")
        tid = c * 16 + s
        r0 = s * 640
        pltpu.sync_copy(zeros_h, slab.at[pl.ds(r0, 640)])
        pltpu.sync_copy(ones_h, ones_v)
        plsc.subcore_barrier()

        def body(j, carry):
            pltpu.sync_copy(dst_h.at[tid, j], idx_d)
            pltpu.sync_copy(ones_v, slab.at[idx_d], add=True)
            return carry

        lax.fori_loop(0, NBLK, body, 0)
        plsc.subcore_barrier()
        pltpu.sync_copy(slab.at[pl.ds(r0, 640)], out_h.at[c, pl.ds(r0, 640)])

    return k(dst3, zeros16, ones16)


def _sc_prop(h_chunks, src3, dst3, zeros128):
    C = len(h_chunks)

    @functools.partial(
        pl.kernel,
        out_type=jax.ShapeDtypeStruct((2, C, NP, 128), jnp.float32),
        mesh=_mesh(),
        scratch_types=[
            pltpu.VMEM((128,), jnp.int32),
            pltpu.VMEM((128,), jnp.int32),
            pltpu.VMEM((128, 128), jnp.float32),
            pltpu.VMEM_SHARED((NP, 128), jnp.float32),
            pltpu.SemaphoreType.DMA,
        ],
    )
    def k(*refs):
        h_hs = refs[:C]
        src_h, dst_h, zeros_h, out_h = refs[C:C + 4]
        idx_s, idx_d, rows, slab, sem = refs[C + 4:]
        c = lax.axis_index("c")
        s = lax.axis_index("s")
        tid = c * 16 + s
        r0 = s * 640
        for cc in range(C):
            pltpu.sync_copy(zeros_h, slab.at[pl.ds(r0, 640)])
            plsc.subcore_barrier()

            def body(j, carry):
                pltpu.sync_copy(src_h.at[tid, j], idx_s)
                pltpu.sync_copy(dst_h.at[tid, j], idx_d)
                pltpu.async_copy(h_hs[cc].at[idx_s], rows, sem).wait()
                pltpu.sync_copy(rows, slab.at[idx_d], add=True)
                return carry

            lax.fori_loop(0, NBLK, body, 0)
            plsc.subcore_barrier()
            pltpu.sync_copy(slab.at[pl.ds(r0, 640)],
                            out_h.at[c, cc, pl.ds(r0, 640)])
            plsc.subcore_barrier()

    return k(*h_chunks, src3, dst3, zeros128)



def _bn_coeffs(stats, gam, bet):
    mean = stats[0:1, :] * (1.0 / N)
    ex2 = stats[1:2, :] * (1.0 / N)
    var = ex2 - mean * mean
    sc = gam * lax.rsqrt(var + 1e-5)
    sh = bet - mean * sc
    return sc, sh


def _k_dinv(c0, c1):
    def body(c0_r, c1_r, out_r):
        d = 1.0 + c0_r[:, 0:1] + c1_r[:, 0:1]
        out_r[...] = jnp.broadcast_to(lax.rsqrt(d), (NP, 128))

    return pl.pallas_call(
        body,
        out_shape=jax.ShapeDtypeStruct((NP, 128), jnp.float32),
    )(c0, c1)


def _k_scale_chunk(xp, dinv):
    def body(x_r, d_r, o_r):
        o_r[...] = (x_r[...] * d_r[...])[None]

    ni = NP // BM
    return pl.pallas_call(
        body,
        grid=(ni,),
        in_specs=[
            pl.BlockSpec((BM, 128), lambda i: (i, 0)),
            pl.BlockSpec((BM, 128), lambda i: (i, 0)),
        ],
        out_specs=pl.BlockSpec((1, BM, 128), lambda i: (0, i, 0)),
        out_shape=jax.ShapeDtypeStruct((1, NP, 128), jnp.float32),
    )(xp, dinv)


def _k_bn_scale_chunk(U, stats, gam, bet, dinv, C):
    def body(u_r, st_r, g_r, b_r, d_r, o_r):
        sc, sh = _bn_coeffs(st_r[...], g_r[...], b_r[...])
        h = u_r[...] * sc + sh
        o_r[...] = (h * d_r[...])[None]

    ni = NP // BM
    return pl.pallas_call(
        body,
        grid=(C, ni),
        in_specs=[
            pl.BlockSpec((BM, 128), lambda j, i: (i, j)),
            pl.BlockSpec((8, 128), lambda j, i: (0, j)),
            pl.BlockSpec((1, 128), lambda j, i: (0, j)),
            pl.BlockSpec((1, 128), lambda j, i: (0, j)),
            pl.BlockSpec((BM, 128), lambda j, i: (i, 0)),
        ],
        out_specs=pl.BlockSpec((1, BM, 128), lambda j, i: (j, i, 0)),
        out_shape=jax.ShapeDtypeStruct((C, NP, 128), jnp.float32),
    )(U, stats, gam, bet, dinv)


def _k_bn_mm_scale_chunk(U, stats, gam, bet, W, dinv, C, BK):
    K = U.shape[1]
    nk = K // BK
    ni = NP // BM

    def body(u_r, st_r, g_r, b_r, w_r, d_r, o_r, acc):
        kk = pl.program_id(2)
        sc, sh = _bn_coeffs(st_r[...], g_r[...], b_r[...])
        a = u_r[...] * sc + sh
        part = jnp.dot(a, w_r[...], precision=_HI,
                       preferred_element_type=jnp.float32)

        @pl.when(kk == 0)
        def _():
            acc[...] = part

        @pl.when(kk > 0)
        def _():
            acc[...] = acc[...] + part

        @pl.when(kk == nk - 1)
        def _():
            o_r[...] = (acc[...] * d_r[...])[None]

    return pl.pallas_call(
        body,
        grid=(C, ni, nk),
        in_specs=[
            pl.BlockSpec((BM, BK), lambda j, i, kk: (i, kk)),
            pl.BlockSpec((8, BK), lambda j, i, kk: (0, kk)),
            pl.BlockSpec((1, BK), lambda j, i, kk: (0, kk)),
            pl.BlockSpec((1, BK), lambda j, i, kk: (0, kk)),
            pl.BlockSpec((BK, 128), lambda j, i, kk: (kk, j)),
            pl.BlockSpec((BM, 128), lambda j, i, kk: (i, 0)),
        ],
        out_specs=pl.BlockSpec((1, BM, 128), lambda j, i, kk: (j, i, 0)),
        out_shape=jax.ShapeDtypeStruct((C, NP, 128), jnp.float32),
        scratch_shapes=[pltpu.VMEM((BM, 128), jnp.float32)],
    )(U, stats, gam, bet, W, dinv)


def _row_mask(i, bm):
    row = i * bm + lax.broadcasted_iota(jnp.int32, (bm, 1), 0)
    return (row < N).astype(jnp.float32)


def _k_combine_mm_relu_stats(p0, p1, q, dinv, W, bias, BN_):
    C = q.shape[0]
    K = C * 128
    F = W.shape[1]
    nj = F // BN_
    ni = NP // BM

    def body(p0_r, p1_r, q_r, d_r, w_r, b_r, u_r, st_r):
        j = pl.program_id(0)
        i = pl.program_id(1)
        d = d_r[...]
        a = jnp.concatenate(
            [d * (p0_r[c] + p1_r[c] + q_r[c]) for c in range(C)], axis=1)
        u = jnp.maximum(jnp.dot(a, w_r[...], precision=_HI,
                                preferred_element_type=jnp.float32)
                        + b_r[...], 0.0)
        u_r[...] = u
        m = _row_mask(i, BM)
        um = u * m
        su = jnp.sum(um, axis=0, keepdims=True)
        sq = jnp.sum(um * u, axis=0, keepdims=True)
        z = jnp.zeros((6, BN_), jnp.float32)
        part = jnp.concatenate([su, sq, z], axis=0)

        @pl.when(i == 0)
        def _():
            st_r[...] = part

        @pl.when(i > 0)
        def _():
            st_r[...] = st_r[...] + part

    return pl.pallas_call(
        body,
        grid=(nj, ni),
        in_specs=[
            pl.BlockSpec((C, BM, 128), lambda j, i: (0, i, 0)),
            pl.BlockSpec((C, BM, 128), lambda j, i: (0, i, 0)),
            pl.BlockSpec((C, BM, 128), lambda j, i: (0, i, 0)),
            pl.BlockSpec((BM, 128), lambda j, i: (i, 0)),
            pl.BlockSpec((K, BN_), lambda j, i: (0, j)),
            pl.BlockSpec((1, BN_), lambda j, i: (0, j)),
        ],
        out_specs=[
            pl.BlockSpec((BM, BN_), lambda j, i: (i, j)),
            pl.BlockSpec((8, BN_), lambda j, i: (0, j)),
        ],
        out_shape=[
            jax.ShapeDtypeStruct((NP, F), jnp.float32),
            jax.ShapeDtypeStruct((8, F), jnp.float32),
        ],
    )(p0, p1, q, dinv, W, bias)


def _k_combine_relu_stats(p0, p1, z, dinv, bias):
    C = z.shape[0]
    ni = NP // BM

    def body(p0_r, p1_r, z_r, d_r, b_r, u_r, st_r):
        i = pl.program_id(1)
        u = jnp.maximum(d_r[...] * (p0_r[0] + p1_r[0] + z_r[0]) + b_r[...],
                        0.0)
        u_r[...] = u
        m = _row_mask(i, BM)
        um = u * m
        su = jnp.sum(um, axis=0, keepdims=True)
        sq = jnp.sum(um * u, axis=0, keepdims=True)
        part = jnp.concatenate(
            [su, sq, jnp.zeros((6, 128), jnp.float32)], axis=0)

        @pl.when(i == 0)
        def _():
            st_r[...] = part

        @pl.when(i > 0)
        def _():
            st_r[...] = st_r[...] + part

    return pl.pallas_call(
        body,
        grid=(C, ni),
        in_specs=[
            pl.BlockSpec((1, BM, 128), lambda j, i: (j, i, 0)),
            pl.BlockSpec((1, BM, 128), lambda j, i: (j, i, 0)),
            pl.BlockSpec((1, BM, 128), lambda j, i: (j, i, 0)),
            pl.BlockSpec((BM, 128), lambda j, i: (i, 0)),
            pl.BlockSpec((1, 128), lambda j, i: (0, j)),
        ],
        out_specs=[
            pl.BlockSpec((BM, 128), lambda j, i: (i, j)),
            pl.BlockSpec((8, 128), lambda j, i: (0, j)),
        ],
        out_shape=[
            jax.ShapeDtypeStruct((NP, C * 128), jnp.float32),
            jax.ShapeDtypeStruct((8, C * 128), jnp.float32),
        ],
    )(p0, p1, z, dinv, bias)


def _k_gate(U, stats, gam, bet, WgP, bgP):
    K = U.shape[1]
    BK = 512
    nk = K // BK
    ni = NP // BM

    def body(u_r, st_r, g_r, b_r, w_r, bg_r, o_r, acc):
        kk = pl.program_id(1)
        sc, sh = _bn_coeffs(st_r[...], g_r[...], b_r[...])
        a = u_r[...] * sc + sh
        part = jnp.dot(a, w_r[...], precision=_HI,
                       preferred_element_type=jnp.float32)

        @pl.when(kk == 0)
        def _():
            acc[...] = part

        @pl.when(kk > 0)
        def _():
            acc[...] = acc[...] + part

        @pl.when(kk == nk - 1)
        def _():
            o_r[...] = acc[...] + bg_r[...]

    return pl.pallas_call(
        body,
        grid=(ni, nk),
        in_specs=[
            pl.BlockSpec((BM, BK), lambda i, kk: (i, kk)),
            pl.BlockSpec((8, BK), lambda i, kk: (0, kk)),
            pl.BlockSpec((1, BK), lambda i, kk: (0, kk)),
            pl.BlockSpec((1, BK), lambda i, kk: (0, kk)),
            pl.BlockSpec((BK, 128), lambda i, kk: (kk, 0)),
            pl.BlockSpec((1, 128), lambda i, kk: (0, 0)),
        ],
        out_specs=pl.BlockSpec((BM, 128), lambda i, kk: (i, 0)),
        out_shape=jax.ShapeDtypeStruct((NP, 128), jnp.float32),
        scratch_shapes=[pltpu.VMEM((BM, 128), jnp.float32)],
    )(U, stats, gam, bet, WgP, bgP)


def _k_gmax(gcol, batchcol):
    ni = NP // BM

    def body(g_r, b_r, o_r):
        i = pl.program_id(0)
        gate = g_r[:, 0:1]
        seg = b_r[:, 0:1]
        ids = lax.broadcasted_iota(jnp.int32, (1, G), 1)
        m = jnp.where(seg == ids, gate, -1e30)
        red = jnp.max(m, axis=0, keepdims=True)
        red8 = jnp.broadcast_to(red, (8, G))

        @pl.when(i == 0)
        def _():
            o_r[...] = red8

        @pl.when(i > 0)
        def _():
            o_r[...] = jnp.maximum(o_r[...], red8)

    return pl.pallas_call(
        body,
        grid=(ni,),
        in_specs=[
            pl.BlockSpec((BM, 128), lambda i: (i, 0)),
            pl.BlockSpec((BM, 128), lambda i: (i, 0)),
        ],
        out_specs=pl.BlockSpec((8, G), lambda i: (0, 0)),
        out_shape=jax.ShapeDtypeStruct((8, G), jnp.float32),
    )(gcol, batchcol)


def _k_pool(U, stats, gam, bet, gcol, batchcol, gmax):
    F = U.shape[1]
    ni = NP // BM

    def body(u_r, st_r, g_r, b_r, gc_r, bc_r, gm_r, o_r):
        i = pl.program_id(0)
        sc, sh = _bn_coeffs(st_r[...], g_r[...], b_r[...])
        h = u_r[...] * sc + sh
        aug = jnp.concatenate([h, jnp.ones((BM, 128), jnp.float32)], axis=1)
        gate = gc_r[:, 0:1]
        seg = bc_r[:, 0:1]
        ids = lax.broadcasted_iota(jnp.int32, (1, G), 1)
        gm = gm_r[0:1, :]
        lg = jnp.where(seg == ids, gate - gm, -1e30)
        w = jnp.exp(lg)
        part = lax.dot_general(w, aug, (((0,), (0,)), ((), ())),
                               precision=_HI,
                               preferred_element_type=jnp.float32)

        @pl.when(i == 0)
        def _():
            o_r[...] = part

        @pl.when(i > 0)
        def _():
            o_r[...] = o_r[...] + part

    return pl.pallas_call(
        body,
        grid=(ni,),
        in_specs=[
            pl.BlockSpec((BM, F), lambda i: (i, 0)),
            pl.BlockSpec((8, F), lambda i: (0, 0)),
            pl.BlockSpec((1, F), lambda i: (0, 0)),
            pl.BlockSpec((1, F), lambda i: (0, 0)),
            pl.BlockSpec((BM, 128), lambda i: (i, 0)),
            pl.BlockSpec((BM, 128), lambda i: (i, 0)),
            pl.BlockSpec((8, G), lambda i: (0, 0)),
        ],
        out_specs=pl.BlockSpec((G, F + 128), lambda i: (0, 0)),
        out_shape=jax.ShapeDtypeStruct((G, F + 128), jnp.float32),
    )(U, stats, gam, bet, gcol, batchcol, gmax)


def _k_head(pooledaug, Wf2, bf2, Wf3p, bf3p, Wf4p, bf4p):
    def body(p_r, w2_r, b2_r, w3_r, b3_r, w4_r, b4_r, o_r):
        pa = p_r[...]
        denom = jnp.maximum(pa[:, 1024:1025], 1e-16)
        P = pa[:, :1024] / denom
        o = jnp.maximum(jnp.dot(P, w2_r[...], precision=_HI,
                                preferred_element_type=jnp.float32)
                        + b2_r[...], 0.0)
        o = jnp.maximum(jnp.dot(o, w3_r[...], precision=_HI,
                                preferred_element_type=jnp.float32)
                        + b3_r[...], 0.0)
        o_r[...] = jnp.dot(o, w4_r[...], precision=_HI,
                           preferred_element_type=jnp.float32) + b4_r[...]

    return pl.pallas_call(
        body,
        out_shape=jax.ShapeDtypeStruct((G, 128), jnp.float32),
    )(pooledaug, Wf2, bf2, Wf3p, bf3p, Wf4p, bf4p)



def kernel(x, edge_index, batch,
           W1, b1, gam1, bet1, W2, b2, gam2, bet2, W3, b3, gam3, bet3,
           W4, b4, gam4, bet4, W5, b5, gam5, bet5,
           Wg, bg, Wf2, bf2, Wf3, bf3, Wf4, bf4):
    f32 = jnp.float32
    xp = jnp.pad(x, ((0, NP - N), (0, 0)))
    src3 = jnp.pad(edge_index[0], (0, EP - E), constant_values=NP - 1)
    src3 = src3.reshape(NTILE, NBLK, 128)
    dst3 = jnp.pad(edge_index[1], (0, EP - E), constant_values=NP - 1)
    dst3 = dst3.reshape(NTILE, NBLK, 128)
    batchcol = jnp.broadcast_to(
        jnp.pad(batch, (0, NP - N), constant_values=G)[:, None], (NP, 128))
    zeros16 = jnp.zeros((640, 16), f32)
    ones16 = jnp.ones((128, 16), f32)
    zeros128 = jnp.zeros((640, 128), f32)

    r = lambda v: v.reshape(1, -1)
    b1r, b2r, b3r, b4r, b5r = r(b1), r(b2), r(b3), r(b4), r(b5)
    g1r, g2r, g3r, g4r, g5r = r(gam1), r(gam2), r(gam3), r(gam4), r(gam5)
    t1r, t2r, t3r, t4r, t5r = r(bet1), r(bet2), r(bet3), r(bet4), r(bet5)
    WgP = jnp.pad(Wg, ((0, 0), (0, 127)))
    bgP = jnp.pad(r(bg), ((0, 0), (0, 127)))
    Wf3p = jnp.pad(Wf3, ((0, 0), (0, 112)))
    bf3p = jnp.pad(r(bf3), ((0, 0), (0, 112)))
    Wf4p = jnp.pad(Wf4, ((0, 112), (0, 127)))
    bf4p = jnp.pad(r(bf4), ((0, 0), (0, 127)))
    bf2r = r(bf2)

    counts = _sc_count(dst3, zeros16, ones16)
    dinv = _k_dinv(counts[0], counts[1])

    xq = _k_scale_chunk(xp, dinv)
    p = _sc_prop([xq[0]], src3, dst3, zeros128)
    U1, st1 = _k_combine_mm_relu_stats(p[0], p[1], xq, dinv, W1, b1r, 512)

    z2 = _k_bn_mm_scale_chunk(U1, st1, g1r, t1r, W2, dinv, 4, 512)
    p = _sc_prop([z2[0], z2[1], z2[2], z2[3]], src3, dst3, zeros128)
    U2, st2 = _k_combine_relu_stats(p[0], p[1], z2, dinv, b2r)

    z3 = _k_bn_mm_scale_chunk(U2, st2, g2r, t2r, W3, dinv, 2, 512)
    p = _sc_prop([z3[0], z3[1]], src3, dst3, zeros128)
    U3, st3 = _k_combine_relu_stats(p[0], p[1], z3, dinv, b3r)

    q4 = _k_bn_scale_chunk(U3, st3, g3r, t3r, dinv, 2)
    p = _sc_prop([q4[0], q4[1]], src3, dst3, zeros128)
    U4, st4 = _k_combine_mm_relu_stats(p[0], p[1], q4, dinv, W4, b4r, 512)

    q5 = _k_bn_scale_chunk(U4, st4, g4r, t4r, dinv, 4)
    p = _sc_prop([q5[0], q5[1], q5[2], q5[3]], src3, dst3, zeros128)
    U5, st5 = _k_combine_mm_relu_stats(p[0], p[1], q5, dinv, W5, b5r, 512)

    gcol = _k_gate(U5, st5, g5r, t5r, WgP, bgP)
    gmax = _k_gmax(gcol, batchcol)
    pooledaug = _k_pool(U5, st5, g5r, t5r, gcol, batchcol, gmax)
    out = _k_head(pooledaug, Wf2, bf2r, Wf3p, bf3p, Wf4p, bf4p)
    return out[:, :1]

# --- scband reference (transcript-rebuilt; emitter-appended) ---
"""Pipeline reference for scband-gcnnet-v2-73564199846476 (READ-ONLY COPY).

The authoritative reference and input builder live on the scoring server;
editing this copy changes nothing except your own understanding.
"""

import jax, jax.numpy as jnp
import numpy as np

N = 10000
E = 320000
F_IN = 128
G = 256
DIMS = [(F_IN, 1024), (1024, 512), (512, 256), (256, 512), (512, 1024)]


def setup_inputs(seed: int = 0):
    key = jax.random.key(seed)
    ks = jax.random.split(key, 32)
    inp = {}
    inp["x"] = jax.random.normal(ks[0], (N, F_IN), dtype=jnp.float32)
    inp["edge_index"] = jax.random.randint(ks[1], (2, E), 0, N, dtype=jnp.int32)
    inp["batch"] = jnp.sort(jax.random.randint(ks[2], (N,), 0, G, dtype=jnp.int32))
    for i, (fi, fo) in enumerate(DIMS, start=1):
        inp[f"W{i}"] = jax.random.normal(ks[2 + i], (fi, fo), dtype=jnp.float32) / np.sqrt(fi)
        inp[f"b{i}"] = jnp.zeros((fo,), dtype=jnp.float32)
        inp[f"gam{i}"] = jnp.ones((fo,), dtype=jnp.float32)
        inp[f"bet{i}"] = jnp.zeros((fo,), dtype=jnp.float32)
    inp["Wg"] = jax.random.normal(ks[10], (1024, 1), dtype=jnp.float32) / 32.0
    inp["bg"] = jnp.zeros((1,), dtype=jnp.float32)
    inp["Wf2"] = jax.random.normal(ks[11], (1024, 128), dtype=jnp.float32) / 32.0
    inp["bf2"] = jnp.zeros((128,), dtype=jnp.float32)
    inp["Wf3"] = jax.random.normal(ks[12], (128, 16), dtype=jnp.float32) / np.sqrt(128)
    inp["bf3"] = jnp.zeros((16,), dtype=jnp.float32)
    inp["Wf4"] = jax.random.normal(ks[13], (16, 1), dtype=jnp.float32) / 4.0
    inp["bf4"] = jnp.zeros((1,), dtype=jnp.float32)
    return inp


def _gcn(x, W, b, src, dst, norm):
    h = x @ W
    out = jnp.zeros((x.shape[0], W.shape[1]), dtype=x.dtype)
    out = out.at[dst].add(norm[:, None] * h[src])
    return out + b


def _bn(x, gam, bet):
    m = jnp.mean(x, axis=0)
    v = jnp.var(x, axis=0)
    return (x - m) * jax.lax.rsqrt(v + 1e-5) * gam + bet


def _forward(x, edge_index, batch, W1, b1, gam1, bet1, W2, b2, gam2, bet2, W3, b3, gam3, bet3, W4, b4, gam4, bet4, W5, b5, gam5, bet5, Wg, bg, Wf2, bf2, Wf3, bf3, Wf4, bf4):
    n = x.shape[0]
    loop = jnp.arange(n, dtype=edge_index.dtype)
    src = jnp.concatenate([edge_index[0], loop])
    dst = jnp.concatenate([edge_index[1], loop])
    deg = jnp.zeros((n,), dtype=x.dtype).at[dst].add(1.0)
    dinv = jax.lax.rsqrt(deg)
    norm = dinv[src] * dinv[dst]
    h = jax.nn.relu(_gcn(x, W1, b1, src, dst, norm))
    h = _bn(h, gam1, bet1)
    h = jax.nn.relu(_gcn(h, W2, b2, src, dst, norm))
    h = _bn(h, gam2, bet2)
    h = jax.nn.relu(_gcn(h, W3, b3, src, dst, norm))
    h = _bn(h, gam3, bet3)
    h = jax.nn.relu(_gcn(h, W4, b4, src, dst, norm))
    h = _bn(h, gam4, bet4)
    h = jax.nn.relu(_gcn(h, W5, b5, src, dst, norm))
    h = _bn(h, gam5, bet5)
    gate = (h @ Wg + bg)[:, 0]
    gmax = jax.ops.segment_max(gate, batch, num_segments=G)
    gmax = jnp.where(jnp.isfinite(gmax), gmax, 0.0)
    e = jnp.exp(gate - gmax[batch])
    denom = jax.ops.segment_sum(e, batch, num_segments=G)
    alpha = e / jnp.maximum(denom[batch], 1e-16)
    pooled = jax.ops.segment_sum(alpha[:, None] * h, batch, num_segments=G)
    o = jax.nn.relu(pooled @ Wf2 + bf2)
    o = jax.nn.relu(o @ Wf3 + bf3)
    return o @ Wf4 + bf4


def reference(x, edge_index, batch, W1, b1, gam1, bet1, W2, b2, gam2, bet2, W3, b3, gam3, bet3, W4, b4, gam4, bet4, W5, b5, gam5, bet5, Wg, bg, Wf2, bf2, Wf3, bf3, Wf4, bf4):
    return _forward(x, edge_index, batch, W1, b1, gam1, bet1, W2, b2, gam2, bet2, W3, b3, gam3, bet3, W4, b4, gam4, bet4, W5, b5, gam5, bet5, Wg, bg, Wf2, bf2, Wf3, bf3, Wf4, bf4)

if __name__ == "__main__":
    import jax
    _d = setup_inputs()
    print(jax.jit(kernel)(*tuple(_d.values())))

</pallas_src>

<mosaic_0001>
#map = affine_map<(d0, d1) -> (0, 0, 0)>
#map1 = affine_map<(d0, d1) -> (0, 0)>
module attributes {stable_mosaic.version = 14 : i64} {
  func.func @k(%arg0: i32, %arg1: i32, %arg2: memref<32x80x128xi32, #tpu.memory_space<hbm>>, %arg3: memref<640x16xf32, #tpu.memory_space<hbm>>, %arg4: memref<128x16xf32, #tpu.memory_space<hbm>>, %arg5: memref<2x10240x16xf32, #tpu.memory_space<hbm>>, %arg6: memref<128xi32, #tpu.memory_space<vmem>>, %arg7: memref<128x16xf32, #tpu.memory_space<vmem>>, %arg8: memref<10240x16xf32, #tpu.memory_space<vmem_shared>>) attributes {dimension_semantics = [#tpu.dimension_semantics<core_parallel>, #tpu.dimension_semantics<subcore_parallel>], iteration_bounds = array<i64: 2, 16>, scalar_prefetch = 0 : i64, scratch_operands = 3 : i64, tpu.core_type = #tpu.core_type<sc_vector_subcore>, window_params = [{transform_indices = #map}, {transform_indices = #map1}, {transform_indices = #map1}, {transform_indices = #map}]} {
    %mul3A = arith.constant 16 : i32
    %mul3A_0 = arith.muli %arg0, %mul3A : i32
    %add3A = arith.addi %mul3A_0, %arg1 : i32
    %mul3A_1 = arith.constant 640 : i32
    %mul3A_2 = arith.muli %arg1, %mul3A_1 : i32
    "tpu.region"() ({
      %run_scoped3A = tpu.sem_alloc : memref<!tpu.dma_semaphore, #tpu.memory_space<semaphore_mem>>
      %dma_start3A = arith.constant 0 : i32
      %dma_start3A_9 = tpu.memref_slice %arg8[%mul3A_2, %dma_start3A] : memref<10240x16xf32, #tpu.memory_space<vmem_shared>> -> memref<640x16xf32, #tpu.memory_space<vmem_shared>>
      tpu.enqueue_dma source(%arg3 : memref<640x16xf32, #tpu.memory_space<hbm>>) target(%dma_start3A_9 : memref<640x16xf32, #tpu.memory_space<vmem_shared>>) target_semaphore(%run_scoped3A : memref<!tpu.dma_semaphore, #tpu.memory_space<semaphore_mem>>)
      %dma_wait3A = arith.constant 0 : i32
      %dma_wait3A_10 = tpu.memref_slice %arg8[%mul3A_2, %dma_wait3A] : memref<10240x16xf32, #tpu.memory_space<vmem_shared>> -> memref<640x16xf32, #tpu.memory_space<vmem_shared>>
      tpu.wait_dma2 semaphore(%run_scoped3A : memref<!tpu.dma_semaphore, #tpu.memory_space<semaphore_mem>>) src(%arg3 : memref<640x16xf32, #tpu.memory_space<hbm>>) dst(%dma_wait3A_10 : memref<640x16xf32, #tpu.memory_space<vmem_shared>>)
      tpu.yield
    }) : () -> ()
    "tpu.region"() ({
      %run_scoped3A = tpu.sem_alloc : memref<!tpu.dma_semaphore, #tpu.memory_space<semaphore_mem>>
      tpu.enqueue_dma source(%arg4 : memref<128x16xf32, #tpu.memory_space<hbm>>) target(%arg7 : memref<128x16xf32, #tpu.memory_space<vmem>>) target_semaphore(%run_scoped3A : memref<!tpu.dma_semaphore, #tpu.memory_space<semaphore_mem>>)
      tpu.wait_dma2 semaphore(%run_scoped3A : memref<!tpu.dma_semaphore, #tpu.memory_space<semaphore_mem>>) src(%arg4 : memref<128x16xf32, #tpu.memory_space<hbm>>) dst(%arg7 : memref<128x16xf32, #tpu.memory_space<vmem>>)
      tpu.yield
    }) : () -> ()
    %barrier3A = arith.constant 0 : index
    tpu.barrier barrier_id(%barrier3A)
    %scan3A = arith.constant 0 : i32
    %scan3A_3 = arith.constant 0 : i32
    %scan3A_4 = arith.constant 80 : i32
    %scan3A_5 = arith.addi %scan3A_3, %scan3A_4 : i32
    %scan3A_6 = arith.constant 1 : i32
    scf.for %scan3A_9 = %scan3A_3 to %scan3A_5 step %scan3A_6  : i32 {
      "tpu.region"() ({
        %run_scoped3A = tpu.sem_alloc : memref<!tpu.dma_semaphore, #tpu.memory_space<semaphore_mem>>
        %dma_start3A = arith.constant 0 : i32
        %dma_start3A_10 = tpu.memref_slice %arg2[%add3A, %scan3A_9, %dma_start3A] : memref<32x80x128xi32, #tpu.memory_space<hbm>> -> memref<1x1x128xi32, #tpu.memory_space<hbm>>
        %dma_start3A_11 = tpu.memref_squeeze %dma_start3A_10 : memref<1x1x128xi32, #tpu.memory_space<hbm>> -> memref<128xi32, #tpu.memory_space<hbm>>
        %dma_start3A_12 = arith.constant 0 : i32
        %dma_start3A_13 = tpu.memref_slice %arg2[%add3A, %scan3A_9, %dma_start3A_12] : memref<32x80x128xi32, #tpu.memory_space<hbm>> -> memref<1x1x128xi32, #tpu.memory_space<hbm>>
        %dma_start3A_14 = tpu.memref_squeeze %dma_start3A_13 : memref<1x1x128xi32, #tpu.memory_space<hbm>> -> memref<128xi32, #tpu.memory_space<hbm>>
        tpu.enqueue_dma source(%dma_start3A_14 : memref<128xi32, #tpu.memory_space<hbm>>) target(%arg6 : memref<128xi32, #tpu.memory_space<vmem>>) target_semaphore(%run_scoped3A : memref<!tpu.dma_semaphore, #tpu.memory_space<semaphore_mem>>)
        %dma_wait3A = arith.constant 0 : i32
        %dma_wait3A_15 = tpu.memref_slice %arg2[%add3A, %scan3A_9, %dma_wait3A] : memref<32x80x128xi32, #tpu.memory_space<hbm>> -> memref<1x1x128xi32, #tpu.memory_space<hbm>>
        %dma_wait3A_16 = tpu.memref_squeeze %dma_wait3A_15 : memref<1x1x128xi32, #tpu.memory_space<hbm>> -> memref<128xi32, #tpu.memory_space<hbm>>
        %dma_wait3A_17 = arith.constant 0 : i32
        %dma_wait3A_18 = tpu.memref_slice %arg2[%add3A, %scan3A_9, %dma_wait3A_17] : memref<32x80x128xi32, #tpu.memory_space<hbm>> -> memref<1x1x128xi32, #tpu.memory_space<hbm>>
        %dma_wait3A_19 = tpu.memref_squeeze %dma_wait3A_18 : memref<1x1x128xi32, #tpu.memory_space<hbm>> -> memref<128xi32, #tpu.memory_space<hbm>>
        tpu.wait_dma2 semaphore(%run_scoped3A : memref<!tpu.dma_semaphore, #tpu.memory_space<semaphore_mem>>) src(%dma_wait3A_19 : memref<128xi32, #tpu.memory_space<hbm>>) dst(%arg6 : memref<128xi32, #tpu.memory_space<vmem>>)
        tpu.yield
      }) : () -> ()
      "tpu.region"() ({
        %run_scoped3A = tpu.sem_alloc : memref<!tpu.dma_semaphore, #tpu.memory_space<semaphore_mem>>
        %dma_start3A = arith.constant 0 : i32
        %dma_start3A_10 = arith.constant 0 : i32
        %dma_start3A_11 = tpu.memref_slice %arg8[%dma_start3A, %dma_start3A_10] : memref<10240x16xf32, #tpu.memory_space<vmem_shared>> -> memref<10240x16xf32, #tpu.memory_space<vmem_shared>>
        tpu.enqueue_indirect_dma source(%arg7 : memref<128x16xf32, #tpu.memory_space<vmem>>) target(%dma_start3A_11 : memref<10240x16xf32, #tpu.memory_space<vmem_shared>>) offsets(%arg6 : memref<128xi32, #tpu.memory_space<vmem>>) semaphore(%run_scoped3A : memref<!tpu.dma_semaphore, #tpu.memory_space<semaphore_mem>>) {add = true}
        %dma_wait3A = arith.constant 0 : i32
        %dma_wait3A_12 = arith.constant 0 : i32
        %dma_wait3A_13 = tpu.memref_slice %arg8[%dma_wait3A, %dma_wait3A_12] : memref<10240x16xf32, #tpu.memory_space<vmem_shared>> -> memref<10240x16xf32, #tpu.memory_space<vmem_shared>>
        tpu.wait_indirect_dma semaphore(%run_scoped3A : memref<!tpu.dma_semaphore, #tpu.memory_space<semaphore_mem>>) src(%arg7 : memref<128x16xf32, #tpu.memory_space<vmem>>) dst(%dma_wait3A_13 : memref<10240x16xf32, #tpu.memory_space<vmem_shared>>)
        tpu.yield
      }) : () -> ()
    }
    %scan3A_7 = arith.constant 80 : i32
    %barrier3A_8 = arith.constant 0 : index
    tpu.barrier barrier_id(%barrier3A_8)
    "tpu.region"() ({
      %run_scoped3A = tpu.sem_alloc : memref<!tpu.dma_semaphore, #tpu.memory_space<semaphore_mem>>
      %dma_start3A = arith.constant 0 : i32
      %dma_start3A_9 = tpu.memref_slice %arg5[%arg0, %mul3A_2, %dma_start3A] : memref<2x10240x16xf32, #tpu.memory_space<hbm>> -> memref<1x640x16xf32, #tpu.memory_space<hbm>>
      %dma_start3A_10 = tpu.memref_squeeze %dma_start3A_9 : memref<1x640x16xf32, #tpu.memory_space<hbm>> -> memref<640x16xf32, #tpu.memory_space<hbm>>
      %dma_start3A_11 = arith.constant 0 : i32
      %dma_start3A_12 = tpu.memref_slice %arg8[%mul3A_2, %dma_start3A_11] : memref<10240x16xf32, #tpu.memory_space<vmem_shared>> -> memref<640x16xf32, #tpu.memory_space<vmem_shared>>
      tpu.enqueue_dma source(%dma_start3A_12 : memref<640x16xf32, #tpu.memory_space<vmem_shared>>) target(%dma_start3A_10 : memref<640x16xf32, #tpu.memory_space<hbm>>) target_semaphore(%run_scoped3A : memref<!tpu.dma_semaphore, #tpu.memory_space<semaphore_mem>>)
      %dma_wait3A = arith.constant 0 : i32
      %dma_wait3A_13 = tpu.memref_slice %arg5[%arg0, %mul3A_2, %dma_wait3A] : memref<2x10240x16xf32, #tpu.memory_space<hbm>> -> memref<1x640x16xf32, #tpu.memory_space<hbm>>
      %dma_wait3A_14 = tpu.memref_squeeze %dma_wait3A_13 : memref<1x640x16xf32, #tpu.memory_space<hbm>> -> memref<640x16xf32, #tpu.memory_space<hbm>>
      %dma_wait3A_15 = arith.constant 0 : i32
      %dma_wait3A_16 = tpu.memref_slice %arg8[%mul3A_2, %dma_wait3A_15] : memref<10240x16xf32, #tpu.memory_space<vmem_shared>> -> memref<640x16xf32, #tpu.memory_space<vmem_shared>>
      tpu.wait_dma2 semaphore(%run_scoped3A : memref<!tpu.dma_semaphore, #tpu.memory_space<semaphore_mem>>) src(%dma_wait3A_16 : memref<640x16xf32, #tpu.memory_space<vmem_shared>>) dst(%dma_wait3A_14 : memref<640x16xf32, #tpu.memory_space<hbm>>)
      tpu.yield
    }) : () -> ()
    return
  }
}

#map = affine_map<(d0, d1) -> (0, 0)>
#map1 = affine_map<(d0, d1) -> (0, 0, 0)>
#map2 = affine_map<(d0, d1) -> (0, 0, 0, 0)>
module attributes {stable_mosaic.version = 14 : i64} {
  func.func @k(%arg0: i32, %arg1: i32, %arg2: memref<10240x128xf32, #tpu.memory_space<hbm>>, %arg3: memref<32x80x128xi32, #tpu.memory_space<hbm>>, %arg4: memref<32x80x128xi32, #tpu.memory_space<hbm>>, %arg5: memref<640x128xf32, #tpu.memory_space<hbm>>, %arg6: memref<2x1x10240x128xf32, #tpu.memory_space<hbm>>, %arg7: memref<128xi32, #tpu.memory_space<vmem>>, %arg8: memref<128xi32, #tpu.memory_space<vmem>>, %arg9: memref<128x128xf32, #tpu.memory_space<vmem>>, %arg10: memref<10240x128xf32, #tpu.memory_space<vmem_shared>>, %arg11: memref<!tpu.dma_semaphore, #tpu.memory_space<semaphore_mem>>) attributes {dimension_semantics = [#tpu.dimension_semantics<core_parallel>, #tpu.dimension_semantics<subcore_parallel>], iteration_bounds = array<i64: 2, 16>, scalar_prefetch = 0 : i64, scratch_operands = 5 : i64, tpu.core_type = #tpu.core_type<sc_vector_subcore>, window_params = [{transform_indices = #map}, {transform_indices = #map1}, {transform_indices = #map1}, {transform_indices = #map}, {transform_indices = #map2}]} {
    %mul3A = arith.constant 16 : i32
    %mul3A_0 = arith.muli %arg0, %mul3A : i32
    %add3A = arith.addi %mul3A_0, %arg1 : i32
    %mul3A_1 = arith.constant 640 : i32
    %mul3A_2 = arith.muli %arg1, %mul3A_1 : i32
    "tpu.region"() ({
      %run_scoped3A_10 = tpu.sem_alloc : memref<!tpu.dma_semaphore, #tpu.memory_space<semaphore_mem>>
      %dma_start3A = arith.constant 0 : i32
      %dma_start3A_11 = tpu.memref_slice %arg10[%mul3A_2, %dma_start3A] : memref<10240x128xf32, #tpu.memory_space<vmem_shared>> -> memref<640x128xf32, #tpu.memory_space<vmem_shared>>
      tpu.enqueue_dma source(%arg5 : memref<640x128xf32, #tpu.memory_space<hbm>>) target(%dma_start3A_11 : memref<640x128xf32, #tpu.memory_space<vmem_shared>>) target_semaphore(%run_scoped3A_10 : memref<!tpu.dma_semaphore, #tpu.memory_space<semaphore_mem>>)
      %dma_wait3A = arith.constant 0 : i32
      %dma_wait3A_12 = tpu.memref_slice %arg10[%mul3A_2, %dma_wait3A] : memref<10240x128xf32, #tpu.memory_space<vmem_shared>> -> memref<640x128xf32, #tpu.memory_space<vmem_shared>>
      tpu.wait_dma2 semaphore(%run_scoped3A_10 : memref<!tpu.dma_semaphore, #tpu.memory_space<semaphore_mem>>) src(%arg5 : memref<640x128xf32, #tpu.memory_space<hbm>>) dst(%dma_wait3A_12 : memref<640x128xf32, #tpu.memory_space<vmem_shared>>)
      tpu.yield
    }) : () -> ()
    %barrier3A = arith.constant 0 : index
    tpu.barrier barrier_id(%barrier3A)
    %scan3A = arith.constant 0 : i32
    %scan3A_3 = arith.constant 0 : i32
    %scan3A_4 = arith.constant 80 : i32
    %scan3A_5 = arith.addi %scan3A_3, %scan3A_4 : i32
    %scan3A_6 = arith.constant 1 : i32
    scf.for %scan3A_10 = %scan3A_3 to %scan3A_5 step %scan3A_6  : i32 {
      "tpu.region"() ({
        %run_scoped3A_15 = tpu.sem_alloc : memref<!tpu.dma_semaphore, #tpu.memory_space<semaphore_mem>>
        %dma_start3A_16 = arith.constant 0 : i32
        %dma_start3A_17 = tpu.memref_slice %arg3[%add3A, %scan3A_10, %dma_start3A_16] : memref<32x80x128xi32, #tpu.memory_space<hbm>> -> memref<1x1x128xi32, #tpu.memory_space<hbm>>
        %dma_start3A_18 = tpu.memref_squeeze %dma_start3A_17 : memref<1x1x128xi32, #tpu.memory_space<hbm>> -> memref<128xi32, #tpu.memory_space<hbm>>
        %dma_start3A_19 = arith.constant 0 : i32
        %dma_start3A_20 = tpu.memref_slice %arg3[%add3A, %scan3A_10, %dma_start3A_19] : memref<32x80x128xi32, #tpu.memory_space<hbm>> -> memref<1x1x128xi32, #tpu.memory_space<hbm>>
        %dma_start3A_21 = tpu.memref_squeeze %dma_start3A_20 : memref<1x1x128xi32, #tpu.memory_space<hbm>> -> memref<128xi32, #tpu.memory_space<hbm>>
        tpu.enqueue_dma source(%dma_start3A_21 : memref<128xi32, #tpu.memory_space<hbm>>) target(%arg7 : memref<128xi32, #tpu.memory_space<vmem>>) target_semaphore(%run_scoped3A_15 : memref<!tpu.dma_semaphore, #tpu.memory_space<semaphore_mem>>)
        %dma_wait3A_22 = arith.constant 0 : i32
        %dma_wait3A_23 = tpu.memref_slice %arg3[%add3A, %scan3A_10, %dma_wait3A_22] : memref<32x80x128xi32, #tpu.memory_space<hbm>> -> memref<1x1x128xi32, #tpu.memory_space<hbm>>
        %dma_wait3A_24 = tpu.memref_squeeze %dma_wait3A_23 : memref<1x1x128xi32, #tpu.memory_space<hbm>> -> memref<128xi32, #tpu.memory_space<hbm>>
        %dma_wait3A_25 = arith.constant 0 : i32
        %dma_wait3A_26 = tpu.memref_slice %arg3[%add3A, %scan3A_10, %dma_wait3A_25] : memref<32x80x128xi32, #tpu.memory_space<hbm>> -> memref<1x1x128xi32, #tpu.memory_space<hbm>>
        %dma_wait3A_27 = tpu.memref_squeeze %dma_wait3A_26 : memref<1x1x128xi32, #tpu.memory_space<hbm>> -> memref<128xi32, #tpu.memory_space<hbm>>
        tpu.wait_dma2 semaphore(%run_scoped3A_15 : memref<!tpu.dma_semaphore, #tpu.memory_space<semaphore_mem>>) src(%dma_wait3A_27 : memref<128xi32, #tpu.memory_space<hbm>>) dst(%arg7 : memref<128xi32, #tpu.memory_space<vmem>>)
        tpu.yield
      }) : () -> ()
      "tpu.region"() ({
        %run_scoped3A_15 = tpu.sem_alloc : memref<!tpu.dma_semaphore, #tpu.memory_space<semaphore_mem>>
        %dma_start3A_16 = arith.constant 0 : i32
        %dma_start3A_17 = tpu.memref_slice %arg4[%add3A, %scan3A_10, %dma_start3A_16] : memref<32x80x128xi32, #tpu.memory_space<hbm>> -> memref<1x1x128xi32, #tpu.memory_space<hbm>>
        %dma_start3A_18 = tpu.memref_squeeze %dma_start3A_17 : memref<1x1x128xi32, #tpu.memory_space<hbm>> -> memref<128xi32, #tpu.memory_space<hbm>>
        %dma_start3A_19 = arith.constant 0 : i32
        %dma_start3A_20 = tpu.memref_slice %arg4[%add3A, %scan3A_10, %dma_start3A_19] : memref<32x80x128xi32, #tpu.memory_space<hbm>> -> memref<1x1x128xi32, #tpu.memory_space<hbm>>
        %dma_start3A_21 = tpu.memref_squeeze %dma_start3A_20 : memref<1x1x128xi32, #tpu.memory_space<hbm>> -> memref<128xi32, #tpu.memory_space<hbm>>
        tpu.enqueue_dma source(%dma_start3A_21 : memref<128xi32, #tpu.memory_space<hbm>>) target(%arg8 : memref<128xi32, #tpu.memory_space<vmem>>) target_semaphore(%run_scoped3A_15 : memref<!tpu.dma_semaphore, #tpu.memory_space<semaphore_mem>>)
        %dma_wait3A_22 = arith.constant 0 : i32
        %dma_wait3A_23 = tpu.memref_slice %arg4[%add3A, %scan3A_10, %dma_wait3A_22] : memref<32x80x128xi32, #tpu.memory_space<hbm>> -> memref<1x1x128xi32, #tpu.memory_space<hbm>>
        %dma_wait3A_24 = tpu.memref_squeeze %dma_wait3A_23 : memref<1x1x128xi32, #tpu.memory_space<hbm>> -> memref<128xi32, #tpu.memory_space<hbm>>
        %dma_wait3A_25 = arith.constant 0 : i32
        %dma_wait3A_26 = tpu.memref_slice %arg4[%add3A, %scan3A_10, %dma_wait3A_25] : memref<32x80x128xi32, #tpu.memory_space<hbm>> -> memref<1x1x128xi32, #tpu.memory_space<hbm>>
        %dma_wait3A_27 = tpu.memref_squeeze %dma_wait3A_26 : memref<1x1x128xi32, #tpu.memory_space<hbm>> -> memref<128xi32, #tpu.memory_space<hbm>>
        tpu.wait_dma2 semaphore(%run_scoped3A_15 : memref<!tpu.dma_semaphore, #tpu.memory_space<semaphore_mem>>) src(%dma_wait3A_27 : memref<128xi32, #tpu.memory_space<hbm>>) dst(%arg8 : memref<128xi32, #tpu.memory_space<vmem>>)
        tpu.yield
      }) : () -> ()
      %dma_start3A = arith.constant 0 : i32
      %dma_start3A_11 = arith.constant 0 : i32
      %dma_start3A_12 = tpu.memref_slice %arg2[%dma_start3A, %dma_start3A_11] : memref<10240x128xf32, #tpu.memory_space<hbm>> -> memref<10240x128xf32, #tpu.memory_space<hbm>>
      tpu.enqueue_indirect_dma source(%dma_start3A_12 : memref<10240x128xf32, #tpu.memory_space<hbm>>) target(%arg9 : memref<128x128xf32, #tpu.memory_space<vmem>>) offsets(%arg7 : memref<128xi32, #tpu.memory_space<vmem>>) semaphore(%arg11 : memref<!tpu.dma_semaphore, #tpu.memory_space<semaphore_mem>>)
      %dma_wait3A = arith.constant 0 : i32
      %dma_wait3A_13 = arith.constant 0 : i32
      %dma_wait3A_14 = tpu.memref_slice %arg2[%dma_wait3A, %dma_wait3A_13] : memref<10240x128xf32, #tpu.memory_space<hbm>> -> memref<10240x128xf32, #tpu.memory_space<hbm>>
      tpu.wait_indirect_dma semaphore(%arg11 : memref<!tpu.dma_semaphore, #tpu.memory_space<semaphore_mem>>) src(%dma_wait3A_14 : memref<10240x128xf32, #tpu.memory_space<hbm>>) dst(%arg9 : memref<128x128xf32, #tpu.memory_space<vmem>>)
      "tpu.region"() ({
        %run_scoped3A_15 = tpu.sem_alloc : memref<!tpu.dma_semaphore, #tpu.memory_space<semaphore_mem>>
        %dma_start3A_16 = arith.constant 0 : i32
        %dma_start3A_17 = arith.constant 0 : i32
        %dma_start3A_18 = tpu.memref_slice %arg10[%dma_start3A_16, %dma_start3A_17] : memref<10240x128xf32, #tpu.memory_space<vmem_shared>> -> memref<10240x128xf32, #tpu.memory_space<vmem_shared>>
        tpu.enqueue_indirect_dma source(%arg9 : memref<128x128xf32, #tpu.memory_space<vmem>>) target(%dma_start3A_18 : memref<10240x128xf32, #tpu.memory_space<vmem_shared>>) offsets(%arg8 : memref<128xi32, #tpu.memory_space<vmem>>) semaphore(%run_scoped3A_15 : memref<!tpu.dma_semaphore, #tpu.memory_space<semaphore_mem>>) {add = true}
        %dma_wait3A_19 = arith.constant 0 : i32
        %dma_wait3A_20 = arith.constant 0 : i32
        %dma_wait3A_21 = tpu.memref_slice %arg10[%dma_wait3A_19, %dma_wait3A_20] : memref<10240x128xf32, #tpu.memory_space<vmem_shared>> -> memref<10240x128xf32, #tpu.memory_space<vmem_shared>>
        tpu.wait_indirect_dma semaphore(%run_scoped3A_15 : memref<!tpu.dma_semaphore, #tpu.memory_space<semaphore_mem>>) src(%arg9 : memref<128x128xf32, #tpu.memory_space<vmem>>) dst(%dma_wait3A_21 : memref<10240x128xf32, #tpu.memory_space<vmem_shared>>)
        tpu.yield
      }) : () -> ()
    }
    %scan3A_7 = arith.constant 80 : i32
    %barrier3A_8 = arith.constant 0 : index
    tpu.barrier barrier_id(%barrier3A_8)
    %run_scoped3A = arith.constant 0 : i32
    "tpu.region"() ({
      %run_scoped3A_10 = tpu.sem_alloc : memref<!tpu.dma_semaphore, #tpu.memory_space<semaphore_mem>>
      %dma_start3A = arith.constant 0 : i32
      %dma_start3A_11 = tpu.memref_slice %arg6[%arg0, %run_scoped3A, %mul3A_2, %dma_start3A] : memref<2x1x10240x128xf32, #tpu.memory_space<hbm>> -> memref<1x1x640x128xf32, #tpu.memory_space<hbm>>
      %dma_start3A_12 = tpu.memref_squeeze %dma_start3A_11 : memref<1x1x640x128xf32, #tpu.memory_space<hbm>> -> memref<640x128xf32, #tpu.memory_space<hbm>>
      %dma_start3A_13 = arith.constant 0 : i32
      %dma_start3A_14 = tpu.memref_slice %arg10[%mul3A_2, %dma_start3A_13] : memref<10240x128xf32, #tpu.memory_space<vmem_shared>> -> memref<640x128xf32, #tpu.memory_space<vmem_shared>>
      tpu.enqueue_dma source(%dma_start3A_14 : memref<640x128xf32, #tpu.memory_space<vmem_shared>>) target(%dma_start3A_12 : memref<640x128xf32, #tpu.memory_space<hbm>>) target_semaphore(%run_scoped3A_10 : memref<!tpu.dma_semaphore, #tpu.memory_space<semaphore_mem>>)
      %dma_wait3A = arith.constant 0 : i32
      %dma_wait3A_15 = tpu.memref_slice %arg6[%arg0, %run_scoped3A, %mul3A_2, %dma_wait3A] : memref<2x1x10240x128xf32, #tpu.memory_space<hbm>> -> memref<1x1x640x128xf32, #tpu.memory_space<hbm>>
      %dma_wait3A_16 = tpu.memref_squeeze %dma_wait3A_15 : memref<1x1x640x128xf32, #tpu.memory_space<hbm>> -> memref<640x128xf32, #tpu.memory_space<hbm>>
      %dma_wait3A_17 = arith.constant 0 : i32
      %dma_wait3A_18 = tpu.memref_slice %arg10[%mul3A_2, %dma_wait3A_17] : memref<10240x128xf32, #tpu.memory_space<vmem_shared>> -> memref<640x128xf32, #tpu.memory_space<vmem_shared>>
      tpu.wait_dma2 semaphore(%run_scoped3A_10 : memref<!tpu.dma_semaphore, #tpu.memory_space<semaphore_mem>>) src(%dma_wait3A_18 : memref<640x128xf32, #tpu.memory_space<vmem_shared>>) dst(%dma_wait3A_16 : memref<640x128xf32, #tpu.memory_space<hbm>>)
      tpu.yield
    }) : () -> ()
    %barrier3A_9 = arith.constant 0 : index
    tpu.barrier barrier_id(%barrier3A_9)
    return
  }
}

#map = affine_map<(d0, d1) -> (0, 0)>
#map1 = affine_map<(d0, d1) -> (0, 0, 0)>
#map2 = affine_map<(d0, d1) -> (0, 0, 0, 0)>
module attributes {stable_mosaic.version = 14 : i64} {
  func.func @k(%arg0: i32, %arg1: i32, %arg2: memref<10240x128xf32, #tpu.memory_space<hbm>>, %arg3: memref<10240x128xf32, #tpu.memory_space<hbm>>, %arg4: memref<10240x128xf32, #tpu.memory_space<hbm>>, %arg5: memref<10240x128xf32, #tpu.memory_space<hbm>>, %arg6: memref<32x80x128xi32, #tpu.memory_space<hbm>>, %arg7: memref<32x80x128xi32, #tpu.memory_space<hbm>>, %arg8: memref<640x128xf32, #tpu.memory_space<hbm>>, %arg9: memref<2x4x10240x128xf32, #tpu.memory_space<hbm>>, %arg10: memref<128xi32, #tpu.memory_space<vmem>>, %arg11: memref<128xi32, #tpu.memory_space<vmem>>, %arg12: memref<128x128xf32, #tpu.memory_space<vmem>>, %arg13: memref<10240x128xf32, #tpu.memory_space<vmem_shared>>, %arg14: memref<!tpu.dma_semaphore, #tpu.memory_space<semaphore_mem>>) attributes {dimension_semantics = [#tpu.dimension_semantics<core_parallel>, #tpu.dimension_semantics<subcore_parallel>], iteration_bounds = array<i64: 2, 16>, scalar_prefetch = 0 : i64, scratch_operands = 5 : i64, tpu.core_type = #tpu.core_type<sc_vector_subcore>, window_params = [{transform_indices = #map}, {transform_indices = #map}, {transform_indices = #map}, {transform_indices = #map}, {transform_indices = #map1}, {transform_indices = #map1}, {transform_indices = #map}, {transform_indices = #map2}]} {
    %mul3A = arith.constant 16 : i32
    %mul3A_0 = arith.muli %arg0, %mul3A : i32
    %add3A = arith.addi %mul3A_0, %arg1 : i32
    %mul3A_1 = arith.constant 640 : i32
    %mul3A_2 = arith.muli %arg1, %mul3A_1 : i32
    "tpu.region"() ({
      %run_scoped3A_40 = tpu.sem_alloc : memref<!tpu.dma_semaphore, #tpu.memory_space<semaphore_mem>>
      %dma_start3A = arith.constant 0 : i32
      %dma_start3A_41 = tpu.memref_slice %arg13[%mul3A_2, %dma_start3A] : memref<10240x128xf32, #tpu.memory_space<vmem_shared>> -> memref<640x128xf32, #tpu.memory_space<vmem_shared>>
      tpu.enqueue_dma source(%arg8 : memref<640x128xf32, #tpu.memory_space<hbm>>) target(%dma_start3A_41 : memref<640x128xf32, #tpu.memory_space<vmem_shared>>) target_semaphore(%run_scoped3A_40 : memref<!tpu.dma_semaphore, #tpu.memory_space<semaphore_mem>>)
      %dma_wait3A = arith.constant 0 : i32
      %dma_wait3A_42 = tpu.memref_slice %arg13[%mul3A_2, %dma_wait3A] : memref<10240x128xf32, #tpu.memory_space<vmem_shared>> -> memref<640x128xf32, #tpu.memory_space<vmem_shared>>
      tpu.wait_dma2 semaphore(%run_scoped3A_40 : memref<!tpu.dma_semaphore, #tpu.memory_space<semaphore_mem>>) src(%arg8 : memref<640x128xf32, #tpu.memory_space<hbm>>) dst(%dma_wait3A_42 : memref<640x128xf32, #tpu.memory_space<vmem_shared>>)
      tpu.yield
    }) : () -> ()
    %barrier3A = arith.constant 0 : index
    tpu.barrier barrier_id(%barrier3A)
    %scan3A = arith.constant 0 : i32
    %scan3A_3 = arith.constant 0 : i32
    %scan3A_4 = arith.constant 80 : i32
    %scan3A_5 = arith.addi %scan3A_3, %scan3A_4 : i32
    %scan3A_6 = arith.constant 1 : i32
    scf.for %scan3A_40 = %scan3A_3 to %scan3A_5 step %scan3A_6  : i32 {
      "tpu.region"() ({
        %run_scoped3A_45 = tpu.sem_alloc : memref<!tpu.dma_semaphore, #tpu.memory_space<semaphore_mem>>
        %dma_start3A_46 = arith.constant 0 : i32
        %dma_start3A_47 = tpu.memref_slice %arg6[%add3A, %scan3A_40, %dma_start3A_46] : memref<32x80x128xi32, #tpu.memory_space<hbm>> -> memref<1x1x128xi32, #tpu.memory_space<hbm>>
        %dma_start3A_48 = tpu.memref_squeeze %dma_start3A_47 : memref<1x1x128xi32, #tpu.memory_space<hbm>> -> memref<128xi32, #tpu.memory_space<hbm>>
        %dma_start3A_49 = arith.constant 0 : i32
        %dma_start3A_50 = tpu.memref_slice %arg6[%add3A, %scan3A_40, %dma_start3A_49] : memref<32x80x128xi32, #tpu.memory_space<hbm>> -> memref<1x1x128xi32, #tpu.memory_space<hbm>>
        %dma_start3A_51 = tpu.memref_squeeze %dma_start3A_50 : memref<1x1x128xi32, #tpu.memory_space<hbm>> -> memref<128xi32, #tpu.memory_space<hbm>>
        tpu.enqueue_dma source(%dma_start3A_51 : memref<128xi32, #tpu.memory_space<hbm>>) target(%arg10 : memref<128xi32, #tpu.memory_space<vmem>>) target_semaphore(%run_scoped3A_45 : memref<!tpu.dma_semaphore, #tpu.memory_space<semaphore_mem>>)
        %dma_wait3A_52 = arith.constant 0 : i32
        %dma_wait3A_53 = tpu.memref_slice %arg6[%add3A, %scan3A_40, %dma_wait3A_52] : memref<32x80x128xi32, #tpu.memory_space<hbm>> -> memref<1x1x128xi32, #tpu.memory_space<hbm>>
        %dma_wait3A_54 = tpu.memref_squeeze %dma_wait3A_53 : memref<1x1x128xi32, #tpu.memory_space<hbm>> -> memref<128xi32, #tpu.memory_space<hbm>>
        %dma_wait3A_55 = arith.constant 0 : i32
        %dma_wait3A_56 = tpu.memref_slice %arg6[%add3A, %scan3A_40, %dma_wait3A_55] : memref<32x80x128xi32, #tpu.memory_space<hbm>> -> memref<1x1x128xi32, #tpu.memory_space<hbm>>
        %dma_wait3A_57 = tpu.memref_squeeze %dma_wait3A_56 : memref<1x1x128xi32, #tpu.memory_space<hbm>> -> memref<128xi32, #tpu.memory_space<hbm>>
        tpu.wait_dma2 semaphore(%run_scoped3A_45 : memref<!tpu.dma_semaphore, #tpu.memory_space<semaphore_mem>>) src(%dma_wait3A_57 : memref<128xi32, #tpu.memory_space<hbm>>) dst(%arg10 : memref<128xi32, #tpu.memory_space<vmem>>)
        tpu.yield
      }) : () -> ()
      "tpu.region"() ({
        %run_scoped3A_45 = tpu.sem_alloc : memref<!tpu.dma_semaphore, #tpu.memory_space<semaphore_mem>>
        %dma_start3A_46 = arith.constant 0 : i32
        %dma_start3A_47 = tpu.memref_slice %arg7[%add3A, %scan3A_40, %dma_start3A_46] : memref<32x80x128xi32, #tpu.memory_space<hbm>> -> memref<1x1x128xi32, #tpu.memory_space<hbm>>
        %dma_start3A_48 = tpu.memref_squeeze %dma_start3A_47 : memref<1x1x128xi32, #tpu.memory_space<hbm>> -> memref<128xi32, #tpu.memory_space<hbm>>
        %dma_start3A_49 = arith.constant 0 : i32
        %dma_start3A_50 = tpu.memref_slice %arg7[%add3A, %scan3A_40, %dma_start3A_49] : memref<32x80x128xi32, #tpu.memory_space<hbm>> -> memref<1x1x128xi32, #tpu.memory_space<hbm>>
        %dma_start3A_51 = tpu.memref_squeeze %dma_start3A_50 : memref<1x1x128xi32, #tpu.memory_space<hbm>> -> memref<128xi32, #tpu.memory_space<hbm>>
        tpu.enqueue_dma source(%dma_start3A_51 : memref<128xi32, #tpu.memory_space<hbm>>) target(%arg11 : memref<128xi32, #tpu.memory_space<vmem>>) target_semaphore(%run_scoped3A_45 : memref<!tpu.dma_semaphore, #tpu.memory_space<semaphore_mem>>)
        %dma_wait3A_52 = arith.constant 0 : i32
        %dma_wait3A_53 = tpu.memref_slice %arg7[%add3A, %scan3A_40, %dma_wait3A_52] : memref<32x80x128xi32, #tpu.memory_space<hbm>> -> memref<1x1x128xi32, #tpu.memory_space<hbm>>
        %dma_wait3A_54 = tpu.memref_squeeze %dma_wait3A_53 : memref<1x1x128xi32, #tpu.memory_space<hbm>> -> memref<128xi32, #tpu.memory_space<hbm>>
        %dma_wait3A_55 = arith.constant 0 : i32
        %dma_wait3A_56 = tpu.memref_slice %arg7[%add3A, %scan3A_40, %dma_wait3A_55] : memref<32x80x128xi32, #tpu.memory_space<hbm>> -> memref<1x1x128xi32, #tpu.memory_space<hbm>>
        %dma_wait3A_57 = tpu.memref_squeeze %dma_wait3A_56 : memref<1x1x128xi32, #tpu.memory_space<hbm>> -> memref<128xi32, #tpu.memory_space<hbm>>
        tpu.wait_dma2 semaphore(%run_scoped3A_45 : memref<!tpu.dma_semaphore, #tpu.memory_space<semaphore_mem>>) src(%dma_wait3A_57 : memref<128xi32, #tpu.memory_space<hbm>>) dst(%arg11 : memref<128xi32, #tpu.memory_space<vmem>>)
        tpu.yield
      }) : () -> ()
      %dma_start3A = arith.constant 0 : i32
      %dma_start3A_41 = arith.constant 0 : i32
      %dma_start3A_42 = tpu.memref_slice %arg2[%dma_start3A, %dma_start3A_41] : memref<10240x128xf32, #tpu.memory_space<hbm>> -> memref<10240x128xf32, #tpu.memory_space<hbm>>
      tpu.enqueue_indirect_dma source(%dma_start3A_42 : memref<10240x128xf32, #tpu.memory_space<hbm>>) target(%arg12 : memref<128x128xf32, #tpu.memory_space<vmem>>) offsets(%arg10 : memref<128xi32, #tpu.memory_space<vmem>>) semaphore(%arg14 : memref<!tpu.dma_semaphore, #tpu.memory_space<semaphore_mem>>)
      %dma_wait3A = arith.constant 0 : i32
      %dma_wait3A_43 = arith.constant 0 : i32
      %dma_wait3A_44 = tpu.memref_slice %arg2[%dma_wait3A, %dma_wait3A_43] : memref<10240x128xf32, #tpu.memory_space<hbm>> -> memref<10240x128xf32, #tpu.memory_space<hbm>>
      tpu.wait_indirect_dma semaphore(%arg14 : memref<!tpu.dma_semaphore, #tpu.memory_space<semaphore_mem>>) src(%dma_wait3A_44 : memref<10240x128xf32, #tpu.memory_space<hbm>>) dst(%arg12 : memref<128x128xf32, #tpu.memory_space<vmem>>)
      "tpu.region"() ({
        %run_scoped3A_45 = tpu.sem_alloc : memref<!tpu.dma_semaphore, #tpu.memory_space<semaphore_mem>>
        %dma_start3A_46 = arith.constant 0 : i32
        %dma_start3A_47 = arith.constant 0 : i32
        %dma_start3A_48 = tpu.memref_slice %arg13[%dma_start3A_46, %dma_start3A_47] : memref<10240x128xf32, #tpu.memory_space<vmem_shared>> -> memref<10240x128xf32, #tpu.memory_space<vmem_shared>>
        tpu.enqueue_indirect_dma source(%arg12 : memref<128x128xf32, #tpu.memory_space<vmem>>) target(%dma_start3A_48 : memref<10240x128xf32, #tpu.memory_space<vmem_shared>>) offsets(%arg11 : memref<128xi32, #tpu.memory_space<vmem>>) semaphore(%run_scoped3A_45 : memref<!tpu.dma_semaphore, #tpu.memory_space<semaphore_mem>>) {add = true}
        %dma_wait3A_49 = arith.constant 0 : i32
        %dma_wait3A_50 = arith.constant 0 : i32
        %dma_wait3A_51 = tpu.memref_slice %arg13[%dma_wait3A_49, %dma_wait3A_50] : memref<10240x128xf32, #tpu.memory_space<vmem_shared>> -> memref<10240x128xf32, #tpu.memory_space<vmem_shared>>
        tpu.wait_indirect_dma semaphore(%run_scoped3A_45 : memref<!tpu.dma_semaphore, #tpu.memory_space<semaphore_mem>>) src(%arg12 : memref<128x128xf32, #tpu.memory_space<vmem>>) dst(%dma_wait3A_51 : memref<10240x128xf32, #tpu.memory_space<vmem_shared>>)
        tpu.yield
      }) : () -> ()
    }
    %scan3A_7 = arith.constant 80 : i32
    %barrier3A_8 = arith.constant 0 : index
    tpu.barrier barrier_id(%barrier3A_8)
    %run_scoped3A = arith.constant 0 : i32
    "tpu.region"() ({
      %run_scoped3A_40 = tpu.sem_alloc : memref<!tpu.dma_semaphore, #tpu.memory_space<semaphore_mem>>
      %dma_start3A = arith.constant 0 : i32
      %dma_start3A_41 = tpu.memref_slice %arg9[%arg0, %run_scoped3A, %mul3A_2, %dma_start3A] : memref<2x4x10240x128xf32, #tpu.memory_space<hbm>> -> memref<1x1x640x128xf32, #tpu.memory_space<hbm>>
      %dma_start3A_42 = tpu.memref_squeeze %dma_start3A_41 : memref<1x1x640x128xf32, #tpu.memory_space<hbm>> -> memref<640x128xf32, #tpu.memory_space<hbm>>
      %dma_start3A_43 = arith.constant 0 : i32
      %dma_start3A_44 = tpu.memref_slice %arg13[%mul3A_2, %dma_start3A_43] : memref<10240x128xf32, #tpu.memory_space<vmem_shared>> -> memref<640x128xf32, #tpu.memory_space<vmem_shared>>
      tpu.enqueue_dma source(%dma_start3A_44 : memref<640x128xf32, #tpu.memory_space<vmem_shared>>) target(%dma_start3A_42 : memref<640x128xf32, #tpu.memory_space<hbm>>) target_semaphore(%run_scoped3A_40 : memref<!tpu.dma_semaphore, #tpu.memory_space<semaphore_mem>>)
      %dma_wait3A = arith.constant 0 : i32
      %dma_wait3A_45 = tpu.memref_slice %arg9[%arg0, %run_scoped3A, %mul3A_2, %dma_wait3A] : memref<2x4x10240x128xf32, #tpu.memory_space<hbm>> -> memref<1x1x640x128xf32, #tpu.memory_space<hbm>>
      %dma_wait3A_46 = tpu.memref_squeeze %dma_wait3A_45 : memref<1x1x640x128xf32, #tpu.memory_space<hbm>> -> memref<640x128xf32, #tpu.memory_space<hbm>>
      %dma_wait3A_47 = arith.constant 0 : i32
      %dma_wait3A_48 = tpu.memref_slice %arg13[%mul3A_2, %dma_wait3A_47] : memref<10240x128xf32, #tpu.memory_space<vmem_shared>> -> memref<640x128xf32, #tpu.memory_space<vmem_shared>>
      tpu.wait_dma2 semaphore(%run_scoped3A_40 : memref<!tpu.dma_semaphore, #tpu.memory_space<semaphore_mem>>) src(%dma_wait3A_48 : memref<640x128xf32, #tpu.memory_space<vmem_shared>>) dst(%dma_wait3A_46 : memref<640x128xf32, #tpu.memory_space<hbm>>)
      tpu.yield
    }) : () -> ()
    %barrier3A_9 = arith.constant 0 : index
    tpu.barrier barrier_id(%barrier3A_9)
    "tpu.region"() ({
      %run_scoped3A_40 = tpu.sem_alloc : memref<!tpu.dma_semaphore, #tpu.memory_space<semaphore_mem>>
      %dma_start3A = arith.constant 0 : i32
      %dma_start3A_41 = tpu.memref_slice %arg13[%mul3A_2, %dma_start3A] : memref<10240x128xf32, #tpu.memory_space<vmem_shared>> -> memref<640x128xf32, #tpu.memory_space<vmem_shared>>
      tpu.enqueue_dma source(%arg8 : memref<640x128xf32, #tpu.memory_space<hbm>>) target(%dma_start3A_41 : memref<640x128xf32, #tpu.memory_space<vmem_shared>>) target_semaphore(%run_scoped3A_40 : memref<!tpu.dma_semaphore, #tpu.memory_space<semaphore_mem>>)
      %dma_wait3A = arith.constant 0 : i32
      %dma_wait3A_42 = tpu.memref_slice %arg13[%mul3A_2, %dma_wait3A] : memref<10240x128xf32, #tpu.memory_space<vmem_shared>> -> memref<640x128xf32, #tpu.memory_space<vmem_shared>>
      tpu.wait_dma2 semaphore(%run_scoped3A_40 : memref<!tpu.dma_semaphore, #tpu.memory_space<semaphore_mem>>) src(%arg8 : memref<640x128xf32, #tpu.memory_space<hbm>>) dst(%dma_wait3A_42 : memref<640x128xf32, #tpu.memory_space<vmem_shared>>)
      tpu.yield
    }) : () -> ()
    %barrier3A_10 = arith.constant 0 : index
    tpu.barrier barrier_id(%barrier3A_10)
    %scan3A_11 = arith.constant 0 : i32
    %scan3A_12 = arith.constant 0 : i32
    %scan3A_13 = arith.constant 80 : i32
    %scan3A_14 = arith.addi %scan3A_12, %scan3A_13 : i32
    %scan3A_15 = arith.constant 1 : i32
    scf.for %scan3A_40 = %scan3A_12 to %scan3A_14 step %scan3A_15  : i32 {
      "tpu.region"() ({
        %run_scoped3A_45 = tpu.sem_alloc : memref<!tpu.dma_semaphore, #tpu.memory_space<semaphore_mem>>
        %dma_start3A_46 = arith.constant 0 : i32
        %dma_start3A_47 = tpu.memref_slice %arg6[%add3A, %scan3A_40, %dma_start3A_46] : memref<32x80x128xi32, #tpu.memory_space<hbm>> -> memref<1x1x128xi32, #tpu.memory_space<hbm>>
        %dma_start3A_48 = tpu.memref_squeeze %dma_start3A_47 : memref<1x1x128xi32, #tpu.memory_space<hbm>> -> memref<128xi32, #tpu.memory_space<hbm>>
        %dma_start3A_49 = arith.constant 0 : i32
        %dma_start3A_50 = tpu.memref_slice %arg6[%add3A, %scan3A_40, %dma_start3A_49] : memref<32x80x128xi32, #tpu.memory_space<hbm>> -> memref<1x1x128xi32, #tpu.memory_space<hbm>>
        %dma_start3A_51 = tpu.memref_squeeze %dma_start3A_50 : memref<1x1x128xi32, #tpu.memory_space<hbm>> -> memref<128xi32, #tpu.memory_space<hbm>>
        tpu.enqueue_dma source(%dma_start3A_51 : memref<128xi32, #tpu.memory_space<hbm>>) target(%arg10 : memref<128xi32, #tpu.memory_space<vmem>>) target_semaphore(%run_scoped3A_45 : memref<!tpu.dma_semaphore, #tpu.memory_space<semaphore_mem>>)
        %dma_wait3A_52 = arith.constant 0 : i32
        %dma_wait3A_53 = tpu.memref_slice %arg6[%add3A, %scan3A_40, %dma_wait3A_52] : memref<32x80x128xi32, #tpu.memory_space<hbm>> -> memref<1x1x128xi32, #tpu.memory_space<hbm>>
        %dma_wait3A_54 = tpu.memref_squeeze %dma_wait3A_53 : memref<1x1x128xi32, #tpu.memory_space<hbm>> -> memref<128xi32, #tpu.memory_space<hbm>>
        %dma_wait3A_55 = arith.constant 0 : i32
        %dma_wait3A_56 = tpu.memref_slice %arg6[%add3A, %scan3A_40, %dma_wait3A_55] : memref<32x80x128xi32, #tpu.memory_space<hbm>> -> memref<1x1x128xi32, #tpu.memory_space<hbm>>
        %dma_wait3A_57 = tpu.memref_squeeze %dma_wait3A_56 : memref<1x1x128xi32, #tpu.memory_space<hbm>> -> memref<128xi32, #tpu.memory_space<hbm>>
        tpu.wait_dma2 semaphore(%run_scoped3A_45 : memref<!tpu.dma_semaphore, #tpu.memory_space<semaphore_mem>>) src(%dma_wait3A_57 : memref<128xi32, #tpu.memory_space<hbm>>) dst(%arg10 : memref<128xi32, #tpu.memory_space<vmem>>)
        tpu.yield
      }) : () -> ()
      "tpu.region"() ({
        %run_scoped3A_45 = tpu.sem_alloc : memref<!tpu.dma_semaphore, #tpu.memory_space<semaphore_mem>>
        %dma_start3A_46 = arith.constant 0 : i32
        %dma_start3A_47 = tpu.memref_slice %arg7[%add3A, %scan3A_40, %dma_start3A_46] : memref<32x80x128xi32, #tpu.memory_space<hbm>> -> memref<1x1x128xi32, #tpu.memory_space<hbm>>
        %dma_start3A_48 = tpu.memref_squeeze %dma_start3A_47 : memref<1x1x128xi32, #tpu.memory_space<hbm>> -> memref<128xi32, #tpu.memory_space<hbm>>
        %dma_start3A_49 = arith.constant 0 : i32
        %dma_start3A_50 = tpu.memref_slice %arg7[%add3A, %scan3A_40, %dma_start3A_49] : memref<32x80x128xi32, #tpu.memory_space<hbm>> -> memref<1x1x128xi32, #tpu.memory_space<hbm>>
        %dma_start3A_51 = tpu.memref_squeeze %dma_start3A_50 : memref<1x1x128xi32, #tpu.memory_space<hbm>> -> memref<128xi32, #tpu.memory_space<hbm>>
        tpu.enqueue_dma source(%dma_start3A_51 : memref<128xi32, #tpu.memory_space<hbm>>) target(%arg11 : memref<128xi32, #tpu.memory_space<vmem>>) target_semaphore(%run_scoped3A_45 : memref<!tpu.dma_semaphore, #tpu.memory_space<semaphore_mem>>)
        %dma_wait3A_52 = arith.constant 0 : i32
        %dma_wait3A_53 = tpu.memref_slice %arg7[%add3A, %scan3A_40, %dma_wait3A_52] : memref<32x80x128xi32, #tpu.memory_space<hbm>> -> memref<1x1x128xi32, #tpu.memory_space<hbm>>
        %dma_wait3A_54 = tpu.memref_squeeze %dma_wait3A_53 : memref<1x1x128xi32, #tpu.memory_space<hbm>> -> memref<128xi32, #tpu.memory_space<hbm>>
        %dma_wait3A_55 = arith.constant 0 : i32
        %dma_wait3A_56 = tpu.memref_slice %arg7[%add3A, %scan3A_40, %dma_wait3A_55] : memref<32x80x128xi32, #tpu.memory_space<hbm>> -> memref<1x1x128xi32, #tpu.memory_space<hbm>>
        %dma_wait3A_57 = tpu.memref_squeeze %dma_wait3A_56 : memref<1x1x128xi32, #tpu.memory_space<hbm>> -> memref<128xi32, #tpu.memory_space<hbm>>
        tpu.wait_dma2 semaphore(%run_scoped3A_45 : memref<!tpu.dma_semaphore, #tpu.memory_space<semaphore_mem>>) src(%dma_wait3A_57 : memref<128xi32, #tpu.memory_space<hbm>>) dst(%arg11 : memref<128xi32, #tpu.memory_space<vmem>>)
        tpu.yield
      }) : () -> ()
      %dma_start3A = arith.constant 0 : i32
      %dma_start3A_41 = arith.constant 0 : i32
      %dma_start3A_42 = tpu.memref_slice %arg3[%dma_start3A, %dma_start3A_41] : memref<10240x128xf32, #tpu.memory_space<hbm>> -> memref<10240x128xf32, #tpu.memory_space<hbm>>
      tpu.enqueue_indirect_dma source(%dma_start3A_42 : memref<10240x128xf32, #tpu.memory_space<hbm>>) target(%arg12 : memref<128x128xf32, #tpu.memory_space<vmem>>) offsets(%arg10 : memref<128xi32, #tpu.memory_space<vmem>>) semaphore(%arg14 : memref<!tpu.dma_semaphore, #tpu.memory_space<semaphore_mem>>)
      %dma_wait3A = arith.constant 0 : i32
      %dma_wait3A_43 = arith.constant 0 : i32
      %dma_wait3A_44 = tpu.memref_slice %arg3[%dma_wait3A, %dma_wait3A_43] : memref<10240x128xf32, #tpu.memory_space<hbm>> -> memref<10240x128xf32, #tpu.memory_space<hbm>>
      tpu.wait_indirect_dma semaphore(%arg14 : memref<!tpu.dma_semaphore, #tpu.memory_space<semaphore_mem>>) src(%dma_wait3A_44 : memref<10240x128xf32, #tpu.memory_space<hbm>>) dst(%arg12 : memref<128x128xf32, #tpu.memory_space<vmem>>)
      "tpu.region"() ({
        %run_scoped3A_45 = tpu.sem_alloc : memref<!tpu.dma_semaphore, #tpu.memory_space<semaphore_mem>>
        %dma_start3A_46 = arith.constant 0 : i32
        %dma_start3A_47 = arith.constant 0 : i32
        %dma_start3A_48 = tpu.memref_slice %arg13[%dma_start3A_46, %dma_start3A_47] : memref<10240x128xf32, #tpu.memory_space<vmem_shared>> -> memref<10240x128xf32, #tpu.memory_space<vmem_shared>>
        tpu.enqueue_indirect_dma source(%arg12 : memref<128x128xf32, #tpu.memory_space<vmem>>) target(%dma_start3A_48 : memref<10240x128xf32, #tpu.memory_space<vmem_shared>>) offsets(%arg11 : memref<128xi32, #tpu.memory_space<vmem>>) semaphore(%run_scoped3A_45 : memref<!tpu.dma_semaphore, #tpu.memory_space<semaphore_mem>>) {add = true}
        %dma_wait3A_49 = arith.constant 0 : i32
        %dma_wait3A_50 = arith.constant 0 : i32
        %dma_wait3A_51 = tpu.memref_slice %arg13[%dma_wait3A_49, %dma_wait3A_50] : memref<10240x128xf32, #tpu.memory_space<vmem_shared>> -> memref<10240x128xf32, #tpu.memory_space<vmem_shared>>
        tpu.wait_indirect_dma semaphore(%run_scoped3A_45 : memref<!tpu.dma_semaphore, #tpu.memory_space<semaphore_mem>>) src(%arg12 : memref<128x128xf32, #tpu.memory_space<vmem>>) dst(%dma_wait3A_51 : memref<10240x128xf32, #tpu.memory_space<vmem_shared>>)
        tpu.yield
      }) : () -> ()
    }
    %scan3A_16 = arith.constant 80 : i32
    %barrier3A_17 = arith.constant 0 : index
    tpu.barrier barrier_id(%barrier3A_17)
    %run_scoped3A_18 = arith.constant 1 : i32
    "tpu.region"() ({
      %run_scoped3A_40 = tpu.sem_alloc : memref<!tpu.dma_semaphore, #tpu.memory_space<semaphore_mem>>
      %dma_start3A = arith.constant 0 : i32
      %dma_start3A_41 = tpu.memref_slice %arg9[%arg0, %run_scoped3A_18, %mul3A_2, %dma_start3A] : memref<2x4x10240x128xf32, #tpu.memory_space<hbm>> -> memref<1x1x640x128xf32, #tpu.memory_space<hbm>>
      %dma_start3A_42 = tpu.memref_squeeze %dma_start3A_41 : memref<1x1x640x128xf32, #tpu.memory_space<hbm>> -> memref<640x128xf32, #tpu.memory_space<hbm>>
      %dma_start3A_43 = arith.constant 0 : i32
      %dma_start3A_44 = tpu.memref_slice %arg13[%mul3A_2, %dma_start3A_43] : memref<10240x128xf32, #tpu.memory_space<vmem_shared>> -> memref<640x128xf32, #tpu.memory_space<vmem_shared>>
      tpu.enqueue_dma source(%dma_start3A_44 : memref<640x128xf32, #tpu.memory_space<vmem_shared>>) target(%dma_start3A_42 : memref<640x128xf32, #tpu.memory_space<hbm>>) target_semaphore(%run_scoped3A_40 : memref<!tpu.dma_semaphore, #tpu.memory_space<semaphore_mem>>)
      %dma_wait3A = arith.constant 0 : i32
      %dma_wait3A_45 = tpu.memref_slice %arg9[%arg0, %run_scoped3A_18, %mul3A_2, %dma_wait3A] : memref<2x4x10240x128xf32, #tpu.memory_space<hbm>> -> memref<1x1x640x128xf32, #tpu.memory_space<hbm>>
      %dma_wait3A_46 = tpu.memref_squeeze %dma_wait3A_45 : memref<1x1x640x128xf32, #tpu.memory_space<hbm>> -> memref<640x128xf32, #tpu.memory_space<hbm>>
      %dma_wait3A_47 = arith.constant 0 : i32
      %dma_wait3A_48 = tpu.memref_slice %arg13[%mul3A_2, %dma_wait3A_47] : memref<10240x128xf32, #tpu.memory_space<vmem_shared>> -> memref<640x128xf32, #tpu.memory_space<vmem_shared>>
      tpu.wait_dma2 semaphore(%run_scoped3A_40 : memref<!tpu.dma_semaphore, #tpu.memory_space<semaphore_mem>>) src(%dma_wait3A_48 : memref<640x128xf32, #tpu.memory_space<vmem_shared>>) dst(%dma_wait3A_46 : memref<640x128xf32, #tpu.memory_space<hbm>>)
      tpu.yield
    }) : () -> ()
    %barrier3A_19 = arith.constant 0 : index
    tpu.barrier barrier_id(%barrier3A_19)
    "tpu.region"() ({
      %run_scoped3A_40 = tpu.sem_alloc : memref<!tpu.dma_semaphore, #tpu.memory_space<semaphore_mem>>
      %dma_start3A = arith.constant 0 : i32
      %dma_start3A_41 = tpu.memref_slice %arg13[%mul3A_2, %dma_start3A] : memref<10240x128xf32, #tpu.memory_space<vmem_shared>> -> memref<640x128xf32, #tpu.memory_space<vmem_shared>>
      tpu.enqueue_dma source(%arg8 : memref<640x128xf32, #tpu.memory_space<hbm>>) target(%dma_start3A_41 : memref<640x128xf32, #tpu.memory_space<vmem_shared>>) target_semaphore(%run_scoped3A_40 : memref<!tpu.dma_semaphore, #tpu.memory_space<semaphore_mem>>)
      %dma_wait3A = arith.constant 0 : i32
      %dma_wait3A_42 = tpu.memref_slice %arg13[%mul3A_2, %dma_wait3A] : memref<10240x128xf32, #tpu.memory_space<vmem_shared>> -> memref<640x128xf32, #tpu.memory_space<vmem_shared>>
      tpu.wait_dma2 semaphore(%run_scoped3A_40 : memref<!tpu.dma_semaphore, #tpu.memory_space<semaphore_mem>>) src(%arg8 : memref<640x128xf32, #tpu.memory_space<hbm>>) dst(%dma_wait3A_42 : memref<640x128xf32, #tpu.memory_space<vmem_shared>>)
      tpu.yield
    }) : () -> ()
    %barrier3A_20 = arith.constant 0 : index
    tpu.barrier barrier_id(%barrier3A_20)
    %scan3A_21 = arith.constant 0 : i32
    %scan3A_22 = arith.constant 0 : i32
    %scan3A_23 = arith.constant 80 : i32
    %scan3A_24 = arith.addi %scan3A_22, %scan3A_23 : i32
    %scan3A_25 = arith.constant 1 : i32
    scf.for %scan3A_40 = %scan3A_22 to %scan3A_24 step %scan3A_25  : i32 {
      "tpu.region"() ({
        %run_scoped3A_45 = tpu.sem_alloc : memref<!tpu.dma_semaphore, #tpu.memory_space<semaphore_mem>>
        %dma_start3A_46 = arith.constant 0 : i32
        %dma_start3A_47 = tpu.memref_slice %arg6[%add3A, %scan3A_40, %dma_start3A_46] : memref<32x80x128xi32, #tpu.memory_space<hbm>> -> memref<1x1x128xi32, #tpu.memory_space<hbm>>
        %dma_start3A_48 = tpu.memref_squeeze %dma_start3A_47 : memref<1x1x128xi32, #tpu.memory_space<hbm>> -> memref<128xi32, #tpu.memory_space<hbm>>
        %dma_start3A_49 = arith.constant 0 : i32
        %dma_start3A_50 = tpu.memref_slice %arg6[%add3A, %scan3A_40, %dma_start3A_49] : memref<32x80x128xi32, #tpu.memory_space<hbm>> -> memref<1x1x128xi32, #tpu.memory_space<hbm>>
        %dma_start3A_51 = tpu.memref_squeeze %dma_start3A_50 : memref<1x1x128xi32, #tpu.memory_space<hbm>> -> memref<128xi32, #tpu.memory_space<hbm>>
        tpu.enqueue_dma source(%dma_start3A_51 : memref<128xi32, #tpu.memory_space<hbm>>) target(%arg10 : memref<128xi32, #tpu.memory_space<vmem>>) target_semaphore(%run_scoped3A_45 : memref<!tpu.dma_semaphore, #tpu.memory_space<semaphore_mem>>)
        %dma_wait3A_52 = arith.constant 0 : i32
        %dma_wait3A_53 = tpu.memref_slice %arg6[%add3A, %scan3A_40, %dma_wait3A_52] : memref<32x80x128xi32, #tpu.memory_space<hbm>> -> memref<1x1x128xi32, #tpu.memory_space<hbm>>
        %dma_wait3A_54 = tpu.memref_squeeze %dma_wait3A_53 : memref<1x1x128xi32, #tpu.memory_space<hbm>> -> memref<128xi32, #tpu.memory_space<hbm>>
        %dma_wait3A_55 = arith.constant 0 : i32
        %dma_wait3A_56 = tpu.memref_slice %arg6[%add3A, %scan3A_40, %dma_wait3A_55] : memref<32x80x128xi32, #tpu.memory_space<hbm>> -> memref<1x1x128xi32, #tpu.memory_space<hbm>>
        %dma_wait3A_57 = tpu.memref_squeeze %dma_wait3A_56 : memref<1x1x128xi32, #tpu.memory_space<hbm>> -> memref<128xi32, #tpu.memory_space<hbm>>
        tpu.wait_dma2 semaphore(%run_scoped3A_45 : memref<!tpu.dma_semaphore, #tpu.memory_space<semaphore_mem>>) src(%dma_wait3A_57 : memref<128xi32, #tpu.memory_space<hbm>>) dst(%arg10 : memref<128xi32, #tpu.memory_space<vmem>>)
        tpu.yield
      }) : () -> ()
      "tpu.region"() ({
        %run_scoped3A_45 = tpu.sem_alloc : memref<!tpu.dma_semaphore, #tpu.memory_space<semaphore_mem>>
        %dma_start3A_46 = arith.constant 0 : i32
        %dma_start3A_47 = tpu.memref_slice %arg7[%add3A, %scan3A_40, %dma_start3A_46] : memref<32x80x128xi32, #tpu.memory_space<hbm>> -> memref<1x1x128xi32, #tpu.memory_space<hbm>>
        %dma_start3A_48 = tpu.memref_squeeze %dma_start3A_47 : memref<1x1x128xi32, #tpu.memory_space<hbm>> -> memref<128xi32, #tpu.memory_space<hbm>>
        %dma_start3A_49 = arith.constant 0 : i32
        %dma_start3A_50 = tpu.memref_slice %arg7[%add3A, %scan3A_40, %dma_start3A_49] : memref<32x80x128xi32, #tpu.memory_space<hbm>> -> memref<1x1x128xi32, #tpu.memory_space<hbm>>
        %dma_start3A_51 = tpu.memref_squeeze %dma_start3A_50 : memref<1x1x128xi32, #tpu.memory_space<hbm>> -> memref<128xi32, #tpu.memory_space<hbm>>
        tpu.enqueue_dma source(%dma_start3A_51 : memref<128xi32, #tpu.memory_space<hbm>>) target(%arg11 : memref<128xi32, #tpu.memory_space<vmem>>) target_semaphore(%run_scoped3A_45 : memref<!tpu.dma_semaphore, #tpu.memory_space<semaphore_mem>>)
        %dma_wait3A_52 = arith.constant 0 : i32
        %dma_wait3A_53 = tpu.memref_slice %arg7[%add3A, %scan3A_40, %dma_wait3A_52] : memref<32x80x128xi32, #tpu.memory_space<hbm>> -> memref<1x1x128xi32, #tpu.memory_space<hbm>>
        %dma_wait3A_54 = tpu.memref_squeeze %dma_wait3A_53 : memref<1x1x128xi32, #tpu.memory_space<hbm>> -> memref<128xi32, #tpu.memory_space<hbm>>
        %dma_wait3A_55 = arith.constant 0 : i32
        %dma_wait3A_56 = tpu.memref_slice %arg7[%add3A, %scan3A_40, %dma_wait3A_55] : memref<32x80x128xi32, #tpu.memory_space<hbm>> -> memref<1x1x128xi32, #tpu.memory_space<hbm>>
        %dma_wait3A_57 = tpu.memref_squeeze %dma_wait3A_56 : memref<1x1x128xi32, #tpu.memory_space<hbm>> -> memref<128xi32, #tpu.memory_space<hbm>>
        tpu.wait_dma2 semaphore(%run_scoped3A_45 : memref<!tpu.dma_semaphore, #tpu.memory_space<semaphore_mem>>) src(%dma_wait3A_57 : memref<128xi32, #tpu.memory_space<hbm>>) dst(%arg11 : memref<128xi32, #tpu.memory_space<vmem>>)
        tpu.yield
      }) : () -> ()
      %dma_start3A = arith.constant 0 : i32
      %dma_start3A_41 = arith.constant 0 : i32
      %dma_start3A_42 = tpu.memref_slice %arg4[%dma_start3A, %dma_start3A_41] : memref<10240x128xf32, #tpu.memory_space<hbm>> -> memref<10240x128xf32, #tpu.memory_space<hbm>>
      tpu.enqueue_indirect_dma source(%dma_start3A_42 : memref<10240x128xf32, #tpu.memory_space<hbm>>) target(%arg12 : memref<128x128xf32, #tpu.memory_space<vmem>>) offsets(%arg10 : memref<128xi32, #tpu.memory_space<vmem>>) semaphore(%arg14 : memref<!tpu.dma_semaphore, #tpu.memory_space<semaphore_mem>>)
      %dma_wait3A = arith.constant 0 : i32
      %dma_wait3A_43 = arith.constant 0 : i32
      %dma_wait3A_44 = tpu.memref_slice %arg4[%dma_wait3A, %dma_wait3A_43] : memref<10240x128xf32, #tpu.memory_space<hbm>> -> memref<10240x128xf32, #tpu.memory_space<hbm>>
      tpu.wait_indirect_dma semaphore(%arg14 : memref<!tpu.dma_semaphore, #tpu.memory_space<semaphore_mem>>) src(%dma_wait3A_44 : memref<10240x128xf32, #tpu.memory_space<hbm>>) dst(%arg12 : memref<128x128xf32, #tpu.memory_space<vmem>>)
      "tpu.region"() ({
        %run_scoped3A_45 = tpu.sem_alloc : memref<!tpu.dma_semaphore, #tpu.memory_space<semaphore_mem>>
        %dma_start3A_46 = arith.constant 0 : i32
        %dma_start3A_47 = arith.constant 0 : i32
        %dma_start3A_48 = tpu.memref_slice %arg13[%dma_start3A_46, %dma_start3A_47] : memref<10240x128xf32, #tpu.memory_space<vmem_shared>> -> memref<10240x128xf32, #tpu.memory_space<vmem_shared>>
        tpu.enqueue_indirect_dma source(%arg12 : memref<128x128xf32, #tpu.memory_space<vmem>>) target(%dma_start3A_48 : memref<10240x128xf32, #tpu.memory_space<vmem_shared>>) offsets(%arg11 : memref<128xi32, #tpu.memory_space<vmem>>) semaphore(%run_scoped3A_45 : memref<!tpu.dma_semaphore, #tpu.memory_space<semaphore_mem>>) {add = true}
        %dma_wait3A_49 = arith.constant 0 : i32
        %dma_wait3A_50 = arith.constant 0 : i32
        %dma_wait3A_51 = tpu.memref_slice %arg13[%dma_wait3A_49, %dma_wait3A_50] : memref<10240x128xf32, #tpu.memory_space<vmem_shared>> -> memref<10240x128xf32, #tpu.memory_space<vmem_shared>>
        tpu.wait_indirect_dma semaphore(%run_scoped3A_45 : memref<!tpu.dma_semaphore, #tpu.memory_space<semaphore_mem>>) src(%arg12 : memref<128x128xf32, #tpu.memory_space<vmem>>) dst(%dma_wait3A_51 : memref<10240x128xf32, #tpu.memory_space<vmem_shared>>)
        tpu.yield
      }) : () -> ()
    }
    %scan3A_26 = arith.constant 80 : i32
    %barrier3A_27 = arith.constant 0 : index
    tpu.barrier barrier_id(%barrier3A_27)
    %run_scoped3A_28 = arith.constant 2 : i32
    "tpu.region"() ({
      %run_scoped3A_40 = tpu.sem_alloc : memref<!tpu.dma_semaphore, #tpu.memory_space<semaphore_mem>>
      %dma_start3A = arith.constant 0 : i32
      %dma_start3A_41 = tpu.memref_slice %arg9[%arg0, %run_scoped3A_28, %mul3A_2, %dma_start3A] : memref<2x4x10240x128xf32, #tpu.memory_space<hbm>> -> memref<1x1x640x128xf32, #tpu.memory_space<hbm>>
      %dma_start3A_42 = tpu.memref_squeeze %dma_start3A_41 : memref<1x1x640x128xf32, #tpu.memory_space<hbm>> -> memref<640x128xf32, #tpu.memory_space<hbm>>
      %dma_start3A_43 = arith.constant 0 : i32
      %dma_start3A_44 = tpu.memref_slice %arg13[%mul3A_2, %dma_start3A_43] : memref<10240x128xf32, #tpu.memory_space<vmem_shared>> -> memref<640x128xf32, #tpu.memory_space<vmem_shared>>
      tpu.enqueue_dma source(%dma_start3A_44 : memref<640x128xf32, #tpu.memory_space<vmem_shared>>) target(%dma_start3A_42 : memref<640x128xf32, #tpu.memory_space<hbm>>) target_semaphore(%run_scoped3A_40 : memref<!tpu.dma_semaphore, #tpu.memory_space<semaphore_mem>>)
      %dma_wait3A = arith.constant 0 : i32
      %dma_wait3A_45 = tpu.memref_slice %arg9[%arg0, %run_scoped3A_28, %mul3A_2, %dma_wait3A] : memref<2x4x10240x128xf32, #tpu.memory_space<hbm>> -> memref<1x1x640x128xf32, #tpu.memory_space<hbm>>
      %dma_wait3A_46 = tpu.memref_squeeze %dma_wait3A_45 : memref<1x1x640x128xf32, #tpu.memory_space<hbm>> -> memref<640x128xf32, #tpu.memory_space<hbm>>
      %dma_wait3A_47 = arith.constant 0 : i32
      %dma_wait3A_48 = tpu.memref_slice %arg13[%mul3A_2, %dma_wait3A_47] : memref<10240x128xf32, #tpu.memory_space<vmem_shared>> -> memref<640x128xf32, #tpu.memory_space<vmem_shared>>
      tpu.wait_dma2 semaphore(%run_scoped3A_40 : memref<!tpu.dma_semaphore, #tpu.memory_space<semaphore_mem>>) src(%dma_wait3A_48 : memref<640x128xf32, #tpu.memory_space<vmem_shared>>) dst(%dma_wait3A_46 : memref<640x128xf32, #tpu.memory_space<hbm>>)
      tpu.yield
    }) : () -> ()
    %barrier3A_29 = arith.constant 0 : index
    tpu.barrier barrier_id(%barrier3A_29)
    "tpu.region"() ({
      %run_scoped3A_40 = tpu.sem_alloc : memref<!tpu.dma_semaphore, #tpu.memory_space<semaphore_mem>>
      %dma_start3A = arith.constant 0 : i32
      %dma_start3A_41 = tpu.memref_slice %arg13[%mul3A_2, %dma_start3A] : memref<10240x128xf32, #tpu.memory_space<vmem_shared>> -> memref<640x128xf32, #tpu.memory_space<vmem_shared>>
      tpu.enqueue_dma source(%arg8 : memref<640x128xf32, #tpu.memory_space<hbm>>) target(%dma_start3A_41 : memref<640x128xf32, #tpu.memory_space<vmem_shared>>) target_semaphore(%run_scoped3A_40 : memref<!tpu.dma_semaphore, #tpu.memory_space<semaphore_mem>>)
      %dma_wait3A = arith.constant 0 : i32
      %dma_wait3A_42 = tpu.memref_slice %arg13[%mul3A_2, %dma_wait3A] : memref<10240x128xf32, #tpu.memory_space<vmem_shared>> -> memref<640x128xf32, #tpu.memory_space<vmem_shared>>
      tpu.wait_dma2 semaphore(%run_scoped3A_40 : memref<!tpu.dma_semaphore, #tpu.memory_space<semaphore_mem>>) src(%arg8 : memref<640x128xf32, #tpu.memory_space<hbm>>) dst(%dma_wait3A_42 : memref<640x128xf32, #tpu.memory_space<vmem_shared>>)
      tpu.yield
    }) : () -> ()
    %barrier3A_30 = arith.constant 0 : index
    tpu.barrier barrier_id(%barrier3A_30)
    %scan3A_31 = arith.constant 0 : i32
    %scan3A_32 = arith.constant 0 : i32
    %scan3A_33 = arith.constant 80 : i32
    %scan3A_34 = arith.addi %scan3A_32, %scan3A_33 : i32
    %scan3A_35 = arith.constant 1 : i32
    scf.for %scan3A_40 = %scan3A_32 to %scan3A_34 step %scan3A_35  : i32 {
      "tpu.region"() ({
        %run_scoped3A_45 = tpu.sem_alloc : memref<!tpu.dma_semaphore, #tpu.memory_space<semaphore_mem>>
        %dma_start3A_46 = arith.constant 0 : i32
        %dma_start3A_47 = tpu.memref_slice %arg6[%add3A, %scan3A_40, %dma_start3A_46] : memref<32x80x128xi32, #tpu.memory_space<hbm>> -> memref<1x1x128xi32, #tpu.memory_space<hbm>>
        %dma_start3A_48 = tpu.memref_squeeze %dma_start3A_47 : memref<1x1x128xi32, #tpu.memory_space<hbm>> -> memref<128xi32, #tpu.memory_space<hbm>>
        %dma_start3A_49 = arith.constant 0 : i32
        %dma_start3A_50 = tpu.memref_slice %arg6[%add3A, %scan3A_40, %dma_start3A_49] : memref<32x80x128xi32, #tpu.memory_space<hbm>> -> memref<1x1x128xi32, #tpu.memory_space<hbm>>
        %dma_start3A_51 = tpu.memref_squeeze %dma_start3A_50 : memref<1x1x128xi32, #tpu.memory_space<hbm>> -> memref<128xi32, #tpu.memory_space<hbm>>
        tpu.enqueue_dma source(%dma_start3A_51 : memref<128xi32, #tpu.memory_space<hbm>>) target(%arg10 : memref<128xi32, #tpu.memory_space<vmem>>) target_semaphore(%run_scoped3A_45 : memref<!tpu.dma_semaphore, #tpu.memory_space<semaphore_mem>>)
        %dma_wait3A_52 = arith.constant 0 : i32
        %dma_wait3A_53 = tpu.memref_slice %arg6[%add3A, %scan3A_40, %dma_wait3A_52] : memref<32x80x128xi32, #tpu.memory_space<hbm>> -> memref<1x1x128xi32, #tpu.memory_space<hbm>>
        %dma_wait3A_54 = tpu.memref_squeeze %dma_wait3A_53 : memref<1x1x128xi32, #tpu.memory_space<hbm>> -> memref<128xi32, #tpu.memory_space<hbm>>
        %dma_wait3A_55 = arith.constant 0 : i32
        %dma_wait3A_56 = tpu.memref_slice %arg6[%add3A, %scan3A_40, %dma_wait3A_55] : memref<32x80x128xi32, #tpu.memory_space<hbm>> -> memref<1x1x128xi32, #tpu.memory_space<hbm>>
        %dma_wait3A_57 = tpu.memref_squeeze %dma_wait3A_56 : memref<1x1x128xi32, #tpu.memory_space<hbm>> -> memref<128xi32, #tpu.memory_space<hbm>>
        tpu.wait_dma2 semaphore(%run_scoped3A_45 : memref<!tpu.dma_semaphore, #tpu.memory_space<semaphore_mem>>) src(%dma_wait3A_57 : memref<128xi32, #tpu.memory_space<hbm>>) dst(%arg10 : memref<128xi32, #tpu.memory_space<vmem>>)
        tpu.yield
      }) : () -> ()
      "tpu.region"() ({
        %run_scoped3A_45 = tpu.sem_alloc : memref<!tpu.dma_semaphore, #tpu.memory_space<semaphore_mem>>
        %dma_start3A_46 = arith.constant 0 : i32
        %dma_start3A_47 = tpu.memref_slice %arg7[%add3A, %scan3A_40, %dma_start3A_46] : memref<32x80x128xi32, #tpu.memory_space<hbm>> -> memref<1x1x128xi32, #tpu.memory_space<hbm>>
        %dma_start3A_48 = tpu.memref_squeeze %dma_start3A_47 : memref<1x1x128xi32, #tpu.memory_space<hbm>> -> memref<128xi32, #tpu.memory_space<hbm>>
        %dma_start3A_49 = arith.constant 0 : i32
        %dma_start3A_50 = tpu.memref_slice %arg7[%add3A, %scan3A_40, %dma_start3A_49] : memref<32x80x128xi32, #tpu.memory_space<hbm>> -> memref<1x1x128xi32, #tpu.memory_space<hbm>>
        %dma_start3A_51 = tpu.memref_squeeze %dma_start3A_50 : memref<1x1x128xi32, #tpu.memory_space<hbm>> -> memref<128xi32, #tpu.memory_space<hbm>>
        tpu.enqueue_dma source(%dma_start3A_51 : memref<128xi32, #tpu.memory_space<hbm>>) target(%arg11 : memref<128xi32, #tpu.memory_space<vmem>>) target_semaphore(%run_scoped3A_45 : memref<!tpu.dma_semaphore, #tpu.memory_space<semaphore_mem>>)
        %dma_wait3A_52 = arith.constant 0 : i32
        %dma_wait3A_53 = tpu.memref_slice %arg7[%add3A, %scan3A_40, %dma_wait3A_52] : memref<32x80x128xi32, #tpu.memory_space<hbm>> -> memref<1x1x128xi32, #tpu.memory_space<hbm>>
        %dma_wait3A_54 = tpu.memref_squeeze %dma_wait3A_53 : memref<1x1x128xi32, #tpu.memory_space<hbm>> -> memref<128xi32, #tpu.memory_space<hbm>>
        %dma_wait3A_55 = arith.constant 0 : i32
        %dma_wait3A_56 = tpu.memref_slice %arg7[%add3A, %scan3A_40, %dma_wait3A_55] : memref<32x80x128xi32, #tpu.memory_space<hbm>> -> memref<1x1x128xi32, #tpu.memory_space<hbm>>
        %dma_wait3A_57 = tpu.memref_squeeze %dma_wait3A_56 : memref<1x1x128xi32, #tpu.memory_space<hbm>> -> memref<128xi32, #tpu.memory_space<hbm>>
        tpu.wait_dma2 semaphore(%run_scoped3A_45 : memref<!tpu.dma_semaphore, #tpu.memory_space<semaphore_mem>>) src(%dma_wait3A_57 : memref<128xi32, #tpu.memory_space<hbm>>) dst(%arg11 : memref<128xi32, #tpu.memory_space<vmem>>)
        tpu.yield
      }) : () -> ()
      %dma_start3A = arith.constant 0 : i32
      %dma_start3A_41 = arith.constant 0 : i32
      %dma_start3A_42 = tpu.memref_slice %arg5[%dma_start3A, %dma_start3A_41] : memref<10240x128xf32, #tpu.memory_space<hbm>> -> memref<10240x128xf32, #tpu.memory_space<hbm>>
      tpu.enqueue_indirect_dma source(%dma_start3A_42 : memref<10240x128xf32, #tpu.memory_space<hbm>>) target(%arg12 : memref<128x128xf32, #tpu.memory_space<vmem>>) offsets(%arg10 : memref<128xi32, #tpu.memory_space<vmem>>) semaphore(%arg14 : memref<!tpu.dma_semaphore, #tpu.memory_space<semaphore_mem>>)
      %dma_wait3A = arith.constant 0 : i32
      %dma_wait3A_43 = arith.constant 0 : i32
      %dma_wait3A_44 = tpu.memref_slice %arg5[%dma_wait3A, %dma_wait3A_43] : memref<10240x128xf32, #tpu.memory_space<hbm>> -> memref<10240x128xf32, #tpu.memory_space<hbm>>
      tpu.wait_indirect_dma semaphore(%arg14 : memref<!tpu.dma_semaphore, #tpu.memory_space<semaphore_mem>>) src(%dma_wait3A_44 : memref<10240x128xf32, #tpu.memory_space<hbm>>) dst(%arg12 : memref<128x128xf32, #tpu.memory_space<vmem>>)
      "tpu.region"() ({
        %run_scoped3A_45 = tpu.sem_alloc : memref<!tpu.dma_semaphore, #tpu.memory_space<semaphore_mem>>
        %dma_start3A_46 = arith.constant 0 : i32
        %dma_start3A_47 = arith.constant 0 : i32
        %dma_start3A_48 = tpu.memref_slice %arg13[%dma_start3A_46, %dma_start3A_47] : memref<10240x128xf32, #tpu.memory_space<vmem_shared>> -> memref<10240x128xf32, #tpu.memory_space<vmem_shared>>
        tpu.enqueue_indirect_dma source(%arg12 : memref<128x128xf32, #tpu.memory_space<vmem>>) target(%dma_start3A_48 : memref<10240x128xf32, #tpu.memory_space<vmem_shared>>) offsets(%arg11 : memref<128xi32, #tpu.memory_space<vmem>>) semaphore(%run_scoped3A_45 : memref<!tpu.dma_semaphore, #tpu.memory_space<semaphore_mem>>) {add = true}
        %dma_wait3A_49 = arith.constant 0 : i32
        %dma_wait3A_50 = arith.constant 0 : i32
        %dma_wait3A_51 = tpu.memref_slice %arg13[%dma_wait3A_49, %dma_wait3A_50] : memref<10240x128xf32, #tpu.memory_space<vmem_shared>> -> memref<10240x128xf32, #tpu.memory_space<vmem_shared>>
        tpu.wait_indirect_dma semaphore(%run_scoped3A_45 : memref<!tpu.dma_semaphore, #tpu.memory_space<semaphore_mem>>) src(%arg12 : memref<128x128xf32, #tpu.memory_space<vmem>>) dst(%dma_wait3A_51 : memref<10240x128xf32, #tpu.memory_space<vmem_shared>>)
        tpu.yield
      }) : () -> ()
    }
    %scan3A_36 = arith.constant 80 : i32
    %barrier3A_37 = arith.constant 0 : index
    tpu.barrier barrier_id(%barrier3A_37)
    %run_scoped3A_38 = arith.constant 3 : i32
    "tpu.region"() ({
      %run_scoped3A_40 = tpu.sem_alloc : memref<!tpu.dma_semaphore, #tpu.memory_space<semaphore_mem>>
      %dma_start3A = arith.constant 0 : i32
      %dma_start3A_41 = tpu.memref_slice %arg9[%arg0, %run_scoped3A_38, %mul3A_2, %dma_start3A] : memref<2x4x10240x128xf32, #tpu.memory_space<hbm>> -> memref<1x1x640x128xf32, #tpu.memory_space<hbm>>
      %dma_start3A_42 = tpu.memref_squeeze %dma_start3A_41 : memref<1x1x640x128xf32, #tpu.memory_space<hbm>> -> memref<640x128xf32, #tpu.memory_space<hbm>>
      %dma_start3A_43 = arith.constant 0 : i32
      %dma_start3A_44 = tpu.memref_slice %arg13[%mul3A_2, %dma_start3A_43] : memref<10240x128xf32, #tpu.memory_space<vmem_shared>> -> memref<640x128xf32, #tpu.memory_space<vmem_shared>>
      tpu.enqueue_dma source(%dma_start3A_44 : memref<640x128xf32, #tpu.memory_space<vmem_shared>>) target(%dma_start3A_42 : memref<640x128xf32, #tpu.memory_space<hbm>>) target_semaphore(%run_scoped3A_40 : memref<!tpu.dma_semaphore, #tpu.memory_space<semaphore_mem>>)
      %dma_wait3A = arith.constant 0 : i32
      %dma_wait3A_45 = tpu.memref_slice %arg9[%arg0, %run_scoped3A_38, %mul3A_2, %dma_wait3A] : memref<2x4x10240x128xf32, #tpu.memory_space<hbm>> -> memref<1x1x640x128xf32, #tpu.memory_space<hbm>>
      %dma_wait3A_46 = tpu.memref_squeeze %dma_wait3A_45 : memref<1x1x640x128xf32, #tpu.memory_space<hbm>> -> memref<640x128xf32, #tpu.memory_space<hbm>>
      %dma_wait3A_47 = arith.constant 0 : i32
      %dma_wait3A_48 = tpu.memref_slice %arg13[%mul3A_2, %dma_wait3A_47] : memref<10240x128xf32, #tpu.memory_space<vmem_shared>> -> memref<640x128xf32, #tpu.memory_space<vmem_shared>>
      tpu.wait_dma2 semaphore(%run_scoped3A_40 : memref<!tpu.dma_semaphore, #tpu.memory_space<semaphore_mem>>) src(%dma_wait3A_48 : memref<640x128xf32, #tpu.memory_space<vmem_shared>>) dst(%dma_wait3A_46 : memref<640x128xf32, #tpu.memory_space<hbm>>)
      tpu.yield
    }) : () -> ()
    %barrier3A_39 = arith.constant 0 : index
    tpu.barrier barrier_id(%barrier3A_39)
    return
  }
}

#map = affine_map<(d0, d1) -> (0, 0)>
#map1 = affine_map<(d0, d1) -> (0, 0, 0)>
#map2 = affine_map<(d0, d1) -> (0, 0, 0, 0)>
module attributes {stable_mosaic.version = 14 : i64} {
  func.func @k(%arg0: i32, %arg1: i32, %arg2: memref<10240x128xf32, #tpu.memory_space<hbm>>, %arg3: memref<10240x128xf32, #tpu.memory_space<hbm>>, %arg4: memref<32x80x128xi32, #tpu.memory_space<hbm>>, %arg5: memref<32x80x128xi32, #tpu.memory_space<hbm>>, %arg6: memref<640x128xf32, #tpu.memory_space<hbm>>, %arg7: memref<2x2x10240x128xf32, #tpu.memory_space<hbm>>, %arg8: memref<128xi32, #tpu.memory_space<vmem>>, %arg9: memref<128xi32, #tpu.memory_space<vmem>>, %arg10: memref<128x128xf32, #tpu.memory_space<vmem>>, %arg11: memref<10240x128xf32, #tpu.memory_space<vmem_shared>>, %arg12: memref<!tpu.dma_semaphore, #tpu.memory_space<semaphore_mem>>) attributes {dimension_semantics = [#tpu.dimension_semantics<core_parallel>, #tpu.dimension_semantics<subcore_parallel>], iteration_bounds = array<i64: 2, 16>, scalar_prefetch = 0 : i64, scratch_operands = 5 : i64, tpu.core_type = #tpu.core_type<sc_vector_subcore>, window_params = [{transform_indices = #map}, {transform_indices = #map}, {transform_indices = #map1}, {transform_indices = #map1}, {transform_indices = #map}, {transform_indices = #map2}]} {
    %mul3A = arith.constant 16 : i32
    %mul3A_0 = arith.muli %arg0, %mul3A : i32
    %add3A = arith.addi %mul3A_0, %arg1 : i32
    %mul3A_1 = arith.constant 640 : i32
    %mul3A_2 = arith.muli %arg1, %mul3A_1 : i32
    "tpu.region"() ({
      %run_scoped3A_20 = tpu.sem_alloc : memref<!tpu.dma_semaphore, #tpu.memory_space<semaphore_mem>>
      %dma_start3A = arith.constant 0 : i32
      %dma_start3A_21 = tpu.memref_slice %arg11[%mul3A_2, %dma_start3A] : memref<10240x128xf32, #tpu.memory_space<vmem_shared>> -> memref<640x128xf32, #tpu.memory_space<vmem_shared>>
      tpu.enqueue_dma source(%arg6 : memref<640x128xf32, #tpu.memory_space<hbm>>) target(%dma_start3A_21 : memref<640x128xf32, #tpu.memory_space<vmem_shared>>) target_semaphore(%run_scoped3A_20 : memref<!tpu.dma_semaphore, #tpu.memory_space<semaphore_mem>>)
      %dma_wait3A = arith.constant 0 : i32
      %dma_wait3A_22 = tpu.memref_slice %arg11[%mul3A_2, %dma_wait3A] : memref<10240x128xf32, #tpu.memory_space<vmem_shared>> -> memref<640x128xf32, #tpu.memory_space<vmem_shared>>
      tpu.wait_dma2 semaphore(%run_scoped3A_20 : memref<!tpu.dma_semaphore, #tpu.memory_space<semaphore_mem>>) src(%arg6 : memref<640x128xf32, #tpu.memory_space<hbm>>) dst(%dma_wait3A_22 : memref<640x128xf32, #tpu.memory_space<vmem_shared>>)
      tpu.yield
    }) : () -> ()
    %barrier3A = arith.constant 0 : index
    tpu.barrier barrier_id(%barrier3A)
    %scan3A = arith.constant 0 : i32
    %scan3A_3 = arith.constant 0 : i32
    %scan3A_4 = arith.constant 80 : i32
    %scan3A_5 = arith.addi %scan3A_3, %scan3A_4 : i32
    %scan3A_6 = arith.constant 1 : i32
    scf.for %scan3A_20 = %scan3A_3 to %scan3A_5 step %scan3A_6  : i32 {
      "tpu.region"() ({
        %run_scoped3A_25 = tpu.sem_alloc : memref<!tpu.dma_semaphore, #tpu.memory_space<semaphore_mem>>
        %dma_start3A_26 = arith.constant 0 : i32
        %dma_start3A_27 = tpu.memref_slice %arg4[%add3A, %scan3A_20, %dma_start3A_26] : memref<32x80x128xi32, #tpu.memory_space<hbm>> -> memref<1x1x128xi32, #tpu.memory_space<hbm>>
        %dma_start3A_28 = tpu.memref_squeeze %dma_start3A_27 : memref<1x1x128xi32, #tpu.memory_space<hbm>> -> memref<128xi32, #tpu.memory_space<hbm>>
        %dma_start3A_29 = arith.constant 0 : i32
        %dma_start3A_30 = tpu.memref_slice %arg4[%add3A, %scan3A_20, %dma_start3A_29] : memref<32x80x128xi32, #tpu.memory_space<hbm>> -> memref<1x1x128xi32, #tpu.memory_space<hbm>>
        %dma_start3A_31 = tpu.memref_squeeze %dma_start3A_30 : memref<1x1x128xi32, #tpu.memory_space<hbm>> -> memref<128xi32, #tpu.memory_space<hbm>>
        tpu.enqueue_dma source(%dma_start3A_31 : memref<128xi32, #tpu.memory_space<hbm>>) target(%arg8 : memref<128xi32, #tpu.memory_space<vmem>>) target_semaphore(%run_scoped3A_25 : memref<!tpu.dma_semaphore, #tpu.memory_space<semaphore_mem>>)
        %dma_wait3A_32 = arith.constant 0 : i32
        %dma_wait3A_33 = tpu.memref_slice %arg4[%add3A, %scan3A_20, %dma_wait3A_32] : memref<32x80x128xi32, #tpu.memory_space<hbm>> -> memref<1x1x128xi32, #tpu.memory_space<hbm>>
        %dma_wait3A_34 = tpu.memref_squeeze %dma_wait3A_33 : memref<1x1x128xi32, #tpu.memory_space<hbm>> -> memref<128xi32, #tpu.memory_space<hbm>>
        %dma_wait3A_35 = arith.constant 0 : i32
        %dma_wait3A_36 = tpu.memref_slice %arg4[%add3A, %scan3A_20, %dma_wait3A_35] : memref<32x80x128xi32, #tpu.memory_space<hbm>> -> memref<1x1x128xi32, #tpu.memory_space<hbm>>
        %dma_wait3A_37 = tpu.memref_squeeze %dma_wait3A_36 : memref<1x1x128xi32, #tpu.memory_space<hbm>> -> memref<128xi32, #tpu.memory_space<hbm>>
        tpu.wait_dma2 semaphore(%run_scoped3A_25 : memref<!tpu.dma_semaphore, #tpu.memory_space<semaphore_mem>>) src(%dma_wait3A_37 : memref<128xi32, #tpu.memory_space<hbm>>) dst(%arg8 : memref<128xi32, #tpu.memory_space<vmem>>)
        tpu.yield
      }) : () -> ()
      "tpu.region"() ({
        %run_scoped3A_25 = tpu.sem_alloc : memref<!tpu.dma_semaphore, #tpu.memory_space<semaphore_mem>>
        %dma_start3A_26 = arith.constant 0 : i32
        %dma_start3A_27 = tpu.memref_slice %arg5[%add3A, %scan3A_20, %dma_start3A_26] : memref<32x80x128xi32, #tpu.memory_space<hbm>> -> memref<1x1x128xi32, #tpu.memory_space<hbm>>
        %dma_start3A_28 = tpu.memref_squeeze %dma_start3A_27 : memref<1x1x128xi32, #tpu.memory_space<hbm>> -> memref<128xi32, #tpu.memory_space<hbm>>
        %dma_start3A_29 = arith.constant 0 : i32
        %dma_start3A_30 = tpu.memref_slice %arg5[%add3A, %scan3A_20, %dma_start3A_29] : memref<32x80x128xi32, #tpu.memory_space<hbm>> -> memref<1x1x128xi32, #tpu.memory_space<hbm>>
        %dma_start3A_31 = tpu.memref_squeeze %dma_start3A_30 : memref<1x1x128xi32, #tpu.memory_space<hbm>> -> memref<128xi32, #tpu.memory_space<hbm>>
        tpu.enqueue_dma source(%dma_start3A_31 : memref<128xi32, #tpu.memory_space<hbm>>) target(%arg9 : memref<128xi32, #tpu.memory_space<vmem>>) target_semaphore(%run_scoped3A_25 : memref<!tpu.dma_semaphore, #tpu.memory_space<semaphore_mem>>)
        %dma_wait3A_32 = arith.constant 0 : i32
        %dma_wait3A_33 = tpu.memref_slice %arg5[%add3A, %scan3A_20, %dma_wait3A_32] : memref<32x80x128xi32, #tpu.memory_space<hbm>> -> memref<1x1x128xi32, #tpu.memory_space<hbm>>
        %dma_wait3A_34 = tpu.memref_squeeze %dma_wait3A_33 : memref<1x1x128xi32, #tpu.memory_space<hbm>> -> memref<128xi32, #tpu.memory_space<hbm>>
        %dma_wait3A_35 = arith.constant 0 : i32
        %dma_wait3A_36 = tpu.memref_slice %arg5[%add3A, %scan3A_20, %dma_wait3A_35] : memref<32x80x128xi32, #tpu.memory_space<hbm>> -> memref<1x1x128xi32, #tpu.memory_space<hbm>>
        %dma_wait3A_37 = tpu.memref_squeeze %dma_wait3A_36 : memref<1x1x128xi32, #tpu.memory_space<hbm>> -> memref<128xi32, #tpu.memory_space<hbm>>
        tpu.wait_dma2 semaphore(%run_scoped3A_25 : memref<!tpu.dma_semaphore, #tpu.memory_space<semaphore_mem>>) src(%dma_wait3A_37 : memref<128xi32, #tpu.memory_space<hbm>>) dst(%arg9 : memref<128xi32, #tpu.memory_space<vmem>>)
        tpu.yield
      }) : () -> ()
      %dma_start3A = arith.constant 0 : i32
      %dma_start3A_21 = arith.constant 0 : i32
      %dma_start3A_22 = tpu.memref_slice %arg2[%dma_start3A, %dma_start3A_21] : memref<10240x128xf32, #tpu.memory_space<hbm>> -> memref<10240x128xf32, #tpu.memory_space<hbm>>
      tpu.enqueue_indirect_dma source(%dma_start3A_22 : memref<10240x128xf32, #tpu.memory_space<hbm>>) target(%arg10 : memref<128x128xf32, #tpu.memory_space<vmem>>) offsets(%arg8 : memref<128xi32, #tpu.memory_space<vmem>>) semaphore(%arg12 : memref<!tpu.dma_semaphore, #tpu.memory_space<semaphore_mem>>)
      %dma_wait3A = arith.constant 0 : i32
      %dma_wait3A_23 = arith.constant 0 : i32
      %dma_wait3A_24 = tpu.memref_slice %arg2[%dma_wait3A, %dma_wait3A_23] : memref<10240x128xf32, #tpu.memory_space<hbm>> -> memref<10240x128xf32, #tpu.memory_space<hbm>>
      tpu.wait_indirect_dma semaphore(%arg12 : memref<!tpu.dma_semaphore, #tpu.memory_space<semaphore_mem>>) src(%dma_wait3A_24 : memref<10240x128xf32, #tpu.memory_space<hbm>>) dst(%arg10 : memref<128x128xf32, #tpu.memory_space<vmem>>)
      "tpu.region"() ({
        %run_scoped3A_25 = tpu.sem_alloc : memref<!tpu.dma_semaphore, #tpu.memory_space<semaphore_mem>>
        %dma_start3A_26 = arith.constant 0 : i32
        %dma_start3A_27 = arith.constant 0 : i32
        %dma_start3A_28 = tpu.memref_slice %arg11[%dma_start3A_26, %dma_start3A_27] : memref<10240x128xf32, #tpu.memory_space<vmem_shared>> -> memref<10240x128xf32, #tpu.memory_space<vmem_shared>>
        tpu.enqueue_indirect_dma source(%arg10 : memref<128x128xf32, #tpu.memory_space<vmem>>) target(%dma_start3A_28 : memref<10240x128xf32, #tpu.memory_space<vmem_shared>>) offsets(%arg9 : memref<128xi32, #tpu.memory_space<vmem>>) semaphore(%run_scoped3A_25 : memref<!tpu.dma_semaphore, #tpu.memory_space<semaphore_mem>>) {add = true}
        %dma_wait3A_29 = arith.constant 0 : i32
        %dma_wait3A_30 = arith.constant 0 : i32
        %dma_wait3A_31 = tpu.memref_slice %arg11[%dma_wait3A_29, %dma_wait3A_30] : memref<10240x128xf32, #tpu.memory_space<vmem_shared>> -> memref<10240x128xf32, #tpu.memory_space<vmem_shared>>
        tpu.wait_indirect_dma semaphore(%run_scoped3A_25 : memref<!tpu.dma_semaphore, #tpu.memory_space<semaphore_mem>>) src(%arg10 : memref<128x128xf32, #tpu.memory_space<vmem>>) dst(%dma_wait3A_31 : memref<10240x128xf32, #tpu.memory_space<vmem_shared>>)
        tpu.yield
      }) : () -> ()
    }
    %scan3A_7 = arith.constant 80 : i32
    %barrier3A_8 = arith.constant 0 : index
    tpu.barrier barrier_id(%barrier3A_8)
    %run_scoped3A = arith.constant 0 : i32
    "tpu.region"() ({
      %run_scoped3A_20 = tpu.sem_alloc : memref<!tpu.dma_semaphore, #tpu.memory_space<semaphore_mem>>
      %dma_start3A = arith.constant 0 : i32
      %dma_start3A_21 = tpu.memref_slice %arg7[%arg0, %run_scoped3A, %mul3A_2, %dma_start3A] : memref<2x2x10240x128xf32, #tpu.memory_space<hbm>> -> memref<1x1x640x128xf32, #tpu.memory_space<hbm>>
      %dma_start3A_22 = tpu.memref_squeeze %dma_start3A_21 : memref<1x1x640x128xf32, #tpu.memory_space<hbm>> -> memref<640x128xf32, #tpu.memory_space<hbm>>
      %dma_start3A_23 = arith.constant 0 : i32
      %dma_start3A_24 = tpu.memref_slice %arg11[%mul3A_2, %dma_start3A_23] : memref<10240x128xf32, #tpu.memory_space<vmem_shared>> -> memref<640x128xf32, #tpu.memory_space<vmem_shared>>
      tpu.enqueue_dma source(%dma_start3A_24 : memref<640x128xf32, #tpu.memory_space<vmem_shared>>) target(%dma_start3A_22 : memref<640x128xf32, #tpu.memory_space<hbm>>) target_semaphore(%run_scoped3A_20 : memref<!tpu.dma_semaphore, #tpu.memory_space<semaphore_mem>>)
      %dma_wait3A = arith.constant 0 : i32
      %dma_wait3A_25 = tpu.memref_slice %arg7[%arg0, %run_scoped3A, %mul3A_2, %dma_wait3A] : memref<2x2x10240x128xf32, #tpu.memory_space<hbm>> -> memref<1x1x640x128xf32, #tpu.memory_space<hbm>>
      %dma_wait3A_26 = tpu.memref_squeeze %dma_wait3A_25 : memref<1x1x640x128xf32, #tpu.memory_space<hbm>> -> memref<640x128xf32, #tpu.memory_space<hbm>>
      %dma_wait3A_27 = arith.constant 0 : i32
      %dma_wait3A_28 = tpu.memref_slice %arg11[%mul3A_2, %dma_wait3A_27] : memref<10240x128xf32, #tpu.memory_space<vmem_shared>> -> memref<640x128xf32, #tpu.memory_space<vmem_shared>>
      tpu.wait_dma2 semaphore(%run_scoped3A_20 : memref<!tpu.dma_semaphore, #tpu.memory_space<semaphore_mem>>) src(%dma_wait3A_28 : memref<640x128xf32, #tpu.memory_space<vmem_shared>>) dst(%dma_wait3A_26 : memref<640x128xf32, #tpu.memory_space<hbm>>)
      tpu.yield
    }) : () -> ()
    %barrier3A_9 = arith.constant 0 : index
    tpu.barrier barrier_id(%barrier3A_9)
    "tpu.region"() ({
      %run_scoped3A_20 = tpu.sem_alloc : memref<!tpu.dma_semaphore, #tpu.memory_space<semaphore_mem>>
      %dma_start3A = arith.constant 0 : i32
      %dma_start3A_21 = tpu.memref_slice %arg11[%mul3A_2, %dma_start3A] : memref<10240x128xf32, #tpu.memory_space<vmem_shared>> -> memref<640x128xf32, #tpu.memory_space<vmem_shared>>
      tpu.enqueue_dma source(%arg6 : memref<640x128xf32, #tpu.memory_space<hbm>>) target(%dma_start3A_21 : memref<640x128xf32, #tpu.memory_space<vmem_shared>>) target_semaphore(%run_scoped3A_20 : memref<!tpu.dma_semaphore, #tpu.memory_space<semaphore_mem>>)
      %dma_wait3A = arith.constant 0 : i32
      %dma_wait3A_22 = tpu.memref_slice %arg11[%mul3A_2, %dma_wait3A] : memref<10240x128xf32, #tpu.memory_space<vmem_shared>> -> memref<640x128xf32, #tpu.memory_space<vmem_shared>>
      tpu.wait_dma2 semaphore(%run_scoped3A_20 : memref<!tpu.dma_semaphore, #tpu.memory_space<semaphore_mem>>) src(%arg6 : memref<640x128xf32, #tpu.memory_space<hbm>>) dst(%dma_wait3A_22 : memref<640x128xf32, #tpu.memory_space<vmem_shared>>)
      tpu.yield
    }) : () -> ()
    %barrier3A_10 = arith.constant 0 : index
    tpu.barrier barrier_id(%barrier3A_10)
    %scan3A_11 = arith.constant 0 : i32
    %scan3A_12 = arith.constant 0 : i32
    %scan3A_13 = arith.constant 80 : i32
    %scan3A_14 = arith.addi %scan3A_12, %scan3A_13 : i32
    %scan3A_15 = arith.constant 1 : i32
    scf.for %scan3A_20 = %scan3A_12 to %scan3A_14 step %scan3A_15  : i32 {
      "tpu.region"() ({
        %run_scoped3A_25 = tpu.sem_alloc : memref<!tpu.dma_semaphore, #tpu.memory_space<semaphore_mem>>
        %dma_start3A_26 = arith.constant 0 : i32
        %dma_start3A_27 = tpu.memref_slice %arg4[%add3A, %scan3A_20, %dma_start3A_26] : memref<32x80x128xi32, #tpu.memory_space<hbm>> -> memref<1x1x128xi32, #tpu.memory_space<hbm>>
        %dma_start3A_28 = tpu.memref_squeeze %dma_start3A_27 : memref<1x1x128xi32, #tpu.memory_space<hbm>> -> memref<128xi32, #tpu.memory_space<hbm>>
        %dma_start3A_29 = arith.constant 0 : i32
        %dma_start3A_30 = tpu.memref_slice %arg4[%add3A, %scan3A_20, %dma_start3A_29] : memref<32x80x128xi32, #tpu.memory_space<hbm>> -> memref<1x1x128xi32, #tpu.memory_space<hbm>>
        %dma_start3A_31 = tpu.memref_squeeze %dma_start3A_30 : memref<1x1x128xi32, #tpu.memory_space<hbm>> -> memref<128xi32, #tpu.memory_space<hbm>>
        tpu.enqueue_dma source(%dma_start3A_31 : memref<128xi32, #tpu.memory_space<hbm>>) target(%arg8 : memref<128xi32, #tpu.memory_space<vmem>>) target_semaphore(%run_scoped3A_25 : memref<!tpu.dma_semaphore, #tpu.memory_space<semaphore_mem>>)
        %dma_wait3A_32 = arith.constant 0 : i32
        %dma_wait3A_33 = tpu.memref_slice %arg4[%add3A, %scan3A_20, %dma_wait3A_32] : memref<32x80x128xi32, #tpu.memory_space<hbm>> -> memref<1x1x128xi32, #tpu.memory_space<hbm>>
        %dma_wait3A_34 = tpu.memref_squeeze %dma_wait3A_33 : memref<1x1x128xi32, #tpu.memory_space<hbm>> -> memref<128xi32, #tpu.memory_space<hbm>>
        %dma_wait3A_35 = arith.constant 0 : i32
        %dma_wait3A_36 = tpu.memref_slice %arg4[%add3A, %scan3A_20, %dma_wait3A_35] : memref<32x80x128xi32, #tpu.memory_space<hbm>> -> memref<1x1x128xi32, #tpu.memory_space<hbm>>
        %dma_wait3A_37 = tpu.memref_squeeze %dma_wait3A_36 : memref<1x1x128xi32, #tpu.memory_space<hbm>> -> memref<128xi32, #tpu.memory_space<hbm>>
        tpu.wait_dma2 semaphore(%run_scoped3A_25 : memref<!tpu.dma_semaphore, #tpu.memory_space<semaphore_mem>>) src(%dma_wait3A_37 : memref<128xi32, #tpu.memory_space<hbm>>) dst(%arg8 : memref<128xi32, #tpu.memory_space<vmem>>)
        tpu.yield
      }) : () -> ()
      "tpu.region"() ({
        %run_scoped3A_25 = tpu.sem_alloc : memref<!tpu.dma_semaphore, #tpu.memory_space<semaphore_mem>>
        %dma_start3A_26 = arith.constant 0 : i32
        %dma_start3A_27 = tpu.memref_slice %arg5[%add3A, %scan3A_20, %dma_start3A_26] : memref<32x80x128xi32, #tpu.memory_space<hbm>> -> memref<1x1x128xi32, #tpu.memory_space<hbm>>
        %dma_start3A_28 = tpu.memref_squeeze %dma_start3A_27 : memref<1x1x128xi32, #tpu.memory_space<hbm>> -> memref<128xi32, #tpu.memory_space<hbm>>
        %dma_start3A_29 = arith.constant 0 : i32
        %dma_start3A_30 = tpu.memref_slice %arg5[%add3A, %scan3A_20, %dma_start3A_29] : memref<32x80x128xi32, #tpu.memory_space<hbm>> -> memref<1x1x128xi32, #tpu.memory_space<hbm>>
        %dma_start3A_31 = tpu.memref_squeeze %dma_start3A_30 : memref<1x1x128xi32, #tpu.memory_space<hbm>> -> memref<128xi32, #tpu.memory_space<hbm>>
        tpu.enqueue_dma source(%dma_start3A_31 : memref<128xi32, #tpu.memory_space<hbm>>) target(%arg9 : memref<128xi32, #tpu.memory_space<vmem>>) target_semaphore(%run_scoped3A_25 : memref<!tpu.dma_semaphore, #tpu.memory_space<semaphore_mem>>)
        %dma_wait3A_32 = arith.constant 0 : i32
        %dma_wait3A_33 = tpu.memref_slice %arg5[%add3A, %scan3A_20, %dma_wait3A_32] : memref<32x80x128xi32, #tpu.memory_space<hbm>> -> memref<1x1x128xi32, #tpu.memory_space<hbm>>
        %dma_wait3A_34 = tpu.memref_squeeze %dma_wait3A_33 : memref<1x1x128xi32, #tpu.memory_space<hbm>> -> memref<128xi32, #tpu.memory_space<hbm>>
        %dma_wait3A_35 = arith.constant 0 : i32
        %dma_wait3A_36 = tpu.memref_slice %arg5[%add3A, %scan3A_20, %dma_wait3A_35] : memref<32x80x128xi32, #tpu.memory_space<hbm>> -> memref<1x1x128xi32, #tpu.memory_space<hbm>>
        %dma_wait3A_37 = tpu.memref_squeeze %dma_wait3A_36 : memref<1x1x128xi32, #tpu.memory_space<hbm>> -> memref<128xi32, #tpu.memory_space<hbm>>
        tpu.wait_dma2 semaphore(%run_scoped3A_25 : memref<!tpu.dma_semaphore, #tpu.memory_space<semaphore_mem>>) src(%dma_wait3A_37 : memref<128xi32, #tpu.memory_space<hbm>>) dst(%arg9 : memref<128xi32, #tpu.memory_space<vmem>>)
        tpu.yield
      }) : () -> ()
      %dma_start3A = arith.constant 0 : i32
      %dma_start3A_21 = arith.constant 0 : i32
      %dma_start3A_22 = tpu.memref_slice %arg3[%dma_start3A, %dma_start3A_21] : memref<10240x128xf32, #tpu.memory_space<hbm>> -> memref<10240x128xf32, #tpu.memory_space<hbm>>
      tpu.enqueue_indirect_dma source(%dma_start3A_22 : memref<10240x128xf32, #tpu.memory_space<hbm>>) target(%arg10 : memref<128x128xf32, #tpu.memory_space<vmem>>) offsets(%arg8 : memref<128xi32, #tpu.memory_space<vmem>>) semaphore(%arg12 : memref<!tpu.dma_semaphore, #tpu.memory_space<semaphore_mem>>)
      %dma_wait3A = arith.constant 0 : i32
      %dma_wait3A_23 = arith.constant 0 : i32
      %dma_wait3A_24 = tpu.memref_slice %arg3[%dma_wait3A, %dma_wait3A_23] : memref<10240x128xf32, #tpu.memory_space<hbm>> -> memref<10240x128xf32, #tpu.memory_space<hbm>>
      tpu.wait_indirect_dma semaphore(%arg12 : memref<!tpu.dma_semaphore, #tpu.memory_space<semaphore_mem>>) src(%dma_wait3A_24 : memref<10240x128xf32, #tpu.memory_space<hbm>>) dst(%arg10 : memref<128x128xf32, #tpu.memory_space<vmem>>)
      "tpu.region"() ({
        %run_scoped3A_25 = tpu.sem_alloc : memref<!tpu.dma_semaphore, #tpu.memory_space<semaphore_mem>>
        %dma_start3A_26 = arith.constant 0 : i32
        %dma_start3A_27 = arith.constant 0 : i32
        %dma_start3A_28 = tpu.memref_slice %arg11[%dma_start3A_26, %dma_start3A_27] : memref<10240x128xf32, #tpu.memory_space<vmem_shared>> -> memref<10240x128xf32, #tpu.memory_space<vmem_shared>>
        tpu.enqueue_indirect_dma source(%arg10 : memref<128x128xf32, #tpu.memory_space<vmem>>) target(%dma_start3A_28 : memref<10240x128xf32, #tpu.memory_space<vmem_shared>>) offsets(%arg9 : memref<128xi32, #tpu.memory_space<vmem>>) semaphore(%run_scoped3A_25 : memref<!tpu.dma_semaphore, #tpu.memory_space<semaphore_mem>>) {add = true}
        %dma_wait3A_29 = arith.constant 0 : i32
        %dma_wait3A_30 = arith.constant 0 : i32
        %dma_wait3A_31 = tpu.memref_slice %arg11[%dma_wait3A_29, %dma_wait3A_30] : memref<10240x128xf32, #tpu.memory_space<vmem_shared>> -> memref<10240x128xf32, #tpu.memory_space<vmem_shared>>
        tpu.wait_indirect_dma semaphore(%run_scoped3A_25 : memref<!tpu.dma_semaphore, #tpu.memory_space<semaphore_mem>>) src(%arg10 : memref<128x128xf32, #tpu.memory_space<vmem>>) dst(%dma_wait3A_31 : memref<10240x128xf32, #tpu.memory_space<vmem_shared>>)
        tpu.yield
      }) : () -> ()
    }
    %scan3A_16 = arith.constant 80 : i32
    %barrier3A_17 = arith.constant 0 : index
    tpu.barrier barrier_id(%barrier3A_17)
    %run_scoped3A_18 = arith.constant 1 : i32
    "tpu.region"() ({
      %run_scoped3A_20 = tpu.sem_alloc : memref<!tpu.dma_semaphore, #tpu.memory_space<semaphore_mem>>
      %dma_start3A = arith.constant 0 : i32
      %dma_start3A_21 = tpu.memref_slice %arg7[%arg0, %run_scoped3A_18, %mul3A_2, %dma_start3A] : memref<2x2x10240x128xf32, #tpu.memory_space<hbm>> -> memref<1x1x640x128xf32, #tpu.memory_space<hbm>>
      %dma_start3A_22 = tpu.memref_squeeze %dma_start3A_21 : memref<1x1x640x128xf32, #tpu.memory_space<hbm>> -> memref<640x128xf32, #tpu.memory_space<hbm>>
      %dma_start3A_23 = arith.constant 0 : i32
      %dma_start3A_24 = tpu.memref_slice %arg11[%mul3A_2, %dma_start3A_23] : memref<10240x128xf32, #tpu.memory_space<vmem_shared>> -> memref<640x128xf32, #tpu.memory_space<vmem_shared>>
      tpu.enqueue_dma source(%dma_start3A_24 : memref<640x128xf32, #tpu.memory_space<vmem_shared>>) target(%dma_start3A_22 : memref<640x128xf32, #tpu.memory_space<hbm>>) target_semaphore(%run_scoped3A_20 : memref<!tpu.dma_semaphore, #tpu.memory_space<semaphore_mem>>)
      %dma_wait3A = arith.constant 0 : i32
      %dma_wait3A_25 = tpu.memref_slice %arg7[%arg0, %run_scoped3A_18, %mul3A_2, %dma_wait3A] : memref<2x2x10240x128xf32, #tpu.memory_space<hbm>> -> memref<1x1x640x128xf32, #tpu.memory_space<hbm>>
      %dma_wait3A_26 = tpu.memref_squeeze %dma_wait3A_25 : memref<1x1x640x128xf32, #tpu.memory_space<hbm>> -> memref<640x128xf32, #tpu.memory_space<hbm>>
      %dma_wait3A_27 = arith.constant 0 : i32
      %dma_wait3A_28 = tpu.memref_slice %arg11[%mul3A_2, %dma_wait3A_27] : memref<10240x128xf32, #tpu.memory_space<vmem_shared>> -> memref<640x128xf32, #tpu.memory_space<vmem_shared>>
      tpu.wait_dma2 semaphore(%run_scoped3A_20 : memref<!tpu.dma_semaphore, #tpu.memory_space<semaphore_mem>>) src(%dma_wait3A_28 : memref<640x128xf32, #tpu.memory_space<vmem_shared>>) dst(%dma_wait3A_26 : memref<640x128xf32, #tpu.memory_space<hbm>>)
      tpu.yield
    }) : () -> ()
    %barrier3A_19 = arith.constant 0 : index
    tpu.barrier barrier_id(%barrier3A_19)
    return
  }
}

#map = affine_map<(d0, d1) -> (0, 0)>
#map1 = affine_map<(d0, d1) -> (0, 0, 0)>
#map2 = affine_map<(d0, d1) -> (0, 0, 0, 0)>
module attributes {stable_mosaic.version = 14 : i64} {
  func.func @k(%arg0: i32, %arg1: i32, %arg2: memref<10240x128xf32, #tpu.memory_space<hbm>>, %arg3: memref<10240x128xf32, #tpu.memory_space<hbm>>, %arg4: memref<32x80x128xi32, #tpu.memory_space<hbm>>, %arg5: memref<32x80x128xi32, #tpu.memory_space<hbm>>, %arg6: memref<640x128xf32, #tpu.memory_space<hbm>>, %arg7: memref<2x2x10240x128xf32, #tpu.memory_space<hbm>>, %arg8: memref<128xi32, #tpu.memory_space<vmem>>, %arg9: memref<128xi32, #tpu.memory_space<vmem>>, %arg10: memref<128x128xf32, #tpu.memory_space<vmem>>, %arg11: memref<10240x128xf32, #tpu.memory_space<vmem_shared>>, %arg12: memref<!tpu.dma_semaphore, #tpu.memory_space<semaphore_mem>>) attributes {dimension_semantics = [#tpu.dimension_semantics<core_parallel>, #tpu.dimension_semantics<subcore_parallel>], iteration_bounds = array<i64: 2, 16>, scalar_prefetch = 0 : i64, scratch_operands = 5 : i64, tpu.core_type = #tpu.core_type<sc_vector_subcore>, window_params = [{transform_indices = #map}, {transform_indices = #map}, {transform_indices = #map1}, {transform_indices = #map1}, {transform_indices = #map}, {transform_indices = #map2}]} {
    %mul3A = arith.constant 16 : i32
    %mul3A_0 = arith.muli %arg0, %mul3A : i32
    %add3A = arith.addi %mul3A_0, %arg1 : i32
    %mul3A_1 = arith.constant 640 : i32
    %mul3A_2 = arith.muli %arg1, %mul3A_1 : i32
    "tpu.region"() ({
      %run_scoped3A_20 = tpu.sem_alloc : memref<!tpu.dma_semaphore, #tpu.memory_space<semaphore_mem>>
      %dma_start3A = arith.constant 0 : i32
      %dma_start3A_21 = tpu.memref_slice %arg11[%mul3A_2, %dma_start3A] : memref<10240x128xf32, #tpu.memory_space<vmem_shared>> -> memref<640x128xf32, #tpu.memory_space<vmem_shared>>
      tpu.enqueue_dma source(%arg6 : memref<640x128xf32, #tpu.memory_space<hbm>>) target(%dma_start3A_21 : memref<640x128xf32, #tpu.memory_space<vmem_shared>>) target_semaphore(%run_scoped3A_20 : memref<!tpu.dma_semaphore, #tpu.memory_space<semaphore_mem>>)
      %dma_wait3A = arith.constant 0 : i32
      %dma_wait3A_22 = tpu.memref_slice %arg11[%mul3A_2, %dma_wait3A] : memref<10240x128xf32, #tpu.memory_space<vmem_shared>> -> memref<640x128xf32, #tpu.memory_space<vmem_shared>>
      tpu.wait_dma2 semaphore(%run_scoped3A_20 : memref<!tpu.dma_semaphore, #tpu.memory_space<semaphore_mem>>) src(%arg6 : memref<640x128xf32, #tpu.memory_space<hbm>>) dst(%dma_wait3A_22 : memref<640x128xf32, #tpu.memory_space<vmem_shared>>)
      tpu.yield
    }) : () -> ()
    %barrier3A = arith.constant 0 : index
    tpu.barrier barrier_id(%barrier3A)
    %scan3A = arith.constant 0 : i32
    %scan3A_3 = arith.constant 0 : i32
    %scan3A_4 = arith.constant 80 : i32
    %scan3A_5 = arith.addi %scan3A_3, %scan3A_4 : i32
    %scan3A_6 = arith.constant 1 : i32
    scf.for %scan3A_20 = %scan3A_3 to %scan3A_5 step %scan3A_6  : i32 {
      "tpu.region"() ({
        %run_scoped3A_25 = tpu.sem_alloc : memref<!tpu.dma_semaphore, #tpu.memory_space<semaphore_mem>>
        %dma_start3A_26 = arith.constant 0 : i32
        %dma_start3A_27 = tpu.memref_slice %arg4[%add3A, %scan3A_20, %dma_start3A_26] : memref<32x80x128xi32, #tpu.memory_space<hbm>> -> memref<1x1x128xi32, #tpu.memory_space<hbm>>
        %dma_start3A_28 = tpu.memref_squeeze %dma_start3A_27 : memref<1x1x128xi32, #tpu.memory_space<hbm>> -> memref<128xi32, #tpu.memory_space<hbm>>
        %dma_start3A_29 = arith.constant 0 : i32
        %dma_start3A_30 = tpu.memref_slice %arg4[%add3A, %scan3A_20, %dma_start3A_29] : memref<32x80x128xi32, #tpu.memory_space<hbm>> -> memref<1x1x128xi32, #tpu.memory_space<hbm>>
        %dma_start3A_31 = tpu.memref_squeeze %dma_start3A_30 : memref<1x1x128xi32, #tpu.memory_space<hbm>> -> memref<128xi32, #tpu.memory_space<hbm>>
        tpu.enqueue_dma source(%dma_start3A_31 : memref<128xi32, #tpu.memory_space<hbm>>) target(%arg8 : memref<128xi32, #tpu.memory_space<vmem>>) target_semaphore(%run_scoped3A_25 : memref<!tpu.dma_semaphore, #tpu.memory_space<semaphore_mem>>)
        %dma_wait3A_32 = arith.constant 0 : i32
        %dma_wait3A_33 = tpu.memref_slice %arg4[%add3A, %scan3A_20, %dma_wait3A_32] : memref<32x80x128xi32, #tpu.memory_space<hbm>> -> memref<1x1x128xi32, #tpu.memory_space<hbm>>
        %dma_wait3A_34 = tpu.memref_squeeze %dma_wait3A_33 : memref<1x1x128xi32, #tpu.memory_space<hbm>> -> memref<128xi32, #tpu.memory_space<hbm>>
        %dma_wait3A_35 = arith.constant 0 : i32
        %dma_wait3A_36 = tpu.memref_slice %arg4[%add3A, %scan3A_20, %dma_wait3A_35] : memref<32x80x128xi32, #tpu.memory_space<hbm>> -> memref<1x1x128xi32, #tpu.memory_space<hbm>>
        %dma_wait3A_37 = tpu.memref_squeeze %dma_wait3A_36 : memref<1x1x128xi32, #tpu.memory_space<hbm>> -> memref<128xi32, #tpu.memory_space<hbm>>
        tpu.wait_dma2 semaphore(%run_scoped3A_25 : memref<!tpu.dma_semaphore, #tpu.memory_space<semaphore_mem>>) src(%dma_wait3A_37 : memref<128xi32, #tpu.memory_space<hbm>>) dst(%arg8 : memref<128xi32, #tpu.memory_space<vmem>>)
        tpu.yield
      }) : () -> ()
      "tpu.region"() ({
        %run_scoped3A_25 = tpu.sem_alloc : memref<!tpu.dma_semaphore, #tpu.memory_space<semaphore_mem>>
        %dma_start3A_26 = arith.constant 0 : i32
        %dma_start3A_27 = tpu.memref_slice %arg5[%add3A, %scan3A_20, %dma_start3A_26] : memref<32x80x128xi32, #tpu.memory_space<hbm>> -> memref<1x1x128xi32, #tpu.memory_space<hbm>>
        %dma_start3A_28 = tpu.memref_squeeze %dma_start3A_27 : memref<1x1x128xi32, #tpu.memory_space<hbm>> -> memref<128xi32, #tpu.memory_space<hbm>>
        %dma_start3A_29 = arith.constant 0 : i32
        %dma_start3A_30 = tpu.memref_slice %arg5[%add3A, %scan3A_20, %dma_start3A_29] : memref<32x80x128xi32, #tpu.memory_space<hbm>> -> memref<1x1x128xi32, #tpu.memory_space<hbm>>
        %dma_start3A_31 = tpu.memref_squeeze %dma_start3A_30 : memref<1x1x128xi32, #tpu.memory_space<hbm>> -> memref<128xi32, #tpu.memory_space<hbm>>
        tpu.enqueue_dma source(%dma_start3A_31 : memref<128xi32, #tpu.memory_space<hbm>>) target(%arg9 : memref<128xi32, #tpu.memory_space<vmem>>) target_semaphore(%run_scoped3A_25 : memref<!tpu.dma_semaphore, #tpu.memory_space<semaphore_mem>>)
        %dma_wait3A_32 = arith.constant 0 : i32
        %dma_wait3A_33 = tpu.memref_slice %arg5[%add3A, %scan3A_20, %dma_wait3A_32] : memref<32x80x128xi32, #tpu.memory_space<hbm>> -> memref<1x1x128xi32, #tpu.memory_space<hbm>>
        %dma_wait3A_34 = tpu.memref_squeeze %dma_wait3A_33 : memref<1x1x128xi32, #tpu.memory_space<hbm>> -> memref<128xi32, #tpu.memory_space<hbm>>
        %dma_wait3A_35 = arith.constant 0 : i32
        %dma_wait3A_36 = tpu.memref_slice %arg5[%add3A, %scan3A_20, %dma_wait3A_35] : memref<32x80x128xi32, #tpu.memory_space<hbm>> -> memref<1x1x128xi32, #tpu.memory_space<hbm>>
        %dma_wait3A_37 = tpu.memref_squeeze %dma_wait3A_36 : memref<1x1x128xi32, #tpu.memory_space<hbm>> -> memref<128xi32, #tpu.memory_space<hbm>>
        tpu.wait_dma2 semaphore(%run_scoped3A_25 : memref<!tpu.dma_semaphore, #tpu.memory_space<semaphore_mem>>) src(%dma_wait3A_37 : memref<128xi32, #tpu.memory_space<hbm>>) dst(%arg9 : memref<128xi32, #tpu.memory_space<vmem>>)
        tpu.yield
      }) : () -> ()
      %dma_start3A = arith.constant 0 : i32
      %dma_start3A_21 = arith.constant 0 : i32
      %dma_start3A_22 = tpu.memref_slice %arg2[%dma_start3A, %dma_start3A_21] : memref<10240x128xf32, #tpu.memory_space<hbm>> -> memref<10240x128xf32, #tpu.memory_space<hbm>>
      tpu.enqueue_indirect_dma source(%dma_start3A_22 : memref<10240x128xf32, #tpu.memory_space<hbm>>) target(%arg10 : memref<128x128xf32, #tpu.memory_space<vmem>>) offsets(%arg8 : memref<128xi32, #tpu.memory_space<vmem>>) semaphore(%arg12 : memref<!tpu.dma_semaphore, #tpu.memory_space<semaphore_mem>>)
      %dma_wait3A = arith.constant 0 : i32
      %dma_wait3A_23 = arith.constant 0 : i32
      %dma_wait3A_24 = tpu.memref_slice %arg2[%dma_wait3A, %dma_wait3A_23] : memref<10240x128xf32, #tpu.memory_space<hbm>> -> memref<10240x128xf32, #tpu.memory_space<hbm>>
      tpu.wait_indirect_dma semaphore(%arg12 : memref<!tpu.dma_semaphore, #tpu.memory_space<semaphore_mem>>) src(%dma_wait3A_24 : memref<10240x128xf32, #tpu.memory_space<hbm>>) dst(%arg10 : memref<128x128xf32, #tpu.memory_space<vmem>>)
      "tpu.region"() ({
        %run_scoped3A_25 = tpu.sem_alloc : memref<!tpu.dma_semaphore, #tpu.memory_space<semaphore_mem>>
        %dma_start3A_26 = arith.constant 0 : i32
        %dma_start3A_27 = arith.constant 0 : i32
        %dma_start3A_28 = tpu.memref_slice %arg11[%dma_start3A_26, %dma_start3A_27] : memref<10240x128xf32, #tpu.memory_space<vmem_shared>> -> memref<10240x128xf32, #tpu.memory_space<vmem_shared>>
        tpu.enqueue_indirect_dma source(%arg10 : memref<128x128xf32, #tpu.memory_space<vmem>>) target(%dma_start3A_28 : memref<10240x128xf32, #tpu.memory_space<vmem_shared>>) offsets(%arg9 : memref<128xi32, #tpu.memory_space<vmem>>) semaphore(%run_scoped3A_25 : memref<!tpu.dma_semaphore, #tpu.memory_space<semaphore_mem>>) {add = true}
        %dma_wait3A_29 = arith.constant 0 : i32
        %dma_wait3A_30 = arith.constant 0 : i32
        %dma_wait3A_31 = tpu.memref_slice %arg11[%dma_wait3A_29, %dma_wait3A_30] : memref<10240x128xf32, #tpu.memory_space<vmem_shared>> -> memref<10240x128xf32, #tpu.memory_space<vmem_shared>>
        tpu.wait_indirect_dma semaphore(%run_scoped3A_25 : memref<!tpu.dma_semaphore, #tpu.memory_space<semaphore_mem>>) src(%arg10 : memref<128x128xf32, #tpu.memory_space<vmem>>) dst(%dma_wait3A_31 : memref<10240x128xf32, #tpu.memory_space<vmem_shared>>)
        tpu.yield
      }) : () -> ()
    }
    %scan3A_7 = arith.constant 80 : i32
    %barrier3A_8 = arith.constant 0 : index
    tpu.barrier barrier_id(%barrier3A_8)
    %run_scoped3A = arith.constant 0 : i32
    "tpu.region"() ({
      %run_scoped3A_20 = tpu.sem_alloc : memref<!tpu.dma_semaphore, #tpu.memory_space<semaphore_mem>>
      %dma_start3A = arith.constant 0 : i32
      %dma_start3A_21 = tpu.memref_slice %arg7[%arg0, %run_scoped3A, %mul3A_2, %dma_start3A] : memref<2x2x10240x128xf32, #tpu.memory_space<hbm>> -> memref<1x1x640x128xf32, #tpu.memory_space<hbm>>
      %dma_start3A_22 = tpu.memref_squeeze %dma_start3A_21 : memref<1x1x640x128xf32, #tpu.memory_space<hbm>> -> memref<640x128xf32, #tpu.memory_space<hbm>>
      %dma_start3A_23 = arith.constant 0 : i32
      %dma_start3A_24 = tpu.memref_slice %arg11[%mul3A_2, %dma_start3A_23] : memref<10240x128xf32, #tpu.memory_space<vmem_shared>> -> memref<640x128xf32, #tpu.memory_space<vmem_shared>>
      tpu.enqueue_dma source(%dma_start3A_24 : memref<640x128xf32, #tpu.memory_space<vmem_shared>>) target(%dma_start3A_22 : memref<640x128xf32, #tpu.memory_space<hbm>>) target_semaphore(%run_scoped3A_20 : memref<!tpu.dma_semaphore, #tpu.memory_space<semaphore_mem>>)
      %dma_wait3A = arith.constant 0 : i32
      %dma_wait3A_25 = tpu.memref_slice %arg7[%arg0, %run_scoped3A, %mul3A_2, %dma_wait3A] : memref<2x2x10240x128xf32, #tpu.memory_space<hbm>> -> memref<1x1x640x128xf32, #tpu.memory_space<hbm>>
      %dma_wait3A_26 = tpu.memref_squeeze %dma_wait3A_25 : memref<1x1x640x128xf32, #tpu.memory_space<hbm>> -> memref<640x128xf32, #tpu.memory_space<hbm>>
      %dma_wait3A_27 = arith.constant 0 : i32
      %dma_wait3A_28 = tpu.memref_slice %arg11[%mul3A_2, %dma_wait3A_27] : memref<10240x128xf32, #tpu.memory_space<vmem_shared>> -> memref<640x128xf32, #tpu.memory_space<vmem_shared>>
      tpu.wait_dma2 semaphore(%run_scoped3A_20 : memref<!tpu.dma_semaphore, #tpu.memory_space<semaphore_mem>>) src(%dma_wait3A_28 : memref<640x128xf32, #tpu.memory_space<vmem_shared>>) dst(%dma_wait3A_26 : memref<640x128xf32, #tpu.memory_space<hbm>>)
      tpu.yield
    }) : () -> ()
    %barrier3A_9 = arith.constant 0 : index
    tpu.barrier barrier_id(%barrier3A_9)
    "tpu.region"() ({
      %run_scoped3A_20 = tpu.sem_alloc : memref<!tpu.dma_semaphore, #tpu.memory_space<semaphore_mem>>
      %dma_start3A = arith.constant 0 : i32
      %dma_start3A_21 = tpu.memref_slice %arg11[%mul3A_2, %dma_start3A] : memref<10240x128xf32, #tpu.memory_space<vmem_shared>> -> memref<640x128xf32, #tpu.memory_space<vmem_shared>>
      tpu.enqueue_dma source(%arg6 : memref<640x128xf32, #tpu.memory_space<hbm>>) target(%dma_start3A_21 : memref<640x128xf32, #tpu.memory_space<vmem_shared>>) target_semaphore(%run_scoped3A_20 : memref<!tpu.dma_semaphore, #tpu.memory_space<semaphore_mem>>)
      %dma_wait3A = arith.constant 0 : i32
      %dma_wait3A_22 = tpu.memref_slice %arg11[%mul3A_2, %dma_wait3A] : memref<10240x128xf32, #tpu.memory_space<vmem_shared>> -> memref<640x128xf32, #tpu.memory_space<vmem_shared>>
      tpu.wait_dma2 semaphore(%run_scoped3A_20 : memref<!tpu.dma_semaphore, #tpu.memory_space<semaphore_mem>>) src(%arg6 : memref<640x128xf32, #tpu.memory_space<hbm>>) dst(%dma_wait3A_22 : memref<640x128xf32, #tpu.memory_space<vmem_shared>>)
      tpu.yield
    }) : () -> ()
    %barrier3A_10 = arith.constant 0 : index
    tpu.barrier barrier_id(%barrier3A_10)
    %scan3A_11 = arith.constant 0 : i32
    %scan3A_12 = arith.constant 0 : i32
    %scan3A_13 = arith.constant 80 : i32
    %scan3A_14 = arith.addi %scan3A_12, %scan3A_13 : i32
    %scan3A_15 = arith.constant 1 : i32
    scf.for %scan3A_20 = %scan3A_12 to %scan3A_14 step %scan3A_15  : i32 {
      "tpu.region"() ({
        %run_scoped3A_25 = tpu.sem_alloc : memref<!tpu.dma_semaphore, #tpu.memory_space<semaphore_mem>>
        %dma_start3A_26 = arith.constant 0 : i32
        %dma_start3A_27 = tpu.memref_slice %arg4[%add3A, %scan3A_20, %dma_start3A_26] : memref<32x80x128xi32, #tpu.memory_space<hbm>> -> memref<1x1x128xi32, #tpu.memory_space<hbm>>
        %dma_start3A_28 = tpu.memref_squeeze %dma_start3A_27 : memref<1x1x128xi32, #tpu.memory_space<hbm>> -> memref<128xi32, #tpu.memory_space<hbm>>
        %dma_start3A_29 = arith.constant 0 : i32
        %dma_start3A_30 = tpu.memref_slice %arg4[%add3A, %scan3A_20, %dma_start3A_29] : memref<32x80x128xi32, #tpu.memory_space<hbm>> -> memref<1x1x128xi32, #tpu.memory_space<hbm>>
        %dma_start3A_31 = tpu.memref_squeeze %dma_start3A_30 : memref<1x1x128xi32, #tpu.memory_space<hbm>> -> memref<128xi32, #tpu.memory_space<hbm>>
        tpu.enqueue_dma source(%dma_start3A_31 : memref<128xi32, #tpu.memory_space<hbm>>) target(%arg8 : memref<128xi32, #tpu.memory_space<vmem>>) target_semaphore(%run_scoped3A_25 : memref<!tpu.dma_semaphore, #tpu.memory_space<semaphore_mem>>)
        %dma_wait3A_32 = arith.constant 0 : i32
        %dma_wait3A_33 = tpu.memref_slice %arg4[%add3A, %scan3A_20, %dma_wait3A_32] : memref<32x80x128xi32, #tpu.memory_space<hbm>> -> memref<1x1x128xi32, #tpu.memory_space<hbm>>
        %dma_wait3A_34 = tpu.memref_squeeze %dma_wait3A_33 : memref<1x1x128xi32, #tpu.memory_space<hbm>> -> memref<128xi32, #tpu.memory_space<hbm>>
        %dma_wait3A_35 = arith.constant 0 : i32
        %dma_wait3A_36 = tpu.memref_slice %arg4[%add3A, %scan3A_20, %dma_wait3A_35] : memref<32x80x128xi32, #tpu.memory_space<hbm>> -> memref<1x1x128xi32, #tpu.memory_space<hbm>>
        %dma_wait3A_37 = tpu.memref_squeeze %dma_wait3A_36 : memref<1x1x128xi32, #tpu.memory_space<hbm>> -> memref<128xi32, #tpu.memory_space<hbm>>
        tpu.wait_dma2 semaphore(%run_scoped3A_25 : memref<!tpu.dma_semaphore, #tpu.memory_space<semaphore_mem>>) src(%dma_wait3A_37 : memref<128xi32, #tpu.memory_space<hbm>>) dst(%arg8 : memref<128xi32, #tpu.memory_space<vmem>>)
        tpu.yield
      }) : () -> ()
      "tpu.region"() ({
        %run_scoped3A_25 = tpu.sem_alloc : memref<!tpu.dma_semaphore, #tpu.memory_space<semaphore_mem>>
        %dma_start3A_26 = arith.constant 0 : i32
        %dma_start3A_27 = tpu.memref_slice %arg5[%add3A, %scan3A_20, %dma_start3A_26] : memref<32x80x128xi32, #tpu.memory_space<hbm>> -> memref<1x1x128xi32, #tpu.memory_space<hbm>>
        %dma_start3A_28 = tpu.memref_squeeze %dma_start3A_27 : memref<1x1x128xi32, #tpu.memory_space<hbm>> -> memref<128xi32, #tpu.memory_space<hbm>>
        %dma_start3A_29 = arith.constant 0 : i32
        %dma_start3A_30 = tpu.memref_slice %arg5[%add3A, %scan3A_20, %dma_start3A_29] : memref<32x80x128xi32, #tpu.memory_space<hbm>> -> memref<1x1x128xi32, #tpu.memory_space<hbm>>
        %dma_start3A_31 = tpu.memref_squeeze %dma_start3A_30 : memref<1x1x128xi32, #tpu.memory_space<hbm>> -> memref<128xi32, #tpu.memory_space<hbm>>
        tpu.enqueue_dma source(%dma_start3A_31 : memref<128xi32, #tpu.memory_space<hbm>>) target(%arg9 : memref<128xi32, #tpu.memory_space<vmem>>) target_semaphore(%run_scoped3A_25 : memref<!tpu.dma_semaphore, #tpu.memory_space<semaphore_mem>>)
        %dma_wait3A_32 = arith.constant 0 : i32
        %dma_wait3A_33 = tpu.memref_slice %arg5[%add3A, %scan3A_20, %dma_wait3A_32] : memref<32x80x128xi32, #tpu.memory_space<hbm>> -> memref<1x1x128xi32, #tpu.memory_space<hbm>>
        %dma_wait3A_34 = tpu.memref_squeeze %dma_wait3A_33 : memref<1x1x128xi32, #tpu.memory_space<hbm>> -> memref<128xi32, #tpu.memory_space<hbm>>
        %dma_wait3A_35 = arith.constant 0 : i32
        %dma_wait3A_36 = tpu.memref_slice %arg5[%add3A, %scan3A_20, %dma_wait3A_35] : memref<32x80x128xi32, #tpu.memory_space<hbm>> -> memref<1x1x128xi32, #tpu.memory_space<hbm>>
        %dma_wait3A_37 = tpu.memref_squeeze %dma_wait3A_36 : memref<1x1x128xi32, #tpu.memory_space<hbm>> -> memref<128xi32, #tpu.memory_space<hbm>>
        tpu.wait_dma2 semaphore(%run_scoped3A_25 : memref<!tpu.dma_semaphore, #tpu.memory_space<semaphore_mem>>) src(%dma_wait3A_37 : memref<128xi32, #tpu.memory_space<hbm>>) dst(%arg9 : memref<128xi32, #tpu.memory_space<vmem>>)
        tpu.yield
      }) : () -> ()
      %dma_start3A = arith.constant 0 : i32
      %dma_start3A_21 = arith.constant 0 : i32
      %dma_start3A_22 = tpu.memref_slice %arg3[%dma_start3A, %dma_start3A_21] : memref<10240x128xf32, #tpu.memory_space<hbm>> -> memref<10240x128xf32, #tpu.memory_space<hbm>>
      tpu.enqueue_indirect_dma source(%dma_start3A_22 : memref<10240x128xf32, #tpu.memory_space<hbm>>) target(%arg10 : memref<128x128xf32, #tpu.memory_space<vmem>>) offsets(%arg8 : memref<128xi32, #tpu.memory_space<vmem>>) semaphore(%arg12 : memref<!tpu.dma_semaphore, #tpu.memory_space<semaphore_mem>>)
      %dma_wait3A = arith.constant 0 : i32
      %dma_wait3A_23 = arith.constant 0 : i32
      %dma_wait3A_24 = tpu.memref_slice %arg3[%dma_wait3A, %dma_wait3A_23] : memref<10240x128xf32, #tpu.memory_space<hbm>> -> memref<10240x128xf32, #tpu.memory_space<hbm>>
      tpu.wait_indirect_dma semaphore(%arg12 : memref<!tpu.dma_semaphore, #tpu.memory_space<semaphore_mem>>) src(%dma_wait3A_24 : memref<10240x128xf32, #tpu.memory_space<hbm>>) dst(%arg10 : memref<128x128xf32, #tpu.memory_space<vmem>>)
      "tpu.region"() ({
        %run_scoped3A_25 = tpu.sem_alloc : memref<!tpu.dma_semaphore, #tpu.memory_space<semaphore_mem>>
        %dma_start3A_26 = arith.constant 0 : i32
        %dma_start3A_27 = arith.constant 0 : i32
        %dma_start3A_28 = tpu.memref_slice %arg11[%dma_start3A_26, %dma_start3A_27] : memref<10240x128xf32, #tpu.memory_space<vmem_shared>> -> memref<10240x128xf32, #tpu.memory_space<vmem_shared>>
        tpu.enqueue_indirect_dma source(%arg10 : memref<128x128xf32, #tpu.memory_space<vmem>>) target(%dma_start3A_28 : memref<10240x128xf32, #tpu.memory_space<vmem_shared>>) offsets(%arg9 : memref<128xi32, #tpu.memory_space<vmem>>) semaphore(%run_scoped3A_25 : memref<!tpu.dma_semaphore, #tpu.memory_space<semaphore_mem>>) {add = true}
        %dma_wait3A_29 = arith.constant 0 : i32
        %dma_wait3A_30 = arith.constant 0 : i32
        %dma_wait3A_31 = tpu.memref_slice %arg11[%dma_wait3A_29, %dma_wait3A_30] : memref<10240x128xf32, #tpu.memory_space<vmem_shared>> -> memref<10240x128xf32, #tpu.memory_space<vmem_shared>>
        tpu.wait_indirect_dma semaphore(%run_scoped3A_25 : memref<!tpu.dma_semaphore, #tpu.memory_space<semaphore_mem>>) src(%arg10 : memref<128x128xf32, #tpu.memory_space<vmem>>) dst(%dma_wait3A_31 : memref<10240x128xf32, #tpu.memory_space<vmem_shared>>)
        tpu.yield
      }) : () -> ()
    }
    %scan3A_16 = arith.constant 80 : i32
    %barrier3A_17 = arith.constant 0 : index
    tpu.barrier barrier_id(%barrier3A_17)
    %run_scoped3A_18 = arith.constant 1 : i32
    "tpu.region"() ({
      %run_scoped3A_20 = tpu.sem_alloc : memref<!tpu.dma_semaphore, #tpu.memory_space<semaphore_mem>>
      %dma_start3A = arith.constant 0 : i32
      %dma_start3A_21 = tpu.memref_slice %arg7[%arg0, %run_scoped3A_18, %mul3A_2, %dma_start3A] : memref<2x2x10240x128xf32, #tpu.memory_space<hbm>> -> memref<1x1x640x128xf32, #tpu.memory_space<hbm>>
      %dma_start3A_22 = tpu.memref_squeeze %dma_start3A_21 : memref<1x1x640x128xf32, #tpu.memory_space<hbm>> -> memref<640x128xf32, #tpu.memory_space<hbm>>
      %dma_start3A_23 = arith.constant 0 : i32
      %dma_start3A_24 = tpu.memref_slice %arg11[%mul3A_2, %dma_start3A_23] : memref<10240x128xf32, #tpu.memory_space<vmem_shared>> -> memref<640x128xf32, #tpu.memory_space<vmem_shared>>
      tpu.enqueue_dma source(%dma_start3A_24 : memref<640x128xf32, #tpu.memory_space<vmem_shared>>) target(%dma_start3A_22 : memref<640x128xf32, #tpu.memory_space<hbm>>) target_semaphore(%run_scoped3A_20 : memref<!tpu.dma_semaphore, #tpu.memory_space<semaphore_mem>>)
      %dma_wait3A = arith.constant 0 : i32
      %dma_wait3A_25 = tpu.memref_slice %arg7[%arg0, %run_scoped3A_18, %mul3A_2, %dma_wait3A] : memref<2x2x10240x128xf32, #tpu.memory_space<hbm>> -> memref<1x1x640x128xf32, #tpu.memory_space<hbm>>
      %dma_wait3A_26 = tpu.memref_squeeze %dma_wait3A_25 : memref<1x1x640x128xf32, #tpu.memory_space<hbm>> -> memref<640x128xf32, #tpu.memory_space<hbm>>
      %dma_wait3A_27 = arith.constant 0 : i32
      %dma_wait3A_28 = tpu.memref_slice %arg11[%mul3A_2, %dma_wait3A_27] : memref<10240x128xf32, #tpu.memory_space<vmem_shared>> -> memref<640x128xf32, #tpu.memory_space<vmem_shared>>
      tpu.wait_dma2 semaphore(%run_scoped3A_20 : memref<!tpu.dma_semaphore, #tpu.memory_space<semaphore_mem>>) src(%dma_wait3A_28 : memref<640x128xf32, #tpu.memory_space<vmem_shared>>) dst(%dma_wait3A_26 : memref<640x128xf32, #tpu.memory_space<hbm>>)
      tpu.yield
    }) : () -> ()
    %barrier3A_19 = arith.constant 0 : index
    tpu.barrier barrier_id(%barrier3A_19)
    return
  }
}

#map = affine_map<(d0, d1) -> (0, 0)>
#map1 = affine_map<(d0, d1) -> (0, 0, 0)>
#map2 = affine_map<(d0, d1) -> (0, 0, 0, 0)>
module attributes {stable_mosaic.version = 14 : i64} {
  func.func @k(%arg0: i32, %arg1: i32, %arg2: memref<10240x128xf32, #tpu.memory_space<hbm>>, %arg3: memref<10240x128xf32, #tpu.memory_space<hbm>>, %arg4: memref<10240x128xf32, #tpu.memory_space<hbm>>, %arg5: memref<10240x128xf32, #tpu.memory_space<hbm>>, %arg6: memref<32x80x128xi32, #tpu.memory_space<hbm>>, %arg7: memref<32x80x128xi32, #tpu.memory_space<hbm>>, %arg8: memref<640x128xf32, #tpu.memory_space<hbm>>, %arg9: memref<2x4x10240x128xf32, #tpu.memory_space<hbm>>, %arg10: memref<128xi32, #tpu.memory_space<vmem>>, %arg11: memref<128xi32, #tpu.memory_space<vmem>>, %arg12: memref<128x128xf32, #tpu.memory_space<vmem>>, %arg13: memref<10240x128xf32, #tpu.memory_space<vmem_shared>>, %arg14: memref<!tpu.dma_semaphore, #tpu.memory_space<semaphore_mem>>) attributes {dimension_semantics = [#tpu.dimension_semantics<core_parallel>, #tpu.dimension_semantics<subcore_parallel>], iteration_bounds = array<i64: 2, 16>, scalar_prefetch = 0 : i64, scratch_operands = 5 : i64, tpu.core_type = #tpu.core_type<sc_vector_subcore>, window_params = [{transform_indices = #map}, {transform_indices = #map}, {transform_indices = #map}, {transform_indices = #map}, {transform_indices = #map1}, {transform_indices = #map1}, {transform_indices = #map}, {transform_indices = #map2}]} {
    %mul3A = arith.constant 16 : i32
    %mul3A_0 = arith.muli %arg0, %mul3A : i32
    %add3A = arith.addi %mul3A_0, %arg1 : i32
    %mul3A_1 = arith.constant 640 : i32
    %mul3A_2 = arith.muli %arg1, %mul3A_1 : i32
    "tpu.region"() ({
      %run_scoped3A_40 = tpu.sem_alloc : memref<!tpu.dma_semaphore, #tpu.memory_space<semaphore_mem>>
      %dma_start3A = arith.constant 0 : i32
      %dma_start3A_41 = tpu.memref_slice %arg13[%mul3A_2, %dma_start3A] : memref<10240x128xf32, #tpu.memory_space<vmem_shared>> -> memref<640x128xf32, #tpu.memory_space<vmem_shared>>
      tpu.enqueue_dma source(%arg8 : memref<640x128xf32, #tpu.memory_space<hbm>>) target(%dma_start3A_41 : memref<640x128xf32, #tpu.memory_space<vmem_shared>>) target_semaphore(%run_scoped3A_40 : memref<!tpu.dma_semaphore, #tpu.memory_space<semaphore_mem>>)
      %dma_wait3A = arith.constant 0 : i32
      %dma_wait3A_42 = tpu.memref_slice %arg13[%mul3A_2, %dma_wait3A] : memref<10240x128xf32, #tpu.memory_space<vmem_shared>> -> memref<640x128xf32, #tpu.memory_space<vmem_shared>>
      tpu.wait_dma2 semaphore(%run_scoped3A_40 : memref<!tpu.dma_semaphore, #tpu.memory_space<semaphore_mem>>) src(%arg8 : memref<640x128xf32, #tpu.memory_space<hbm>>) dst(%dma_wait3A_42 : memref<640x128xf32, #tpu.memory_space<vmem_shared>>)
      tpu.yield
    }) : () -> ()
    %barrier3A = arith.constant 0 : index
    tpu.barrier barrier_id(%barrier3A)
    %scan3A = arith.constant 0 : i32
    %scan3A_3 = arith.constant 0 : i32
    %scan3A_4 = arith.constant 80 : i32
    %scan3A_5 = arith.addi %scan3A_3, %scan3A_4 : i32
    %scan3A_6 = arith.constant 1 : i32
    scf.for %scan3A_40 = %scan3A_3 to %scan3A_5 step %scan3A_6  : i32 {
      "tpu.region"() ({
        %run_scoped3A_45 = tpu.sem_alloc : memref<!tpu.dma_semaphore, #tpu.memory_space<semaphore_mem>>
        %dma_start3A_46 = arith.constant 0 : i32
        %dma_start3A_47 = tpu.memref_slice %arg6[%add3A, %scan3A_40, %dma_start3A_46] : memref<32x80x128xi32, #tpu.memory_space<hbm>> -> memref<1x1x128xi32, #tpu.memory_space<hbm>>
        %dma_start3A_48 = tpu.memref_squeeze %dma_start3A_47 : memref<1x1x128xi32, #tpu.memory_space<hbm>> -> memref<128xi32, #tpu.memory_space<hbm>>
        %dma_start3A_49 = arith.constant 0 : i32
        %dma_start3A_50 = tpu.memref_slice %arg6[%add3A, %scan3A_40, %dma_start3A_49] : memref<32x80x128xi32, #tpu.memory_space<hbm>> -> memref<1x1x128xi32, #tpu.memory_space<hbm>>
        %dma_start3A_51 = tpu.memref_squeeze %dma_start3A_50 : memref<1x1x128xi32, #tpu.memory_space<hbm>> -> memref<128xi32, #tpu.memory_space<hbm>>
        tpu.enqueue_dma source(%dma_start3A_51 : memref<128xi32, #tpu.memory_space<hbm>>) target(%arg10 : memref<128xi32, #tpu.memory_space<vmem>>) target_semaphore(%run_scoped3A_45 : memref<!tpu.dma_semaphore, #tpu.memory_space<semaphore_mem>>)
        %dma_wait3A_52 = arith.constant 0 : i32
        %dma_wait3A_53 = tpu.memref_slice %arg6[%add3A, %scan3A_40, %dma_wait3A_52] : memref<32x80x128xi32, #tpu.memory_space<hbm>> -> memref<1x1x128xi32, #tpu.memory_space<hbm>>
        %dma_wait3A_54 = tpu.memref_squeeze %dma_wait3A_53 : memref<1x1x128xi32, #tpu.memory_space<hbm>> -> memref<128xi32, #tpu.memory_space<hbm>>
        %dma_wait3A_55 = arith.constant 0 : i32
        %dma_wait3A_56 = tpu.memref_slice %arg6[%add3A, %scan3A_40, %dma_wait3A_55] : memref<32x80x128xi32, #tpu.memory_space<hbm>> -> memref<1x1x128xi32, #tpu.memory_space<hbm>>
        %dma_wait3A_57 = tpu.memref_squeeze %dma_wait3A_56 : memref<1x1x128xi32, #tpu.memory_space<hbm>> -> memref<128xi32, #tpu.memory_space<hbm>>
        tpu.wait_dma2 semaphore(%run_scoped3A_45 : memref<!tpu.dma_semaphore, #tpu.memory_space<semaphore_mem>>) src(%dma_wait3A_57 : memref<128xi32, #tpu.memory_space<hbm>>) dst(%arg10 : memref<128xi32, #tpu.memory_space<vmem>>)
        tpu.yield
      }) : () -> ()
      "tpu.region"() ({
        %run_scoped3A_45 = tpu.sem_alloc : memref<!tpu.dma_semaphore, #tpu.memory_space<semaphore_mem>>
        %dma_start3A_46 = arith.constant 0 : i32
        %dma_start3A_47 = tpu.memref_slice %arg7[%add3A, %scan3A_40, %dma_start3A_46] : memref<32x80x128xi32, #tpu.memory_space<hbm>> -> memref<1x1x128xi32, #tpu.memory_space<hbm>>
        %dma_start3A_48 = tpu.memref_squeeze %dma_start3A_47 : memref<1x1x128xi32, #tpu.memory_space<hbm>> -> memref<128xi32, #tpu.memory_space<hbm>>
        %dma_start3A_49 = arith.constant 0 : i32
        %dma_start3A_50 = tpu.memref_slice %arg7[%add3A, %scan3A_40, %dma_start3A_49] : memref<32x80x128xi32, #tpu.memory_space<hbm>> -> memref<1x1x128xi32, #tpu.memory_space<hbm>>
        %dma_start3A_51 = tpu.memref_squeeze %dma_start3A_50 : memref<1x1x128xi32, #tpu.memory_space<hbm>> -> memref<128xi32, #tpu.memory_space<hbm>>
        tpu.enqueue_dma source(%dma_start3A_51 : memref<128xi32, #tpu.memory_space<hbm>>) target(%arg11 : memref<128xi32, #tpu.memory_space<vmem>>) target_semaphore(%run_scoped3A_45 : memref<!tpu.dma_semaphore, #tpu.memory_space<semaphore_mem>>)
        %dma_wait3A_52 = arith.constant 0 : i32
        %dma_wait3A_53 = tpu.memref_slice %arg7[%add3A, %scan3A_40, %dma_wait3A_52] : memref<32x80x128xi32, #tpu.memory_space<hbm>> -> memref<1x1x128xi32, #tpu.memory_space<hbm>>
        %dma_wait3A_54 = tpu.memref_squeeze %dma_wait3A_53 : memref<1x1x128xi32, #tpu.memory_space<hbm>> -> memref<128xi32, #tpu.memory_space<hbm>>
        %dma_wait3A_55 = arith.constant 0 : i32
        %dma_wait3A_56 = tpu.memref_slice %arg7[%add3A, %scan3A_40, %dma_wait3A_55] : memref<32x80x128xi32, #tpu.memory_space<hbm>> -> memref<1x1x128xi32, #tpu.memory_space<hbm>>
        %dma_wait3A_57 = tpu.memref_squeeze %dma_wait3A_56 : memref<1x1x128xi32, #tpu.memory_space<hbm>> -> memref<128xi32, #tpu.memory_space<hbm>>
        tpu.wait_dma2 semaphore(%run_scoped3A_45 : memref<!tpu.dma_semaphore, #tpu.memory_space<semaphore_mem>>) src(%dma_wait3A_57 : memref<128xi32, #tpu.memory_space<hbm>>) dst(%arg11 : memref<128xi32, #tpu.memory_space<vmem>>)
        tpu.yield
      }) : () -> ()
      %dma_start3A = arith.constant 0 : i32
      %dma_start3A_41 = arith.constant 0 : i32
      %dma_start3A_42 = tpu.memref_slice %arg2[%dma_start3A, %dma_start3A_41] : memref<10240x128xf32, #tpu.memory_space<hbm>> -> memref<10240x128xf32, #tpu.memory_space<hbm>>
      tpu.enqueue_indirect_dma source(%dma_start3A_42 : memref<10240x128xf32, #tpu.memory_space<hbm>>) target(%arg12 : memref<128x128xf32, #tpu.memory_space<vmem>>) offsets(%arg10 : memref<128xi32, #tpu.memory_space<vmem>>) semaphore(%arg14 : memref<!tpu.dma_semaphore, #tpu.memory_space<semaphore_mem>>)
      %dma_wait3A = arith.constant 0 : i32
      %dma_wait3A_43 = arith.constant 0 : i32
      %dma_wait3A_44 = tpu.memref_slice %arg2[%dma_wait3A, %dma_wait3A_43] : memref<10240x128xf32, #tpu.memory_space<hbm>> -> memref<10240x128xf32, #tpu.memory_space<hbm>>
      tpu.wait_indirect_dma semaphore(%arg14 : memref<!tpu.dma_semaphore, #tpu.memory_space<semaphore_mem>>) src(%dma_wait3A_44 : memref<10240x128xf32, #tpu.memory_space<hbm>>) dst(%arg12 : memref<128x128xf32, #tpu.memory_space<vmem>>)
      "tpu.region"() ({
        %run_scoped3A_45 = tpu.sem_alloc : memref<!tpu.dma_semaphore, #tpu.memory_space<semaphore_mem>>
        %dma_start3A_46 = arith.constant 0 : i32
        %dma_start3A_47 = arith.constant 0 : i32
        %dma_start3A_48 = tpu.memref_slice %arg13[%dma_start3A_46, %dma_start3A_47] : memref<10240x128xf32, #tpu.memory_space<vmem_shared>> -> memref<10240x128xf32, #tpu.memory_space<vmem_shared>>
        tpu.enqueue_indirect_dma source(%arg12 : memref<128x128xf32, #tpu.memory_space<vmem>>) target(%dma_start3A_48 : memref<10240x128xf32, #tpu.memory_space<vmem_shared>>) offsets(%arg11 : memref<128xi32, #tpu.memory_space<vmem>>) semaphore(%run_scoped3A_45 : memref<!tpu.dma_semaphore, #tpu.memory_space<semaphore_mem>>) {add = true}
        %dma_wait3A_49 = arith.constant 0 : i32
        %dma_wait3A_50 = arith.constant 0 : i32
        %dma_wait3A_51 = tpu.memref_slice %arg13[%dma_wait3A_49, %dma_wait3A_50] : memref<10240x128xf32, #tpu.memory_space<vmem_shared>> -> memref<10240x128xf32, #tpu.memory_space<vmem_shared>>
        tpu.wait_indirect_dma semaphore(%run_scoped3A_45 : memref<!tpu.dma_semaphore, #tpu.memory_space<semaphore_mem>>) src(%arg12 : memref<128x128xf32, #tpu.memory_space<vmem>>) dst(%dma_wait3A_51 : memref<10240x128xf32, #tpu.memory_space<vmem_shared>>)
        tpu.yield
      }) : () -> ()
    }
    %scan3A_7 = arith.constant 80 : i32
    %barrier3A_8 = arith.constant 0 : index
    tpu.barrier barrier_id(%barrier3A_8)
    %run_scoped3A = arith.constant 0 : i32
    "tpu.region"() ({
      %run_scoped3A_40 = tpu.sem_alloc : memref<!tpu.dma_semaphore, #tpu.memory_space<semaphore_mem>>
      %dma_start3A = arith.constant 0 : i32
      %dma_start3A_41 = tpu.memref_slice %arg9[%arg0, %run_scoped3A, %mul3A_2, %dma_start3A] : memref<2x4x10240x128xf32, #tpu.memory_space<hbm>> -> memref<1x1x640x128xf32, #tpu.memory_space<hbm>>
      %dma_start3A_42 = tpu.memref_squeeze %dma_start3A_41 : memref<1x1x640x128xf32, #tpu.memory_space<hbm>> -> memref<640x128xf32, #tpu.memory_space<hbm>>
      %dma_start3A_43 = arith.constant 0 : i32
      %dma_start3A_44 = tpu.memref_slice %arg13[%mul3A_2, %dma_start3A_43] : memref<10240x128xf32, #tpu.memory_space<vmem_shared>> -> memref<640x128xf32, #tpu.memory_space<vmem_shared>>
      tpu.enqueue_dma source(%dma_start3A_44 : memref<640x128xf32, #tpu.memory_space<vmem_shared>>) target(%dma_start3A_42 : memref<640x128xf32, #tpu.memory_space<hbm>>) target_semaphore(%run_scoped3A_40 : memref<!tpu.dma_semaphore, #tpu.memory_space<semaphore_mem>>)
      %dma_wait3A = arith.constant 0 : i32
      %dma_wait3A_45 = tpu.memref_slice %arg9[%arg0, %run_scoped3A, %mul3A_2, %dma_wait3A] : memref<2x4x10240x128xf32, #tpu.memory_space<hbm>> -> memref<1x1x640x128xf32, #tpu.memory_space<hbm>>
      %dma_wait3A_46 = tpu.memref_squeeze %dma_wait3A_45 : memref<1x1x640x128xf32, #tpu.memory_space<hbm>> -> memref<640x128xf32, #tpu.memory_space<hbm>>
      %dma_wait3A_47 = arith.constant 0 : i32
      %dma_wait3A_48 = tpu.memref_slice %arg13[%mul3A_2, %dma_wait3A_47] : memref<10240x128xf32, #tpu.memory_space<vmem_shared>> -> memref<640x128xf32, #tpu.memory_space<vmem_shared>>
      tpu.wait_dma2 semaphore(%run_scoped3A_40 : memref<!tpu.dma_semaphore, #tpu.memory_space<semaphore_mem>>) src(%dma_wait3A_48 : memref<640x128xf32, #tpu.memory_space<vmem_shared>>) dst(%dma_wait3A_46 : memref<640x128xf32, #tpu.memory_space<hbm>>)
      tpu.yield
    }) : () -> ()
    %barrier3A_9 = arith.constant 0 : index
    tpu.barrier barrier_id(%barrier3A_9)
    "tpu.region"() ({
      %run_scoped3A_40 = tpu.sem_alloc : memref<!tpu.dma_semaphore, #tpu.memory_space<semaphore_mem>>
      %dma_start3A = arith.constant 0 : i32
      %dma_start3A_41 = tpu.memref_slice %arg13[%mul3A_2, %dma_start3A] : memref<10240x128xf32, #tpu.memory_space<vmem_shared>> -> memref<640x128xf32, #tpu.memory_space<vmem_shared>>
      tpu.enqueue_dma source(%arg8 : memref<640x128xf32, #tpu.memory_space<hbm>>) target(%dma_start3A_41 : memref<640x128xf32, #tpu.memory_space<vmem_shared>>) target_semaphore(%run_scoped3A_40 : memref<!tpu.dma_semaphore, #tpu.memory_space<semaphore_mem>>)
      %dma_wait3A = arith.constant 0 : i32
      %dma_wait3A_42 = tpu.memref_slice %arg13[%mul3A_2, %dma_wait3A] : memref<10240x128xf32, #tpu.memory_space<vmem_shared>> -> memref<640x128xf32, #tpu.memory_space<vmem_shared>>
      tpu.wait_dma2 semaphore(%run_scoped3A_40 : memref<!tpu.dma_semaphore, #tpu.memory_space<semaphore_mem>>) src(%arg8 : memref<640x128xf32, #tpu.memory_space<hbm>>) dst(%dma_wait3A_42 : memref<640x128xf32, #tpu.memory_space<vmem_shared>>)
      tpu.yield
    }) : () -> ()
    %barrier3A_10 = arith.constant 0 : index
    tpu.barrier barrier_id(%barrier3A_10)
    %scan3A_11 = arith.constant 0 : i32
    %scan3A_12 = arith.constant 0 : i32
    %scan3A_13 = arith.constant 80 : i32
    %scan3A_14 = arith.addi %scan3A_12, %scan3A_13 : i32
    %scan3A_15 = arith.constant 1 : i32
    scf.for %scan3A_40 = %scan3A_12 to %scan3A_14 step %scan3A_15  : i32 {
      "tpu.region"() ({
        %run_scoped3A_45 = tpu.sem_alloc : memref<!tpu.dma_semaphore, #tpu.memory_space<semaphore_mem>>
        %dma_start3A_46 = arith.constant 0 : i32
        %dma_start3A_47 = tpu.memref_slice %arg6[%add3A, %scan3A_40, %dma_start3A_46] : memref<32x80x128xi32, #tpu.memory_space<hbm>> -> memref<1x1x128xi32, #tpu.memory_space<hbm>>
        %dma_start3A_48 = tpu.memref_squeeze %dma_start3A_47 : memref<1x1x128xi32, #tpu.memory_space<hbm>> -> memref<128xi32, #tpu.memory_space<hbm>>
        %dma_start3A_49 = arith.constant 0 : i32
        %dma_start3A_50 = tpu.memref_slice %arg6[%add3A, %scan3A_40, %dma_start3A_49] : memref<32x80x128xi32, #tpu.memory_space<hbm>> -> memref<1x1x128xi32, #tpu.memory_space<hbm>>
        %dma_start3A_51 = tpu.memref_squeeze %dma_start3A_50 : memref<1x1x128xi32, #tpu.memory_space<hbm>> -> memref<128xi32, #tpu.memory_space<hbm>>
        tpu.enqueue_dma source(%dma_start3A_51 : memref<128xi32, #tpu.memory_space<hbm>>) target(%arg10 : memref<128xi32, #tpu.memory_space<vmem>>) target_semaphore(%run_scoped3A_45 : memref<!tpu.dma_semaphore, #tpu.memory_space<semaphore_mem>>)
        %dma_wait3A_52 = arith.constant 0 : i32
        %dma_wait3A_53 = tpu.memref_slice %arg6[%add3A, %scan3A_40, %dma_wait3A_52] : memref<32x80x128xi32, #tpu.memory_space<hbm>> -> memref<1x1x128xi32, #tpu.memory_space<hbm>>
        %dma_wait3A_54 = tpu.memref_squeeze %dma_wait3A_53 : memref<1x1x128xi32, #tpu.memory_space<hbm>> -> memref<128xi32, #tpu.memory_space<hbm>>
        %dma_wait3A_55 = arith.constant 0 : i32
        %dma_wait3A_56 = tpu.memref_slice %arg6[%add3A, %scan3A_40, %dma_wait3A_55] : memref<32x80x128xi32, #tpu.memory_space<hbm>> -> memref<1x1x128xi32, #tpu.memory_space<hbm>>
        %dma_wait3A_57 = tpu.memref_squeeze %dma_wait3A_56 : memref<1x1x128xi32, #tpu.memory_space<hbm>> -> memref<128xi32, #tpu.memory_space<hbm>>
        tpu.wait_dma2 semaphore(%run_scoped3A_45 : memref<!tpu.dma_semaphore, #tpu.memory_space<semaphore_mem>>) src(%dma_wait3A_57 : memref<128xi32, #tpu.memory_space<hbm>>) dst(%arg10 : memref<128xi32, #tpu.memory_space<vmem>>)
        tpu.yield
      }) : () -> ()
      "tpu.region"() ({
        %run_scoped3A_45 = tpu.sem_alloc : memref<!tpu.dma_semaphore, #tpu.memory_space<semaphore_mem>>
        %dma_start3A_46 = arith.constant 0 : i32
        %dma_start3A_47 = tpu.memref_slice %arg7[%add3A, %scan3A_40, %dma_start3A_46] : memref<32x80x128xi32, #tpu.memory_space<hbm>> -> memref<1x1x128xi32, #tpu.memory_space<hbm>>
        %dma_start3A_48 = tpu.memref_squeeze %dma_start3A_47 : memref<1x1x128xi32, #tpu.memory_space<hbm>> -> memref<128xi32, #tpu.memory_space<hbm>>
        %dma_start3A_49 = arith.constant 0 : i32
        %dma_start3A_50 = tpu.memref_slice %arg7[%add3A, %scan3A_40, %dma_start3A_49] : memref<32x80x128xi32, #tpu.memory_space<hbm>> -> memref<1x1x128xi32, #tpu.memory_space<hbm>>
        %dma_start3A_51 = tpu.memref_squeeze %dma_start3A_50 : memref<1x1x128xi32, #tpu.memory_space<hbm>> -> memref<128xi32, #tpu.memory_space<hbm>>
        tpu.enqueue_dma source(%dma_start3A_51 : memref<128xi32, #tpu.memory_space<hbm>>) target(%arg11 : memref<128xi32, #tpu.memory_space<vmem>>) target_semaphore(%run_scoped3A_45 : memref<!tpu.dma_semaphore, #tpu.memory_space<semaphore_mem>>)
        %dma_wait3A_52 = arith.constant 0 : i32
        %dma_wait3A_53 = tpu.memref_slice %arg7[%add3A, %scan3A_40, %dma_wait3A_52] : memref<32x80x128xi32, #tpu.memory_space<hbm>> -> memref<1x1x128xi32, #tpu.memory_space<hbm>>
        %dma_wait3A_54 = tpu.memref_squeeze %dma_wait3A_53 : memref<1x1x128xi32, #tpu.memory_space<hbm>> -> memref<128xi32, #tpu.memory_space<hbm>>
        %dma_wait3A_55 = arith.constant 0 : i32
        %dma_wait3A_56 = tpu.memref_slice %arg7[%add3A, %scan3A_40, %dma_wait3A_55] : memref<32x80x128xi32, #tpu.memory_space<hbm>> -> memref<1x1x128xi32, #tpu.memory_space<hbm>>
        %dma_wait3A_57 = tpu.memref_squeeze %dma_wait3A_56 : memref<1x1x128xi32, #tpu.memory_space<hbm>> -> memref<128xi32, #tpu.memory_space<hbm>>
        tpu.wait_dma2 semaphore(%run_scoped3A_45 : memref<!tpu.dma_semaphore, #tpu.memory_space<semaphore_mem>>) src(%dma_wait3A_57 : memref<128xi32, #tpu.memory_space<hbm>>) dst(%arg11 : memref<128xi32, #tpu.memory_space<vmem>>)
        tpu.yield
      }) : () -> ()
      %dma_start3A = arith.constant 0 : i32
      %dma_start3A_41 = arith.constant 0 : i32
      %dma_start3A_42 = tpu.memref_slice %arg3[%dma_start3A, %dma_start3A_41] : memref<10240x128xf32, #tpu.memory_space<hbm>> -> memref<10240x128xf32, #tpu.memory_space<hbm>>
      tpu.enqueue_indirect_dma source(%dma_start3A_42 : memref<10240x128xf32, #tpu.memory_space<hbm>>) target(%arg12 : memref<128x128xf32, #tpu.memory_space<vmem>>) offsets(%arg10 : memref<128xi32, #tpu.memory_space<vmem>>) semaphore(%arg14 : memref<!tpu.dma_semaphore, #tpu.memory_space<semaphore_mem>>)
      %dma_wait3A = arith.constant 0 : i32
      %dma_wait3A_43 = arith.constant 0 : i32
      %dma_wait3A_44 = tpu.memref_slice %arg3[%dma_wait3A, %dma_wait3A_43] : memref<10240x128xf32, #tpu.memory_space<hbm>> -> memref<10240x128xf32, #tpu.memory_space<hbm>>
      tpu.wait_indirect_dma semaphore(%arg14 : memref<!tpu.dma_semaphore, #tpu.memory_space<semaphore_mem>>) src(%dma_wait3A_44 : memref<10240x128xf32, #tpu.memory_space<hbm>>) dst(%arg12 : memref<128x128xf32, #tpu.memory_space<vmem>>)
      "tpu.region"() ({
        %run_scoped3A_45 = tpu.sem_alloc : memref<!tpu.dma_semaphore, #tpu.memory_space<semaphore_mem>>
        %dma_start3A_46 = arith.constant 0 : i32
        %dma_start3A_47 = arith.constant 0 : i32
        %dma_start3A_48 = tpu.memref_slice %arg13[%dma_start3A_46, %dma_start3A_47] : memref<10240x128xf32, #tpu.memory_space<vmem_shared>> -> memref<10240x128xf32, #tpu.memory_space<vmem_shared>>
        tpu.enqueue_indirect_dma source(%arg12 : memref<128x128xf32, #tpu.memory_space<vmem>>) target(%dma_start3A_48 : memref<10240x128xf32, #tpu.memory_space<vmem_shared>>) offsets(%arg11 : memref<128xi32, #tpu.memory_space<vmem>>) semaphore(%run_scoped3A_45 : memref<!tpu.dma_semaphore, #tpu.memory_space<semaphore_mem>>) {add = true}
        %dma_wait3A_49 = arith.constant 0 : i32
        %dma_wait3A_50 = arith.constant 0 : i32
        %dma_wait3A_51 = tpu.memref_slice %arg13[%dma_wait3A_49, %dma_wait3A_50] : memref<10240x128xf32, #tpu.memory_space<vmem_shared>> -> memref<10240x128xf32, #tpu.memory_space<vmem_shared>>
        tpu.wait_indirect_dma semaphore(%run_scoped3A_45 : memref<!tpu.dma_semaphore, #tpu.memory_space<semaphore_mem>>) src(%arg12 : memref<128x128xf32, #tpu.memory_space<vmem>>) dst(%dma_wait3A_51 : memref<10240x128xf32, #tpu.memory_space<vmem_shared>>)
        tpu.yield
      }) : () -> ()
    }
    %scan3A_16 = arith.constant 80 : i32
    %barrier3A_17 = arith.constant 0 : index
    tpu.barrier barrier_id(%barrier3A_17)
    %run_scoped3A_18 = arith.constant 1 : i32
    "tpu.region"() ({
      %run_scoped3A_40 = tpu.sem_alloc : memref<!tpu.dma_semaphore, #tpu.memory_space<semaphore_mem>>
      %dma_start3A = arith.constant 0 : i32
      %dma_start3A_41 = tpu.memref_slice %arg9[%arg0, %run_scoped3A_18, %mul3A_2, %dma_start3A] : memref<2x4x10240x128xf32, #tpu.memory_space<hbm>> -> memref<1x1x640x128xf32, #tpu.memory_space<hbm>>
      %dma_start3A_42 = tpu.memref_squeeze %dma_start3A_41 : memref<1x1x640x128xf32, #tpu.memory_space<hbm>> -> memref<640x128xf32, #tpu.memory_space<hbm>>
      %dma_start3A_43 = arith.constant 0 : i32
      %dma_start3A_44 = tpu.memref_slice %arg13[%mul3A_2, %dma_start3A_43] : memref<10240x128xf32, #tpu.memory_space<vmem_shared>> -> memref<640x128xf32, #tpu.memory_space<vmem_shared>>
      tpu.enqueue_dma source(%dma_start3A_44 : memref<640x128xf32, #tpu.memory_space<vmem_shared>>) target(%dma_start3A_42 : memref<640x128xf32, #tpu.memory_space<hbm>>) target_semaphore(%run_scoped3A_40 : memref<!tpu.dma_semaphore, #tpu.memory_space<semaphore_mem>>)
      %dma_wait3A = arith.constant 0 : i32
      %dma_wait3A_45 = tpu.memref_slice %arg9[%arg0, %run_scoped3A_18, %mul3A_2, %dma_wait3A] : memref<2x4x10240x128xf32, #tpu.memory_space<hbm>> -> memref<1x1x640x128xf32, #tpu.memory_space<hbm>>
      %dma_wait3A_46 = tpu.memref_squeeze %dma_wait3A_45 : memref<1x1x640x128xf32, #tpu.memory_space<hbm>> -> memref<640x128xf32, #tpu.memory_space<hbm>>
      %dma_wait3A_47 = arith.constant 0 : i32
      %dma_wait3A_48 = tpu.memref_slice %arg13[%mul3A_2, %dma_wait3A_47] : memref<10240x128xf32, #tpu.memory_space<vmem_shared>> -> memref<640x128xf32, #tpu.memory_space<vmem_shared>>
      tpu.wait_dma2 semaphore(%run_scoped3A_40 : memref<!tpu.dma_semaphore, #tpu.memory_space<semaphore_mem>>) src(%dma_wait3A_48 : memref<640x128xf32, #tpu.memory_space<vmem_shared>>) dst(%dma_wait3A_46 : memref<640x128xf32, #tpu.memory_space<hbm>>)
      tpu.yield
    }) : () -> ()
    %barrier3A_19 = arith.constant 0 : index
    tpu.barrier barrier_id(%barrier3A_19)
    "tpu.region"() ({
      %run_scoped3A_40 = tpu.sem_alloc : memref<!tpu.dma_semaphore, #tpu.memory_space<semaphore_mem>>
      %dma_start3A = arith.constant 0 : i32
      %dma_start3A_41 = tpu.memref_slice %arg13[%mul3A_2, %dma_start3A] : memref<10240x128xf32, #tpu.memory_space<vmem_shared>> -> memref<640x128xf32, #tpu.memory_space<vmem_shared>>
      tpu.enqueue_dma source(%arg8 : memref<640x128xf32, #tpu.memory_space<hbm>>) target(%dma_start3A_41 : memref<640x128xf32, #tpu.memory_space<vmem_shared>>) target_semaphore(%run_scoped3A_40 : memref<!tpu.dma_semaphore, #tpu.memory_space<semaphore_mem>>)
      %dma_wait3A = arith.constant 0 : i32
      %dma_wait3A_42 = tpu.memref_slice %arg13[%mul3A_2, %dma_wait3A] : memref<10240x128xf32, #tpu.memory_space<vmem_shared>> -> memref<640x128xf32, #tpu.memory_space<vmem_shared>>
      tpu.wait_dma2 semaphore(%run_scoped3A_40 : memref<!tpu.dma_semaphore, #tpu.memory_space<semaphore_mem>>) src(%arg8 : memref<640x128xf32, #tpu.memory_space<hbm>>) dst(%dma_wait3A_42 : memref<640x128xf32, #tpu.memory_space<vmem_shared>>)
      tpu.yield
    }) : () -> ()
    %barrier3A_20 = arith.constant 0 : index
    tpu.barrier barrier_id(%barrier3A_20)
    %scan3A_21 = arith.constant 0 : i32
    %scan3A_22 = arith.constant 0 : i32
    %scan3A_23 = arith.constant 80 : i32
    %scan3A_24 = arith.addi %scan3A_22, %scan3A_23 : i32
    %scan3A_25 = arith.constant 1 : i32
    scf.for %scan3A_40 = %scan3A_22 to %scan3A_24 step %scan3A_25  : i32 {
      "tpu.region"() ({
        %run_scoped3A_45 = tpu.sem_alloc : memref<!tpu.dma_semaphore, #tpu.memory_space<semaphore_mem>>
        %dma_start3A_46 = arith.constant 0 : i32
        %dma_start3A_47 = tpu.memref_slice %arg6[%add3A, %scan3A_40, %dma_start3A_46] : memref<32x80x128xi32, #tpu.memory_space<hbm>> -> memref<1x1x128xi32, #tpu.memory_space<hbm>>
        %dma_start3A_48 = tpu.memref_squeeze %dma_start3A_47 : memref<1x1x128xi32, #tpu.memory_space<hbm>> -> memref<128xi32, #tpu.memory_space<hbm>>
        %dma_start3A_49 = arith.constant 0 : i32
        %dma_start3A_50 = tpu.memref_slice %arg6[%add3A, %scan3A_40, %dma_start3A_49] : memref<32x80x128xi32, #tpu.memory_space<hbm>> -> memref<1x1x128xi32, #tpu.memory_space<hbm>>
        %dma_start3A_51 = tpu.memref_squeeze %dma_start3A_50 : memref<1x1x128xi32, #tpu.memory_space<hbm>> -> memref<128xi32, #tpu.memory_space<hbm>>
        tpu.enqueue_dma source(%dma_start3A_51 : memref<128xi32, #tpu.memory_space<hbm>>) target(%arg10 : memref<128xi32, #tpu.memory_space<vmem>>) target_semaphore(%run_scoped3A_45 : memref<!tpu.dma_semaphore, #tpu.memory_space<semaphore_mem>>)
        %dma_wait3A_52 = arith.constant 0 : i32
        %dma_wait3A_53 = tpu.memref_slice %arg6[%add3A, %scan3A_40, %dma_wait3A_52] : memref<32x80x128xi32, #tpu.memory_space<hbm>> -> memref<1x1x128xi32, #tpu.memory_space<hbm>>
        %dma_wait3A_54 = tpu.memref_squeeze %dma_wait3A_53 : memref<1x1x128xi32, #tpu.memory_space<hbm>> -> memref<128xi32, #tpu.memory_space<hbm>>
        %dma_wait3A_55 = arith.constant 0 : i32
        %dma_wait3A_56 = tpu.memref_slice %arg6[%add3A, %scan3A_40, %dma_wait3A_55] : memref<32x80x128xi32, #tpu.memory_space<hbm>> -> memref<1x1x128xi32, #tpu.memory_space<hbm>>
        %dma_wait3A_57 = tpu.memref_squeeze %dma_wait3A_56 : memref<1x1x128xi32, #tpu.memory_space<hbm>> -> memref<128xi32, #tpu.memory_space<hbm>>
        tpu.wait_dma2 semaphore(%run_scoped3A_45 : memref<!tpu.dma_semaphore, #tpu.memory_space<semaphore_mem>>) src(%dma_wait3A_57 : memref<128xi32, #tpu.memory_space<hbm>>) dst(%arg10 : memref<128xi32, #tpu.memory_space<vmem>>)
        tpu.yield
      }) : () -> ()
      "tpu.region"() ({
        %run_scoped3A_45 = tpu.sem_alloc : memref<!tpu.dma_semaphore, #tpu.memory_space<semaphore_mem>>
        %dma_start3A_46 = arith.constant 0 : i32
        %dma_start3A_47 = tpu.memref_slice %arg7[%add3A, %scan3A_40, %dma_start3A_46] : memref<32x80x128xi32, #tpu.memory_space<hbm>> -> memref<1x1x128xi32, #tpu.memory_space<hbm>>
        %dma_start3A_48 = tpu.memref_squeeze %dma_start3A_47 : memref<1x1x128xi32, #tpu.memory_space<hbm>> -> memref<128xi32, #tpu.memory_space<hbm>>
        %dma_start3A_49 = arith.constant 0 : i32
        %dma_start3A_50 = tpu.memref_slice %arg7[%add3A, %scan3A_40, %dma_start3A_49] : memref<32x80x128xi32, #tpu.memory_space<hbm>> -> memref<1x1x128xi32, #tpu.memory_space<hbm>>
        %dma_start3A_51 = tpu.memref_squeeze %dma_start3A_50 : memref<1x1x128xi32, #tpu.memory_space<hbm>> -> memref<128xi32, #tpu.memory_space<hbm>>
        tpu.enqueue_dma source(%dma_start3A_51 : memref<128xi32, #tpu.memory_space<hbm>>) target(%arg11 : memref<128xi32, #tpu.memory_space<vmem>>) target_semaphore(%run_scoped3A_45 : memref<!tpu.dma_semaphore, #tpu.memory_space<semaphore_mem>>)
        %dma_wait3A_52 = arith.constant 0 : i32
        %dma_wait3A_53 = tpu.memref_slice %arg7[%add3A, %scan3A_40, %dma_wait3A_52] : memref<32x80x128xi32, #tpu.memory_space<hbm>> -> memref<1x1x128xi32, #tpu.memory_space<hbm>>
        %dma_wait3A_54 = tpu.memref_squeeze %dma_wait3A_53 : memref<1x1x128xi32, #tpu.memory_space<hbm>> -> memref<128xi32, #tpu.memory_space<hbm>>
        %dma_wait3A_55 = arith.constant 0 : i32
        %dma_wait3A_56 = tpu.memref_slice %arg7[%add3A, %scan3A_40, %dma_wait3A_55] : memref<32x80x128xi32, #tpu.memory_space<hbm>> -> memref<1x1x128xi32, #tpu.memory_space<hbm>>
        %dma_wait3A_57 = tpu.memref_squeeze %dma_wait3A_56 : memref<1x1x128xi32, #tpu.memory_space<hbm>> -> memref<128xi32, #tpu.memory_space<hbm>>
        tpu.wait_dma2 semaphore(%run_scoped3A_45 : memref<!tpu.dma_semaphore, #tpu.memory_space<semaphore_mem>>) src(%dma_wait3A_57 : memref<128xi32, #tpu.memory_space<hbm>>) dst(%arg11 : memref<128xi32, #tpu.memory_space<vmem>>)
        tpu.yield
      }) : () -> ()
      %dma_start3A = arith.constant 0 : i32
      %dma_start3A_41 = arith.constant 0 : i32
      %dma_start3A_42 = tpu.memref_slice %arg4[%dma_start3A, %dma_start3A_41] : memref<10240x128xf32, #tpu.memory_space<hbm>> -> memref<10240x128xf32, #tpu.memory_space<hbm>>
      tpu.enqueue_indirect_dma source(%dma_start3A_42 : memref<10240x128xf32, #tpu.memory_space<hbm>>) target(%arg12 : memref<128x128xf32, #tpu.memory_space<vmem>>) offsets(%arg10 : memref<128xi32, #tpu.memory_space<vmem>>) semaphore(%arg14 : memref<!tpu.dma_semaphore, #tpu.memory_space<semaphore_mem>>)
      %dma_wait3A = arith.constant 0 : i32
      %dma_wait3A_43 = arith.constant 0 : i32
      %dma_wait3A_44 = tpu.memref_slice %arg4[%dma_wait3A, %dma_wait3A_43] : memref<10240x128xf32, #tpu.memory_space<hbm>> -> memref<10240x128xf32, #tpu.memory_space<hbm>>
      tpu.wait_indirect_dma semaphore(%arg14 : memref<!tpu.dma_semaphore, #tpu.memory_space<semaphore_mem>>) src(%dma_wait3A_44 : memref<10240x128xf32, #tpu.memory_space<hbm>>) dst(%arg12 : memref<128x128xf32, #tpu.memory_space<vmem>>)
      "tpu.region"() ({
        %run_scoped3A_45 = tpu.sem_alloc : memref<!tpu.dma_semaphore, #tpu.memory_space<semaphore_mem>>
        %dma_start3A_46 = arith.constant 0 : i32
        %dma_start3A_47 = arith.constant 0 : i32
        %dma_start3A_48 = tpu.memref_slice %arg13[%dma_start3A_46, %dma_start3A_47] : memref<10240x128xf32, #tpu.memory_space<vmem_shared>> -> memref<10240x128xf32, #tpu.memory_space<vmem_shared>>
        tpu.enqueue_indirect_dma source(%arg12 : memref<128x128xf32, #tpu.memory_space<vmem>>) target(%dma_start3A_48 : memref<10240x128xf32, #tpu.memory_space<vmem_shared>>) offsets(%arg11 : memref<128xi32, #tpu.memory_space<vmem>>) semaphore(%run_scoped3A_45 : memref<!tpu.dma_semaphore, #tpu.memory_space<semaphore_mem>>) {add = true}
        %dma_wait3A_49 = arith.constant 0 : i32
        %dma_wait3A_50 = arith.constant 0 : i32
        %dma_wait3A_51 = tpu.memref_slice %arg13[%dma_wait3A_49, %dma_wait3A_50] : memref<10240x128xf32, #tpu.memory_space<vmem_shared>> -> memref<10240x128xf32, #tpu.memory_space<vmem_shared>>
        tpu.wait_indirect_dma semaphore(%run_scoped3A_45 : memref<!tpu.dma_semaphore, #tpu.memory_space<semaphore_mem>>) src(%arg12 : memref<128x128xf32, #tpu.memory_space<vmem>>) dst(%dma_wait3A_51 : memref<10240x128xf32, #tpu.memory_space<vmem_shared>>)
        tpu.yield
      }) : () -> ()
    }
    %scan3A_26 = arith.constant 80 : i32
    %barrier3A_27 = arith.constant 0 : index
    tpu.barrier barrier_id(%barrier3A_27)
    %run_scoped3A_28 = arith.constant 2 : i32
    "tpu.region"() ({
      %run_scoped3A_40 = tpu.sem_alloc : memref<!tpu.dma_semaphore, #tpu.memory_space<semaphore_mem>>
      %dma_start3A = arith.constant 0 : i32
      %dma_start3A_41 = tpu.memref_slice %arg9[%arg0, %run_scoped3A_28, %mul3A_2, %dma_start3A] : memref<2x4x10240x128xf32, #tpu.memory_space<hbm>> -> memref<1x1x640x128xf32, #tpu.memory_space<hbm>>
      %dma_start3A_42 = tpu.memref_squeeze %dma_start3A_41 : memref<1x1x640x128xf32, #tpu.memory_space<hbm>> -> memref<640x128xf32, #tpu.memory_space<hbm>>
      %dma_start3A_43 = arith.constant 0 : i32
      %dma_start3A_44 = tpu.memref_slice %arg13[%mul3A_2, %dma_start3A_43] : memref<10240x128xf32, #tpu.memory_space<vmem_shared>> -> memref<640x128xf32, #tpu.memory_space<vmem_shared>>
      tpu.enqueue_dma source(%dma_start3A_44 : memref<640x128xf32, #tpu.memory_space<vmem_shared>>) target(%dma_start3A_42 : memref<640x128xf32, #tpu.memory_space<hbm>>) target_semaphore(%run_scoped3A_40 : memref<!tpu.dma_semaphore, #tpu.memory_space<semaphore_mem>>)
      %dma_wait3A = arith.constant 0 : i32
      %dma_wait3A_45 = tpu.memref_slice %arg9[%arg0, %run_scoped3A_28, %mul3A_2, %dma_wait3A] : memref<2x4x10240x128xf32, #tpu.memory_space<hbm>> -> memref<1x1x640x128xf32, #tpu.memory_space<hbm>>
      %dma_wait3A_46 = tpu.memref_squeeze %dma_wait3A_45 : memref<1x1x640x128xf32, #tpu.memory_space<hbm>> -> memref<640x128xf32, #tpu.memory_space<hbm>>
      %dma_wait3A_47 = arith.constant 0 : i32
      %dma_wait3A_48 = tpu.memref_slice %arg13[%mul3A_2, %dma_wait3A_47] : memref<10240x128xf32, #tpu.memory_space<vmem_shared>> -> memref<640x128xf32, #tpu.memory_space<vmem_shared>>
      tpu.wait_dma2 semaphore(%run_scoped3A_40 : memref<!tpu.dma_semaphore, #tpu.memory_space<semaphore_mem>>) src(%dma_wait3A_48 : memref<640x128xf32, #tpu.memory_space<vmem_shared>>) dst(%dma_wait3A_46 : memref<640x128xf32, #tpu.memory_space<hbm>>)
      tpu.yield
    }) : () -> ()
    %barrier3A_29 = arith.constant 0 : index
    tpu.barrier barrier_id(%barrier3A_29)
    "tpu.region"() ({
      %run_scoped3A_40 = tpu.sem_alloc : memref<!tpu.dma_semaphore, #tpu.memory_space<semaphore_mem>>
      %dma_start3A = arith.constant 0 : i32
      %dma_start3A_41 = tpu.memref_slice %arg13[%mul3A_2, %dma_start3A] : memref<10240x128xf32, #tpu.memory_space<vmem_shared>> -> memref<640x128xf32, #tpu.memory_space<vmem_shared>>
      tpu.enqueue_dma source(%arg8 : memref<640x128xf32, #tpu.memory_space<hbm>>) target(%dma_start3A_41 : memref<640x128xf32, #tpu.memory_space<vmem_shared>>) target_semaphore(%run_scoped3A_40 : memref<!tpu.dma_semaphore, #tpu.memory_space<semaphore_mem>>)
      %dma_wait3A = arith.constant 0 : i32
      %dma_wait3A_42 = tpu.memref_slice %arg13[%mul3A_2, %dma_wait3A] : memref<10240x128xf32, #tpu.memory_space<vmem_shared>> -> memref<640x128xf32, #tpu.memory_space<vmem_shared>>
      tpu.wait_dma2 semaphore(%run_scoped3A_40 : memref<!tpu.dma_semaphore, #tpu.memory_space<semaphore_mem>>) src(%arg8 : memref<640x128xf32, #tpu.memory_space<hbm>>) dst(%dma_wait3A_42 : memref<640x128xf32, #tpu.memory_space<vmem_shared>>)
      tpu.yield
    }) : () -> ()
    %barrier3A_30 = arith.constant 0 : index
    tpu.barrier barrier_id(%barrier3A_30)
    %scan3A_31 = arith.constant 0 : i32
    %scan3A_32 = arith.constant 0 : i32
    %scan3A_33 = arith.constant 80 : i32
    %scan3A_34 = arith.addi %scan3A_32, %scan3A_33 : i32
    %scan3A_35 = arith.constant 1 : i32
    scf.for %scan3A_40 = %scan3A_32 to %scan3A_34 step %scan3A_35  : i32 {
      "tpu.region"() ({
        %run_scoped3A_45 = tpu.sem_alloc : memref<!tpu.dma_semaphore, #tpu.memory_space<semaphore_mem>>
        %dma_start3A_46 = arith.constant 0 : i32
        %dma_start3A_47 = tpu.memref_slice %arg6[%add3A, %scan3A_40, %dma_start3A_46] : memref<32x80x128xi32, #tpu.memory_space<hbm>> -> memref<1x1x128xi32, #tpu.memory_space<hbm>>
        %dma_start3A_48 = tpu.memref_squeeze %dma_start3A_47 : memref<1x1x128xi32, #tpu.memory_space<hbm>> -> memref<128xi32, #tpu.memory_space<hbm>>
        %dma_start3A_49 = arith.constant 0 : i32
        %dma_start3A_50 = tpu.memref_slice %arg6[%add3A, %scan3A_40, %dma_start3A_49] : memref<32x80x128xi32, #tpu.memory_space<hbm>> -> memref<1x1x128xi32, #tpu.memory_space<hbm>>
        %dma_start3A_51 = tpu.memref_squeeze %dma_start3A_50 : memref<1x1x128xi32, #tpu.memory_space<hbm>> -> memref<128xi32, #tpu.memory_space<hbm>>
        tpu.enqueue_dma source(%dma_start3A_51 : memref<128xi32, #tpu.memory_space<hbm>>) target(%arg10 : memref<128xi32, #tpu.memory_space<vmem>>) target_semaphore(%run_scoped3A_45 : memref<!tpu.dma_semaphore, #tpu.memory_space<semaphore_mem>>)
        %dma_wait3A_52 = arith.constant 0 : i32
        %dma_wait3A_53 = tpu.memref_slice %arg6[%add3A, %scan3A_40, %dma_wait3A_52] : memref<32x80x128xi32, #tpu.memory_space<hbm>> -> memref<1x1x128xi32, #tpu.memory_space<hbm>>
        %dma_wait3A_54 = tpu.memref_squeeze %dma_wait3A_53 : memref<1x1x128xi32, #tpu.memory_space<hbm>> -> memref<128xi32, #tpu.memory_space<hbm>>
        %dma_wait3A_55 = arith.constant 0 : i32
        %dma_wait3A_56 = tpu.memref_slice %arg6[%add3A, %scan3A_40, %dma_wait3A_55] : memref<32x80x128xi32, #tpu.memory_space<hbm>> -> memref<1x1x128xi32, #tpu.memory_space<hbm>>
        %dma_wait3A_57 = tpu.memref_squeeze %dma_wait3A_56 : memref<1x1x128xi32, #tpu.memory_space<hbm>> -> memref<128xi32, #tpu.memory_space<hbm>>
        tpu.wait_dma2 semaphore(%run_scoped3A_45 : memref<!tpu.dma_semaphore, #tpu.memory_space<semaphore_mem>>) src(%dma_wait3A_57 : memref<128xi32, #tpu.memory_space<hbm>>) dst(%arg10 : memref<128xi32, #tpu.memory_space<vmem>>)
        tpu.yield
      }) : () -> ()
      "tpu.region"() ({
        %run_scoped3A_45 = tpu.sem_alloc : memref<!tpu.dma_semaphore, #tpu.memory_space<semaphore_mem>>
        %dma_start3A_46 = arith.constant 0 : i32
        %dma_start3A_47 = tpu.memref_slice %arg7[%add3A, %scan3A_40, %dma_start3A_46] : memref<32x80x128xi32, #tpu.memory_space<hbm>> -> memref<1x1x128xi32, #tpu.memory_space<hbm>>
        %dma_start3A_48 = tpu.memref_squeeze %dma_start3A_47 : memref<1x1x128xi32, #tpu.memory_space<hbm>> -> memref<128xi32, #tpu.memory_space<hbm>>
        %dma_start3A_49 = arith.constant 0 : i32
        %dma_start3A_50 = tpu.memref_slice %arg7[%add3A, %scan3A_40, %dma_start3A_49] : memref<32x80x128xi32, #tpu.memory_space<hbm>> -> memref<1x1x128xi32, #tpu.memory_space<hbm>>
        %dma_start3A_51 = tpu.memref_squeeze %dma_start3A_50 : memref<1x1x128xi32, #tpu.memory_space<hbm>> -> memref<128xi32, #tpu.memory_space<hbm>>
        tpu.enqueue_dma source(%dma_start3A_51 : memref<128xi32, #tpu.memory_space<hbm>>) target(%arg11 : memref<128xi32, #tpu.memory_space<vmem>>) target_semaphore(%run_scoped3A_45 : memref<!tpu.dma_semaphore, #tpu.memory_space<semaphore_mem>>)
        %dma_wait3A_52 = arith.constant 0 : i32
        %dma_wait3A_53 = tpu.memref_slice %arg7[%add3A, %scan3A_40, %dma_wait3A_52] : memref<32x80x128xi32, #tpu.memory_space<hbm>> -> memref<1x1x128xi32, #tpu.memory_space<hbm>>
        %dma_wait3A_54 = tpu.memref_squeeze %dma_wait3A_53 : memref<1x1x128xi32, #tpu.memory_space<hbm>> -> memref<128xi32, #tpu.memory_space<hbm>>
        %dma_wait3A_55 = arith.constant 0 : i32
        %dma_wait3A_56 = tpu.memref_slice %arg7[%add3A, %scan3A_40, %dma_wait3A_55] : memref<32x80x128xi32, #tpu.memory_space<hbm>> -> memref<1x1x128xi32, #tpu.memory_space<hbm>>
        %dma_wait3A_57 = tpu.memref_squeeze %dma_wait3A_56 : memref<1x1x128xi32, #tpu.memory_space<hbm>> -> memref<128xi32, #tpu.memory_space<hbm>>
        tpu.wait_dma2 semaphore(%run_scoped3A_45 : memref<!tpu.dma_semaphore, #tpu.memory_space<semaphore_mem>>) src(%dma_wait3A_57 : memref<128xi32, #tpu.memory_space<hbm>>) dst(%arg11 : memref<128xi32, #tpu.memory_space<vmem>>)
        tpu.yield
      }) : () -> ()
      %dma_start3A = arith.constant 0 : i32
      %dma_start3A_41 = arith.constant 0 : i32
      %dma_start3A_42 = tpu.memref_slice %arg5[%dma_start3A, %dma_start3A_41] : memref<10240x128xf32, #tpu.memory_space<hbm>> -> memref<10240x128xf32, #tpu.memory_space<hbm>>
      tpu.enqueue_indirect_dma source(%dma_start3A_42 : memref<10240x128xf32, #tpu.memory_space<hbm>>) target(%arg12 : memref<128x128xf32, #tpu.memory_space<vmem>>) offsets(%arg10 : memref<128xi32, #tpu.memory_space<vmem>>) semaphore(%arg14 : memref<!tpu.dma_semaphore, #tpu.memory_space<semaphore_mem>>)
      %dma_wait3A = arith.constant 0 : i32
      %dma_wait3A_43 = arith.constant 0 : i32
      %dma_wait3A_44 = tpu.memref_slice %arg5[%dma_wait3A, %dma_wait3A_43] : memref<10240x128xf32, #tpu.memory_space<hbm>> -> memref<10240x128xf32, #tpu.memory_space<hbm>>
      tpu.wait_indirect_dma semaphore(%arg14 : memref<!tpu.dma_semaphore, #tpu.memory_space<semaphore_mem>>) src(%dma_wait3A_44 : memref<10240x128xf32, #tpu.memory_space<hbm>>) dst(%arg12 : memref<128x128xf32, #tpu.memory_space<vmem>>)
      "tpu.region"() ({
        %run_scoped3A_45 = tpu.sem_alloc : memref<!tpu.dma_semaphore, #tpu.memory_space<semaphore_mem>>
        %dma_start3A_46 = arith.constant 0 : i32
        %dma_start3A_47 = arith.constant 0 : i32
        %dma_start3A_48 = tpu.memref_slice %arg13[%dma_start3A_46, %dma_start3A_47] : memref<10240x128xf32, #tpu.memory_space<vmem_shared>> -> memref<10240x128xf32, #tpu.memory_space<vmem_shared>>
        tpu.enqueue_indirect_dma source(%arg12 : memref<128x128xf32, #tpu.memory_space<vmem>>) target(%dma_start3A_48 : memref<10240x128xf32, #tpu.memory_space<vmem_shared>>) offsets(%arg11 : memref<128xi32, #tpu.memory_space<vmem>>) semaphore(%run_scoped3A_45 : memref<!tpu.dma_semaphore, #tpu.memory_space<semaphore_mem>>) {add = true}
        %dma_wait3A_49 = arith.constant 0 : i32
        %dma_wait3A_50 = arith.constant 0 : i32
        %dma_wait3A_51 = tpu.memref_slice %arg13[%dma_wait3A_49, %dma_wait3A_50] : memref<10240x128xf32, #tpu.memory_space<vmem_shared>> -> memref<10240x128xf32, #tpu.memory_space<vmem_shared>>
        tpu.wait_indirect_dma semaphore(%run_scoped3A_45 : memref<!tpu.dma_semaphore, #tpu.memory_space<semaphore_mem>>) src(%arg12 : memref<128x128xf32, #tpu.memory_space<vmem>>) dst(%dma_wait3A_51 : memref<10240x128xf32, #tpu.memory_space<vmem_shared>>)
        tpu.yield
      }) : () -> ()
    }
    %scan3A_36 = arith.constant 80 : i32
    %barrier3A_37 = arith.constant 0 : index
    tpu.barrier barrier_id(%barrier3A_37)
    %run_scoped3A_38 = arith.constant 3 : i32
    "tpu.region"() ({
      %run_scoped3A_40 = tpu.sem_alloc : memref<!tpu.dma_semaphore, #tpu.memory_space<semaphore_mem>>
      %dma_start3A = arith.constant 0 : i32
      %dma_start3A_41 = tpu.memref_slice %arg9[%arg0, %run_scoped3A_38, %mul3A_2, %dma_start3A] : memref<2x4x10240x128xf32, #tpu.memory_space<hbm>> -> memref<1x1x640x128xf32, #tpu.memory_space<hbm>>
      %dma_start3A_42 = tpu.memref_squeeze %dma_start3A_41 : memref<1x1x640x128xf32, #tpu.memory_space<hbm>> -> memref<640x128xf32, #tpu.memory_space<hbm>>
      %dma_start3A_43 = arith.constant 0 : i32
      %dma_start3A_44 = tpu.memref_slice %arg13[%mul3A_2, %dma_start3A_43] : memref<10240x128xf32, #tpu.memory_space<vmem_shared>> -> memref<640x128xf32, #tpu.memory_space<vmem_shared>>
      tpu.enqueue_dma source(%dma_start3A_44 : memref<640x128xf32, #tpu.memory_space<vmem_shared>>) target(%dma_start3A_42 : memref<640x128xf32, #tpu.memory_space<hbm>>) target_semaphore(%run_scoped3A_40 : memref<!tpu.dma_semaphore, #tpu.memory_space<semaphore_mem>>)
      %dma_wait3A = arith.constant 0 : i32
      %dma_wait3A_45 = tpu.memref_slice %arg9[%arg0, %run_scoped3A_38, %mul3A_2, %dma_wait3A] : memref<2x4x10240x128xf32, #tpu.memory_space<hbm>> -> memref<1x1x640x128xf32, #tpu.memory_space<hbm>>
      %dma_wait3A_46 = tpu.memref_squeeze %dma_wait3A_45 : memref<1x1x640x128xf32, #tpu.memory_space<hbm>> -> memref<640x128xf32, #tpu.memory_space<hbm>>
      %dma_wait3A_47 = arith.constant 0 : i32
      %dma_wait3A_48 = tpu.memref_slice %arg13[%mul3A_2, %dma_wait3A_47] : memref<10240x128xf32, #tpu.memory_space<vmem_shared>> -> memref<640x128xf32, #tpu.memory_space<vmem_shared>>
      tpu.wait_dma2 semaphore(%run_scoped3A_40 : memref<!tpu.dma_semaphore, #tpu.memory_space<semaphore_mem>>) src(%dma_wait3A_48 : memref<640x128xf32, #tpu.memory_space<vmem_shared>>) dst(%dma_wait3A_46 : memref<640x128xf32, #tpu.memory_space<hbm>>)
      tpu.yield
    }) : () -> ()
    %barrier3A_39 = arith.constant 0 : index
    tpu.barrier barrier_id(%barrier3A_39)
    return
  }
}

module attributes {stable_mosaic.version = 14 : i64} {
  func.func @body(%arg0: memref<10240x16xf32, #tpu.memory_space<vmem>>, %arg1: memref<10240x16xf32, #tpu.memory_space<vmem>>, %arg2: memref<10240x128xf32, #tpu.memory_space<vmem>>) attributes {dimension_semantics = [], scalar_prefetch = 0 : i64, scratch_operands = 0 : i64, tpu.core_type = #tpu.core_type<tc>} {
    %get3A = arith.constant 0 : index
    %get3A_0 = arith.constant 0 : index
    %get3A_1 = vector.load %arg0[%get3A, %get3A_0] : memref<10240x16xf32, #tpu.memory_space<vmem>>, vector<10240x1xf32>
    %add3A = arith.constant 1.000000e+00 : f32
    %add3A_2 = vector.broadcast %add3A : f32 to vector<10240x1xf32>
    %add3A_3 = arith.addf %add3A_2, %get3A_1 : vector<10240x1xf32>
    %get3A_4 = arith.constant 0 : index
    %get3A_5 = arith.constant 0 : index
    %get3A_6 = vector.load %arg1[%get3A_4, %get3A_5] : memref<10240x16xf32, #tpu.memory_space<vmem>>, vector<10240x1xf32>
    %add3A_7 = arith.addf %add3A_3, %get3A_6 : vector<10240x1xf32>
    %rsqrt3A = math.rsqrt %add3A_7 : vector<10240x1xf32>
    %broadcast_in_dim3A = vector.shape_cast %rsqrt3A : vector<10240x1xf32> to vector<10240x1xf32>
    %broadcast_in_dim3A_8 = vector.broadcast %broadcast_in_dim3A : vector<10240x1xf32> to vector<10240x128xf32>
    %swap3A = arith.constant 0 : index
    %swap3A_9 = arith.constant 0 : index
    %swap3A_10 = vector.load %arg2[%swap3A, %swap3A_9] : memref<10240x128xf32, #tpu.memory_space<vmem>>, vector<10240x128xf32>
    tpu.vector_store %arg2[%swap3A, %swap3A_9], %broadcast_in_dim3A_8 {strides = array<i32>} : memref<10240x128xf32, #tpu.memory_space<vmem>>, vector<10240x128xf32>,
    return
  }
}

module attributes {stable_mosaic.version = 14 : i64} {
  func.func @body(%arg0: i32, %arg1: memref<1024x128xf32, #tpu.memory_space<vmem>>, %arg2: memref<1024x128xf32, #tpu.memory_space<vmem>>, %arg3: memref<1x1024x128xf32, #tpu.memory_space<vmem>>) attributes {dimension_semantics = [#tpu.dimension_semantics<arbitrary>], iteration_bounds = array<i64: 10>, scalar_prefetch = 0 : i64, scratch_operands = 0 : i64, tpu.core_type = #tpu.core_type<tc>, window_params = [{transform_indices = @transform_0, window_bounds = array<i64: 1024, 128>}, {transform_indices = @transform_1, window_bounds = array<i64: 1024, 128>}, {transform_indices = @transform_2, window_bounds = array<i64: 1, 1024, 128>}]} {
    %get3A = arith.constant 0 : index
    %get3A_0 = arith.constant 0 : index
    %get3A_1 = vector.load %arg1[%get3A, %get3A_0] : memref<1024x128xf32, #tpu.memory_space<vmem>>, vector<1024x128xf32>
    %get3A_2 = arith.constant 0 : index
    %get3A_3 = arith.constant 0 : index
    %get3A_4 = vector.load %arg2[%get3A_2, %get3A_3] : memref<1024x128xf32, #tpu.memory_space<vmem>>, vector<1024x128xf32>
    %mul3A = arith.mulf %get3A_1, %get3A_4 : vector<1024x128xf32>
    %broadcast_in_dim3A = vector.shape_cast %mul3A : vector<1024x128xf32> to vector<1x1024x128xf32>
    %swap3A = arith.constant 0 : index
    %swap3A_5 = arith.constant 0 : index
    %swap3A_6 = arith.constant 0 : index
    %swap3A_7 = vector.load %arg3[%swap3A, %swap3A_5, %swap3A_6] : memref<1x1024x128xf32, #tpu.memory_space<vmem>>, vector<1x1024x128xf32>
    tpu.vector_store %arg3[%swap3A, %swap3A_5, %swap3A_6], %broadcast_in_dim3A {strides = array<i32>} : memref<1x1024x128xf32, #tpu.memory_space<vmem>>, vector<1x1024x128xf32>,
    return
  }
  func.func @transform_0(%arg0: i32) -> (i32, i32) {
    %c0_i32 = arith.constant 0 : i32
    %c0_i32_0 = arith.constant 0 : i32
    return %arg0, %c0_i32 : i32, i32
  }
  func.func @transform_1(%arg0: i32) -> (i32, i32) {
    %c0_i32 = arith.constant 0 : i32
    %c0_i32_0 = arith.constant 0 : i32
    return %arg0, %c0_i32 : i32, i32
  }
  func.func @transform_2(%arg0: i32) -> (i32, i32, i32) {
    %c0_i32 = arith.constant 0 : i32
    %c0_i32_0 = arith.constant 0 : i32
    %c0_i32_1 = arith.constant 0 : i32
    return %c0_i32, %arg0, %c0_i32_0 : i32, i32, i32
  }
}

module attributes {stable_mosaic.version = 14 : i64} {
  func.func @body(%arg0: i32, %arg1: i32, %arg2: memref<1x1024x128xf32, #tpu.memory_space<vmem>>, %arg3: memref<1x1024x128xf32, #tpu.memory_space<vmem>>, %arg4: memref<1x1024x128xf32, #tpu.memory_space<vmem>>, %arg5: memref<1024x128xf32, #tpu.memory_space<vmem>>, %arg6: memref<128x512xf32, #tpu.memory_space<vmem>>, %arg7: memref<1x512xf32, #tpu.memory_space<vmem>>, %arg8: memref<1024x512xf32, #tpu.memory_space<vmem>>, %arg9: memref<8x512xf32, #tpu.memory_space<vmem>>) attributes {dimension_semantics = [#tpu.dimension_semantics<arbitrary>, #tpu.dimension_semantics<arbitrary>], iteration_bounds = array<i64: 2, 10>, scalar_prefetch = 0 : i64, scratch_operands = 0 : i64, tpu.core_type = #tpu.core_type<tc>, window_params = [{transform_indices = @transform_0, window_bounds = array<i64: 1, 1024, 128>}, {transform_indices = @transform_1, window_bounds = array<i64: 1, 1024, 128>}, {transform_indices = @transform_2, window_bounds = array<i64: 1, 1024, 128>}, {transform_indices = @transform_3, window_bounds = array<i64: 1024, 128>}, {transform_indices = @transform_4, window_bounds = array<i64: 128, 512>}, {transform_indices = @transform_5, window_bounds = array<i64: 1, 512>}, {transform_indices = @transform_6, window_bounds = array<i64: 1024, 512>}, {transform_indices = @transform_7, window_bounds = array<i64: 8, 512>}]} {
    %get3A = arith.constant 0 : index
    %get3A_0 = arith.constant 0 : index
    %get3A_1 = vector.load %arg5[%get3A, %get3A_0] : memref<1024x128xf32, #tpu.memory_space<vmem>>, vector<1024x128xf32>
    %get3A_2 = arith.constant 0 : index
    %get3A_3 = arith.constant 0 : index
    %get3A_4 = arith.constant 0 : index
    %get3A_5 = vector.load %arg2[%get3A_2, %get3A_3, %get3A_4] : memref<1x1024x128xf32, #tpu.memory_space<vmem>>, vector<1x1024x128xf32>
    %get3A_6 = vector.shape_cast %get3A_5 : vector<1x1024x128xf32> to vector<1024x128xf32>
    %get3A_7 = arith.constant 0 : index
    %get3A_8 = arith.constant 0 : index
    %get3A_9 = arith.constant 0 : index
    %get3A_10 = vector.load %arg3[%get3A_7, %get3A_8, %get3A_9] : memref<1x1024x128xf32, #tpu.memory_space<vmem>>, vector<1x1024x128xf32>
    %get3A_11 = vector.shape_cast %get3A_10 : vector<1x1024x128xf32> to vector<1024x128xf32>
    %add3A = arith.addf %get3A_6, %get3A_11 : vector<1024x128xf32>
    %get3A_12 = arith.constant 0 : index
    %get3A_13 = arith.constant 0 : index
    %get3A_14 = arith.constant 0 : index
    %get3A_15 = vector.load %arg4[%get3A_12, %get3A_13, %get3A_14] : memref<1x1024x128xf32, #tpu.memory_space<vmem>>, vector<1x1024x128xf32>
    %get3A_16 = vector.shape_cast %get3A_15 : vector<1x1024x128xf32> to vector<1024x128xf32>
    %add3A_17 = arith.addf %add3A, %get3A_16 : vector<1024x128xf32>
    %mul3A = arith.mulf %get3A_1, %add3A_17 : vector<1024x128xf32>
    %get3A_18 = arith.constant 0 : index
    %get3A_19 = arith.constant 0 : index
    %get3A_20 = vector.load %arg6[%get3A_18, %get3A_19] : memref<128x512xf32, #tpu.memory_space<vmem>>, vector<128x512xf32>
    %dot_general3A = arith.constant dense<0.000000e+00> : vector<1024x512xf32>
    %dot_general3A_21 = tpu.matmul %mul3A, %get3A_20, %dot_general3A {dimension_numbers = #tpu.dot_dimension_numbers<[1], [0], [0], [1], [0, 0, 1, 1], [], []>, precision = #tpu.contract_precision<fp32>, transpose_lhs_hint = false} : vector<1024x128xf32>, vector<128x512xf32>, vector<1024x512xf32> -> vector<1024x512xf32>
    %get3A_22 = arith.constant 0 : index
    %get3A_23 = arith.constant 0 : index
    %get3A_24 = vector.load %arg7[%get3A_22, %get3A_23] : memref<1x512xf32, #tpu.memory_space<vmem>>, vector<1x512xf32>
    %add3A_25 = vector.broadcast %get3A_24 : vector<1x512xf32> to vector<1024x512xf32>
    %add3A_26 = arith.addf %dot_general3A_21, %add3A_25 : vector<1024x512xf32>
    %max3A = arith.constant 0.000000e+00 : f32
    %max3A_27 = vector.broadcast %max3A : f32 to vector<1024x512xf32>
    %max3A_28 = arith.maximumf %add3A_26, %max3A_27 : vector<1024x512xf32>
    %swap3A = arith.constant 0 : index
    %swap3A_29 = arith.constant 0 : index
    %swap3A_30 = vector.load %arg8[%swap3A, %swap3A_29] : memref<1024x512xf32, #tpu.memory_space<vmem>>, vector<1024x512xf32>
    tpu.vector_store %arg8[%swap3A, %swap3A_29], %max3A_28 {strides = array<i32>} : memref<1024x512xf32, #tpu.memory_space<vmem>>, vector<1024x512xf32>,
    %mul3A_31 = arith.constant 1024 : i32
    %mul3A_32 = arith.muli %arg1, %mul3A_31 : i32
    %iota3A = tpu.iota {dimensions = array<i32: 0>} : vector<1024x1xi32>
    %add3A_33 = vector.broadcast %mul3A_32 : i32 to vector<1024x1xi32>
    %add3A_34 = arith.addi %add3A_33, %iota3A : vector<1024x1xi32>
    %lt3A = arith.constant 10000 : i32
    %lt3A_35 = vector.broadcast %lt3A : i32 to vector<1024x1xi32>
    %lt3A_36 = arith.cmpi slt, %add3A_34, %lt3A_35 : vector<1024x1xi32>
    %convert_element_type3A = arith.extui %lt3A_36 : vector<1024x1xi1> to vector<1024x1xi32>
    %convert_element_type3A_37 = arith.sitofp %convert_element_type3A : vector<1024x1xi32> to vector<1024x1xf32>
    %mul3A_38 = vector.broadcast %convert_element_type3A_37 : vector<1024x1xf32> to vector<1024x512xf32>
    %mul3A_39 = arith.mulf %max3A_28, %mul3A_38 : vector<1024x512xf32>
    %reduce_sum3A = arith.constant dense<0.000000e+00> : vector<512xf32>
    %reduce_sum3A_40 = vector.multi_reduction <add>, %mul3A_39, %reduce_sum3A [0] : vector<1024x512xf32> to vector<512xf32>
    %broadcast_in_dim3A = vector.shape_cast %reduce_sum3A_40 : vector<512xf32> to vector<1x512xf32>
    %mul3A_41 = arith.mulf %mul3A_39, %max3A_28 : vector<1024x512xf32>
    %reduce_sum3A_42 = arith.constant dense<0.000000e+00> : vector<512xf32>
    %reduce_sum3A_43 = vector.multi_reduction <add>, %mul3A_41, %reduce_sum3A_42 [0] : vector<1024x512xf32> to vector<512xf32>
    %broadcast_in_dim3A_44 = vector.shape_cast %reduce_sum3A_43 : vector<512xf32> to vector<1x512xf32>
    %broadcast_in_dim3A_45 = arith.constant 0.000000e+00 : f32
    %broadcast_in_dim3A_46 = vector.broadcast %broadcast_in_dim3A_45 : f32 to vector<6x512xf32>
    %concatenate3A = tpu.concatenate %broadcast_in_dim3A, %broadcast_in_dim3A_44, %broadcast_in_dim3A_46 in 0 : vector<1x512xf32>, vector<1x512xf32>, vector<6x512xf32> -> vector<8x512xf32>
    %eq3A = arith.constant 0 : i32
    %eq3A_47 = arith.cmpi eq, %arg1, %eq3A : i32
    %convert_element_type3A_48 = arith.extui %eq3A_47 : i1 to i32
    %cond3A = arith.constant 0 : i32
    %cond3A_49 = arith.cmpi ne, %convert_element_type3A_48, %cond3A : i32
    scf.if %cond3A_49 {
      %swap3A_54 = arith.constant 0 : index
      %swap3A_55 = arith.constant 0 : index
      %swap3A_56 = vector.load %arg9[%swap3A_54, %swap3A_55] : memref<8x512xf32, #tpu.memory_space<vmem>>, vector<8x512xf32>
      tpu.vector_store %arg9[%swap3A_54, %swap3A_55], %concatenate3A {strides = array<i32>} : memref<8x512xf32, #tpu.memory_space<vmem>>, vector<8x512xf32>,
    } else {
    }
    %gt3A = arith.constant 0 : i32
    %gt3A_50 = arith.cmpi sgt, %arg1, %gt3A : i32
    %convert_element_type3A_51 = arith.extui %gt3A_50 : i1 to i32
    %cond3A_52 = arith.constant 0 : i32
    %cond3A_53 = arith.cmpi ne, %convert_element_type3A_51, %cond3A_52 : i32
    scf.if %cond3A_53 {
      %get3A_54 = arith.constant 0 : index
      %get3A_55 = arith.constant 0 : index
      %get3A_56 = vector.load %arg9[%get3A_54, %get3A_55] : memref<8x512xf32, #tpu.memory_space<vmem>>, vector<8x512xf32>
      %add3A_57 = arith.addf %get3A_56, %concatenate3A : vector<8x512xf32>
      %swap3A_58 = arith.constant 0 : index
      %swap3A_59 = arith.constant 0 : index
      %swap3A_60 = vector.load %arg9[%swap3A_58, %swap3A_59] : memref<8x512xf32, #tpu.memory_space<vmem>>, vector<8x512xf32>
      tpu.vector_store %arg9[%swap3A_58, %swap3A_59], %add3A_57 {strides = array<i32>} : memref<8x512xf32, #tpu.memory_space<vmem>>, vector<8x512xf32>,
    } else {
    }
    return
  }
  func.func @transform_0(%arg0: i32, %arg1: i32) -> (i32, i32, i32) {
    %c0_i32 = arith.constant 0 : i32
    %c0_i32_0 = arith.constant 0 : i32
    %c0_i32_1 = arith.constant 0 : i32
    return %c0_i32, %arg1, %c0_i32_0 : i32, i32, i32
  }
  func.func @transform_1(%arg0: i32, %arg1: i32) -> (i32, i32, i32) {
    %c0_i32 = arith.constant 0 : i32
    %c0_i32_0 = arith.constant 0 : i32
    %c0_i32_1 = arith.constant 0 : i32
    return %c0_i32, %arg1, %c0_i32_0 : i32, i32, i32
  }
  func.func @transform_2(%arg0: i32, %arg1: i32) -> (i32, i32, i32) {
    %c0_i32 = arith.constant 0 : i32
    %c0_i32_0 = arith.constant 0 : i32
    %c0_i32_1 = arith.constant 0 : i32
    return %c0_i32, %arg1, %c0_i32_0 : i32, i32, i32
  }
  func.func @transform_3(%arg0: i32, %arg1: i32) -> (i32, i32) {
    %c0_i32 = arith.constant 0 : i32
    %c0_i32_0 = arith.constant 0 : i32
    return %arg1, %c0_i32 : i32, i32
  }
  func.func @transform_4(%arg0: i32, %arg1: i32) -> (i32, i32) {
    %c0_i32 = arith.constant 0 : i32
    %c0_i32_0 = arith.constant 0 : i32
    return %c0_i32, %arg0 : i32, i32
  }
  func.func @transform_5(%arg0: i32, %arg1: i32) -> (i32, i32) {
    %c0_i32 = arith.constant 0 : i32
    %c0_i32_0 = arith.constant 0 : i32
    return %c0_i32, %arg0 : i32, i32
  }
  func.func @transform_6(%arg0: i32, %arg1: i32) -> (i32, i32) {
    %c0_i32 = arith.constant 0 : i32
    return %arg1, %arg0 : i32, i32
  }
  func.func @transform_7(%arg0: i32, %arg1: i32) -> (i32, i32) {
    %c0_i32 = arith.constant 0 : i32
    %c0_i32_0 = arith.constant 0 : i32
    return %c0_i32, %arg0 : i32, i32
  }
}

module attributes {stable_mosaic.version = 14 : i64} {
  func.func @body(%arg0: i32, %arg1: i32, %arg2: i32, %arg3: memref<1024x512xf32, #tpu.memory_space<vmem>>, %arg4: memref<8x512xf32, #tpu.memory_space<vmem>>, %arg5: memref<1x512xf32, #tpu.memory_space<vmem>>, %arg6: memref<1x512xf32, #tpu.memory_space<vmem>>, %arg7: memref<512x128xf32, #tpu.memory_space<vmem>>, %arg8: memref<1024x128xf32, #tpu.memory_space<vmem>>, %arg9: memref<1x1024x128xf32, #tpu.memory_space<vmem>>, %arg10: memref<1024x128xf32, #tpu.memory_space<vmem>>) attributes {dimension_semantics = [#tpu.dimension_semantics<arbitrary>, #tpu.dimension_semantics<arbitrary>, #tpu.dimension_semantics<arbitrary>], iteration_bounds = array<i64: 4, 10, 2>, scalar_prefetch = 0 : i64, scratch_operands = 1 : i64, tpu.core_type = #tpu.core_type<tc>, window_params = [{transform_indices = @transform_0, window_bounds = array<i64: 1024, 512>}, {transform_indices = @transform_1, window_bounds = array<i64: 8, 512>}, {transform_indices = @transform_2, window_bounds = array<i64: 1, 512>}, {transform_indices = @transform_3, window_bounds = array<i64: 1, 512>}, {transform_indices = @transform_4, window_bounds = array<i64: 512, 128>}, {transform_indices = @transform_5, window_bounds = array<i64: 1024, 128>}, {transform_indices = @transform_6, window_bounds = array<i64: 1, 1024, 128>}]} {
    %get3A = arith.constant 0 : index
    %get3A_0 = arith.constant 0 : index
    %get3A_1 = vector.load %arg4[%get3A, %get3A_0] : memref<8x512xf32, #tpu.memory_space<vmem>>, vector<8x512xf32>
    %get3A_2 = arith.constant 0 : index
    %get3A_3 = arith.constant 0 : index
    %get3A_4 = vector.load %arg5[%get3A_2, %get3A_3] : memref<1x512xf32, #tpu.memory_space<vmem>>, vector<1x512xf32>
    %get3A_5 = arith.constant 0 : index
    %get3A_6 = arith.constant 0 : index
    %get3A_7 = vector.load %arg6[%get3A_5, %get3A_6] : memref<1x512xf32, #tpu.memory_space<vmem>>, vector<1x512xf32>
    %slice3A = vector.extract_strided_slice %get3A_1 {offsets = [0, 0], sizes = [1, 512], strides = [1, 1]} : vector<8x512xf32> to vector<1x512xf32>
    %mul3A = arith.constant 9.99999974E-5 : f32
    %mul3A_8 = vector.broadcast %mul3A : f32 to vector<1x512xf32>
    %mul3A_9 = arith.mulf %slice3A, %mul3A_8 : vector<1x512xf32>
    %slice3A_10 = vector.extract_strided_slice %get3A_1 {offsets = [1, 0], sizes = [1, 512], strides = [1, 1]} : vector<8x512xf32> to vector<1x512xf32>
    %mul3A_11 = arith.constant 9.99999974E-5 : f32
    %mul3A_12 = vector.broadcast %mul3A_11 : f32 to vector<1x512xf32>
    %mul3A_13 = arith.mulf %slice3A_10, %mul3A_12 : vector<1x512xf32>
    %mul3A_14 = arith.mulf %mul3A_9, %mul3A_9 : vector<1x512xf32>
    %sub3A = arith.subf %mul3A_13, %mul3A_14 : vector<1x512xf32>
    %add3A = arith.constant 9.99999974E-6 : f32
    %add3A_15 = vector.broadcast %add3A : f32 to vector<1x512xf32>
    %add3A_16 = arith.addf %sub3A, %add3A_15 : vector<1x512xf32>
    %rsqrt3A = math.rsqrt %add3A_16 : vector<1x512xf32>
    %mul3A_17 = arith.mulf %get3A_4, %rsqrt3A : vector<1x512xf32>
    %mul3A_18 = arith.mulf %mul3A_9, %mul3A_17 : vector<1x512xf32>
    %sub3A_19 = arith.subf %get3A_7, %mul3A_18 : vector<1x512xf32>
    %get3A_20 = arith.constant 0 : index
    %get3A_21 = arith.constant 0 : index
    %get3A_22 = vector.load %arg3[%get3A_20, %get3A_21] : memref<1024x512xf32, #tpu.memory_space<vmem>>, vector<1024x512xf32>
    %mul3A_23 = vector.broadcast %mul3A_17 : vector<1x512xf32> to vector<1024x512xf32>
    %mul3A_24 = arith.mulf %get3A_22, %mul3A_23 : vector<1024x512xf32>
    %add3A_25 = vector.broadcast %sub3A_19 : vector<1x512xf32> to vector<1024x512xf32>
    %add3A_26 = arith.addf %mul3A_24, %add3A_25 : vector<1024x512xf32>
    %get3A_27 = arith.constant 0 : index
    %get3A_28 = arith.constant 0 : index
    %get3A_29 = vector.load %arg7[%get3A_27, %get3A_28] : memref<512x128xf32, #tpu.memory_space<vmem>>, vector<512x128xf32>
    %dot_general3A = arith.constant dense<0.000000e+00> : vector<1024x128xf32>
    %dot_general3A_30 = tpu.matmul %add3A_26, %get3A_29, %dot_general3A {dimension_numbers = #tpu.dot_dimension_numbers<[1], [0], [0], [1], [0, 0, 1, 1], [], []>, precision = #tpu.contract_precision<fp32>, transpose_lhs_hint = false} : vector<1024x512xf32>, vector<512x128xf32>, vector<1024x128xf32> -> vector<1024x128xf32>
    %eq3A = arith.constant 0 : i32
    %eq3A_31 = arith.cmpi eq, %arg2, %eq3A : i32
    %convert_element_type3A = arith.extui %eq3A_31 : i1 to i32
    %cond3A = arith.constant 0 : i32
    %cond3A_32 = arith.cmpi ne, %convert_element_type3A, %cond3A : i32
    scf.if %cond3A_32 {
      %swap3A = arith.constant 0 : index
      %swap3A_42 = arith.constant 0 : index
      %swap3A_43 = vector.load %arg10[%swap3A, %swap3A_42] : memref<1024x128xf32, #tpu.memory_space<vmem>>, vector<1024x128xf32>
      tpu.vector_store %arg10[%swap3A, %swap3A_42], %dot_general3A_30 {strides = array<i32>} : memref<1024x128xf32, #tpu.memory_space<vmem>>, vector<1024x128xf32>,
    } else {
    }
    %gt3A = arith.constant 0 : i32
    %gt3A_33 = arith.cmpi sgt, %arg2, %gt3A : i32
    %convert_element_type3A_34 = arith.extui %gt3A_33 : i1 to i32
    %cond3A_35 = arith.constant 0 : i32
    %cond3A_36 = arith.cmpi ne, %convert_element_type3A_34, %cond3A_35 : i32
    scf.if %cond3A_36 {
      %get3A_42 = arith.constant 0 : index
      %get3A_43 = arith.constant 0 : index
      %get3A_44 = vector.load %arg10[%get3A_42, %get3A_43] : memref<1024x128xf32, #tpu.memory_space<vmem>>, vector<1024x128xf32>
      %add3A_45 = arith.addf %get3A_44, %dot_general3A_30 : vector<1024x128xf32>
      %swap3A = arith.constant 0 : index
      %swap3A_46 = arith.constant 0 : index
      %swap3A_47 = vector.load %arg10[%swap3A, %swap3A_46] : memref<1024x128xf32, #tpu.memory_space<vmem>>, vector<1024x128xf32>
      tpu.vector_store %arg10[%swap3A, %swap3A_46], %add3A_45 {strides = array<i32>} : memref<1024x128xf32, #tpu.memory_space<vmem>>, vector<1024x128xf32>,
    } else {
    }
    %eq3A_37 = arith.constant 1 : i32
    %eq3A_38 = arith.cmpi eq, %arg2, %eq3A_37 : i32
    %convert_element_type3A_39 = arith.extui %eq3A_38 : i1 to i32
    %cond3A_40 = arith.constant 0 : i32
    %cond3A_41 = arith.cmpi ne, %convert_element_type3A_39, %cond3A_40 : i32
    scf.if %cond3A_41 {
      %get3A_42 = arith.constant 0 : index
      %get3A_43 = arith.constant 0 : index
      %get3A_44 = vector.load %arg10[%get3A_42, %get3A_43] : memref<1024x128xf32, #tpu.memory_space<vmem>>, vector<1024x128xf32>
      %get3A_45 = arith.constant 0 : index
      %get3A_46 = arith.constant 0 : index
      %get3A_47 = vector.load %arg8[%get3A_45, %get3A_46] : memref<1024x128xf32, #tpu.memory_space<vmem>>, vector<1024x128xf32>
      %mul3A_48 = arith.mulf %get3A_44, %get3A_47 : vector<1024x128xf32>
      %broadcast_in_dim3A = vector.shape_cast %mul3A_48 : vector<1024x128xf32> to vector<1x1024x128xf32>
      %swap3A = arith.constant 0 : index
      %swap3A_49 = arith.constant 0 : index
      %swap3A_50 = arith.constant 0 : index
      %swap3A_51 = vector.load %arg9[%swap3A, %swap3A_49, %swap3A_50] : memref<1x1024x128xf32, #tpu.memory_space<vmem>>, vector<1x1024x128xf32>
      tpu.vector_store %arg9[%swap3A, %swap3A_49, %swap3A_50], %broadcast_in_dim3A {strides = array<i32>} : memref<1x1024x128xf32, #tpu.memory_space<vmem>>, vector<1x1024x128xf32>,
    } else {
    }
    return
  }
  func.func @transform_0(%arg0: i32, %arg1: i32, %arg2: i32) -> (i32, i32) {
    %c0_i32 = arith.constant 0 : i32
    return %arg1, %arg2 : i32, i32
  }
  func.func @transform_1(%arg0: i32, %arg1: i32, %arg2: i32) -> (i32, i32) {
    %c0_i32 = arith.constant 0 : i32
    %c0_i32_0 = arith.constant 0 : i32
    return %c0_i32, %arg2 : i32, i32
  }
  func.func @transform_2(%arg0: i32, %arg1: i32, %arg2: i32) -> (i32, i32) {
    %c0_i32 = arith.constant 0 : i32
    %c0_i32_0 = arith.constant 0 : i32
    return %c0_i32, %arg2 : i32, i32
  }
  func.func @transform_3(%arg0: i32, %arg1: i32, %arg2: i32) -> (i32, i32) {
    %c0_i32 = arith.constant 0 : i32
    %c0_i32_0 = arith.constant 0 : i32
    return %c0_i32, %arg2 : i32, i32
  }
  func.func @transform_4(%arg0: i32, %arg1: i32, %arg2: i32) -> (i32, i32) {
    %c0_i32 = arith.constant 0 : i32
    return %arg2, %arg0 : i32, i32
  }
  func.func @transform_5(%arg0: i32, %arg1: i32, %arg2: i32) -> (i32, i32) {
    %c0_i32 = arith.constant 0 : i32
    %c0_i32_0 = arith.constant 0 : i32
    return %arg1, %c0_i32 : i32, i32
  }
  func.func @transform_6(%arg0: i32, %arg1: i32, %arg2: i32) -> (i32, i32, i32) {
    %c0_i32 = arith.constant 0 : i32
    %c0_i32_0 = arith.constant 0 : i32
    return %arg0, %arg1, %c0_i32 : i32, i32, i32
  }
}

module attributes {stable_mosaic.version = 14 : i64} {
  func.func @body(%arg0: i32, %arg1: i32, %arg2: memref<1x1024x128xf32, #tpu.memory_space<vmem>>, %arg3: memref<1x1024x128xf32, #tpu.memory_space<vmem>>, %arg4: memref<1x1024x128xf32, #tpu.memory_space<vmem>>, %arg5: memref<1024x128xf32, #tpu.memory_space<vmem>>, %arg6: memref<1x128xf32, #tpu.memory_space<vmem>>, %arg7: memref<1024x128xf32, #tpu.memory_space<vmem>>, %arg8: memref<8x128xf32, #tpu.memory_space<vmem>>) attributes {dimension_semantics = [#tpu.dimension_semantics<arbitrary>, #tpu.dimension_semantics<arbitrary>], iteration_bounds = array<i64: 4, 10>, scalar_prefetch = 0 : i64, scratch_operands = 0 : i64, tpu.core_type = #tpu.core_type<tc>, window_params = [{transform_indices = @transform_0, window_bounds = array<i64: 1, 1024, 128>}, {transform_indices = @transform_1, window_bounds = array<i64: 1, 1024, 128>}, {transform_indices = @transform_2, window_bounds = array<i64: 1, 1024, 128>}, {transform_indices = @transform_3, window_bounds = array<i64: 1024, 128>}, {transform_indices = @transform_4, window_bounds = array<i64: 1, 128>}, {transform_indices = @transform_5, window_bounds = array<i64: 1024, 128>}, {transform_indices = @transform_6, window_bounds = array<i64: 8, 128>}]} {
    %get3A = arith.constant 0 : index
    %get3A_0 = arith.constant 0 : index
    %get3A_1 = vector.load %arg5[%get3A, %get3A_0] : memref<1024x128xf32, #tpu.memory_space<vmem>>, vector<1024x128xf32>
    %get3A_2 = arith.constant 0 : index
    %get3A_3 = arith.constant 0 : index
    %get3A_4 = arith.constant 0 : index
    %get3A_5 = vector.load %arg2[%get3A_2, %get3A_3, %get3A_4] : memref<1x1024x128xf32, #tpu.memory_space<vmem>>, vector<1x1024x128xf32>
    %get3A_6 = vector.shape_cast %get3A_5 : vector<1x1024x128xf32> to vector<1024x128xf32>
    %get3A_7 = arith.constant 0 : index
    %get3A_8 = arith.constant 0 : index
    %get3A_9 = arith.constant 0 : index
    %get3A_10 = vector.load %arg3[%get3A_7, %get3A_8, %get3A_9] : memref<1x1024x128xf32, #tpu.memory_space<vmem>>, vector<1x1024x128xf32>
    %get3A_11 = vector.shape_cast %get3A_10 : vector<1x1024x128xf32> to vector<1024x128xf32>
    %add3A = arith.addf %get3A_6, %get3A_11 : vector<1024x128xf32>
    %get3A_12 = arith.constant 0 : index
    %get3A_13 = arith.constant 0 : index
    %get3A_14 = arith.constant 0 : index
    %get3A_15 = vector.load %arg4[%get3A_12, %get3A_13, %get3A_14] : memref<1x1024x128xf32, #tpu.memory_space<vmem>>, vector<1x1024x128xf32>
    %get3A_16 = vector.shape_cast %get3A_15 : vector<1x1024x128xf32> to vector<1024x128xf32>
    %add3A_17 = arith.addf %add3A, %get3A_16 : vector<1024x128xf32>
    %mul3A = arith.mulf %get3A_1, %add3A_17 : vector<1024x128xf32>
    %get3A_18 = arith.constant 0 : index
    %get3A_19 = arith.constant 0 : index
    %get3A_20 = vector.load %arg6[%get3A_18, %get3A_19] : memref<1x128xf32, #tpu.memory_space<vmem>>, vector<1x128xf32>
    %add3A_21 = vector.broadcast %get3A_20 : vector<1x128xf32> to vector<1024x128xf32>
    %add3A_22 = arith.addf %mul3A, %add3A_21 : vector<1024x128xf32>
    %max3A = arith.constant 0.000000e+00 : f32
    %max3A_23 = vector.broadcast %max3A : f32 to vector<1024x128xf32>
    %max3A_24 = arith.maximumf %add3A_22, %max3A_23 : vector<1024x128xf32>
    %swap3A = arith.constant 0 : index
    %swap3A_25 = arith.constant 0 : index
    %swap3A_26 = vector.load %arg7[%swap3A, %swap3A_25] : memref<1024x128xf32, #tpu.memory_space<vmem>>, vector<1024x128xf32>
    tpu.vector_store %arg7[%swap3A, %swap3A_25], %max3A_24 {strides = array<i32>} : memref<1024x128xf32, #tpu.memory_space<vmem>>, vector<1024x128xf32>,
    %mul3A_27 = arith.constant 1024 : i32
    %mul3A_28 = arith.muli %arg1, %mul3A_27 : i32
    %iota3A = tpu.iota {dimensions = array<i32: 0>} : vector<1024x1xi32>
    %add3A_29 = vector.broadcast %mul3A_28 : i32 to vector<1024x1xi32>
    %add3A_30 = arith.addi %add3A_29, %iota3A : vector<1024x1xi32>
    %lt3A = arith.constant 10000 : i32
    %lt3A_31 = vector.broadcast %lt3A : i32 to vector<1024x1xi32>
    %lt3A_32 = arith.cmpi slt, %add3A_30, %lt3A_31 : vector<1024x1xi32>
    %convert_element_type3A = arith.extui %lt3A_32 : vector<1024x1xi1> to vector<1024x1xi32>
    %convert_element_type3A_33 = arith.sitofp %convert_element_type3A : vector<1024x1xi32> to vector<1024x1xf32>
    %mul3A_34 = vector.broadcast %convert_element_type3A_33 : vector<1024x1xf32> to vector<1024x128xf32>
    %mul3A_35 = arith.mulf %max3A_24, %mul3A_34 : vector<1024x128xf32>
    %reduce_sum3A = arith.constant dense<0.000000e+00> : vector<128xf32>
    %reduce_sum3A_36 = vector.multi_reduction <add>, %mul3A_35, %reduce_sum3A [0] : vector<1024x128xf32> to vector<128xf32>
    %broadcast_in_dim3A = vector.shape_cast %reduce_sum3A_36 : vector<128xf32> to vector<1x128xf32>
    %mul3A_37 = arith.mulf %mul3A_35, %max3A_24 : vector<1024x128xf32>
    %reduce_sum3A_38 = arith.constant dense<0.000000e+00> : vector<128xf32>
    %reduce_sum3A_39 = vector.multi_reduction <add>, %mul3A_37, %reduce_sum3A_38 [0] : vector<1024x128xf32> to vector<128xf32>
    %broadcast_in_dim3A_40 = vector.shape_cast %reduce_sum3A_39 : vector<128xf32> to vector<1x128xf32>
    %broadcast_in_dim3A_41 = arith.constant 0.000000e+00 : f32
    %broadcast_in_dim3A_42 = vector.broadcast %broadcast_in_dim3A_41 : f32 to vector<6x128xf32>
    %concatenate3A = tpu.concatenate %broadcast_in_dim3A, %broadcast_in_dim3A_40, %broadcast_in_dim3A_42 in 0 : vector<1x128xf32>, vector<1x128xf32>, vector<6x128xf32> -> vector<8x128xf32>
    %eq3A = arith.constant 0 : i32
    %eq3A_43 = arith.cmpi eq, %arg1, %eq3A : i32
    %convert_element_type3A_44 = arith.extui %eq3A_43 : i1 to i32
    %cond3A = arith.constant 0 : i32
    %cond3A_45 = arith.cmpi ne, %convert_element_type3A_44, %cond3A : i32
    scf.if %cond3A_45 {
      %swap3A_50 = arith.constant 0 : index
      %swap3A_51 = arith.constant 0 : index
      %swap3A_52 = vector.load %arg8[%swap3A_50, %swap3A_51] : memref<8x128xf32, #tpu.memory_space<vmem>>, vector<8x128xf32>
      tpu.vector_store %arg8[%swap3A_50, %swap3A_51], %concatenate3A {strides = array<i32>} : memref<8x128xf32, #tpu.memory_space<vmem>>, vector<8x128xf32>,
    } else {
    }
    %gt3A = arith.constant 0 : i32
    %gt3A_46 = arith.cmpi sgt, %arg1, %gt3A : i32
    %convert_element_type3A_47 = arith.extui %gt3A_46 : i1 to i32
    %cond3A_48 = arith.constant 0 : i32
    %cond3A_49 = arith.cmpi ne, %convert_element_type3A_47, %cond3A_48 : i32
    scf.if %cond3A_49 {
      %get3A_50 = arith.constant 0 : index
      %get3A_51 = arith.constant 0 : index
      %get3A_52 = vector.load %arg8[%get3A_50, %get3A_51] : memref<8x128xf32, #tpu.memory_space<vmem>>, vector<8x128xf32>
      %add3A_53 = arith.addf %get3A_52, %concatenate3A : vector<8x128xf32>
      %swap3A_54 = arith.constant 0 : index
      %swap3A_55 = arith.constant 0 : index
      %swap3A_56 = vector.load %arg8[%swap3A_54, %swap3A_55] : memref<8x128xf32, #tpu.memory_space<vmem>>, vector<8x128xf32>
      tpu.vector_store %arg8[%swap3A_54, %swap3A_55], %add3A_53 {strides = array<i32>} : memref<8x128xf32, #tpu.memory_space<vmem>>, vector<8x128xf32>,
    } else {
    }
    return
  }
  func.func @transform_0(%arg0: i32, %arg1: i32) -> (i32, i32, i32) {
    %c0_i32 = arith.constant 0 : i32
    %c0_i32_0 = arith.constant 0 : i32
    return %arg0, %arg1, %c0_i32 : i32, i32, i32
  }
  func.func @transform_1(%arg0: i32, %arg1: i32) -> (i32, i32, i32) {
    %c0_i32 = arith.constant 0 : i32
    %c0_i32_0 = arith.constant 0 : i32
    return %arg0, %arg1, %c0_i32 : i32, i32, i32
  }
  func.func @transform_2(%arg0: i32, %arg1: i32) -> (i32, i32, i32) {
    %c0_i32 = arith.constant 0 : i32
    %c0_i32_0 = arith.constant 0 : i32
    return %arg0, %arg1, %c0_i32 : i32, i32, i32
  }
  func.func @transform_3(%arg0: i32, %arg1: i32) -> (i32, i32) {
    %c0_i32 = arith.constant 0 : i32
    %c0_i32_0 = arith.constant 0 : i32
    return %arg1, %c0_i32 : i32, i32
  }
  func.func @transform_4(%arg0: i32, %arg1: i32) -> (i32, i32) {
    %c0_i32 = arith.constant 0 : i32
    %c0_i32_0 = arith.constant 0 : i32
    return %c0_i32, %arg0 : i32, i32
  }
  func.func @transform_5(%arg0: i32, %arg1: i32) -> (i32, i32) {
    %c0_i32 = arith.constant 0 : i32
    return %arg1, %arg0 : i32, i32
  }
  func.func @transform_6(%arg0: i32, %arg1: i32) -> (i32, i32) {
    %c0_i32 = arith.constant 0 : i32
    %c0_i32_0 = arith.constant 0 : i32
    return %c0_i32, %arg0 : i32, i32
  }
}

module attributes {stable_mosaic.version = 14 : i64} {
  func.func @body(%arg0: i32, %arg1: i32, %arg2: i32, %arg3: memref<1024x512xf32, #tpu.memory_space<vmem>>, %arg4: memref<8x512xf32, #tpu.memory_space<vmem>>, %arg5: memref<1x512xf32, #tpu.memory_space<vmem>>, %arg6: memref<1x512xf32, #tpu.memory_space<vmem>>, %arg7: memref<512x128xf32, #tpu.memory_space<vmem>>, %arg8: memref<1024x128xf32, #tpu.memory_space<vmem>>, %arg9: memref<1x1024x128xf32, #tpu.memory_space<vmem>>, %arg10: memref<1024x128xf32, #tpu.memory_space<vmem>>) attributes {dimension_semantics = [#tpu.dimension_semantics<arbitrary>, #tpu.dimension_semantics<arbitrary>, #tpu.dimension_semantics<arbitrary>], iteration_bounds = array<i64: 2, 10, 1>, scalar_prefetch = 0 : i64, scratch_operands = 1 : i64, tpu.core_type = #tpu.core_type<tc>, window_params = [{transform_indices = @transform_0, window_bounds = array<i64: 1024, 512>}, {transform_indices = @transform_1, window_bounds = array<i64: 8, 512>}, {transform_indices = @transform_2, window_bounds = array<i64: 1, 512>}, {transform_indices = @transform_3, window_bounds = array<i64: 1, 512>}, {transform_indices = @transform_4, window_bounds = array<i64: 512, 128>}, {transform_indices = @transform_5, window_bounds = array<i64: 1024, 128>}, {transform_indices = @transform_6, window_bounds = array<i64: 1, 1024, 128>}]} {
    %get3A = arith.constant 0 : index
    %get3A_0 = arith.constant 0 : index
    %get3A_1 = vector.load %arg4[%get3A, %get3A_0] : memref<8x512xf32, #tpu.memory_space<vmem>>, vector<8x512xf32>
    %get3A_2 = arith.constant 0 : index
    %get3A_3 = arith.constant 0 : index
    %get3A_4 = vector.load %arg5[%get3A_2, %get3A_3] : memref<1x512xf32, #tpu.memory_space<vmem>>, vector<1x512xf32>
    %get3A_5 = arith.constant 0 : index
    %get3A_6 = arith.constant 0 : index
    %get3A_7 = vector.load %arg6[%get3A_5, %get3A_6] : memref<1x512xf32, #tpu.memory_space<vmem>>, vector<1x512xf32>
    %slice3A = vector.extract_strided_slice %get3A_1 {offsets = [0, 0], sizes = [1, 512], strides = [1, 1]} : vector<8x512xf32> to vector<1x512xf32>
    %mul3A = arith.constant 9.99999974E-5 : f32
    %mul3A_8 = vector.broadcast %mul3A : f32 to vector<1x512xf32>
    %mul3A_9 = arith.mulf %slice3A, %mul3A_8 : vector<1x512xf32>
    %slice3A_10 = vector.extract_strided_slice %get3A_1 {offsets = [1, 0], sizes = [1, 512], strides = [1, 1]} : vector<8x512xf32> to vector<1x512xf32>
    %mul3A_11 = arith.constant 9.99999974E-5 : f32
    %mul3A_12 = vector.broadcast %mul3A_11 : f32 to vector<1x512xf32>
    %mul3A_13 = arith.mulf %slice3A_10, %mul3A_12 : vector<1x512xf32>
    %mul3A_14 = arith.mulf %mul3A_9, %mul3A_9 : vector<1x512xf32>
    %sub3A = arith.subf %mul3A_13, %mul3A_14 : vector<1x512xf32>
    %add3A = arith.constant 9.99999974E-6 : f32
    %add3A_15 = vector.broadcast %add3A : f32 to vector<1x512xf32>
    %add3A_16 = arith.addf %sub3A, %add3A_15 : vector<1x512xf32>
    %rsqrt3A = math.rsqrt %add3A_16 : vector<1x512xf32>
    %mul3A_17 = arith.mulf %get3A_4, %rsqrt3A : vector<1x512xf32>
    %mul3A_18 = arith.mulf %mul3A_9, %mul3A_17 : vector<1x512xf32>
    %sub3A_19 = arith.subf %get3A_7, %mul3A_18 : vector<1x512xf32>
    %get3A_20 = arith.constant 0 : index
    %get3A_21 = arith.constant 0 : index
    %get3A_22 = vector.load %arg3[%get3A_20, %get3A_21] : memref<1024x512xf32, #tpu.memory_space<vmem>>, vector<1024x512xf32>
    %mul3A_23 = vector.broadcast %mul3A_17 : vector<1x512xf32> to vector<1024x512xf32>
    %mul3A_24 = arith.mulf %get3A_22, %mul3A_23 : vector<1024x512xf32>
    %add3A_25 = vector.broadcast %sub3A_19 : vector<1x512xf32> to vector<1024x512xf32>
    %add3A_26 = arith.addf %mul3A_24, %add3A_25 : vector<1024x512xf32>
    %get3A_27 = arith.constant 0 : index
    %get3A_28 = arith.constant 0 : index
    %get3A_29 = vector.load %arg7[%get3A_27, %get3A_28] : memref<512x128xf32, #tpu.memory_space<vmem>>, vector<512x128xf32>
    %dot_general3A = arith.constant dense<0.000000e+00> : vector<1024x128xf32>
    %dot_general3A_30 = tpu.matmul %add3A_26, %get3A_29, %dot_general3A {dimension_numbers = #tpu.dot_dimension_numbers<[1], [0], [0], [1], [0, 0, 1, 1], [], []>, precision = #tpu.contract_precision<fp32>, transpose_lhs_hint = false} : vector<1024x512xf32>, vector<512x128xf32>, vector<1024x128xf32> -> vector<1024x128xf32>
    %eq3A = arith.constant 0 : i32
    %eq3A_31 = arith.cmpi eq, %arg2, %eq3A : i32
    %convert_element_type3A = arith.extui %eq3A_31 : i1 to i32
    %cond3A = arith.constant 0 : i32
    %cond3A_32 = arith.cmpi ne, %convert_element_type3A, %cond3A : i32
    scf.if %cond3A_32 {
      %swap3A = arith.constant 0 : index
      %swap3A_42 = arith.constant 0 : index
      %swap3A_43 = vector.load %arg10[%swap3A, %swap3A_42] : memref<1024x128xf32, #tpu.memory_space<vmem>>, vector<1024x128xf32>
      tpu.vector_store %arg10[%swap3A, %swap3A_42], %dot_general3A_30 {strides = array<i32>} : memref<1024x128xf32, #tpu.memory_space<vmem>>, vector<1024x128xf32>,
    } else {
    }
    %gt3A = arith.constant 0 : i32
    %gt3A_33 = arith.cmpi sgt, %arg2, %gt3A : i32
    %convert_element_type3A_34 = arith.extui %gt3A_33 : i1 to i32
    %cond3A_35 = arith.constant 0 : i32
    %cond3A_36 = arith.cmpi ne, %convert_element_type3A_34, %cond3A_35 : i32
    scf.if %cond3A_36 {
      %get3A_42 = arith.constant 0 : index
      %get3A_43 = arith.constant 0 : index
      %get3A_44 = vector.load %arg10[%get3A_42, %get3A_43] : memref<1024x128xf32, #tpu.memory_space<vmem>>, vector<1024x128xf32>
      %add3A_45 = arith.addf %get3A_44, %dot_general3A_30 : vector<1024x128xf32>
      %swap3A = arith.constant 0 : index
      %swap3A_46 = arith.constant 0 : index
      %swap3A_47 = vector.load %arg10[%swap3A, %swap3A_46] : memref<1024x128xf32, #tpu.memory_space<vmem>>, vector<1024x128xf32>
      tpu.vector_store %arg10[%swap3A, %swap3A_46], %add3A_45 {strides = array<i32>} : memref<1024x128xf32, #tpu.memory_space<vmem>>, vector<1024x128xf32>,
    } else {
    }
    %eq3A_37 = arith.constant 0 : i32
    %eq3A_38 = arith.cmpi eq, %arg2, %eq3A_37 : i32
    %convert_element_type3A_39 = arith.extui %eq3A_38 : i1 to i32
    %cond3A_40 = arith.constant 0 : i32
    %cond3A_41 = arith.cmpi ne, %convert_element_type3A_39, %cond3A_40 : i32
    scf.if %cond3A_41 {
      %get3A_42 = arith.constant 0 : index
      %get3A_43 = arith.constant 0 : index
      %get3A_44 = vector.load %arg10[%get3A_42, %get3A_43] : memref<1024x128xf32, #tpu.memory_space<vmem>>, vector<1024x128xf32>
      %get3A_45 = arith.constant 0 : index
      %get3A_46 = arith.constant 0 : index
      %get3A_47 = vector.load %arg8[%get3A_45, %get3A_46] : memref<1024x128xf32, #tpu.memory_space<vmem>>, vector<1024x128xf32>
      %mul3A_48 = arith.mulf %get3A_44, %get3A_47 : vector<1024x128xf32>
      %broadcast_in_dim3A = vector.shape_cast %mul3A_48 : vector<1024x128xf32> to vector<1x1024x128xf32>
      %swap3A = arith.constant 0 : index
      %swap3A_49 = arith.constant 0 : index
      %swap3A_50 = arith.constant 0 : index
      %swap3A_51 = vector.load %arg9[%swap3A, %swap3A_49, %swap3A_50] : memref<1x1024x128xf32, #tpu.memory_space<vmem>>, vector<1x1024x128xf32>
      tpu.vector_store %arg9[%swap3A, %swap3A_49, %swap3A_50], %broadcast_in_dim3A {strides = array<i32>} : memref<1x1024x128xf32, #tpu.memory_space<vmem>>, vector<1x1024x128xf32>,
    } else {
    }
    return
  }
  func.func @transform_0(%arg0: i32, %arg1: i32, %arg2: i32) -> (i32, i32) {
    %c0_i32 = arith.constant 0 : i32
    return %arg1, %arg2 : i32, i32
  }
  func.func @transform_1(%arg0: i32, %arg1: i32, %arg2: i32) -> (i32, i32) {
    %c0_i32 = arith.constant 0 : i32
    %c0_i32_0 = arith.constant 0 : i32
    return %c0_i32, %arg2 : i32, i32
  }
  func.func @transform_2(%arg0: i32, %arg1: i32, %arg2: i32) -> (i32, i32) {
    %c0_i32 = arith.constant 0 : i32
    %c0_i32_0 = arith.constant 0 : i32
    return %c0_i32, %arg2 : i32, i32
  }
  func.func @transform_3(%arg0: i32, %arg1: i32, %arg2: i32) -> (i32, i32) {
    %c0_i32 = arith.constant 0 : i32
    %c0_i32_0 = arith.constant 0 : i32
    return %c0_i32, %arg2 : i32, i32
  }
  func.func @transform_4(%arg0: i32, %arg1: i32, %arg2: i32) -> (i32, i32) {
    %c0_i32 = arith.constant 0 : i32
    return %arg2, %arg0 : i32, i32
  }
  func.func @transform_5(%arg0: i32, %arg1: i32, %arg2: i32) -> (i32, i32) {
    %c0_i32 = arith.constant 0 : i32
    %c0_i32_0 = arith.constant 0 : i32
    return %arg1, %c0_i32 : i32, i32
  }
  func.func @transform_6(%arg0: i32, %arg1: i32, %arg2: i32) -> (i32, i32, i32) {
    %c0_i32 = arith.constant 0 : i32
    %c0_i32_0 = arith.constant 0 : i32
    return %arg0, %arg1, %c0_i32 : i32, i32, i32
  }
}

module attributes {stable_mosaic.version = 14 : i64} {
  func.func @body(%arg0: i32, %arg1: i32, %arg2: memref<1x1024x128xf32, #tpu.memory_space<vmem>>, %arg3: memref<1x1024x128xf32, #tpu.memory_space<vmem>>, %arg4: memref<1x1024x128xf32, #tpu.memory_space<vmem>>, %arg5: memref<1024x128xf32, #tpu.memory_space<vmem>>, %arg6: memref<1x128xf32, #tpu.memory_space<vmem>>, %arg7: memref<1024x128xf32, #tpu.memory_space<vmem>>, %arg8: memref<8x128xf32, #tpu.memory_space<vmem>>) attributes {dimension_semantics = [#tpu.dimension_semantics<arbitrary>, #tpu.dimension_semantics<arbitrary>], iteration_bounds = array<i64: 2, 10>, scalar_prefetch = 0 : i64, scratch_operands = 0 : i64, tpu.core_type = #tpu.core_type<tc>, window_params = [{transform_indices = @transform_0, window_bounds = array<i64: 1, 1024, 128>}, {transform_indices = @transform_1, window_bounds = array<i64: 1, 1024, 128>}, {transform_indices = @transform_2, window_bounds = array<i64: 1, 1024, 128>}, {transform_indices = @transform_3, window_bounds = array<i64: 1024, 128>}, {transform_indices = @transform_4, window_bounds = array<i64: 1, 128>}, {transform_indices = @transform_5, window_bounds = array<i64: 1024, 128>}, {transform_indices = @transform_6, window_bounds = array<i64: 8, 128>}]} {
    %get3A = arith.constant 0 : index
    %get3A_0 = arith.constant 0 : index
    %get3A_1 = vector.load %arg5[%get3A, %get3A_0] : memref<1024x128xf32, #tpu.memory_space<vmem>>, vector<1024x128xf32>
    %get3A_2 = arith.constant 0 : index
    %get3A_3 = arith.constant 0 : index
    %get3A_4 = arith.constant 0 : index
    %get3A_5 = vector.load %arg2[%get3A_2, %get3A_3, %get3A_4] : memref<1x1024x128xf32, #tpu.memory_space<vmem>>, vector<1x1024x128xf32>
    %get3A_6 = vector.shape_cast %get3A_5 : vector<1x1024x128xf32> to vector<1024x128xf32>
    %get3A_7 = arith.constant 0 : index
    %get3A_8 = arith.constant 0 : index
    %get3A_9 = arith.constant 0 : index
    %get3A_10 = vector.load %arg3[%get3A_7, %get3A_8, %get3A_9] : memref<1x1024x128xf32, #tpu.memory_space<vmem>>, vector<1x1024x128xf32>
    %get3A_11 = vector.shape_cast %get3A_10 : vector<1x1024x128xf32> to vector<1024x128xf32>
    %add3A = arith.addf %get3A_6, %get3A_11 : vector<1024x128xf32>
    %get3A_12 = arith.constant 0 : index
    %get3A_13 = arith.constant 0 : index
    %get3A_14 = arith.constant 0 : index
    %get3A_15 = vector.load %arg4[%get3A_12, %get3A_13, %get3A_14] : memref<1x1024x128xf32, #tpu.memory_space<vmem>>, vector<1x1024x128xf32>
    %get3A_16 = vector.shape_cast %get3A_15 : vector<1x1024x128xf32> to vector<1024x128xf32>
    %add3A_17 = arith.addf %add3A, %get3A_16 : vector<1024x128xf32>
    %mul3A = arith.mulf %get3A_1, %add3A_17 : vector<1024x128xf32>
    %get3A_18 = arith.constant 0 : index
    %get3A_19 = arith.constant 0 : index
    %get3A_20 = vector.load %arg6[%get3A_18, %get3A_19] : memref<1x128xf32, #tpu.memory_space<vmem>>, vector<1x128xf32>
    %add3A_21 = vector.broadcast %get3A_20 : vector<1x128xf32> to vector<1024x128xf32>
    %add3A_22 = arith.addf %mul3A, %add3A_21 : vector<1024x128xf32>
    %max3A = arith.constant 0.000000e+00 : f32
    %max3A_23 = vector.broadcast %max3A : f32 to vector<1024x128xf32>
    %max3A_24 = arith.maximumf %add3A_22, %max3A_23 : vector<1024x128xf32>
    %swap3A = arith.constant 0 : index
    %swap3A_25 = arith.constant 0 : index
    %swap3A_26 = vector.load %arg7[%swap3A, %swap3A_25] : memref<1024x128xf32, #tpu.memory_space<vmem>>, vector<1024x128xf32>
    tpu.vector_store %arg7[%swap3A, %swap3A_25], %max3A_24 {strides = array<i32>} : memref<1024x128xf32, #tpu.memory_space<vmem>>, vector<1024x128xf32>,
    %mul3A_27 = arith.constant 1024 : i32
    %mul3A_28 = arith.muli %arg1, %mul3A_27 : i32
    %iota3A = tpu.iota {dimensions = array<i32: 0>} : vector<1024x1xi32>
    %add3A_29 = vector.broadcast %mul3A_28 : i32 to vector<1024x1xi32>
    %add3A_30 = arith.addi %add3A_29, %iota3A : vector<1024x1xi32>
    %lt3A = arith.constant 10000 : i32
    %lt3A_31 = vector.broadcast %lt3A : i32 to vector<1024x1xi32>
    %lt3A_32 = arith.cmpi slt, %add3A_30, %lt3A_31 : vector<1024x1xi32>
    %convert_element_type3A = arith.extui %lt3A_32 : vector<1024x1xi1> to vector<1024x1xi32>
    %convert_element_type3A_33 = arith.sitofp %convert_element_type3A : vector<1024x1xi32> to vector<1024x1xf32>
    %mul3A_34 = vector.broadcast %convert_element_type3A_33 : vector<1024x1xf32> to vector<1024x128xf32>
    %mul3A_35 = arith.mulf %max3A_24, %mul3A_34 : vector<1024x128xf32>
    %reduce_sum3A = arith.constant dense<0.000000e+00> : vector<128xf32>
    %reduce_sum3A_36 = vector.multi_reduction <add>, %mul3A_35, %reduce_sum3A [0] : vector<1024x128xf32> to vector<128xf32>
    %broadcast_in_dim3A = vector.shape_cast %reduce_sum3A_36 : vector<128xf32> to vector<1x128xf32>
    %mul3A_37 = arith.mulf %mul3A_35, %max3A_24 : vector<1024x128xf32>
    %reduce_sum3A_38 = arith.constant dense<0.000000e+00> : vector<128xf32>
    %reduce_sum3A_39 = vector.multi_reduction <add>, %mul3A_37, %reduce_sum3A_38 [0] : vector<1024x128xf32> to vector<128xf32>
    %broadcast_in_dim3A_40 = vector.shape_cast %reduce_sum3A_39 : vector<128xf32> to vector<1x128xf32>
    %broadcast_in_dim3A_41 = arith.constant 0.000000e+00 : f32
    %broadcast_in_dim3A_42 = vector.broadcast %broadcast_in_dim3A_41 : f32 to vector<6x128xf32>
    %concatenate3A = tpu.concatenate %broadcast_in_dim3A, %broadcast_in_dim3A_40, %broadcast_in_dim3A_42 in 0 : vector<1x128xf32>, vector<1x128xf32>, vector<6x128xf32> -> vector<8x128xf32>
    %eq3A = arith.constant 0 : i32
    %eq3A_43 = arith.cmpi eq, %arg1, %eq3A : i32
    %convert_element_type3A_44 = arith.extui %eq3A_43 : i1 to i32
    %cond3A = arith.constant 0 : i32
    %cond3A_45 = arith.cmpi ne, %convert_element_type3A_44, %cond3A : i32
    scf.if %cond3A_45 {
      %swap3A_50 = arith.constant 0 : index
      %swap3A_51 = arith.constant 0 : index
      %swap3A_52 = vector.load %arg8[%swap3A_50, %swap3A_51] : memref<8x128xf32, #tpu.memory_space<vmem>>, vector<8x128xf32>
      tpu.vector_store %arg8[%swap3A_50, %swap3A_51], %concatenate3A {strides = array<i32>} : memref<8x128xf32, #tpu.memory_space<vmem>>, vector<8x128xf32>,
    } else {
    }
    %gt3A = arith.constant 0 : i32
    %gt3A_46 = arith.cmpi sgt, %arg1, %gt3A : i32
    %convert_element_type3A_47 = arith.extui %gt3A_46 : i1 to i32
    %cond3A_48 = arith.constant 0 : i32
    %cond3A_49 = arith.cmpi ne, %convert_element_type3A_47, %cond3A_48 : i32
    scf.if %cond3A_49 {
      %get3A_50 = arith.constant 0 : index
      %get3A_51 = arith.constant 0 : index
      %get3A_52 = vector.load %arg8[%get3A_50, %get3A_51] : memref<8x128xf32, #tpu.memory_space<vmem>>, vector<8x128xf32>
      %add3A_53 = arith.addf %get3A_52, %concatenate3A : vector<8x128xf32>
      %swap3A_54 = arith.constant 0 : index
      %swap3A_55 = arith.constant 0 : index
      %swap3A_56 = vector.load %arg8[%swap3A_54, %swap3A_55] : memref<8x128xf32, #tpu.memory_space<vmem>>, vector<8x128xf32>
      tpu.vector_store %arg8[%swap3A_54, %swap3A_55], %add3A_53 {strides = array<i32>} : memref<8x128xf32, #tpu.memory_space<vmem>>, vector<8x128xf32>,
    } else {
    }
    return
  }
  func.func @transform_0(%arg0: i32, %arg1: i32) -> (i32, i32, i32) {
    %c0_i32 = arith.constant 0 : i32
    %c0_i32_0 = arith.constant 0 : i32
    return %arg0, %arg1, %c0_i32 : i32, i32, i32
  }
  func.func @transform_1(%arg0: i32, %arg1: i32) -> (i32, i32, i32) {
    %c0_i32 = arith.constant 0 : i32
    %c0_i32_0 = arith.constant 0 : i32
    return %arg0, %arg1, %c0_i32 : i32, i32, i32
  }
  func.func @transform_2(%arg0: i32, %arg1: i32) -> (i32, i32, i32) {
    %c0_i32 = arith.constant 0 : i32
    %c0_i32_0 = arith.constant 0 : i32
    return %arg0, %arg1, %c0_i32 : i32, i32, i32
  }
  func.func @transform_3(%arg0: i32, %arg1: i32) -> (i32, i32) {
    %c0_i32 = arith.constant 0 : i32
    %c0_i32_0 = arith.constant 0 : i32
    return %arg1, %c0_i32 : i32, i32
  }
  func.func @transform_4(%arg0: i32, %arg1: i32) -> (i32, i32) {
    %c0_i32 = arith.constant 0 : i32
    %c0_i32_0 = arith.constant 0 : i32
    return %c0_i32, %arg0 : i32, i32
  }
  func.func @transform_5(%arg0: i32, %arg1: i32) -> (i32, i32) {
    %c0_i32 = arith.constant 0 : i32
    return %arg1, %arg0 : i32, i32
  }
  func.func @transform_6(%arg0: i32, %arg1: i32) -> (i32, i32) {
    %c0_i32 = arith.constant 0 : i32
    %c0_i32_0 = arith.constant 0 : i32
    return %c0_i32, %arg0 : i32, i32
  }
}

module attributes {stable_mosaic.version = 14 : i64} {
  func.func @body(%arg0: i32, %arg1: i32, %arg2: memref<1024x128xf32, #tpu.memory_space<vmem>>, %arg3: memref<8x128xf32, #tpu.memory_space<vmem>>, %arg4: memref<1x128xf32, #tpu.memory_space<vmem>>, %arg5: memref<1x128xf32, #tpu.memory_space<vmem>>, %arg6: memref<1024x128xf32, #tpu.memory_space<vmem>>, %arg7: memref<1x1024x128xf32, #tpu.memory_space<vmem>>) attributes {dimension_semantics = [#tpu.dimension_semantics<arbitrary>, #tpu.dimension_semantics<arbitrary>], iteration_bounds = array<i64: 2, 10>, scalar_prefetch = 0 : i64, scratch_operands = 0 : i64, tpu.core_type = #tpu.core_type<tc>, window_params = [{transform_indices = @transform_0, window_bounds = array<i64: 1024, 128>}, {transform_indices = @transform_1, window_bounds = array<i64: 8, 128>}, {transform_indices = @transform_2, window_bounds = array<i64: 1, 128>}, {transform_indices = @transform_3, window_bounds = array<i64: 1, 128>}, {transform_indices = @transform_4, window_bounds = array<i64: 1024, 128>}, {transform_indices = @transform_5, window_bounds = array<i64: 1, 1024, 128>}]} {
    %get3A = arith.constant 0 : index
    %get3A_0 = arith.constant 0 : index
    %get3A_1 = vector.load %arg3[%get3A, %get3A_0] : memref<8x128xf32, #tpu.memory_space<vmem>>, vector<8x128xf32>
    %get3A_2 = arith.constant 0 : index
    %get3A_3 = arith.constant 0 : index
    %get3A_4 = vector.load %arg4[%get3A_2, %get3A_3] : memref<1x128xf32, #tpu.memory_space<vmem>>, vector<1x128xf32>
    %get3A_5 = arith.constant 0 : index
    %get3A_6 = arith.constant 0 : index
    %get3A_7 = vector.load %arg5[%get3A_5, %get3A_6] : memref<1x128xf32, #tpu.memory_space<vmem>>, vector<1x128xf32>
    %slice3A = vector.extract_strided_slice %get3A_1 {offsets = [0, 0], sizes = [1, 128], strides = [1, 1]} : vector<8x128xf32> to vector<1x128xf32>
    %mul3A = arith.constant 9.99999974E-5 : f32
    %mul3A_8 = vector.broadcast %mul3A : f32 to vector<1x128xf32>
    %mul3A_9 = arith.mulf %slice3A, %mul3A_8 : vector<1x128xf32>
    %slice3A_10 = vector.extract_strided_slice %get3A_1 {offsets = [1, 0], sizes = [1, 128], strides = [1, 1]} : vector<8x128xf32> to vector<1x128xf32>
    %mul3A_11 = arith.constant 9.99999974E-5 : f32
    %mul3A_12 = vector.broadcast %mul3A_11 : f32 to vector<1x128xf32>
    %mul3A_13 = arith.mulf %slice3A_10, %mul3A_12 : vector<1x128xf32>
    %mul3A_14 = arith.mulf %mul3A_9, %mul3A_9 : vector<1x128xf32>
    %sub3A = arith.subf %mul3A_13, %mul3A_14 : vector<1x128xf32>
    %add3A = arith.constant 9.99999974E-6 : f32
    %add3A_15 = vector.broadcast %add3A : f32 to vector<1x128xf32>
    %add3A_16 = arith.addf %sub3A, %add3A_15 : vector<1x128xf32>
    %rsqrt3A = math.rsqrt %add3A_16 : vector<1x128xf32>
    %mul3A_17 = arith.mulf %get3A_4, %rsqrt3A : vector<1x128xf32>
    %mul3A_18 = arith.mulf %mul3A_9, %mul3A_17 : vector<1x128xf32>
    %sub3A_19 = arith.subf %get3A_7, %mul3A_18 : vector<1x128xf32>
    %get3A_20 = arith.constant 0 : index
    %get3A_21 = arith.constant 0 : index
    %get3A_22 = vector.load %arg2[%get3A_20, %get3A_21] : memref<1024x128xf32, #tpu.memory_space<vmem>>, vector<1024x128xf32>
    %mul3A_23 = vector.broadcast %mul3A_17 : vector<1x128xf32> to vector<1024x128xf32>
    %mul3A_24 = arith.mulf %get3A_22, %mul3A_23 : vector<1024x128xf32>
    %add3A_25 = vector.broadcast %sub3A_19 : vector<1x128xf32> to vector<1024x128xf32>
    %add3A_26 = arith.addf %mul3A_24, %add3A_25 : vector<1024x128xf32>
    %get3A_27 = arith.constant 0 : index
    %get3A_28 = arith.constant 0 : index
    %get3A_29 = vector.load %arg6[%get3A_27, %get3A_28] : memref<1024x128xf32, #tpu.memory_space<vmem>>, vector<1024x128xf32>
    %mul3A_30 = arith.mulf %add3A_26, %get3A_29 : vector<1024x128xf32>
    %broadcast_in_dim3A = vector.shape_cast %mul3A_30 : vector<1024x128xf32> to vector<1x1024x128xf32>
    %swap3A = arith.constant 0 : index
    %swap3A_31 = arith.constant 0 : index
    %swap3A_32 = arith.constant 0 : index
    %swap3A_33 = vector.load %arg7[%swap3A, %swap3A_31, %swap3A_32] : memref<1x1024x128xf32, #tpu.memory_space<vmem>>, vector<1x1024x128xf32>
    tpu.vector_store %arg7[%swap3A, %swap3A_31, %swap3A_32], %broadcast_in_dim3A {strides = array<i32>} : memref<1x1024x128xf32, #tpu.memory_space<vmem>>, vector<1x1024x128xf32>,
    return
  }
  func.func @transform_0(%arg0: i32, %arg1: i32) -> (i32, i32) {
    %c0_i32 = arith.constant 0 : i32
    return %arg1, %arg0 : i32, i32
  }
  func.func @transform_1(%arg0: i32, %arg1: i32) -> (i32, i32) {
    %c0_i32 = arith.constant 0 : i32
    %c0_i32_0 = arith.constant 0 : i32
    return %c0_i32, %arg0 : i32, i32
  }
  func.func @transform_2(%arg0: i32, %arg1: i32) -> (i32, i32) {
    %c0_i32 = arith.constant 0 : i32
    %c0_i32_0 = arith.constant 0 : i32
    return %c0_i32, %arg0 : i32, i32
  }
  func.func @transform_3(%arg0: i32, %arg1: i32) -> (i32, i32) {
    %c0_i32 = arith.constant 0 : i32
    %c0_i32_0 = arith.constant 0 : i32
    return %c0_i32, %arg0 : i32, i32
  }
  func.func @transform_4(%arg0: i32, %arg1: i32) -> (i32, i32) {
    %c0_i32 = arith.constant 0 : i32
    %c0_i32_0 = arith.constant 0 : i32
    return %arg1, %c0_i32 : i32, i32
  }
  func.func @transform_5(%arg0: i32, %arg1: i32) -> (i32, i32, i32) {
    %c0_i32 = arith.constant 0 : i32
    %c0_i32_0 = arith.constant 0 : i32
    return %arg0, %arg1, %c0_i32 : i32, i32, i32
  }
}

module attributes {stable_mosaic.version = 14 : i64} {
  func.func @body(%arg0: i32, %arg1: i32, %arg2: memref<2x1024x128xf32, #tpu.memory_space<vmem>>, %arg3: memref<2x1024x128xf32, #tpu.memory_space<vmem>>, %arg4: memref<2x1024x128xf32, #tpu.memory_space<vmem>>, %arg5: memref<1024x128xf32, #tpu.memory_space<vmem>>, %arg6: memref<256x512xf32, #tpu.memory_space<vmem>>, %arg7: memref<1x512xf32, #tpu.memory_space<vmem>>, %arg8: memref<1024x512xf32, #tpu.memory_space<vmem>>, %arg9: memref<8x512xf32, #tpu.memory_space<vmem>>) attributes {dimension_semantics = [#tpu.dimension_semantics<arbitrary>, #tpu.dimension_semantics<arbitrary>], iteration_bounds = array<i64: 1, 10>, scalar_prefetch = 0 : i64, scratch_operands = 0 : i64, tpu.core_type = #tpu.core_type<tc>, window_params = [{transform_indices = @transform_0, window_bounds = array<i64: 2, 1024, 128>}, {transform_indices = @transform_1, window_bounds = array<i64: 2, 1024, 128>}, {transform_indices = @transform_2, window_bounds = array<i64: 2, 1024, 128>}, {transform_indices = @transform_3, window_bounds = array<i64: 1024, 128>}, {transform_indices = @transform_4, window_bounds = array<i64: 256, 512>}, {transform_indices = @transform_5, window_bounds = array<i64: 1, 512>}, {transform_indices = @transform_6, window_bounds = array<i64: 1024, 512>}, {transform_indices = @transform_7, window_bounds = array<i64: 8, 512>}]} {
    %get3A = arith.constant 0 : index
    %get3A_0 = arith.constant 0 : index
    %get3A_1 = vector.load %arg5[%get3A, %get3A_0] : memref<1024x128xf32, #tpu.memory_space<vmem>>, vector<1024x128xf32>
    %get3A_2 = arith.constant 0 : index
    %get3A_3 = arith.constant 0 : index
    %get3A_4 = arith.constant 0 : index
    %get3A_5 = vector.load %arg2[%get3A_2, %get3A_3, %get3A_4] : memref<2x1024x128xf32, #tpu.memory_space<vmem>>, vector<1x1024x128xf32>
    %get3A_6 = vector.shape_cast %get3A_5 : vector<1x1024x128xf32> to vector<1024x128xf32>
    %get3A_7 = arith.constant 0 : index
    %get3A_8 = arith.constant 0 : index
    %get3A_9 = arith.constant 0 : index
    %get3A_10 = vector.load %arg3[%get3A_7, %get3A_8, %get3A_9] : memref<2x1024x128xf32, #tpu.memory_space<vmem>>, vector<1x1024x128xf32>
    %get3A_11 = vector.shape_cast %get3A_10 : vector<1x1024x128xf32> to vector<1024x128xf32>
    %add3A = arith.addf %get3A_6, %get3A_11 : vector<1024x128xf32>
    %get3A_12 = arith.constant 0 : index
    %get3A_13 = arith.constant 0 : index
    %get3A_14 = arith.constant 0 : index
    %get3A_15 = vector.load %arg4[%get3A_12, %get3A_13, %get3A_14] : memref<2x1024x128xf32, #tpu.memory_space<vmem>>, vector<1x1024x128xf32>
    %get3A_16 = vector.shape_cast %get3A_15 : vector<1x1024x128xf32> to vector<1024x128xf32>
    %add3A_17 = arith.addf %add3A, %get3A_16 : vector<1024x128xf32>
    %mul3A = arith.mulf %get3A_1, %add3A_17 : vector<1024x128xf32>
    %get3A_18 = arith.constant 1 : index
    %get3A_19 = arith.constant 0 : index
    %get3A_20 = arith.constant 0 : index
    %get3A_21 = vector.load %arg2[%get3A_18, %get3A_19, %get3A_20] : memref<2x1024x128xf32, #tpu.memory_space<vmem>>, vector<1x1024x128xf32>
    %get3A_22 = vector.shape_cast %get3A_21 : vector<1x1024x128xf32> to vector<1024x128xf32>
    %get3A_23 = arith.constant 1 : index
    %get3A_24 = arith.constant 0 : index
    %get3A_25 = arith.constant 0 : index
    %get3A_26 = vector.load %arg3[%get3A_23, %get3A_24, %get3A_25] : memref<2x1024x128xf32, #tpu.memory_space<vmem>>, vector<1x1024x128xf32>
    %get3A_27 = vector.shape_cast %get3A_26 : vector<1x1024x128xf32> to vector<1024x128xf32>
    %add3A_28 = arith.addf %get3A_22, %get3A_27 : vector<1024x128xf32>
    %get3A_29 = arith.constant 1 : index
    %get3A_30 = arith.constant 0 : index
    %get3A_31 = arith.constant 0 : index
    %get3A_32 = vector.load %arg4[%get3A_29, %get3A_30, %get3A_31] : memref<2x1024x128xf32, #tpu.memory_space<vmem>>, vector<1x1024x128xf32>
    %get3A_33 = vector.shape_cast %get3A_32 : vector<1x1024x128xf32> to vector<1024x128xf32>
    %add3A_34 = arith.addf %add3A_28, %get3A_33 : vector<1024x128xf32>
    %mul3A_35 = arith.mulf %get3A_1, %add3A_34 : vector<1024x128xf32>
    %concatenate3A = tpu.concatenate %mul3A, %mul3A_35 in 1 : vector<1024x128xf32>, vector<1024x128xf32> -> vector<1024x256xf32>
    %get3A_36 = arith.constant 0 : index
    %get3A_37 = arith.constant 0 : index
    %get3A_38 = vector.load %arg6[%get3A_36, %get3A_37] : memref<256x512xf32, #tpu.memory_space<vmem>>, vector<256x512xf32>
    %dot_general3A = arith.constant dense<0.000000e+00> : vector<1024x512xf32>
    %dot_general3A_39 = tpu.matmul %concatenate3A, %get3A_38, %dot_general3A {dimension_numbers = #tpu.dot_dimension_numbers<[1], [0], [0], [1], [0, 0, 1, 1], [], []>, precision = #tpu.contract_precision<fp32>, transpose_lhs_hint = false} : vector<1024x256xf32>, vector<256x512xf32>, vector<1024x512xf32> -> vector<1024x512xf32>
    %get3A_40 = arith.constant 0 : index
    %get3A_41 = arith.constant 0 : index
    %get3A_42 = vector.load %arg7[%get3A_40, %get3A_41] : memref<1x512xf32, #tpu.memory_space<vmem>>, vector<1x512xf32>
    %add3A_43 = vector.broadcast %get3A_42 : vector<1x512xf32> to vector<1024x512xf32>
    %add3A_44 = arith.addf %dot_general3A_39, %add3A_43 : vector<1024x512xf32>
    %max3A = arith.constant 0.000000e+00 : f32
    %max3A_45 = vector.broadcast %max3A : f32 to vector<1024x512xf32>
    %max3A_46 = arith.maximumf %add3A_44, %max3A_45 : vector<1024x512xf32>
    %swap3A = arith.constant 0 : index
    %swap3A_47 = arith.constant 0 : index
    %swap3A_48 = vector.load %arg8[%swap3A, %swap3A_47] : memref<1024x512xf32, #tpu.memory_space<vmem>>, vector<1024x512xf32>
    tpu.vector_store %arg8[%swap3A, %swap3A_47], %max3A_46 {strides = array<i32>} : memref<1024x512xf32, #tpu.memory_space<vmem>>, vector<1024x512xf32>,
    %mul3A_49 = arith.constant 1024 : i32
    %mul3A_50 = arith.muli %arg1, %mul3A_49 : i32
    %iota3A = tpu.iota {dimensions = array<i32: 0>} : vector<1024x1xi32>
    %add3A_51 = vector.broadcast %mul3A_50 : i32 to vector<1024x1xi32>
    %add3A_52 = arith.addi %add3A_51, %iota3A : vector<1024x1xi32>
    %lt3A = arith.constant 10000 : i32
    %lt3A_53 = vector.broadcast %lt3A : i32 to vector<1024x1xi32>
    %lt3A_54 = arith.cmpi slt, %add3A_52, %lt3A_53 : vector<1024x1xi32>
    %convert_element_type3A = arith.extui %lt3A_54 : vector<1024x1xi1> to vector<1024x1xi32>
    %convert_element_type3A_55 = arith.sitofp %convert_element_type3A : vector<1024x1xi32> to vector<1024x1xf32>
    %mul3A_56 = vector.broadcast %convert_element_type3A_55 : vector<1024x1xf32> to vector<1024x512xf32>
    %mul3A_57 = arith.mulf %max3A_46, %mul3A_56 : vector<1024x512xf32>
    %reduce_sum3A = arith.constant dense<0.000000e+00> : vector<512xf32>
    %reduce_sum3A_58 = vector.multi_reduction <add>, %mul3A_57, %reduce_sum3A [0] : vector<1024x512xf32> to vector<512xf32>
    %broadcast_in_dim3A = vector.shape_cast %reduce_sum3A_58 : vector<512xf32> to vector<1x512xf32>
    %mul3A_59 = arith.mulf %mul3A_57, %max3A_46 : vector<1024x512xf32>
    %reduce_sum3A_60 = arith.constant dense<0.000000e+00> : vector<512xf32>
    %reduce_sum3A_61 = vector.multi_reduction <add>, %mul3A_59, %reduce_sum3A_60 [0] : vector<1024x512xf32> to vector<512xf32>
    %broadcast_in_dim3A_62 = vector.shape_cast %reduce_sum3A_61 : vector<512xf32> to vector<1x512xf32>
    %broadcast_in_dim3A_63 = arith.constant 0.000000e+00 : f32
    %broadcast_in_dim3A_64 = vector.broadcast %broadcast_in_dim3A_63 : f32 to vector<6x512xf32>
    %concatenate3A_65 = tpu.concatenate %broadcast_in_dim3A, %broadcast_in_dim3A_62, %broadcast_in_dim3A_64 in 0 : vector<1x512xf32>, vector<1x512xf32>, vector<6x512xf32> -> vector<8x512xf32>
    %eq3A = arith.constant 0 : i32
    %eq3A_66 = arith.cmpi eq, %arg1, %eq3A : i32
    %convert_element_type3A_67 = arith.extui %eq3A_66 : i1 to i32
    %cond3A = arith.constant 0 : i32
    %cond3A_68 = arith.cmpi ne, %convert_element_type3A_67, %cond3A : i32
    scf.if %cond3A_68 {
      %swap3A_73 = arith.constant 0 : index
      %swap3A_74 = arith.constant 0 : index
      %swap3A_75 = vector.load %arg9[%swap3A_73, %swap3A_74] : memref<8x512xf32, #tpu.memory_space<vmem>>, vector<8x512xf32>
      tpu.vector_store %arg9[%swap3A_73, %swap3A_74], %concatenate3A_65 {strides = array<i32>} : memref<8x512xf32, #tpu.memory_space<vmem>>, vector<8x512xf32>,
    } else {
    }
    %gt3A = arith.constant 0 : i32
    %gt3A_69 = arith.cmpi sgt, %arg1, %gt3A : i32
    %convert_element_type3A_70 = arith.extui %gt3A_69 : i1 to i32
    %cond3A_71 = arith.constant 0 : i32
    %cond3A_72 = arith.cmpi ne, %convert_element_type3A_70, %cond3A_71 : i32
    scf.if %cond3A_72 {
      %get3A_73 = arith.constant 0 : index
      %get3A_74 = arith.constant 0 : index
      %get3A_75 = vector.load %arg9[%get3A_73, %get3A_74] : memref<8x512xf32, #tpu.memory_space<vmem>>, vector<8x512xf32>
      %add3A_76 = arith.addf %get3A_75, %concatenate3A_65 : vector<8x512xf32>
      %swap3A_77 = arith.constant 0 : index
      %swap3A_78 = arith.constant 0 : index
      %swap3A_79 = vector.load %arg9[%swap3A_77, %swap3A_78] : memref<8x512xf32, #tpu.memory_space<vmem>>, vector<8x512xf32>
      tpu.vector_store %arg9[%swap3A_77, %swap3A_78], %add3A_76 {strides = array<i32>} : memref<8x512xf32, #tpu.memory_space<vmem>>, vector<8x512xf32>,
    } else {
    }
    return
  }
  func.func @transform_0(%arg0: i32, %arg1: i32) -> (i32, i32, i32) {
    %c0_i32 = arith.constant 0 : i32
    %c0_i32_0 = arith.constant 0 : i32
    %c0_i32_1 = arith.constant 0 : i32
    return %c0_i32, %arg1, %c0_i32_0 : i32, i32, i32
  }
  func.func @transform_1(%arg0: i32, %arg1: i32) -> (i32, i32, i32) {
    %c0_i32 = arith.constant 0 : i32
    %c0_i32_0 = arith.constant 0 : i32
    %c0_i32_1 = arith.constant 0 : i32
    return %c0_i32, %arg1, %c0_i32_0 : i32, i32, i32
  }
  func.func @transform_2(%arg0: i32, %arg1: i32) -> (i32, i32, i32) {
    %c0_i32 = arith.constant 0 : i32
    %c0_i32_0 = arith.constant 0 : i32
    %c0_i32_1 = arith.constant 0 : i32
    return %c0_i32, %arg1, %c0_i32_0 : i32, i32, i32
  }
  func.func @transform_3(%arg0: i32, %arg1: i32) -> (i32, i32) {
    %c0_i32 = arith.constant 0 : i32
    %c0_i32_0 = arith.constant 0 : i32
    return %arg1, %c0_i32 : i32, i32
  }
  func.func @transform_4(%arg0: i32, %arg1: i32) -> (i32, i32) {
    %c0_i32 = arith.constant 0 : i32
    %c0_i32_0 = arith.constant 0 : i32
    return %c0_i32, %arg0 : i32, i32
  }
  func.func @transform_5(%arg0: i32, %arg1: i32) -> (i32, i32) {
    %c0_i32 = arith.constant 0 : i32
    %c0_i32_0 = arith.constant 0 : i32
    return %c0_i32, %arg0 : i32, i32
  }
  func.func @transform_6(%arg0: i32, %arg1: i32) -> (i32, i32) {
    %c0_i32 = arith.constant 0 : i32
    return %arg1, %arg0 : i32, i32
  }
  func.func @transform_7(%arg0: i32, %arg1: i32) -> (i32, i32) {
    %c0_i32 = arith.constant 0 : i32
    %c0_i32_0 = arith.constant 0 : i32
    return %c0_i32, %arg0 : i32, i32
  }
}

module attributes {stable_mosaic.version = 14 : i64} {
  func.func @body(%arg0: i32, %arg1: i32, %arg2: memref<1024x128xf32, #tpu.memory_space<vmem>>, %arg3: memref<8x128xf32, #tpu.memory_space<vmem>>, %arg4: memref<1x128xf32, #tpu.memory_space<vmem>>, %arg5: memref<1x128xf32, #tpu.memory_space<vmem>>, %arg6: memref<1024x128xf32, #tpu.memory_space<vmem>>, %arg7: memref<1x1024x128xf32, #tpu.memory_space<vmem>>) attributes {dimension_semantics = [#tpu.dimension_semantics<arbitrary>, #tpu.dimension_semantics<arbitrary>], iteration_bounds = array<i64: 4, 10>, scalar_prefetch = 0 : i64, scratch_operands = 0 : i64, tpu.core_type = #tpu.core_type<tc>, window_params = [{transform_indices = @transform_0, window_bounds = array<i64: 1024, 128>}, {transform_indices = @transform_1, window_bounds = array<i64: 8, 128>}, {transform_indices = @transform_2, window_bounds = array<i64: 1, 128>}, {transform_indices = @transform_3, window_bounds = array<i64: 1, 128>}, {transform_indices = @transform_4, window_bounds = array<i64: 1024, 128>}, {transform_indices = @transform_5, window_bounds = array<i64: 1, 1024, 128>}]} {
    %get3A = arith.constant 0 : index
    %get3A_0 = arith.constant 0 : index
    %get3A_1 = vector.load %arg3[%get3A, %get3A_0] : memref<8x128xf32, #tpu.memory_space<vmem>>, vector<8x128xf32>
    %get3A_2 = arith.constant 0 : index
    %get3A_3 = arith.constant 0 : index
    %get3A_4 = vector.load %arg4[%get3A_2, %get3A_3] : memref<1x128xf32, #tpu.memory_space<vmem>>, vector<1x128xf32>
    %get3A_5 = arith.constant 0 : index
    %get3A_6 = arith.constant 0 : index
    %get3A_7 = vector.load %arg5[%get3A_5, %get3A_6] : memref<1x128xf32, #tpu.memory_space<vmem>>, vector<1x128xf32>
    %slice3A = vector.extract_strided_slice %get3A_1 {offsets = [0, 0], sizes = [1, 128], strides = [1, 1]} : vector<8x128xf32> to vector<1x128xf32>
    %mul3A = arith.constant 9.99999974E-5 : f32
    %mul3A_8 = vector.broadcast %mul3A : f32 to vector<1x128xf32>
    %mul3A_9 = arith.mulf %slice3A, %mul3A_8 : vector<1x128xf32>
    %slice3A_10 = vector.extract_strided_slice %get3A_1 {offsets = [1, 0], sizes = [1, 128], strides = [1, 1]} : vector<8x128xf32> to vector<1x128xf32>
    %mul3A_11 = arith.constant 9.99999974E-5 : f32
    %mul3A_12 = vector.broadcast %mul3A_11 : f32 to vector<1x128xf32>
    %mul3A_13 = arith.mulf %slice3A_10, %mul3A_12 : vector<1x128xf32>
    %mul3A_14 = arith.mulf %mul3A_9, %mul3A_9 : vector<1x128xf32>
    %sub3A = arith.subf %mul3A_13, %mul3A_14 : vector<1x128xf32>
    %add3A = arith.constant 9.99999974E-6 : f32
    %add3A_15 = vector.broadcast %add3A : f32 to vector<1x128xf32>
    %add3A_16 = arith.addf %sub3A, %add3A_15 : vector<1x128xf32>
    %rsqrt3A = math.rsqrt %add3A_16 : vector<1x128xf32>
    %mul3A_17 = arith.mulf %get3A_4, %rsqrt3A : vector<1x128xf32>
    %mul3A_18 = arith.mulf %mul3A_9, %mul3A_17 : vector<1x128xf32>
    %sub3A_19 = arith.subf %get3A_7, %mul3A_18 : vector<1x128xf32>
    %get3A_20 = arith.constant 0 : index
    %get3A_21 = arith.constant 0 : index
    %get3A_22 = vector.load %arg2[%get3A_20, %get3A_21] : memref<1024x128xf32, #tpu.memory_space<vmem>>, vector<1024x128xf32>
    %mul3A_23 = vector.broadcast %mul3A_17 : vector<1x128xf32> to vector<1024x128xf32>
    %mul3A_24 = arith.mulf %get3A_22, %mul3A_23 : vector<1024x128xf32>
    %add3A_25 = vector.broadcast %sub3A_19 : vector<1x128xf32> to vector<1024x128xf32>
    %add3A_26 = arith.addf %mul3A_24, %add3A_25 : vector<1024x128xf32>
    %get3A_27 = arith.constant 0 : index
    %get3A_28 = arith.constant 0 : index
    %get3A_29 = vector.load %arg6[%get3A_27, %get3A_28] : memref<1024x128xf32, #tpu.memory_space<vmem>>, vector<1024x128xf32>
    %mul3A_30 = arith.mulf %add3A_26, %get3A_29 : vector<1024x128xf32>
    %broadcast_in_dim3A = vector.shape_cast %mul3A_30 : vector<1024x128xf32> to vector<1x1024x128xf32>
    %swap3A = arith.constant 0 : index
    %swap3A_31 = arith.constant 0 : index
    %swap3A_32 = arith.constant 0 : index
    %swap3A_33 = vector.load %arg7[%swap3A, %swap3A_31, %swap3A_32] : memref<1x1024x128xf32, #tpu.memory_space<vmem>>, vector<1x1024x128xf32>
    tpu.vector_store %arg7[%swap3A, %swap3A_31, %swap3A_32], %broadcast_in_dim3A {strides = array<i32>} : memref<1x1024x128xf32, #tpu.memory_space<vmem>>, vector<1x1024x128xf32>,
    return
  }
  func.func @transform_0(%arg0: i32, %arg1: i32) -> (i32, i32) {
    %c0_i32 = arith.constant 0 : i32
    return %arg1, %arg0 : i32, i32
  }
  func.func @transform_1(%arg0: i32, %arg1: i32) -> (i32, i32) {
    %c0_i32 = arith.constant 0 : i32
    %c0_i32_0 = arith.constant 0 : i32
    return %c0_i32, %arg0 : i32, i32
  }
  func.func @transform_2(%arg0: i32, %arg1: i32) -> (i32, i32) {
    %c0_i32 = arith.constant 0 : i32
    %c0_i32_0 = arith.constant 0 : i32
    return %c0_i32, %arg0 : i32, i32
  }
  func.func @transform_3(%arg0: i32, %arg1: i32) -> (i32, i32) {
    %c0_i32 = arith.constant 0 : i32
    %c0_i32_0 = arith.constant 0 : i32
    return %c0_i32, %arg0 : i32, i32
  }
  func.func @transform_4(%arg0: i32, %arg1: i32) -> (i32, i32) {
    %c0_i32 = arith.constant 0 : i32
    %c0_i32_0 = arith.constant 0 : i32
    return %arg1, %c0_i32 : i32, i32
  }
  func.func @transform_5(%arg0: i32, %arg1: i32) -> (i32, i32, i32) {
    %c0_i32 = arith.constant 0 : i32
    %c0_i32_0 = arith.constant 0 : i32
    return %arg0, %arg1, %c0_i32 : i32, i32, i32
  }
}

module attributes {stable_mosaic.version = 14 : i64} {
  func.func @body(%arg0: i32, %arg1: i32, %arg2: memref<4x1024x128xf32, #tpu.memory_space<vmem>>, %arg3: memref<4x1024x128xf32, #tpu.memory_space<vmem>>, %arg4: memref<4x1024x128xf32, #tpu.memory_space<vmem>>, %arg5: memref<1024x128xf32, #tpu.memory_space<vmem>>, %arg6: memref<512x512xf32, #tpu.memory_space<vmem>>, %arg7: memref<1x512xf32, #tpu.memory_space<vmem>>, %arg8: memref<1024x512xf32, #tpu.memory_space<vmem>>, %arg9: memref<8x512xf32, #tpu.memory_space<vmem>>) attributes {dimension_semantics = [#tpu.dimension_semantics<arbitrary>, #tpu.dimension_semantics<arbitrary>], iteration_bounds = array<i64: 2, 10>, scalar_prefetch = 0 : i64, scratch_operands = 0 : i64, tpu.core_type = #tpu.core_type<tc>, window_params = [{transform_indices = @transform_0, window_bounds = array<i64: 4, 1024, 128>}, {transform_indices = @transform_1, window_bounds = array<i64: 4, 1024, 128>}, {transform_indices = @transform_2, window_bounds = array<i64: 4, 1024, 128>}, {transform_indices = @transform_3, window_bounds = array<i64: 1024, 128>}, {transform_indices = @transform_4, window_bounds = array<i64: 512, 512>}, {transform_indices = @transform_5, window_bounds = array<i64: 1, 512>}, {transform_indices = @transform_6, window_bounds = array<i64: 1024, 512>}, {transform_indices = @transform_7, window_bounds = array<i64: 8, 512>}]} {
    %get3A = arith.constant 0 : index
    %get3A_0 = arith.constant 0 : index
    %get3A_1 = vector.load %arg5[%get3A, %get3A_0] : memref<1024x128xf32, #tpu.memory_space<vmem>>, vector<1024x128xf32>
    %get3A_2 = arith.constant 0 : index
    %get3A_3 = arith.constant 0 : index
    %get3A_4 = arith.constant 0 : index
    %get3A_5 = vector.load %arg2[%get3A_2, %get3A_3, %get3A_4] : memref<4x1024x128xf32, #tpu.memory_space<vmem>>, vector<1x1024x128xf32>
    %get3A_6 = vector.shape_cast %get3A_5 : vector<1x1024x128xf32> to vector<1024x128xf32>
    %get3A_7 = arith.constant 0 : index
    %get3A_8 = arith.constant 0 : index
    %get3A_9 = arith.constant 0 : index
    %get3A_10 = vector.load %arg3[%get3A_7, %get3A_8, %get3A_9] : memref<4x1024x128xf32, #tpu.memory_space<vmem>>, vector<1x1024x128xf32>
    %get3A_11 = vector.shape_cast %get3A_10 : vector<1x1024x128xf32> to vector<1024x128xf32>
    %add3A = arith.addf %get3A_6, %get3A_11 : vector<1024x128xf32>
    %get3A_12 = arith.constant 0 : index
    %get3A_13 = arith.constant 0 : index
    %get3A_14 = arith.constant 0 : index
    %get3A_15 = vector.load %arg4[%get3A_12, %get3A_13, %get3A_14] : memref<4x1024x128xf32, #tpu.memory_space<vmem>>, vector<1x1024x128xf32>
    %get3A_16 = vector.shape_cast %get3A_15 : vector<1x1024x128xf32> to vector<1024x128xf32>
    %add3A_17 = arith.addf %add3A, %get3A_16 : vector<1024x128xf32>
    %mul3A = arith.mulf %get3A_1, %add3A_17 : vector<1024x128xf32>
    %get3A_18 = arith.constant 1 : index
    %get3A_19 = arith.constant 0 : index
    %get3A_20 = arith.constant 0 : index
    %get3A_21 = vector.load %arg2[%get3A_18, %get3A_19, %get3A_20] : memref<4x1024x128xf32, #tpu.memory_space<vmem>>, vector<1x1024x128xf32>
    %get3A_22 = vector.shape_cast %get3A_21 : vector<1x1024x128xf32> to vector<1024x128xf32>
    %get3A_23 = arith.constant 1 : index
    %get3A_24 = arith.constant 0 : index
    %get3A_25 = arith.constant 0 : index
    %get3A_26 = vector.load %arg3[%get3A_23, %get3A_24, %get3A_25] : memref<4x1024x128xf32, #tpu.memory_space<vmem>>, vector<1x1024x128xf32>
    %get3A_27 = vector.shape_cast %get3A_26 : vector<1x1024x128xf32> to vector<1024x128xf32>
    %add3A_28 = arith.addf %get3A_22, %get3A_27 : vector<1024x128xf32>
    %get3A_29 = arith.constant 1 : index
    %get3A_30 = arith.constant 0 : index
    %get3A_31 = arith.constant 0 : index
    %get3A_32 = vector.load %arg4[%get3A_29, %get3A_30, %get3A_31] : memref<4x1024x128xf32, #tpu.memory_space<vmem>>, vector<1x1024x128xf32>
    %get3A_33 = vector.shape_cast %get3A_32 : vector<1x1024x128xf32> to vector<1024x128xf32>
    %add3A_34 = arith.addf %add3A_28, %get3A_33 : vector<1024x128xf32>
    %mul3A_35 = arith.mulf %get3A_1, %add3A_34 : vector<1024x128xf32>
    %get3A_36 = arith.constant 2 : index
    %get3A_37 = arith.constant 0 : index
    %get3A_38 = arith.constant 0 : index
    %get3A_39 = vector.load %arg2[%get3A_36, %get3A_37, %get3A_38] : memref<4x1024x128xf32, #tpu.memory_space<vmem>>, vector<1x1024x128xf32>
    %get3A_40 = vector.shape_cast %get3A_39 : vector<1x1024x128xf32> to vector<1024x128xf32>
    %get3A_41 = arith.constant 2 : index
    %get3A_42 = arith.constant 0 : index
    %get3A_43 = arith.constant 0 : index
    %get3A_44 = vector.load %arg3[%get3A_41, %get3A_42, %get3A_43] : memref<4x1024x128xf32, #tpu.memory_space<vmem>>, vector<1x1024x128xf32>
    %get3A_45 = vector.shape_cast %get3A_44 : vector<1x1024x128xf32> to vector<1024x128xf32>
    %add3A_46 = arith.addf %get3A_40, %get3A_45 : vector<1024x128xf32>
    %get3A_47 = arith.constant 2 : index
    %get3A_48 = arith.constant 0 : index
    %get3A_49 = arith.constant 0 : index
    %get3A_50 = vector.load %arg4[%get3A_47, %get3A_48, %get3A_49] : memref<4x1024x128xf32, #tpu.memory_space<vmem>>, vector<1x1024x128xf32>
    %get3A_51 = vector.shape_cast %get3A_50 : vector<1x1024x128xf32> to vector<1024x128xf32>
    %add3A_52 = arith.addf %add3A_46, %get3A_51 : vector<1024x128xf32>
    %mul3A_53 = arith.mulf %get3A_1, %add3A_52 : vector<1024x128xf32>
    %get3A_54 = arith.constant 3 : index
    %get3A_55 = arith.constant 0 : index
    %get3A_56 = arith.constant 0 : index
    %get3A_57 = vector.load %arg2[%get3A_54, %get3A_55, %get3A_56] : memref<4x1024x128xf32, #tpu.memory_space<vmem>>, vector<1x1024x128xf32>
    %get3A_58 = vector.shape_cast %get3A_57 : vector<1x1024x128xf32> to vector<1024x128xf32>
    %get3A_59 = arith.constant 3 : index
    %get3A_60 = arith.constant 0 : index
    %get3A_61 = arith.constant 0 : index
    %get3A_62 = vector.load %arg3[%get3A_59, %get3A_60, %get3A_61] : memref<4x1024x128xf32, #tpu.memory_space<vmem>>, vector<1x1024x128xf32>
    %get3A_63 = vector.shape_cast %get3A_62 : vector<1x1024x128xf32> to vector<1024x128xf32>
    %add3A_64 = arith.addf %get3A_58, %get3A_63 : vector<1024x128xf32>
    %get3A_65 = arith.constant 3 : index
    %get3A_66 = arith.constant 0 : index
    %get3A_67 = arith.constant 0 : index
    %get3A_68 = vector.load %arg4[%get3A_65, %get3A_66, %get3A_67] : memref<4x1024x128xf32, #tpu.memory_space<vmem>>, vector<1x1024x128xf32>
    %get3A_69 = vector.shape_cast %get3A_68 : vector<1x1024x128xf32> to vector<1024x128xf32>
    %add3A_70 = arith.addf %add3A_64, %get3A_69 : vector<1024x128xf32>
    %mul3A_71 = arith.mulf %get3A_1, %add3A_70 : vector<1024x128xf32>
    %concatenate3A = tpu.concatenate %mul3A, %mul3A_35, %mul3A_53, %mul3A_71 in 1 : vector<1024x128xf32>, vector<1024x128xf32>, vector<1024x128xf32>, vector<1024x128xf32> -> vector<1024x512xf32>
    %get3A_72 = arith.constant 0 : index
    %get3A_73 = arith.constant 0 : index
    %get3A_74 = vector.load %arg6[%get3A_72, %get3A_73] : memref<512x512xf32, #tpu.memory_space<vmem>>, vector<512x512xf32>
    %dot_general3A = arith.constant dense<0.000000e+00> : vector<1024x512xf32>
    %dot_general3A_75 = tpu.matmul %concatenate3A, %get3A_74, %dot_general3A {dimension_numbers = #tpu.dot_dimension_numbers<[1], [0], [0], [1], [0, 0, 1, 1], [], []>, precision = #tpu.contract_precision<fp32>, transpose_lhs_hint = false} : vector<1024x512xf32>, vector<512x512xf32>, vector<1024x512xf32> -> vector<1024x512xf32>
    %get3A_76 = arith.constant 0 : index
    %get3A_77 = arith.constant 0 : index
    %get3A_78 = vector.load %arg7[%get3A_76, %get3A_77] : memref<1x512xf32, #tpu.memory_space<vmem>>, vector<1x512xf32>
    %add3A_79 = vector.broadcast %get3A_78 : vector<1x512xf32> to vector<1024x512xf32>
    %add3A_80 = arith.addf %dot_general3A_75, %add3A_79 : vector<1024x512xf32>
    %max3A = arith.constant 0.000000e+00 : f32
    %max3A_81 = vector.broadcast %max3A : f32 to vector<1024x512xf32>
    %max3A_82 = arith.maximumf %add3A_80, %max3A_81 : vector<1024x512xf32>
    %swap3A = arith.constant 0 : index
    %swap3A_83 = arith.constant 0 : index
    %swap3A_84 = vector.load %arg8[%swap3A, %swap3A_83] : memref<1024x512xf32, #tpu.memory_space<vmem>>, vector<1024x512xf32>
    tpu.vector_store %arg8[%swap3A, %swap3A_83], %max3A_82 {strides = array<i32>} : memref<1024x512xf32, #tpu.memory_space<vmem>>, vector<1024x512xf32>,
    %mul3A_85 = arith.constant 1024 : i32
    %mul3A_86 = arith.muli %arg1, %mul3A_85 : i32
    %iota3A = tpu.iota {dimensions = array<i32: 0>} : vector<1024x1xi32>
    %add3A_87 = vector.broadcast %mul3A_86 : i32 to vector<1024x1xi32>
    %add3A_88 = arith.addi %add3A_87, %iota3A : vector<1024x1xi32>
    %lt3A = arith.constant 10000 : i32
    %lt3A_89 = vector.broadcast %lt3A : i32 to vector<1024x1xi32>
    %lt3A_90 = arith.cmpi slt, %add3A_88, %lt3A_89 : vector<1024x1xi32>
    %convert_element_type3A = arith.extui %lt3A_90 : vector<1024x1xi1> to vector<1024x1xi32>
    %convert_element_type3A_91 = arith.sitofp %convert_element_type3A : vector<1024x1xi32> to vector<1024x1xf32>
    %mul3A_92 = vector.broadcast %convert_element_type3A_91 : vector<1024x1xf32> to vector<1024x512xf32>
    %mul3A_93 = arith.mulf %max3A_82, %mul3A_92 : vector<1024x512xf32>
    %reduce_sum3A = arith.constant dense<0.000000e+00> : vector<512xf32>
    %reduce_sum3A_94 = vector.multi_reduction <add>, %mul3A_93, %reduce_sum3A [0] : vector<1024x512xf32> to vector<512xf32>
    %broadcast_in_dim3A = vector.shape_cast %reduce_sum3A_94 : vector<512xf32> to vector<1x512xf32>
    %mul3A_95 = arith.mulf %mul3A_93, %max3A_82 : vector<1024x512xf32>
    %reduce_sum3A_96 = arith.constant dense<0.000000e+00> : vector<512xf32>
    %reduce_sum3A_97 = vector.multi_reduction <add>, %mul3A_95, %reduce_sum3A_96 [0] : vector<1024x512xf32> to vector<512xf32>
    %broadcast_in_dim3A_98 = vector.shape_cast %reduce_sum3A_97 : vector<512xf32> to vector<1x512xf32>
    %broadcast_in_dim3A_99 = arith.constant 0.000000e+00 : f32
    %broadcast_in_dim3A_100 = vector.broadcast %broadcast_in_dim3A_99 : f32 to vector<6x512xf32>
    %concatenate3A_101 = tpu.concatenate %broadcast_in_dim3A, %broadcast_in_dim3A_98, %broadcast_in_dim3A_100 in 0 : vector<1x512xf32>, vector<1x512xf32>, vector<6x512xf32> -> vector<8x512xf32>
    %eq3A = arith.constant 0 : i32
    %eq3A_102 = arith.cmpi eq, %arg1, %eq3A : i32
    %convert_element_type3A_103 = arith.extui %eq3A_102 : i1 to i32
    %cond3A = arith.constant 0 : i32
    %cond3A_104 = arith.cmpi ne, %convert_element_type3A_103, %cond3A : i32
    scf.if %cond3A_104 {
      %swap3A_109 = arith.constant 0 : index
      %swap3A_110 = arith.constant 0 : index
      %swap3A_111 = vector.load %arg9[%swap3A_109, %swap3A_110] : memref<8x512xf32, #tpu.memory_space<vmem>>, vector<8x512xf32>
      tpu.vector_store %arg9[%swap3A_109, %swap3A_110], %concatenate3A_101 {strides = array<i32>} : memref<8x512xf32, #tpu.memory_space<vmem>>, vector<8x512xf32>,
    } else {
    }
    %gt3A = arith.constant 0 : i32
    %gt3A_105 = arith.cmpi sgt, %arg1, %gt3A : i32
    %convert_element_type3A_106 = arith.extui %gt3A_105 : i1 to i32
    %cond3A_107 = arith.constant 0 : i32
    %cond3A_108 = arith.cmpi ne, %convert_element_type3A_106, %cond3A_107 : i32
    scf.if %cond3A_108 {
      %get3A_109 = arith.constant 0 : index
      %get3A_110 = arith.constant 0 : index
      %get3A_111 = vector.load %arg9[%get3A_109, %get3A_110] : memref<8x512xf32, #tpu.memory_space<vmem>>, vector<8x512xf32>
      %add3A_112 = arith.addf %get3A_111, %concatenate3A_101 : vector<8x512xf32>
      %swap3A_113 = arith.constant 0 : index
      %swap3A_114 = arith.constant 0 : index
      %swap3A_115 = vector.load %arg9[%swap3A_113, %swap3A_114] : memref<8x512xf32, #tpu.memory_space<vmem>>, vector<8x512xf32>
      tpu.vector_store %arg9[%swap3A_113, %swap3A_114], %add3A_112 {strides = array<i32>} : memref<8x512xf32, #tpu.memory_space<vmem>>, vector<8x512xf32>,
    } else {
    }
    return
  }
  func.func @transform_0(%arg0: i32, %arg1: i32) -> (i32, i32, i32) {
    %c0_i32 = arith.constant 0 : i32
    %c0_i32_0 = arith.constant 0 : i32
    %c0_i32_1 = arith.constant 0 : i32
    return %c0_i32, %arg1, %c0_i32_0 : i32, i32, i32
  }
  func.func @transform_1(%arg0: i32, %arg1: i32) -> (i32, i32, i32) {
    %c0_i32 = arith.constant 0 : i32
    %c0_i32_0 = arith.constant 0 : i32
    %c0_i32_1 = arith.constant 0 : i32
    return %c0_i32, %arg1, %c0_i32_0 : i32, i32, i32
  }
  func.func @transform_2(%arg0: i32, %arg1: i32) -> (i32, i32, i32) {
    %c0_i32 = arith.constant 0 : i32
    %c0_i32_0 = arith.constant 0 : i32
    %c0_i32_1 = arith.constant 0 : i32
    return %c0_i32, %arg1, %c0_i32_0 : i32, i32, i32
  }
  func.func @transform_3(%arg0: i32, %arg1: i32) -> (i32, i32) {
    %c0_i32 = arith.constant 0 : i32
    %c0_i32_0 = arith.constant 0 : i32
    return %arg1, %c0_i32 : i32, i32
  }
  func.func @transform_4(%arg0: i32, %arg1: i32) -> (i32, i32) {
    %c0_i32 = arith.constant 0 : i32
    %c0_i32_0 = arith.constant 0 : i32
    return %c0_i32, %arg0 : i32, i32
  }
  func.func @transform_5(%arg0: i32, %arg1: i32) -> (i32, i32) {
    %c0_i32 = arith.constant 0 : i32
    %c0_i32_0 = arith.constant 0 : i32
    return %c0_i32, %arg0 : i32, i32
  }
  func.func @transform_6(%arg0: i32, %arg1: i32) -> (i32, i32) {
    %c0_i32 = arith.constant 0 : i32
    return %arg1, %arg0 : i32, i32
  }
  func.func @transform_7(%arg0: i32, %arg1: i32) -> (i32, i32) {
    %c0_i32 = arith.constant 0 : i32
    %c0_i32_0 = arith.constant 0 : i32
    return %c0_i32, %arg0 : i32, i32
  }
}

module attributes {stable_mosaic.version = 14 : i64} {
  func.func @body(%arg0: i32, %arg1: i32, %arg2: memref<1024x512xf32, #tpu.memory_space<vmem>>, %arg3: memref<8x512xf32, #tpu.memory_space<vmem>>, %arg4: memref<1x512xf32, #tpu.memory_space<vmem>>, %arg5: memref<1x512xf32, #tpu.memory_space<vmem>>, %arg6: memref<512x128xf32, #tpu.memory_space<vmem>>, %arg7: memref<1x128xf32, #tpu.memory_space<vmem>>, %arg8: memref<1024x128xf32, #tpu.memory_space<vmem>>, %arg9: memref<1024x128xf32, #tpu.memory_space<vmem>>) attributes {dimension_semantics = [#tpu.dimension_semantics<arbitrary>, #tpu.dimension_semantics<arbitrary>], iteration_bounds = array<i64: 10, 2>, scalar_prefetch = 0 : i64, scratch_operands = 1 : i64, tpu.core_type = #tpu.core_type<tc>, window_params = [{transform_indices = @transform_0, window_bounds = array<i64: 1024, 512>}, {transform_indices = @transform_1, window_bounds = array<i64: 8, 512>}, {transform_indices = @transform_2, window_bounds = array<i64: 1, 512>}, {transform_indices = @transform_3, window_bounds = array<i64: 1, 512>}, {transform_indices = @transform_4, window_bounds = array<i64: 512, 128>}, {pipeline_mode = #tpu.pipeline_mode<synchronous>, transform_indices = @transform_5, window_bounds = array<i64: 1, 128>}, {transform_indices = @transform_6, window_bounds = array<i64: 1024, 128>}]} {
    %get3A = arith.constant 0 : index
    %get3A_0 = arith.constant 0 : index
    %get3A_1 = vector.load %arg3[%get3A, %get3A_0] : memref<8x512xf32, #tpu.memory_space<vmem>>, vector<8x512xf32>
    %get3A_2 = arith.constant 0 : index
    %get3A_3 = arith.constant 0 : index
    %get3A_4 = vector.load %arg4[%get3A_2, %get3A_3] : memref<1x512xf32, #tpu.memory_space<vmem>>, vector<1x512xf32>
    %get3A_5 = arith.constant 0 : index
    %get3A_6 = arith.constant 0 : index
    %get3A_7 = vector.load %arg5[%get3A_5, %get3A_6] : memref<1x512xf32, #tpu.memory_space<vmem>>, vector<1x512xf32>
    %slice3A = vector.extract_strided_slice %get3A_1 {offsets = [0, 0], sizes = [1, 512], strides = [1, 1]} : vector<8x512xf32> to vector<1x512xf32>
    %mul3A = arith.constant 9.99999974E-5 : f32
    %mul3A_8 = vector.broadcast %mul3A : f32 to vector<1x512xf32>
    %mul3A_9 = arith.mulf %slice3A, %mul3A_8 : vector<1x512xf32>
    %slice3A_10 = vector.extract_strided_slice %get3A_1 {offsets = [1, 0], sizes = [1, 512], strides = [1, 1]} : vector<8x512xf32> to vector<1x512xf32>
    %mul3A_11 = arith.constant 9.99999974E-5 : f32
    %mul3A_12 = vector.broadcast %mul3A_11 : f32 to vector<1x512xf32>
    %mul3A_13 = arith.mulf %slice3A_10, %mul3A_12 : vector<1x512xf32>
    %mul3A_14 = arith.mulf %mul3A_9, %mul3A_9 : vector<1x512xf32>
    %sub3A = arith.subf %mul3A_13, %mul3A_14 : vector<1x512xf32>
    %add3A = arith.constant 9.99999974E-6 : f32
    %add3A_15 = vector.broadcast %add3A : f32 to vector<1x512xf32>
    %add3A_16 = arith.addf %sub3A, %add3A_15 : vector<1x512xf32>
    %rsqrt3A = math.rsqrt %add3A_16 : vector<1x512xf32>
    %mul3A_17 = arith.mulf %get3A_4, %rsqrt3A : vector<1x512xf32>
    %mul3A_18 = arith.mulf %mul3A_9, %mul3A_17 : vector<1x512xf32>
    %sub3A_19 = arith.subf %get3A_7, %mul3A_18 : vector<1x512xf32>
    %get3A_20 = arith.constant 0 : index
    %get3A_21 = arith.constant 0 : index
    %get3A_22 = vector.load %arg2[%get3A_20, %get3A_21] : memref<1024x512xf32, #tpu.memory_space<vmem>>, vector<1024x512xf32>
    %mul3A_23 = vector.broadcast %mul3A_17 : vector<1x512xf32> to vector<1024x512xf32>
    %mul3A_24 = arith.mulf %get3A_22, %mul3A_23 : vector<1024x512xf32>
    %add3A_25 = vector.broadcast %sub3A_19 : vector<1x512xf32> to vector<1024x512xf32>
    %add3A_26 = arith.addf %mul3A_24, %add3A_25 : vector<1024x512xf32>
    %get3A_27 = arith.constant 0 : index
    %get3A_28 = arith.constant 0 : index
    %get3A_29 = vector.load %arg6[%get3A_27, %get3A_28] : memref<512x128xf32, #tpu.memory_space<vmem>>, vector<512x128xf32>
    %dot_general3A = arith.constant dense<0.000000e+00> : vector<1024x128xf32>
    %dot_general3A_30 = tpu.matmul %add3A_26, %get3A_29, %dot_general3A {dimension_numbers = #tpu.dot_dimension_numbers<[1], [0], [0], [1], [0, 0, 1, 1], [], []>, precision = #tpu.contract_precision<fp32>, transpose_lhs_hint = false} : vector<1024x512xf32>, vector<512x128xf32>, vector<1024x128xf32> -> vector<1024x128xf32>
    %eq3A = arith.constant 0 : i32
    %eq3A_31 = arith.cmpi eq, %arg1, %eq3A : i32
    %convert_element_type3A = arith.extui %eq3A_31 : i1 to i32
    %cond3A = arith.constant 0 : i32
    %cond3A_32 = arith.cmpi ne, %convert_element_type3A, %cond3A : i32
    scf.if %cond3A_32 {
      %swap3A = arith.constant 0 : index
      %swap3A_42 = arith.constant 0 : index
      %swap3A_43 = vector.load %arg9[%swap3A, %swap3A_42] : memref<1024x128xf32, #tpu.memory_space<vmem>>, vector<1024x128xf32>
      tpu.vector_store %arg9[%swap3A, %swap3A_42], %dot_general3A_30 {strides = array<i32>} : memref<1024x128xf32, #tpu.memory_space<vmem>>, vector<1024x128xf32>,
    } else {
    }
    %gt3A = arith.constant 0 : i32
    %gt3A_33 = arith.cmpi sgt, %arg1, %gt3A : i32
    %convert_element_type3A_34 = arith.extui %gt3A_33 : i1 to i32
    %cond3A_35 = arith.constant 0 : i32
    %cond3A_36 = arith.cmpi ne, %convert_element_type3A_34, %cond3A_35 : i32
    scf.if %cond3A_36 {
      %get3A_42 = arith.constant 0 : index
      %get3A_43 = arith.constant 0 : index
      %get3A_44 = vector.load %arg9[%get3A_42, %get3A_43] : memref<1024x128xf32, #tpu.memory_space<vmem>>, vector<1024x128xf32>
      %add3A_45 = arith.addf %get3A_44, %dot_general3A_30 : vector<1024x128xf32>
      %swap3A = arith.constant 0 : index
      %swap3A_46 = arith.constant 0 : index
      %swap3A_47 = vector.load %arg9[%swap3A, %swap3A_46] : memref<1024x128xf32, #tpu.memory_space<vmem>>, vector<1024x128xf32>
      tpu.vector_store %arg9[%swap3A, %swap3A_46], %add3A_45 {strides = array<i32>} : memref<1024x128xf32, #tpu.memory_space<vmem>>, vector<1024x128xf32>,
    } else {
    }
    %eq3A_37 = arith.constant 1 : i32
    %eq3A_38 = arith.cmpi eq, %arg1, %eq3A_37 : i32
    %convert_element_type3A_39 = arith.extui %eq3A_38 : i1 to i32
    %cond3A_40 = arith.constant 0 : i32
    %cond3A_41 = arith.cmpi ne, %convert_element_type3A_39, %cond3A_40 : i32
    scf.if %cond3A_41 {
      %get3A_42 = arith.constant 0 : index
      %get3A_43 = arith.constant 0 : index
      %get3A_44 = vector.load %arg9[%get3A_42, %get3A_43] : memref<1024x128xf32, #tpu.memory_space<vmem>>, vector<1024x128xf32>
      %get3A_45 = arith.constant 0 : index
      %get3A_46 = arith.constant 0 : index
      %get3A_47 = vector.load %arg7[%get3A_45, %get3A_46] : memref<1x128xf32, #tpu.memory_space<vmem>>, vector<1x128xf32>
      %add3A_48 = vector.broadcast %get3A_47 : vector<1x128xf32> to vector<1024x128xf32>
      %add3A_49 = arith.addf %get3A_44, %add3A_48 : vector<1024x128xf32>
      %swap3A = arith.constant 0 : index
      %swap3A_50 = arith.constant 0 : index
      %swap3A_51 = vector.load %arg8[%swap3A, %swap3A_50] : memref<1024x128xf32, #tpu.memory_space<vmem>>, vector<1024x128xf32>
      tpu.vector_store %arg8[%swap3A, %swap3A_50], %add3A_49 {strides = array<i32>} : memref<1024x128xf32, #tpu.memory_space<vmem>>, vector<1024x128xf32>,
    } else {
    }
    return
  }
  func.func @transform_0(%arg0: i32, %arg1: i32) -> (i32, i32) {
    %c0_i32 = arith.constant 0 : i32
    return %arg0, %arg1 : i32, i32
  }
  func.func @transform_1(%arg0: i32, %arg1: i32) -> (i32, i32) {
    %c0_i32 = arith.constant 0 : i32
    %c0_i32_0 = arith.constant 0 : i32
    return %c0_i32, %arg1 : i32, i32
  }
  func.func @transform_2(%arg0: i32, %arg1: i32) -> (i32, i32) {
    %c0_i32 = arith.constant 0 : i32
    %c0_i32_0 = arith.constant 0 : i32
    return %c0_i32, %arg1 : i32, i32
  }
  func.func @transform_3(%arg0: i32, %arg1: i32) -> (i32, i32) {
    %c0_i32 = arith.constant 0 : i32
    %c0_i32_0 = arith.constant 0 : i32
    return %c0_i32, %arg1 : i32, i32
  }
  func.func @transform_4(%arg0: i32, %arg1: i32) -> (i32, i32) {
    %c0_i32 = arith.constant 0 : i32
    %c0_i32_0 = arith.constant 0 : i32
    return %arg1, %c0_i32 : i32, i32
  }
  func.func @transform_5(%arg0: i32, %arg1: i32) -> (i32, i32) {
    %c0_i32 = arith.constant 0 : i32
    %c0_i32_0 = arith.constant 0 : i32
    %c0_i32_1 = arith.constant 0 : i32
    return %c0_i32, %c0_i32_0 : i32, i32
  }
  func.func @transform_6(%arg0: i32, %arg1: i32) -> (i32, i32) {
    %c0_i32 = arith.constant 0 : i32
    %c0_i32_0 = arith.constant 0 : i32
    return %arg0, %c0_i32 : i32, i32
  }
}

module attributes {stable_mosaic.version = 14 : i64} {
  func.func @body(%arg0: i32, %arg1: memref<1024x128xf32, #tpu.memory_space<vmem>>, %arg2: memref<1024x128xi32, #tpu.memory_space<vmem>>, %arg3: memref<8x256xf32, #tpu.memory_space<vmem>>) attributes {dimension_semantics = [#tpu.dimension_semantics<arbitrary>], iteration_bounds = array<i64: 10>, scalar_prefetch = 0 : i64, scratch_operands = 0 : i64, tpu.core_type = #tpu.core_type<tc>, window_params = [{transform_indices = @transform_0, window_bounds = array<i64: 1024, 128>}, {transform_indices = @transform_1, window_bounds = array<i64: 1024, 128>}, {pipeline_mode = #tpu.pipeline_mode<synchronous>, transform_indices = @transform_2, window_bounds = array<i64: 8, 256>}]} {
    %get3A = arith.constant 0 : index
    %get3A_0 = arith.constant 0 : index
    %get3A_1 = vector.load %arg1[%get3A, %get3A_0] : memref<1024x128xf32, #tpu.memory_space<vmem>>, vector<1024x1xf32>
    %get3A_2 = arith.constant 0 : index
    %get3A_3 = arith.constant 0 : index
    %get3A_4 = vector.load %arg2[%get3A_2, %get3A_3] : memref<1024x128xi32, #tpu.memory_space<vmem>>, vector<1024x1xi32>
    %iota3A = tpu.iota {dimensions = array<i32: 1>} : vector<1x256xi32>
    %eq3A = vector.broadcast %get3A_4 : vector<1024x1xi32> to vector<1024x256xi32>
    %eq3A_5 = vector.broadcast %iota3A : vector<1x256xi32> to vector<1024x256xi32>
    %eq3A_6 = arith.cmpi eq, %eq3A, %eq3A_5 : vector<1024x256xi32>
    %jit3A = arith.constant -1.000000e+30 : f32
    %broadcast_in_dim3A = vector.shape_cast %get3A_1 : vector<1024x1xf32> to vector<1024x1xf32>
    %broadcast_in_dim3A_7 = vector.broadcast %broadcast_in_dim3A : vector<1024x1xf32> to vector<1024x256xf32>
    %broadcast_in_dim3A_8 = vector.broadcast %jit3A : f32 to vector<1024x256xf32>
    %select_n3A = arith.select %eq3A_6, %broadcast_in_dim3A_7, %broadcast_in_dim3A_8 : vector<1024x256xi1>, vector<1024x256xf32>
    %reduce_max3A = arith.constant dense<0xFF800000> : vector<256xf32>
    %reduce_max3A_9 = vector.multi_reduction <maximumf>, %select_n3A, %reduce_max3A [0] : vector<1024x256xf32> to vector<256xf32>
    %broadcast_in_dim3A_10 = vector.shape_cast %reduce_max3A_9 : vector<256xf32> to vector<1x256xf32>
    %broadcast_in_dim3A_11 = vector.shape_cast %broadcast_in_dim3A_10 : vector<1x256xf32> to vector<1x256xf32>
    %broadcast_in_dim3A_12 = vector.broadcast %broadcast_in_dim3A_11 : vector<1x256xf32> to vector<8x256xf32>
    %eq3A_13 = arith.constant 0 : i32
    %eq3A_14 = arith.cmpi eq, %arg0, %eq3A_13 : i32
    %convert_element_type3A = arith.extui %eq3A_14 : i1 to i32
    %cond3A = arith.constant 0 : i32
    %cond3A_15 = arith.cmpi ne, %convert_element_type3A, %cond3A : i32
    scf.if %cond3A_15 {
      %swap3A = arith.constant 0 : index
      %swap3A_20 = arith.constant 0 : index
      %swap3A_21 = vector.load %arg3[%swap3A, %swap3A_20] : memref<8x256xf32, #tpu.memory_space<vmem>>, vector<8x256xf32>
      tpu.vector_store %arg3[%swap3A, %swap3A_20], %broadcast_in_dim3A_12 {strides = array<i32>} : memref<8x256xf32, #tpu.memory_space<vmem>>, vector<8x256xf32>,
    } else {
    }
    %gt3A = arith.constant 0 : i32
    %gt3A_16 = arith.cmpi sgt, %arg0, %gt3A : i32
    %convert_element_type3A_17 = arith.extui %gt3A_16 : i1 to i32
    %cond3A_18 = arith.constant 0 : i32
    %cond3A_19 = arith.cmpi ne, %convert_element_type3A_17, %cond3A_18 : i32
    scf.if %cond3A_19 {
      %get3A_20 = arith.constant 0 : index
      %get3A_21 = arith.constant 0 : index
      %get3A_22 = vector.load %arg3[%get3A_20, %get3A_21] : memref<8x256xf32, #tpu.memory_space<vmem>>, vector<8x256xf32>
      %max3A = arith.maximumf %get3A_22, %broadcast_in_dim3A_12 : vector<8x256xf32>
      %swap3A = arith.constant 0 : index
      %swap3A_23 = arith.constant 0 : index
      %swap3A_24 = vector.load %arg3[%swap3A, %swap3A_23] : memref<8x256xf32, #tpu.memory_space<vmem>>, vector<8x256xf32>
      tpu.vector_store %arg3[%swap3A, %swap3A_23], %max3A {strides = array<i32>} : memref<8x256xf32, #tpu.memory_space<vmem>>, vector<8x256xf32>,
    } else {
    }
    return
  }
  func.func @transform_0(%arg0: i32) -> (i32, i32) {
    %c0_i32 = arith.constant 0 : i32
    %c0_i32_0 = arith.constant 0 : i32
    return %arg0, %c0_i32 : i32, i32
  }
  func.func @transform_1(%arg0: i32) -> (i32, i32) {
    %c0_i32 = arith.constant 0 : i32
    %c0_i32_0 = arith.constant 0 : i32
    return %arg0, %c0_i32 : i32, i32
  }
  func.func @transform_2(%arg0: i32) -> (i32, i32) {
    %c0_i32 = arith.constant 0 : i32
    %c0_i32_0 = arith.constant 0 : i32
    %c0_i32_1 = arith.constant 0 : i32
    return %c0_i32, %c0_i32_0 : i32, i32
  }
}

module attributes {stable_mosaic.version = 14 : i64} {
  func.func @body(%arg0: i32, %arg1: memref<1024x1024xf32, #tpu.memory_space<vmem>>, %arg2: memref<8x1024xf32, #tpu.memory_space<vmem>>, %arg3: memref<1x1024xf32, #tpu.memory_space<vmem>>, %arg4: memref<1x1024xf32, #tpu.memory_space<vmem>>, %arg5: memref<1024x128xf32, #tpu.memory_space<vmem>>, %arg6: memref<1024x128xi32, #tpu.memory_space<vmem>>, %arg7: memref<8x256xf32, #tpu.memory_space<vmem>>, %arg8: memref<256x1152xf32, #tpu.memory_space<vmem>>) attributes {dimension_semantics = [#tpu.dimension_semantics<arbitrary>], iteration_bounds = array<i64: 10>, scalar_prefetch = 0 : i64, scratch_operands = 0 : i64, tpu.core_type = #tpu.core_type<tc>, window_params = [{transform_indices = @transform_0, window_bounds = array<i64: 1024, 1024>}, {pipeline_mode = #tpu.pipeline_mode<synchronous>, transform_indices = @transform_1, window_bounds = array<i64: 8, 1024>}, {pipeline_mode = #tpu.pipeline_mode<synchronous>, transform_indices = @transform_2, window_bounds = array<i64: 1, 1024>}, {pipeline_mode = #tpu.pipeline_mode<synchronous>, transform_indices = @transform_3, window_bounds = array<i64: 1, 1024>}, {transform_indices = @transform_4, window_bounds = array<i64: 1024, 128>}, {transform_indices = @transform_5, window_bounds = array<i64: 1024, 128>}, {pipeline_mode = #tpu.pipeline_mode<synchronous>, transform_indices = @transform_6, window_bounds = array<i64: 8, 256>}, {pipeline_mode = #tpu.pipeline_mode<synchronous>, transform_indices = @transform_7, window_bounds = array<i64: 256, 1152>}]} {
    %get3A = arith.constant 0 : index
    %get3A_0 = arith.constant 0 : index
    %get3A_1 = vector.load %arg2[%get3A, %get3A_0] : memref<8x1024xf32, #tpu.memory_space<vmem>>, vector<8x1024xf32>
    %get3A_2 = arith.constant 0 : index
    %get3A_3 = arith.constant 0 : index
    %get3A_4 = vector.load %arg3[%get3A_2, %get3A_3] : memref<1x1024xf32, #tpu.memory_space<vmem>>, vector<1x1024xf32>
    %get3A_5 = arith.constant 0 : index
    %get3A_6 = arith.constant 0 : index
    %get3A_7 = vector.load %arg4[%get3A_5, %get3A_6] : memref<1x1024xf32, #tpu.memory_space<vmem>>, vector<1x1024xf32>
    %slice3A = vector.extract_strided_slice %get3A_1 {offsets = [0, 0], sizes = [1, 1024], strides = [1, 1]} : vector<8x1024xf32> to vector<1x1024xf32>
    %mul3A = arith.constant 9.99999974E-5 : f32
    %mul3A_8 = vector.broadcast %mul3A : f32 to vector<1x1024xf32>
    %mul3A_9 = arith.mulf %slice3A, %mul3A_8 : vector<1x1024xf32>
    %slice3A_10 = vector.extract_strided_slice %get3A_1 {offsets = [1, 0], sizes = [1, 1024], strides = [1, 1]} : vector<8x1024xf32> to vector<1x1024xf32>
    %mul3A_11 = arith.constant 9.99999974E-5 : f32
    %mul3A_12 = vector.broadcast %mul3A_11 : f32 to vector<1x1024xf32>
    %mul3A_13 = arith.mulf %slice3A_10, %mul3A_12 : vector<1x1024xf32>
    %mul3A_14 = arith.mulf %mul3A_9, %mul3A_9 : vector<1x1024xf32>
    %sub3A = arith.subf %mul3A_13, %mul3A_14 : vector<1x1024xf32>
    %add3A = arith.constant 9.99999974E-6 : f32
    %add3A_15 = vector.broadcast %add3A : f32 to vector<1x1024xf32>
    %add3A_16 = arith.addf %sub3A, %add3A_15 : vector<1x1024xf32>
    %rsqrt3A = math.rsqrt %add3A_16 : vector<1x1024xf32>
    %mul3A_17 = arith.mulf %get3A_4, %rsqrt3A : vector<1x1024xf32>
    %mul3A_18 = arith.mulf %mul3A_9, %mul3A_17 : vector<1x1024xf32>
    %sub3A_19 = arith.subf %get3A_7, %mul3A_18 : vector<1x1024xf32>
    %get3A_20 = arith.constant 0 : index
    %get3A_21 = arith.constant 0 : index
    %get3A_22 = vector.load %arg1[%get3A_20, %get3A_21] : memref<1024x1024xf32, #tpu.memory_space<vmem>>, vector<1024x1024xf32>
    %mul3A_23 = vector.broadcast %mul3A_17 : vector<1x1024xf32> to vector<1024x1024xf32>
    %mul3A_24 = arith.mulf %get3A_22, %mul3A_23 : vector<1024x1024xf32>
    %add3A_25 = vector.broadcast %sub3A_19 : vector<1x1024xf32> to vector<1024x1024xf32>
    %add3A_26 = arith.addf %mul3A_24, %add3A_25 : vector<1024x1024xf32>
    %broadcast_in_dim3A = arith.constant 1.000000e+00 : f32
    %broadcast_in_dim3A_27 = vector.broadcast %broadcast_in_dim3A : f32 to vector<1024x128xf32>
    %concatenate3A = tpu.concatenate %add3A_26, %broadcast_in_dim3A_27 in 1 : vector<1024x1024xf32>, vector<1024x128xf32> -> vector<1024x1152xf32>
    %get3A_28 = arith.constant 0 : index
    %get3A_29 = arith.constant 0 : index
    %get3A_30 = vector.load %arg5[%get3A_28, %get3A_29] : memref<1024x128xf32, #tpu.memory_space<vmem>>, vector<1024x1xf32>
    %get3A_31 = arith.constant 0 : index
    %get3A_32 = arith.constant 0 : index
    %get3A_33 = vector.load %arg6[%get3A_31, %get3A_32] : memref<1024x128xi32, #tpu.memory_space<vmem>>, vector<1024x1xi32>
    %iota3A = tpu.iota {dimensions = array<i32: 1>} : vector<1x256xi32>
    %get3A_34 = arith.constant 0 : index
    %get3A_35 = arith.constant 0 : index
    %get3A_36 = vector.load %arg7[%get3A_34, %get3A_35] : memref<8x256xf32, #tpu.memory_space<vmem>>, vector<1x256xf32>
    %eq3A = vector.broadcast %get3A_33 : vector<1024x1xi32> to vector<1024x256xi32>
    %eq3A_37 = vector.broadcast %iota3A : vector<1x256xi32> to vector<1024x256xi32>
    %eq3A_38 = arith.cmpi eq, %eq3A, %eq3A_37 : vector<1024x256xi32>
    %sub3A_39 = vector.broadcast %get3A_30 : vector<1024x1xf32> to vector<1024x256xf32>
    %sub3A_40 = vector.broadcast %get3A_36 : vector<1x256xf32> to vector<1024x256xf32>
    %sub3A_41 = arith.subf %sub3A_39, %sub3A_40 : vector<1024x256xf32>
    %jit3A = arith.constant -1.000000e+30 : f32
    %broadcast_in_dim3A_42 = vector.broadcast %jit3A : f32 to vector<1024x256xf32>
    %select_n3A = arith.select %eq3A_38, %sub3A_41, %broadcast_in_dim3A_42 : vector<1024x256xi1>, vector<1024x256xf32>
    %exp3A = math.exp %select_n3A : vector<1024x256xf32>
    %dot_general3A = arith.constant dense<0.000000e+00> : vector<256x1152xf32>
    %dot_general3A_43 = tpu.matmul %exp3A, %concatenate3A, %dot_general3A {dimension_numbers = #tpu.dot_dimension_numbers<[0], [0], [1], [1], [0, 1, 1, 1], [], []>, precision = #tpu.contract_precision<fp32>, transpose_lhs_hint = false} : vector<1024x256xf32>, vector<1024x1152xf32>, vector<256x1152xf32> -> vector<256x1152xf32>
    %eq3A_44 = arith.constant 0 : i32
    %eq3A_45 = arith.cmpi eq, %arg0, %eq3A_44 : i32
    %convert_element_type3A = arith.extui %eq3A_45 : i1 to i32
    %cond3A = arith.constant 0 : i32
    %cond3A_46 = arith.cmpi ne, %convert_element_type3A, %cond3A : i32
    scf.if %cond3A_46 {
      %swap3A = arith.constant 0 : index
      %swap3A_51 = arith.constant 0 : index
      %swap3A_52 = vector.load %arg8[%swap3A, %swap3A_51] : memref<256x1152xf32, #tpu.memory_space<vmem>>, vector<256x1152xf32>
      tpu.vector_store %arg8[%swap3A, %swap3A_51], %dot_general3A_43 {strides = array<i32>} : memref<256x1152xf32, #tpu.memory_space<vmem>>, vector<256x1152xf32>,
    } else {
    }
    %gt3A = arith.constant 0 : i32
    %gt3A_47 = arith.cmpi sgt, %arg0, %gt3A : i32
    %convert_element_type3A_48 = arith.extui %gt3A_47 : i1 to i32
    %cond3A_49 = arith.constant 0 : i32
    %cond3A_50 = arith.cmpi ne, %convert_element_type3A_48, %cond3A_49 : i32
    scf.if %cond3A_50 {
      %get3A_51 = arith.constant 0 : index
      %get3A_52 = arith.constant 0 : index
      %get3A_53 = vector.load %arg8[%get3A_51, %get3A_52] : memref<256x1152xf32, #tpu.memory_space<vmem>>, vector<256x1152xf32>
      %add3A_54 = arith.addf %get3A_53, %dot_general3A_43 : vector<256x1152xf32>
      %swap3A = arith.constant 0 : index
      %swap3A_55 = arith.constant 0 : index
      %swap3A_56 = vector.load %arg8[%swap3A, %swap3A_55] : memref<256x1152xf32, #tpu.memory_space<vmem>>, vector<256x1152xf32>
      tpu.vector_store %arg8[%swap3A, %swap3A_55], %add3A_54 {strides = array<i32>} : memref<256x1152xf32, #tpu.memory_space<vmem>>, vector<256x1152xf32>,
    } else {
    }
    return
  }
  func.func @transform_0(%arg0: i32) -> (i32, i32) {
    %c0_i32 = arith.constant 0 : i32
    %c0_i32_0 = arith.constant 0 : i32
    return %arg0, %c0_i32 : i32, i32
  }
  func.func @transform_1(%arg0: i32) -> (i32, i32) {
    %c0_i32 = arith.constant 0 : i32
    %c0_i32_0 = arith.constant 0 : i32
    %c0_i32_1 = arith.constant 0 : i32
    return %c0_i32, %c0_i32_0 : i32, i32
  }
  func.func @transform_2(%arg0: i32) -> (i32, i32) {
    %c0_i32 = arith.constant 0 : i32
    %c0_i32_0 = arith.constant 0 : i32
    %c0_i32_1 = arith.constant 0 : i32
    return %c0_i32, %c0_i32_0 : i32, i32
  }
  func.func @transform_3(%arg0: i32) -> (i32, i32) {
    %c0_i32 = arith.constant 0 : i32
    %c0_i32_0 = arith.constant 0 : i32
    %c0_i32_1 = arith.constant 0 : i32
    return %c0_i32, %c0_i32_0 : i32, i32
  }
  func.func @transform_4(%arg0: i32) -> (i32, i32) {
    %c0_i32 = arith.constant 0 : i32
    %c0_i32_0 = arith.constant 0 : i32
    return %arg0, %c0_i32 : i32, i32
  }
  func.func @transform_5(%arg0: i32) -> (i32, i32) {
    %c0_i32 = arith.constant 0 : i32
    %c0_i32_0 = arith.constant 0 : i32
    return %arg0, %c0_i32 : i32, i32
  }
  func.func @transform_6(%arg0: i32) -> (i32, i32) {
    %c0_i32 = arith.constant 0 : i32
    %c0_i32_0 = arith.constant 0 : i32
    %c0_i32_1 = arith.constant 0 : i32
    return %c0_i32, %c0_i32_0 : i32, i32
  }
  func.func @transform_7(%arg0: i32) -> (i32, i32) {
    %c0_i32 = arith.constant 0 : i32
    %c0_i32_0 = arith.constant 0 : i32
    %c0_i32_1 = arith.constant 0 : i32
    return %c0_i32, %c0_i32_0 : i32, i32
  }
}

module attributes {stable_mosaic.version = 14 : i64} {
  func.func @body(%arg0: memref<256x1152xf32, #tpu.memory_space<vmem>>, %arg1: memref<1024x128xf32, #tpu.memory_space<vmem>>, %arg2: memref<1x128xf32, #tpu.memory_space<vmem>>, %arg3: memref<128x128xf32, #tpu.memory_space<vmem>>, %arg4: memref<1x128xf32, #tpu.memory_space<vmem>>, %arg5: memref<128x128xf32, #tpu.memory_space<vmem>>, %arg6: memref<1x128xf32, #tpu.memory_space<vmem>>, %arg7: memref<256x128xf32, #tpu.memory_space<vmem>>) attributes {dimension_semantics = [], scalar_prefetch = 0 : i64, scratch_operands = 0 : i64, tpu.core_type = #tpu.core_type<tc>} {
    %get3A = arith.constant 0 : index
    %get3A_0 = arith.constant 0 : index
    %get3A_1 = vector.load %arg0[%get3A, %get3A_0] : memref<256x1152xf32, #tpu.memory_space<vmem>>, vector<256x1152xf32>
    %slice3A = vector.extract_strided_slice %get3A_1 {offsets = [0, 1024], sizes = [256, 1], strides = [1, 1]} : vector<256x1152xf32> to vector<256x1xf32>
    %max3A = arith.constant 1.000000e-16 : f32
    %max3A_2 = vector.broadcast %max3A : f32 to vector<256x1xf32>
    %max3A_3 = arith.maximumf %slice3A, %max3A_2 : vector<256x1xf32>
    %slice3A_4 = vector.extract_strided_slice %get3A_1 {offsets = [0, 0], sizes = [256, 1024], strides = [1, 1]} : vector<256x1152xf32> to vector<256x1024xf32>
    %div3A = vector.broadcast %max3A_3 : vector<256x1xf32> to vector<256x1024xf32>
    %div3A_5 = arith.divf %slice3A_4, %div3A : vector<256x1024xf32>
    %get3A_6 = arith.constant 0 : index
    %get3A_7 = arith.constant 0 : index
    %get3A_8 = vector.load %arg1[%get3A_6, %get3A_7] : memref<1024x128xf32, #tpu.memory_space<vmem>>, vector<1024x128xf32>
    %dot_general3A = arith.constant dense<0.000000e+00> : vector<256x128xf32>
    %dot_general3A_9 = tpu.matmul %div3A_5, %get3A_8, %dot_general3A {dimension_numbers = #tpu.dot_dimension_numbers<[1], [0], [0], [1], [0, 0, 1, 1], [], []>, precision = #tpu.contract_precision<fp32>, transpose_lhs_hint = false} : vector<256x1024xf32>, vector<1024x128xf32>, vector<256x128xf32> -> vector<256x128xf32>
    %get3A_10 = arith.constant 0 : index
    %get3A_11 = arith.constant 0 : index
    %get3A_12 = vector.load %arg2[%get3A_10, %get3A_11] : memref<1x128xf32, #tpu.memory_space<vmem>>, vector<1x128xf32>
    %add3A = vector.broadcast %get3A_12 : vector<1x128xf32> to vector<256x128xf32>
    %add3A_13 = arith.addf %dot_general3A_9, %add3A : vector<256x128xf32>
    %max3A_14 = arith.constant 0.000000e+00 : f32
    %max3A_15 = vector.broadcast %max3A_14 : f32 to vector<256x128xf32>
    %max3A_16 = arith.maximumf %add3A_13, %max3A_15 : vector<256x128xf32>
    %get3A_17 = arith.constant 0 : index
    %get3A_18 = arith.constant 0 : index
    %get3A_19 = vector.load %arg3[%get3A_17, %get3A_18] : memref<128x128xf32, #tpu.memory_space<vmem>>, vector<128x128xf32>
    %dot_general3A_20 = arith.constant dense<0.000000e+00> : vector<256x128xf32>
    %dot_general3A_21 = tpu.matmul %max3A_16, %get3A_19, %dot_general3A_20 {dimension_numbers = #tpu.dot_dimension_numbers<[1], [0], [0], [1], [0, 0, 1, 1], [], []>, precision = #tpu.contract_precision<fp32>, transpose_lhs_hint = false} : vector<256x128xf32>, vector<128x128xf32>, vector<256x128xf32> -> vector<256x128xf32>
    %get3A_22 = arith.constant 0 : index
    %get3A_23 = arith.constant 0 : index
    %get3A_24 = vector.load %arg4[%get3A_22, %get3A_23] : memref<1x128xf32, #tpu.memory_space<vmem>>, vector<1x128xf32>
    %add3A_25 = vector.broadcast %get3A_24 : vector<1x128xf32> to vector<256x128xf32>
    %add3A_26 = arith.addf %dot_general3A_21, %add3A_25 : vector<256x128xf32>
    %max3A_27 = arith.constant 0.000000e+00 : f32
    %max3A_28 = vector.broadcast %max3A_27 : f32 to vector<256x128xf32>
    %max3A_29 = arith.maximumf %add3A_26, %max3A_28 : vector<256x128xf32>
    %get3A_30 = arith.constant 0 : index
    %get3A_31 = arith.constant 0 : index
    %get3A_32 = vector.load %arg5[%get3A_30, %get3A_31] : memref<128x128xf32, #tpu.memory_space<vmem>>, vector<128x128xf32>
    %dot_general3A_33 = arith.constant dense<0.000000e+00> : vector<256x128xf32>
    %dot_general3A_34 = tpu.matmul %max3A_29, %get3A_32, %dot_general3A_33 {dimension_numbers = #tpu.dot_dimension_numbers<[1], [0], [0], [1], [0, 0, 1, 1], [], []>, precision = #tpu.contract_precision<fp32>, transpose_lhs_hint = false} : vector<256x128xf32>, vector<128x128xf32>, vector<256x128xf32> -> vector<256x128xf32>
    %get3A_35 = arith.constant 0 : index
    %get3A_36 = arith.constant 0 : index
    %get3A_37 = vector.load %arg6[%get3A_35, %get3A_36] : memref<1x128xf32, #tpu.memory_space<vmem>>, vector<1x128xf32>
    %add3A_38 = vector.broadcast %get3A_37 : vector<1x128xf32> to vector<256x128xf32>
    %add3A_39 = arith.addf %dot_general3A_34, %add3A_38 : vector<256x128xf32>
    %swap3A = arith.constant 0 : index
    %swap3A_40 = arith.constant 0 : index
    %swap3A_41 = vector.load %arg7[%swap3A, %swap3A_40] : memref<256x128xf32, #tpu.memory_space<vmem>>, vector<256x128xf32>
    tpu.vector_store %arg7[%swap3A, %swap3A_40], %add3A_39 {strides = array<i32>} : memref<256x128xf32, #tpu.memory_space<vmem>>, vector<256x128xf32>,
    return
  }
}

</mosaic_0001>

<sc_bundles>
// kernel: kernel.23.cloned.1.call-start
scs
__scs_entry_jumppad:
0x0: {  	(pc) =	sbr.rel $0x88, $3  }
0x1: {  	(tag) =	ssettag $0x0;
	lr =	simm.s32 $0x1  }
0x2: {  	[smem:$0x3F82] =	sst lr;
	_ =	strace $0xD0000000  }
0x3: {  	_ = 	snop  }
0x4: {  	_ = 	snop  }
0x5: {  	_ = 	snop  }
0x6: {  	_ = 	snop  }
0x7: {  	_ = 	snop  }
__scs_overlays_trampoline_lowered:
0x8: {  	[smem:$0x3F91] =	sst s0  }
0x9: {  	[smem:$0x3F92] =	sst s1  }
0xa: {  	[smem:$0x3F93] =	sst s2  }
0xb: {  	[smem:$0x3F94] =	sst s3  }
0xc: {  	[smem:$0x3F95] =	sst s4  }
0xd: {  	[smem:$0x3F96] =	sst s5  }
0xe: {  	[smem:$0x3F97] =	sst s6  }
0xf: {  	[smem:$0x3F98] =	sst s7  }
0x10: {  	[smem:$0x3F99] =	sst s8  }
0x11: {  	[smem:$0x3F9A] =	sst s9;
	s0 =	simm.s32 @!p0 $0x0  }
0x12: {  	s1 =	sld [smem:$0x3F80];
	s0 =	simm.s32 @p0 $0x1  }
0x13: {  	[smem:$0x3F9B] =	sst s0;
	s0 =	simm.s32 @!p1 $0x0  }
0x14: {  	s2 =	sld [smem:$0x3F7F];
	s0 =	simm.s32 @p1 $0x1  }
0x15: {  	[smem:$0x3F9C] =	sst s0;
	s0 =	simm.s32 @!p2 $0x0  }
0x16: {  	s3 =	sld [smem:$0x3FDB];
	s0 =	simm.s32 @p2 $0x1  }
0x17: {  	s4 =	simm.s32 $0x1BF5;
	[smem:$0x3F9E] =	sst s0  }
0x18: {  	s0 =	sld [smem:$0x3F81];
	_ =	swait.ge [sflag:s4], $0x0  }
0x19: {  	s7 =	sld [smem:$0x3F82]  }
0x1a: {  	s8 =	sadd.s32 $0xFFFFE003, lr  }
0x1b: {  	s9 =	sadd.s32 $0xFFFFFEF7, lr;
	s5 =	simm.s32 $0xFFFFFFFF;
	p2 =	slt.u32 s8, $0xFFFFF086  }
0x1c: {  	p1 =	slt.u32 s9, $0xF7A;
	s5 =	simm.s32 @!p2 $0x0  }
0x1d: {  	s5 =	simm.s32 @p1 $0x1;
	p0 =	seq.s32 s7, s2  }
0x1e: {  	s7 =	smul.u32 @!p0 $0xF7A, s2;
	p2 =	seq.s32 @!p0 s5, $0x0  }
0x1f: {  	s9 =	smul.u32 $0xF7A, s1;
	s8 =	simm.s32 @!p0 $0x1BF5;
	p2 =	por !p2, p0  }
0x20: {  	[sflag:s8] =	ssyncset.s32 @!p0 $0xFFFFF086;
	s6 =	sadd.s32 @!p0 s3, s7;
	s7 =	simm.s32 @!p0 $0x108  }
0x21: {  	s3 =	sadd.s32 s3, s9;
	s6 =	sadd.s32 @!p0 $0x88, s6;
	s7 =	simm.s32 @p2 $0x1082  }
0x22: {  	[simem:s7], [sflag:s8] =	dma.local @!p0 [hbm:s6], $0xF7A  }
0x23: {  	s9 =	sor.u32 $0xD0000000, s2;
	s6 =	simm.s32 $0x108;
	_ =	swait.ge @!p0 [sflag:s8], $0x0  }
0x24: {  	s3 =	sadd.s32 $0x88, s3;
	s6 =	simm.s32 @!p1 $0x1082;
	[sflag:s4] =	ssyncset.s32 $0xFFFFF086  }
0x25: {  	[simem:s6], [sflag:s4] =	dma.local [hbm:s3], $0xF7A  }
0x26: {  	[smem:$0x3F82] =	sst s1;
	(tag) =	ssettag s2;
	_ =	strace s9  }
0x27: {  	s1 =	sld [smem:$0x3F92]  }
0x28: {  	s2 =	sld [smem:$0x3F93]  }
0x29: {  	s4 =	sld [smem:$0x3F95]  }
0x2a: {  	p0 =	seq.s32 s5, $0x0;
	s5 =	sld [smem:$0x3F96]  }
0x2b: {  	s6 =	sld [smem:$0x3F97]  }
0x2c: {  	s7 =	sld [smem:$0x3F98]  }
0x2d: {  	s3 =	simm.s32 $0x108;
	s8 =	sld [smem:$0x3F99]  }
0x2e: {  	s3 =	simm.s32 @!p0 $0x1082;
	s9 =	sld [smem:$0x3F9A]  }
0x2f: {  	lr =	sadd.s32 s0, s3;
	s0 =	sld [smem:$0x3F91]  }
0x30: {  	s3 =	sld [smem:$0x3F94]  }
0x31: {  	[smem:$0x3F9D] =	sst s10  }
0x32: {  	s10 =	sld [smem:$0x3F9B];
	_ =	sdelay $0x3  }
0x33: {  	p0 =	seq.s32 s10, $0x1;
	s10 =	sld [smem:$0x3F9D];
	_ =	sdelay $0x3  }
0x34: {  	[smem:$0x3F9D] =	sst s10  }
0x35: {  	s10 =	sld [smem:$0x3F9C];
	_ =	sdelay $0x3  }
0x36: {  	p1 =	seq.s32 s10, $0x1;
	s10 =	sld [smem:$0x3F9D];
	_ =	sdelay $0x3  }
0x37: {  	[smem:$0x3F9D] =	sst s10  }
0x38: {  	s10 =	sld [smem:$0x3F9E]  }
0x39: {  	_ = 	snop;
	(pc) =	sbr.ind lr, $3  }
0x3a: {  	_ = 	snop  }
0x3b: {  	_ = 	snop  }
0x3c: {  	p2 =	seq.s32 s10, $0x1;
	s10 =	sld [smem:$0x3F9D]  }
0x3d: {  	_ =	shalt  }
0x3e: {  	_ =	shalt  }
0x3f: {  	_ =	shalt  }
0x40: {  	_ =	shalt  }
0x41: {  	_ =	shalt  }
0x42: {  	_ =	shalt  }
0x43: {  	_ =	shalt  }
0x44: {  	_ =	shalt  }
0x45: {  	_ =	shalt  }
0x46: {  	_ =	shalt  }
0x47: {  	_ =	shalt  }
0x48: {  	_ =	shalt  }
0x49: {  	_ =	shalt  }
0x4a: {  	_ =	shalt  }
0x4b: {  	_ =	shalt  }
0x4c: {  	_ =	shalt  }
0x4d: {  	_ =	shalt  }
0x4e: {  	_ =	shalt  }
0x4f: {  	_ =	shalt  }
0x50: {  	_ =	shalt  }
0x51: {  	_ =	shalt  }
0x52: {  	_ =	shalt  }
0x53: {  	_ =	shalt  }
0x54: {  	_ =	shalt  }
0x55: {  	_ =	shalt  }
0x56: {  	_ =	shalt  }
0x57: {  	_ =	shalt  }
0x58: {  	_ =	shalt  }
0x59: {  	_ =	shalt  }
0x5a: {  	_ =	shalt  }
0x5b: {  	_ =	shalt  }
0x5c: {  	_ =	shalt  }
0x5d: {  	_ =	shalt  }
0x5e: {  	_ =	shalt  }
0x5f: {  	_ =	shalt  }
0x60: {  	_ =	shalt  }
0x61: {  	_ =	shalt  }
0x62: {  	_ =	shalt  }
0x63: {  	_ =	shalt  }
0x64: {  	_ =	shalt  }
0x65: {  	_ =	shalt  }
0x66: {  	_ =	shalt  }
0x67: {  	_ =	shalt  }
0x68: {  	_ =	shalt  }
0x69: {  	_ =	shalt  }
0x6a: {  	_ =	shalt  }
0x6b: {  	_ =	shalt  }
0x6c: {  	_ =	shalt  }
0x6d: {  	_ =	shalt  }
0x6e: {  	_ =	shalt  }
0x6f: {  	_ =	shalt  }
0x70: {  	_ =	shalt  }
0x71: {  	_ =	shalt  }
0x72: {  	_ =	shalt  }
0x73: {  	_ =	shalt  }
0x74: {  	_ =	shalt  }
0x75: {  	_ =	shalt  }
0x76: {  	_ =	shalt  }
0x77: {  	_ =	shalt  }
0x78: {  	_ =	shalt  }
0x79: {  	_ =	shalt  }
0x7a: {  	_ =	shalt  }
0x7b: {  	_ =	shalt  }
0x7c: {  	_ =	shalt  }
0x7d: {  	_ =	shalt  }
0x7e: {  	_ =	shalt  }
0x7f: {  	_ =	shalt  }
0x80: {  	_ =	shalt  }
0x81: {  	_ =	shalt  }
0x82: {  	_ =	shalt  }
0x83: {  	_ =	shalt  }
0x84: {  	_ =	shalt  }
0x85: {  	_ =	shalt  }
0x86: {  	_ =	shalt  }
0x87: {  	_ =	shalt  }
.Lfunc_end0:
.L_simem_size_0:
called_computation_lowered:
.L_overlay_start_0:
0x88: {  	s2 =	sld [smem:$0x3FD9]  }
0x89: {  	s3 =	sld [smem:$0x3FFE];
	_ =	sdelay $0x1  }
0x8a: {  	s1 =	srdreg.scid  }
0x8b: {  	s0 =	sand.u32 $0x1, s1  }
0x8c: {  	s16 =	sshll.u32 s0, $0xA;
	s2 =	sadd.s32 s3, s2  }
0x8d: {  	s2 =	sadd.s32 s2, s16  }
0x8e: {  	[smem:$0x3FA9] =	sst s2  }
0x8f: {  	_ = 	snop  }
0x90: {  	(tm) =	ssettm $0x1  }
0x91: {  	s17 =	sld [smem:$0x3FFB];
	_ =	sdelay $0x3  }
0x92: {  	_ =	strace s17  }
0x93: {  	s2 =	sld [smem:$0x3FFC];
	_ =	sdelay $0x3  }
0x94: {  	_ =	strace s2  }
0x95: {  	s2 =	sld [smem:$0x3FFD];
	_ =	sdelay $0x3  }
0x96: {  	_ =	strace s2  }
0x97: {  	_ =	strace $0x8FFFFFFF  }
0x98: {  	s18 =	sld [smem:$0x3FDB];
	_ =	sdelay $0x1  }
0x99: {  	s19 =	simm.s32 $_scs_section_size  }
0x9a: {  	s4 =	simm.s32 $_size__tile_overlayer_lowered;
	s5 =	simm.s32 $_tile_overlayer_lowered  }
0x9b: {  	s22 =	simm.s32 $0x1BFF;
	s21 =	sshll.u32 s5, $0x1;
	s2 =	sadd.s32 s19, s18  }
0x9c: {  	s6 =	simm.s32 $0x0;
	s20 =	sshll.u32 s4, $0x1;
	s4 =	sadd.s32 s21, s2  }
0x9d: {  	[timem:s6], [sflag:s22] =	dma.local [hbm:s4], s20  }
0x9e: {  	_ =	swait.ge [sflag:s22], s20  }
0x9f: {  	s3 =	ssub.s32 $0x0, s20;
	[sflag:s22] =	ssyncset.done $0x0  }
0xa0: {  	[sflag:s22] =	ssyncadd.s32 s3;
	_ =	sdelay $0x1  }
0xa1: {  	s23 =	simm.s32 $0x1B8B  }
0xa2: {  	_ =	swait.ge [sflag:s23], $0x1  }
0xa3: {  	[sflag:s23] =	ssyncset.done $0x0  }
0xa4: {  	s25 =	simm.s32 $0x1B8E;
	s24 =	sld [smem:$0x3FFE];
	[sflag:s23] =	ssyncadd.s32 $0xFFFFFFFF  }
0xa5: {  	s26 =	simm.s32 $execute0_lowered;
	[smem:$0x3FD2] =	sst s25  }
0xa6: {  	s4 =	sshll.u32 s26, $0x1;
	_ =	strace $0x80000046;
	[dreg:$0x1] =	wrdreg $0xFFFFFFFF  }
0xa7: {  	s28 =	simm.s32 $_size_execute0_lowered;
	s2 =	sadd.s32 s2, s4;
	[dreg:$0x0] =	wrdreg $0x0  }
0xa8: {  	s4 =	sshll.u32 s28, $0x1;
	[dreg:$0x2] =	wrdreg s2  }
0xa9: {  	[dreg:$0x3] =	wrdreg s4  }
0xaa: {  	[dreg:$0x4] =	wrdreg $0xC0  }
0xab: {  	_ =	task [dreg:s6], $0x5FFFF  }
0xac: {  	[dreg:$0x1] =	wrdreg $0xFFFFFFFF  }
0xad: {  	[dreg:$0x0] =	wrdreg $0x60  }
0xae: {  	[dreg:$0x2] =	wrdreg s24  }
0xaf: {  	[dreg:$0x3] =	wrdreg $0x40800  }
0xb0: {  	[dreg:$0x4] =	wrdreg $0x9  }
0xb1: {  	_ =	task.clear_ibuf [dreg:s6], $0x5FFFF;
	_ =	strace $0x90000046  }
0xb2: {  	s29 =	simm.s32 $0x9;
	_ =	strace $0x80000048  }
0xb3: {  	_ =	swait.ge [sflag:s29], $0x1  }
0xb4: {  	[sflag:s29] =	ssyncadd.s32 $0xFFFFFFFF  }
0xb5: {  	_ =	strace $0x90000048  }
0xb6: {  	_ =	sfence  }
0xb7: {  	s30 =	sld [smem:$0x0];
	_ =	sdelay $0x2  }
0xb8: {  	s31 =	sshll.u32 s1, $0xD;
	s1 =	sshrl.u32 s1, $0x2  }
0xb9: {  	s3 =	sand.u32 $0x4000, s31;
	s1 =	sadd.s32 s1, s30  }
0xba: {  	s0 =	sor.u32 s3, s0;
	s1 =	sshll.u32 s1, $0x11  }
0xbb: {  	s0 =	sor.u32 s1, s0  }
0xbc: {  	s0 =	sadd.s32 $0x8F2B, s0  }
0xbd: {  	[sflag:s0] =	ssyncadd.remote.s32 $0x1  }
0xbe: {  	_ =	sfence.sel $0xFFFF  }
0xbf: {  	[dreg:$0x0] =	wrdreg $0xFFFFFFFF;
	(pc) =	sbr.abs _section_cstart, $3  }
0xc0: {  	[dreg:$0x1] =	wrdreg $0xFFFFFFFF  }
0xc1: {  	_ =	task.clear_ibuf [dreg:s6], $0x2FFFF;
	_ =	strace $0x9FFFFFFF  }
0xc2: {  	(tm) =	ssettm $0x7FFFFFFF  }
0xc3: {  	_ =	shalt  }
tec
execute0_lowered:
.L_overlay_start_1:
0x0: {  	(tag) =	ssettag $0x1  }
0x1: {  	s7 =	rddreg [dreg:$0x0]  }
0x2: {  	s1 =	rddreg [dreg:$0x1]  }
0x3: {  	s2 =	srdreg.scid;
	s0 =	rddreg [dreg:$0x2]  }
0x4: {  	s3 =	simm.s32 $0x0;
	s13 =	simm.s32 $0x80;
	s14 =	simm.s32 $0x0  }
0x5: {  	s8 =	sand.u32 $0x1, s2;
	s2 =	stileid.u32;
	[smem:$0x7FF] =	sst s3  }
0x6: {  	s4 =	sadd.s32 $0x7C00, s7;
	s5 =	sadd.s32 $0x11C00, s7;
	s9 =	smul.u32 $0x140000, s8  }
0x7: {  	s6 =	sadd.s32 $0x14400, s7;
	s10 =	smul.u32 $0x14000, s2;
	_ =	strace $0x80000047  }
0x8: {  	s28 =	ssub.s32 $0x2, s8;
	s12 =	smul.u32 $0x50000, s2;
	s29 =	sshll.u32 s8, $0x4  }
0x9: {  	s31 =	sshll.u32 s2, $0x6;
	s11 =	sshrl.u32 s28, $0x1;
	s8 =	sor.u32 s2, s29  }
0xa: {  	s9 =	sadd.s32 s10, s9;
	s10 =	ssub.s32 s28, s11;
	s30 =	sshrl.u32 s12, $0x2  }
0xb: {  	s8 =	smul.u32 $0x2800, s8;
	s9 =	sshrl.u32 s9, $0x3;
	s12 =	sadd.s32 s30, s1  }
0xc: {  	s10 =	smax.u32 s10, $0x1;
	s9 =	sadd.s32 s9, s7;
	s7 =	sor.u32 $0x1C01, s31  }
0xd: {  	s11 =	sshrl.u32 s12, $0x3;
	s12 =	simm.s32 $0x1;
	s9 =	sadd.s32 $0x14C00, s9  }
.LBB2_1:
0xe: {  	[spmem:s11], [sflag:s7] =	dma.local [hbm:s5], $0x2800  }
0xf: {  	_ =	swait.ge [sflag:s12], $0x2800  }
0x10: {  	[sflag:s12] =	ssyncset.done $0x0  }
0x11: {  	s15 =	sand.u32 $0x3C00, s3;
	[sflag:s12] =	ssyncadd.s32 $0xFFFFD800  }
0x12: {  	[tilespmem:s13], [sflag:$0x1] =	stream.linear.gather [hbm4b:s6+s3], $0x4000, $0x38;
	[tilespmem:$0x6880] =	vst v63  }
0x13: {  	s16 =	sand.u32 $0x380, s3;
	s15 =	sadd.s32 s8, s15;
	_ =	swait.ge [sflag:s12], $0x4000  }
0x14: {  	s15 =	sor.u32 s16, s15;
	[sflag:s12] =	ssyncset.done $0x0  }
0x15: {  	s15 =	sshrl.u32 s15, $0x3;
	[sflag:s12] =	ssyncadd.s32 $0xFFFFC000  }
0x16: {  	s15 =	sadd.s32 s4, s15;
	[bflag:$0x0] =	sbarrier.arrive $0xFFFF  }
0x17: {  	[tilespmem:s3], [sflag:$0x1] =	stream.linear.gather [hbm4b:s15+s3], $0x80, $0x38;
	[tilespmem:$0x6880] =	vst v63  }
0x18: {  	_ =	swait.ge [sflag:s12], $0x80  }
0x19: {  	s30 =	simm.s32 $0x80;
	[sflag:s12] =	ssyncset.done $0x0  }
0x1a: {  	s31 =	sand.u32 $0x3C00, s30;
	[sflag:s12] =	ssyncadd.s32 $0xFFFFFF80  }
0x1b: {  	[spmem:s1] =	stream.indirect.scatter.add.f32 [tilespmem:s13], [sflag:$0x1], $0x10, s3, s13, $0xb8;
	[tilespmem:$0x6880] =	vst v63  }
0x1c: {  	s17 =	sand.u32 $0x380, s30;
	s16 =	sadd.s32 s8, s31;
	_ =	swait.ge [sflag:s12], $0x800  }
0x1d: {  	s16 =	sor.u32 s17, s16;
	s15 =	simm.s32 $0x100;
	[sflag:s12] =	ssyncset.done $0x0  }
.LBB2_2:
0x1e: {  	s16 =	sshrl.u32 s16, $0x3  }
0x1f: {  	[sflag:s12] =	ssyncadd.s32 $0xFFFFF800;
	s17 =	smov.u32 s15;
	s18 =	sadd.s32 $0x80, s15  }
0x20: {  	p0 =	sne.s32 s15, $0x2780;
	s15 =	sadd.s32 s4, s16  }
0x21: {  	[tilespmem:s3], [sflag:$0x1] =	stream.linear.gather [hbm4b:s15+s3], $0x80, $0x38;
	[tilespmem:$0x6880] =	vst v63  }
0x22: {  	_ =	swait.ge [sflag:s12], $0x80  }
.Ltmp0:
0x23: {  	[sflag:s12] =	ssyncset.done $0x0;
	(pc) =	sbr.rel @p0 .LBB2_2-.Ltmp0, $4  }
0x24: {  	s15 =	sand.u32 $0x3C00, s17;
	[sflag:s12] =	ssyncadd.s32 $0xFFFFFF80  }
0x25: {  	[spmem:s1] =	stream.indirect.scatter.add.f32 [tilespmem:s13], [sflag:$0x1], $0x10, s3, s13, $0xb8;
	[tilespmem:$0x6880] =	vst v63  }
0x26: {  	s16 =	sand.u32 $0x380, s17;
	s15 =	sadd.s32 s8, s15;
	_ =	swait.ge [sflag:s12], $0x800  }
0x27: {  	s16 =	sor.u32 s16, s15;
	s15 =	smov.u32 s18;
	[sflag:s12] =	ssyncset.done $0x0  }
0x28: {  	s15 =	sshrl.u32 s16, $0x3  }
0x29: {  	[sflag:s12] =	ssyncadd.s32 $0xFFFFF800;
	s15 =	sadd.s32 s4, s15  }
0x2a: {  	[tilespmem:s3], [sflag:$0x1] =	stream.linear.gather [hbm4b:s15+s3], $0x80, $0x38;
	[tilespmem:$0x6880] =	vst v63  }
0x2b: {  	_ =	swait.ge [sflag:s12], $0x80  }
0x2c: {  	[sflag:s12] =	ssyncset.done $0x0  }
0x2d: {  	[sflag:s12] =	ssyncadd.s32 $0xFFFFFF80  }
0x2e: {  	[spmem:s1] =	stream.indirect.scatter.add.f32 [tilespmem:s13], [sflag:$0x1], $0x10, s3, s13, $0xb8;
	[tilespmem:$0x6880] =	vst v63  }
0x2f: {  	_ =	swait.ge [sflag:s12], $0x800  }
0x30: {  	s14 =	sadd.s32 $0x1, s14;
	[sflag:s12] =	ssyncset.done $0x0  }
0x31: {  	p0 =	sne.s32 s14, s10;
	[sflag:s12] =	ssyncadd.s32 $0xFFFFF800  }
.Ltmp1:
0x32: {  	[bflag:$0x0] =	sbarrier.arrive $0xFFFF;
	(pc) =	sbr.rel @p0 .LBB2_1-.Ltmp1, $4  }
0x33: {  	[hbm:s9], [sflag:s7] =	dma.local [spmem:s11], $0x2800  }
0x34: {  	_ =	swait.ge [sflag:s12], $0x2800  }
0x35: {  	[sflag:s12] =	ssyncset.done $0x0  }
0x36: {  	[sflag:s12] =	ssyncadd.s32 $0xFFFFD800  }
0x37: {  	_ =	sfence.sel $0x180000  }
0x38: {  	[bflag:$0x0] =	sbarrier.arrive $0xFFFF  }
0x39: {  	p0 =	sne.s32 s2, $0x0;
	_ =	strace $0x90000047  }
0x3a: {  	s0 =	sadd.s32 @!p0 $0x100000, s0;
	[bflag:$0x2] =	sbarrier.arrive $0xFFFF  }
0x3b: {  	[sflag:s0] =	ssyncadd.tile.s32 @!p0 $0x1;
	_ =	shalt  }
.Lfunc_end2:
_tile_overlayer_lowered:
.L_overlay_start_2:
0x3c: {  	(tag) =	ssettag $0x2  }
0x3d: {  	s0 =	rddreg [dreg:$0x0];
	s2 =	stileid.u32  }
0x3e: {  	s1 =	rddreg [dreg:$0x1];
	p0 =	sne.s32 s2, $0x0  }
0x3f: {  	s3 =	rddreg [dreg:$0x2];
	[bflag:$0x3] =	sbarrier.arrive $0xFFFF;
	s2 =	simm.s32 @!p0 $0x1C01  }
0x40: {  	[timem:s3], [sflag:s2] =	dma.local @!p0 [hbm:s0], s1  }
0x41: {  	s0 =	simm.s32 @!p0 $0x1  }
0x42: {  	_ =	swait.ge @!p0 [sflag:s0], s1  }
0x43: {  	s1 =	ssub.s32 @!p0 $0x0, s1;
	[sflag:s0] =	ssyncset.done @!p0 $0x0  }
0x44: {  	[sflag:s0] =	ssyncadd.s32 @!p0 s1  }
0x45: {  	[bflag:$0x3] =	sbarrier.arrive $0xFFFF  }
0x46: {  	_ =	shalt  }

// kernel: kernel.26.cloned.1.call-start
scs
__scs_entry_jumppad:
0x0: {  	(pc) =	sbr.rel $0x88, $3  }
0x1: {  	(tag) =	ssettag $0x0;
	lr =	simm.s32 $0x1  }
0x2: {  	[smem:$0x3F82] =	sst lr;
	_ =	strace $0xD0000000  }
0x3: {  	_ = 	snop  }
0x4: {  	_ = 	snop  }
0x5: {  	_ = 	snop  }
0x6: {  	_ = 	snop  }
0x7: {  	_ = 	snop  }
__scs_overlays_trampoline_lowered:
0x8: {  	[smem:$0x3F91] =	sst s0  }
0x9: {  	[smem:$0x3F92] =	sst s1  }
0xa: {  	[smem:$0x3F93] =	sst s2  }
0xb: {  	[smem:$0x3F94] =	sst s3  }
0xc: {  	[smem:$0x3F95] =	sst s4  }
0xd: {  	[smem:$0x3F96] =	sst s5  }
0xe: {  	[smem:$0x3F97] =	sst s6  }
0xf: {  	[smem:$0x3F98] =	sst s7  }
0x10: {  	[smem:$0x3F99] =	sst s8  }
0x11: {  	[smem:$0x3F9A] =	sst s9;
	s0 =	simm.s32 @!p0 $0x0  }
0x12: {  	s1 =	sld [smem:$0x3F80];
	s0 =	simm.s32 @p0 $0x1  }
0x13: {  	[smem:$0x3F9B] =	sst s0;
	s0 =	simm.s32 @!p1 $0x0  }
0x14: {  	s2 =	sld [smem:$0x3F7F];
	s0 =	simm.s32 @p1 $0x1  }
0x15: {  	[smem:$0x3F9C] =	sst s0;
	s0 =	simm.s32 @!p2 $0x0  }
0x16: {  	s3 =	sld [smem:$0x3FDB];
	s0 =	simm.s32 @p2 $0x1  }
0x17: {  	s4 =	simm.s32 $0x1BF5;
	[smem:$0x3F9E] =	sst s0  }
0x18: {  	s0 =	sld [smem:$0x3F81];
	_ =	swait.ge [sflag:s4], $0x0  }
0x19: {  	s7 =	sld [smem:$0x3F82]  }
0x1a: {  	s8 =	sadd.s32 $0xFFFFE003, lr  }
0x1b: {  	s9 =	sadd.s32 $0xFFFFFEF7, lr;
	s5 =	simm.s32 $0xFFFFFFFF;
	p2 =	slt.u32 s8, $0xFFFFF086  }
0x1c: {  	p1 =	slt.u32 s9, $0xF7A;
	s5 =	simm.s32 @!p2 $0x0  }
0x1d: {  	s5 =	simm.s32 @p1 $0x1;
	p0 =	seq.s32 s7, s2  }
0x1e: {  	s7 =	smul.u32 @!p0 $0xF7A, s2;
	p2 =	seq.s32 @!p0 s5, $0x0  }
0x1f: {  	s9 =	smul.u32 $0xF7A, s1;
	s8 =	simm.s32 @!p0 $0x1BF5;
	p2 =	por !p2, p0  }
0x20: {  	[sflag:s8] =	ssyncset.s32 @!p0 $0xFFFFF086;
	s6 =	sadd.s32 @!p0 s3, s7;
	s7 =	simm.s32 @!p0 $0x108  }
0x21: {  	s3 =	sadd.s32 s3, s9;
	s6 =	sadd.s32 @!p0 $0x88, s6;
	s7 =	simm.s32 @p2 $0x1082  }
0x22: {  	[simem:s7], [sflag:s8] =	dma.local @!p0 [hbm:s6], $0xF7A  }
0x23: {  	s9 =	sor.u32 $0xD0000000, s2;
	s6 =	simm.s32 $0x108;
	_ =	swait.ge @!p0 [sflag:s8], $0x0  }
0x24: {  	s3 =	sadd.s32 $0x88, s3;
	s6 =	simm.s32 @!p1 $0x1082;
	[sflag:s4] =	ssyncset.s32 $0xFFFFF086  }
0x25: {  	[simem:s6], [sflag:s4] =	dma.local [hbm:s3], $0xF7A  }
0x26: {  	[smem:$0x3F82] =	sst s1;
	(tag) =	ssettag s2;
	_ =	strace s9  }
0x27: {  	s1 =	sld [smem:$0x3F92]  }
0x28: {  	s2 =	sld [smem:$0x3F93]  }
0x29: {  	s4 =	sld [smem:$0x3F95]  }
0x2a: {  	p0 =	seq.s32 s5, $0x0;
	s5 =	sld [smem:$0x3F96]  }
0x2b: {  	s6 =	sld [smem:$0x3F97]  }
0x2c: {  	s7 =	sld [smem:$0x3F98]  }
0x2d: {  	s3 =	simm.s32 $0x108;
	s8 =	sld [smem:$0x3F99]  }
0x2e: {  	s3 =	simm.s32 @!p0 $0x1082;
	s9 =	sld [smem:$0x3F9A]  }
0x2f: {  	lr =	sadd.s32 s0, s3;
	s0 =	sld [smem:$0x3F91]  }
0x30: {  	s3 =	sld [smem:$0x3F94]  }
0x31: {  	[smem:$0x3F9D] =	sst s10  }
0x32: {  	s10 =	sld [smem:$0x3F9B];
	_ =	sdelay $0x3  }
0x33: {  	p0 =	seq.s32 s10, $0x1;
	s10 =	sld [smem:$0x3F9D];
	_ =	sdelay $0x3  }
0x34: {  	[smem:$0x3F9D] =	sst s10  }
0x35: {  	s10 =	sld [smem:$0x3F9C];
	_ =	sdelay $0x3  }
0x36: {  	p1 =	seq.s32 s10, $0x1;
	s10 =	sld [smem:$0x3F9D];
	_ =	sdelay $0x3  }
0x37: {  	[smem:$0x3F9D] =	sst s10  }
0x38: {  	s10 =	sld [smem:$0x3F9E]  }
0x39: {  	_ = 	snop;
	(pc) =	sbr.ind lr, $3  }
0x3a: {  	_ = 	snop  }
0x3b: {  	_ = 	snop  }
0x3c: {  	p2 =	seq.s32 s10, $0x1;
	s10 =	sld [smem:$0x3F9D]  }
0x3d: {  	_ =	shalt  }
0x3e: {  	_ =	shalt  }
0x3f: {  	_ =	shalt  }
0x40: {  	_ =	shalt  }
0x41: {  	_ =	shalt  }
0x42: {  	_ =	shalt  }
0x43: {  	_ =	shalt  }
0x44: {  	_ =	shalt  }
0x45: {  	_ =	shalt  }
0x46: {  	_ =	shalt  }
0x47: {  	_ =	shalt  }
0x48: {  	_ =	shalt  }
0x49: {  	_ =	shalt  }
0x4a: {  	_ =	shalt  }
0x4b: {  	_ =	shalt  }
0x4c: {  	_ =	shalt  }
0x4d: {  	_ =	shalt  }
0x4e: {  	_ =	shalt  }
0x4f: {  	_ =	shalt  }
0x50: {  	_ =	shalt  }
0x51: {  	_ =	shalt  }
0x52: {  	_ =	shalt  }
0x53: {  	_ =	shalt  }
0x54: {  	_ =	shalt  }
0x55: {  	_ =	shalt  }
0x56: {  	_ =	shalt  }
0x57: {  	_ =	shalt  }
0x58: {  	_ =	shalt  }
0x59: {  	_ =	shalt  }
0x5a: {  	_ =	shalt  }
0x5b: {  	_ =	shalt  }
0x5c: {  	_ =	shalt  }
0x5d: {  	_ =	shalt  }
0x5e: {  	_ =	shalt  }
0x5f: {  	_ =	shalt  }
0x60: {  	_ =	shalt  }
0x61: {  	_ =	shalt  }
0x62: {  	_ =	shalt  }
0x63: {  	_ =	shalt  }
0x64: {  	_ =	shalt  }
0x65: {  	_ =	shalt  }
0x66: {  	_ =	shalt  }
0x67: {  	_ =	shalt  }
0x68: {  	_ =	shalt  }
0x69: {  	_ =	shalt  }
0x6a: {  	_ =	shalt  }
0x6b: {  	_ =	shalt  }
0x6c: {  	_ =	shalt  }
0x6d: {  	_ =	shalt  }
0x6e: {  	_ =	shalt  }
0x6f: {  	_ =	shalt  }
0x70: {  	_ =	shalt  }
0x71: {  	_ =	shalt  }
0x72: {  	_ =	shalt  }
0x73: {  	_ =	shalt  }
0x74: {  	_ =	shalt  }
0x75: {  	_ =	shalt  }
0x76: {  	_ =	shalt  }
0x77: {  	_ =	shalt  }
0x78: {  	_ =	shalt  }
0x79: {  	_ =	shalt  }
0x7a: {  	_ =	shalt  }
0x7b: {  	_ =	shalt  }
0x7c: {  	_ =	shalt  }
0x7d: {  	_ =	shalt  }
0x7e: {  	_ =	shalt  }
0x7f: {  	_ =	shalt  }
0x80: {  	_ =	shalt  }
0x81: {  	_ =	shalt  }
0x82: {  	_ =	shalt  }
0x83: {  	_ =	shalt  }
0x84: {  	_ =	shalt  }
0x85: {  	_ =	shalt  }
0x86: {  	_ =	shalt  }
0x87: {  	_ =	shalt  }
.Lfunc_end0:
.L_simem_size_0:
called_computation.1_lowered:
.L_overlay_start_0:
0x88: {  	s2 =	sld [smem:$0x3FD9]  }
0x89: {  	s3 =	sld [smem:$0x3FFE];
	_ =	sdelay $0x1  }
0x8a: {  	s1 =	srdreg.scid  }
0x8b: {  	s0 =	sand.u32 $0x1, s1  }
0x8c: {  	s16 =	sshll.u32 s0, $0xA;
	s2 =	sadd.s32 s3, s2  }
0x8d: {  	s2 =	sadd.s32 s2, s16  }
0x8e: {  	[smem:$0x3FA9] =	sst s2  }
0x8f: {  	_ = 	snop  }
0x90: {  	(tm) =	ssettm $0x1  }
0x91: {  	s17 =	sld [smem:$0x3FFB];
	_ =	sdelay $0x3  }
0x92: {  	_ =	strace s17  }
0x93: {  	s2 =	sld [smem:$0x3FFC];
	_ =	sdelay $0x3  }
0x94: {  	_ =	strace s2  }
0x95: {  	s2 =	sld [smem:$0x3FFD];
	_ =	sdelay $0x3  }
0x96: {  	_ =	strace s2  }
0x97: {  	_ =	strace $0x8FFFFFFF  }
0x98: {  	s18 =	sld [smem:$0x3FDB];
	_ =	sdelay $0x1  }
0x99: {  	s19 =	simm.s32 $_scs_section_size  }
0x9a: {  	s4 =	simm.s32 $_size__tile_overlayer_lowered;
	s5 =	simm.s32 $_tile_overlayer_lowered  }
0x9b: {  	s22 =	simm.s32 $0x1BFF;
	s21 =	sshll.u32 s5, $0x1;
	s2 =	sadd.s32 s19, s18  }
0x9c: {  	s6 =	simm.s32 $0x0;
	s20 =	sshll.u32 s4, $0x1;
	s4 =	sadd.s32 s21, s2  }
0x9d: {  	[timem:s6], [sflag:s22] =	dma.local [hbm:s4], s20  }
0x9e: {  	_ =	swait.ge [sflag:s22], s20  }
0x9f: {  	s3 =	ssub.s32 $0x0, s20;
	[sflag:s22] =	ssyncset.done $0x0  }
0xa0: {  	[sflag:s22] =	ssyncadd.s32 s3;
	_ =	sdelay $0x1  }
0xa1: {  	s23 =	simm.s32 $0x1B8B  }
0xa2: {  	_ =	swait.ge [sflag:s23], $0x1  }
0xa3: {  	[sflag:s23] =	ssyncset.done $0x0  }
0xa4: {  	s25 =	simm.s32 $0x1B8E;
	s24 =	sld [smem:$0x3FFE];
	[sflag:s23] =	ssyncadd.s32 $0xFFFFFFFF  }
0xa5: {  	s26 =	simm.s32 $execute0_lowered;
	[smem:$0x3FD2] =	sst s25  }
0xa6: {  	s4 =	sshll.u32 s26, $0x1;
	_ =	strace $0x80000049;
	[dreg:$0x1] =	wrdreg $0xFFFFFFFF  }
0xa7: {  	s28 =	simm.s32 $_size_execute0_lowered;
	s2 =	sadd.s32 s2, s4;
	[dreg:$0x0] =	wrdreg $0x0  }
0xa8: {  	s4 =	sshll.u32 s28, $0x1;
	[dreg:$0x2] =	wrdreg s2  }
0xa9: {  	[dreg:$0x3] =	wrdreg s4  }
0xaa: {  	[dreg:$0x4] =	wrdreg $0xC0  }
0xab: {  	_ =	task [dreg:s6], $0x5FFFF  }
0xac: {  	[dreg:$0x1] =	wrdreg $0xFFFFFFFF  }
0xad: {  	[dreg:$0x0] =	wrdreg $0x60  }
0xae: {  	[dreg:$0x2] =	wrdreg s24  }
0xaf: {  	[dreg:$0x3] =	wrdreg $0x41000  }
0xb0: {  	[dreg:$0x4] =	wrdreg $0x9  }
0xb1: {  	_ =	task.clear_ibuf [dreg:s6], $0x5FFFF;
	_ =	strace $0x90000049  }
0xb2: {  	s29 =	simm.s32 $0x9;
	_ =	strace $0x8000004B  }
0xb3: {  	_ =	swait.ge [sflag:s29], $0x1  }
0xb4: {  	[sflag:s29] =	ssyncadd.s32 $0xFFFFFFFF  }
0xb5: {  	_ =	strace $0x9000004B  }
0xb6: {  	_ =	sfence  }
0xb7: {  	s30 =	sld [smem:$0x0];
	_ =	sdelay $0x2  }
0xb8: {  	s31 =	sshll.u32 s1, $0xD;
	s1 =	sshrl.u32 s1, $0x2  }
0xb9: {  	s3 =	sand.u32 $0x4000, s31;
	s1 =	sadd.s32 s1, s30  }
0xba: {  	s0 =	sor.u32 s3, s0;
	s1 =	sshll.u32 s1, $0x11  }
0xbb: {  	s0 =	sor.u32 s1, s0  }
0xbc: {  	s0 =	sadd.s32 $0x8F2B, s0  }
0xbd: {  	[sflag:s0] =	ssyncadd.remote.s32 $0x1  }
0xbe: {  	_ =	sfence.sel $0xFFFF  }
0xbf: {  	[dreg:$0x0] =	wrdreg $0xFFFFFFFF;
	(pc) =	sbr.abs _section_cstart, $3  }
0xc0: {  	[dreg:$0x1] =	wrdreg $0xFFFFFFFF  }
0xc1: {  	_ =	task.clear_ibuf [dreg:s6], $0x2FFFF;
	_ =	strace $0x9FFFFFFF  }
0xc2: {  	(tm) =	ssettm $0x7FFFFFFF  }
0xc3: {  	_ =	shalt  }
tec
execute0_lowered:
.L_overlay_start_1:
0x0: {  	(tag) =	ssettag $0x1  }
0x1: {  	s8 =	rddreg [dreg:$0x0]  }
0x2: {  	s1 =	rddreg [dreg:$0x1]  }
0x3: {  	s2 =	srdreg.scid;
	s0 =	rddreg [dreg:$0x2]  }
0x4: {  	s3 =	simm.s32 $0x0;
	s15 =	simm.s32 $0x100;
	s16 =	simm.s32 $0x1  }
0x5: {  	s17 =	simm.s32 $0x0;
	s9 =	sand.u32 $0x1, s2;
	s2 =	stileid.u32  }
0x6: {  	[smem:$0x7FF] =	sst s3;
	s4 =	sadd.s32 $0x11C00, s8;
	s7 =	smul.u32 $0x140000, s9  }
0x7: {  	s5 =	sadd.s32 $0x64C00, s8;
	s6 =	sadd.s32 $0x7C00, s8;
	s10 =	smul.u32 $0x14000, s2  }
0x8: {  	_ =	strace $0x8000004A;
	s26 =	ssub.s32 $0x2, s9;
	s13 =	smul.u32 $0x50000, s2  }
0x9: {  	s28 =	sshll.u32 s9, $0x4;
	s30 =	sshll.u32 s2, $0x6;
	s12 =	sshrl.u32 s26, $0x1  }
0xa: {  	s31 =	sor.u32 s2, s28;
	s7 =	sadd.s32 s10, s7;
	s12 =	ssub.s32 s26, s12  }
0xb: {  	s29 =	sshrl.u32 s13, $0x2;
	s9 =	smul.u32 $0x2800, s31;
	s11 =	sshrl.u32 s7, $0x3  }
0xc: {  	s13 =	simm.s32 $0x2;
	s7 =	sadd.s32 $0x39C00, s8;
	s11 =	sadd.s32 s11, s8  }
0xd: {  	s14 =	sadd.s32 s29, s1;
	s8 =	sor.u32 $0x1C02, s30;
	s10 =	sadd.s32 $0x6EC00, s11  }
0xe: {  	s11 =	smax.u32 s12, $0x1;
	s12 =	sshrl.u32 s14, $0x3;
	s14 =	simm.s32 $0x80  }
.LBB2_1:
0xf: {  	[spmem:s12], [sflag:s8] =	dma.local [hbm:s7], $0x2800  }
0x10: {  	s18 =	sand.u32 $0x3C00, s3  }
0x11: {  	s19 =	sand.u32 $0x380, s3;
	_ =	swait.ge [sflag:s13], $0x2800;
	s18 =	sadd.s32 s9, s18  }
0x12: {  	[sflag:s13] =	ssyncset.done $0x0;
	s18 =	sor.u32 s19, s18  }
0x13: {  	[sflag:s13] =	ssyncadd.s32 $0xFFFFD800;
	s18 =	sshrl.u32 s18, $0x3  }
0x14: {  	[bflag:$0x0] =	sbarrier.arrive $0xFFFF;
	s29 =	sadd.s32 s5, s18  }
0x15: {  	[tilespmem:s3], [sflag:$0x2] =	stream.linear.gather [hbm4b:s29+s3], $0x80, $0x38;
	[tilespmem:$0x18100] =	vst v63  }
0x16: {  	_ =	swait.ge [sflag:s13], $0x80  }
0x17: {  	[sflag:s13] =	ssyncset.done $0x0  }
0x18: {  	s18 =	sadd.s32 s6, s18;
	[sflag:s13] =	ssyncadd.s32 $0xFFFFFF80  }
0x19: {  	[tilespmem:s14], [sflag:$0x2] =	stream.linear.gather [hbm4b:s18+s3], $0x80, $0x38;
	[tilespmem:$0x18100] =	vst v63  }
0x1a: {  	_ =	swait.ge [sflag:s13], $0x80  }
0x1b: {  	[sflag:s13] =	ssyncset.done $0x0  }
0x1c: {  	[sflag:s13] =	ssyncadd.s32 $0xFFFFFF80  }
0x1d: {  	[tilespmem:s15], [sflag:$0x1] =	stream.indirect.gather [hbm4b:s4+s14], $0x80, s3, s14, $0xb8;
	[tilespmem:$0x18100] =	vst v63  }
0x1e: {  	_ =	swait.ge [sflag:s16], $0x4000  }
0x1f: {  	s30 =	simm.s32 $0x80;
	[sflag:s16] =	ssyncset.done $0x0  }
0x20: {  	s31 =	sand.u32 $0x3C00, s30;
	[sflag:s16] =	ssyncadd.s32 $0xFFFFC000  }
0x21: {  	[spmem:s1] =	stream.indirect.scatter.add.f32 [tilespmem:s15], [sflag:$0x2], $0x80, s14, s14, $0xb8;
	[tilespmem:$0x18100] =	vst v63  }
0x22: {  	s20 =	sand.u32 $0x380, s30;
	s19 =	sadd.s32 s9, s31;
	_ =	swait.ge [sflag:s13], $0x4000  }
0x23: {  	s19 =	sor.u32 s20, s19;
	s18 =	simm.s32 $0x100;
	[sflag:s13] =	ssyncset.done $0x0  }
.LBB2_2:
0x24: {  	s19 =	sshrl.u32 s19, $0x3  }
0x25: {  	[sflag:s13] =	ssyncadd.s32 $0xFFFFC000;
	s20 =	smov.u32 s18;
	s21 =	sadd.s32 $0x80, s18  }
0x26: {  	p0 =	sne.s32 s18, $0x2780;
	s18 =	sadd.s32 s5, s19  }
0x27: {  	[tilespmem:s3], [sflag:$0x2] =	stream.linear.gather [hbm4b:s18+s3], $0x80, $0x38;
	[tilespmem:$0x18100] =	vst v63  }
0x28: {  	_ =	swait.ge [sflag:s13], $0x80  }
0x29: {  	[sflag:s13] =	ssyncset.done $0x0  }
0x2a: {  	s18 =	sadd.s32 s6, s19;
	[sflag:s13] =	ssyncadd.s32 $0xFFFFFF80  }
0x2b: {  	[tilespmem:s14], [sflag:$0x2] =	stream.linear.gather [hbm4b:s18+s3], $0x80, $0x38;
	[tilespmem:$0x18100] =	vst v63  }
0x2c: {  	_ =	swait.ge [sflag:s13], $0x80  }
0x2d: {  	[sflag:s13] =	ssyncset.done $0x0  }
0x2e: {  	[sflag:s13] =	ssyncadd.s32 $0xFFFFFF80  }
0x2f: {  	[tilespmem:s15], [sflag:$0x1] =	stream.indirect.gather [hbm4b:s4+s14], $0x80, s3, s14, $0xb8;
	[tilespmem:$0x18100] =	vst v63  }
0x30: {  	_ =	swait.ge [sflag:s16], $0x4000  }
.Ltmp0:
0x31: {  	[sflag:s16] =	ssyncset.done $0x0;
	(pc) =	sbr.rel @p0 .LBB2_2-.Ltmp0, $4  }
0x32: {  	s18 =	sand.u32 $0x3C00, s20;
	[sflag:s16] =	ssyncadd.s32 $0xFFFFC000  }
0x33: {  	[spmem:s1] =	stream.indirect.scatter.add.f32 [tilespmem:s15], [sflag:$0x2], $0x80, s14, s14, $0xb8;
	[tilespmem:$0x18100] =	vst v63  }
0x34: {  	s19 =	sand.u32 $0x380, s20;
	s18 =	sadd.s32 s9, s18;
	_ =	swait.ge [sflag:s13], $0x4000  }
0x35: {  	s19 =	sor.u32 s19, s18;
	s18 =	smov.u32 s21;
	[sflag:s13] =	ssyncset.done $0x0  }
0x36: {  	s18 =	sshrl.u32 s19, $0x3  }
0x37: {  	[sflag:s13] =	ssyncadd.s32 $0xFFFFC000;
	s19 =	sadd.s32 s5, s18  }
0x38: {  	[tilespmem:s3], [sflag:$0x2] =	stream.linear.gather [hbm4b:s19+s3], $0x80, $0x38;
	[tilespmem:$0x18100] =	vst v63  }
0x39: {  	_ =	swait.ge [sflag:s13], $0x80  }
0x3a: {  	[sflag:s13] =	ssyncset.done $0x0  }
0x3b: {  	s18 =	sadd.s32 s6, s18;
	[sflag:s13] =	ssyncadd.s32 $0xFFFFFF80  }
0x3c: {  	[tilespmem:s14], [sflag:$0x2] =	stream.linear.gather [hbm4b:s18+s3], $0x80, $0x38;
	[tilespmem:$0x18100] =	vst v63  }
0x3d: {  	_ =	swait.ge [sflag:s13], $0x80  }
0x3e: {  	[sflag:s13] =	ssyncset.done $0x0  }
0x3f: {  	[sflag:s13] =	ssyncadd.s32 $0xFFFFFF80  }
0x40: {  	[tilespmem:s15], [sflag:$0x1] =	stream.indirect.gather [hbm4b:s4+s14], $0x80, s3, s14, $0xb8;
	[tilespmem:$0x18100] =	vst v63  }
0x41: {  	_ =	swait.ge [sflag:s16], $0x4000  }
0x42: {  	[sflag:s16] =	ssyncset.done $0x0  }
0x43: {  	[sflag:s16] =	ssyncadd.s32 $0xFFFFC000  }
0x44: {  	[spmem:s1] =	stream.indirect.scatter.add.f32 [tilespmem:s15], [sflag:$0x2], $0x80, s14, s14, $0xb8;
	[tilespmem:$0x18100] =	vst v63  }
0x45: {  	_ =	swait.ge [sflag:s13], $0x4000  }
0x46: {  	[sflag:s13] =	ssyncset.done $0x0  }
0x47: {  	s17 =	sadd.s32 $0x1, s17;
	[sflag:s13] =	ssyncadd.s32 $0xFFFFC000  }
0x48: {  	p0 =	sne.s32 s17, s11;
	[bflag:$0x0] =	sbarrier.arrive $0xFFFF  }
0x49: {  	[hbm:s10], [sflag:s8] =	dma.local [spmem:s12], $0x2800  }
.Ltmp1:
0x4a: {  	_ =	swait.ge [sflag:s13], $0x2800;
	(pc) =	sbr.rel @p0 .LBB2_1-.Ltmp1, $3  }
0x4b: {  	[sflag:s13] =	ssyncset.done $0x0  }
0x4c: {  	[sflag:s13] =	ssyncadd.s32 $0xFFFFD800  }
0x4d: {  	[bflag:$0x0] =	sbarrier.arrive $0xFFFF;
	_ =	sdelay $0x1  }
0x4e: {  	_ =	sfence.sel $0x180000  }
0x4f: {  	[bflag:$0x0] =	sbarrier.arrive $0xFFFF  }
0x50: {  	p0 =	sne.s32 s2, $0x0;
	_ =	strace $0x9000004A  }
0x51: {  	s0 =	sadd.s32 @!p0 $0x100000, s0;
	[bflag:$0x2] =	sbarrier.arrive $0xFFFF  }
0x52: {  	[sflag:s0] =	ssyncadd.tile.s32 @!p0 $0x1;
	_ =	shalt  }
.Lfunc_end2:
_tile_overlayer_lowered:
.L_overlay_start_2:
0x53: {  	(tag) =	ssettag $0x2  }
0x54: {  	s0 =	rddreg [dreg:$0x0];
	s2 =	stileid.u32  }
0x55: {  	s1 =	rddreg [dreg:$0x1];
	p0 =	sne.s32 s2, $0x0  }
0x56: {  	s3 =	rddreg [dreg:$0x2];
	[bflag:$0x3] =	sbarrier.arrive $0xFFFF;
	s2 =	simm.s32 @!p0 $0x1C02  }
0x57: {  	[timem:s3], [sflag:s2] =	dma.local @!p0 [hbm:s0], s1  }
0x58: {  	s0 =	simm.s32 @!p0 $0x2  }
0x59: {  	_ =	swait.ge @!p0 [sflag:s0], s1  }
0x5a: {  	s1 =	ssub.s32 @!p0 $0x0, s1;
	[sflag:s0] =	ssyncset.done @!p0 $0x0  }
0x5b: {  	[sflag:s0] =	ssyncadd.s32 @!p0 s1  }
0x5c: {  	[bflag:$0x3] =	sbarrier.arrive $0xFFFF  }
0x5d: {  	_ =	shalt  }

// kernel: kernel.29.cloned.1.call-start
scs
__scs_entry_jumppad:
0x0: {  	(pc) =	sbr.rel $0x88, $3  }
0x1: {  	(tag) =	ssettag $0x0;
	lr =	simm.s32 $0x1  }
0x2: {  	[smem:$0x3F82] =	sst lr;
	_ =	strace $0xD0000000  }
0x3: {  	_ = 	snop  }
0x4: {  	_ = 	snop  }
0x5: {  	_ = 	snop  }
0x6: {  	_ = 	snop  }
0x7: {  	_ = 	snop  }
__scs_overlays_trampoline_lowered:
0x8: {  	[smem:$0x3F91] =	sst s0  }
0x9: {  	[smem:$0x3F92] =	sst s1  }
0xa: {  	[smem:$0x3F93] =	sst s2  }
0xb: {  	[smem:$0x3F94] =	sst s3  }
0xc: {  	[smem:$0x3F95] =	sst s4  }
0xd: {  	[smem:$0x3F96] =	sst s5  }
0xe: {  	[smem:$0x3F97] =	sst s6  }
0xf: {  	[smem:$0x3F98] =	sst s7  }
0x10: {  	[smem:$0x3F99] =	sst s8  }
0x11: {  	[smem:$0x3F9A] =	sst s9;
	s0 =	simm.s32 @!p0 $0x0  }
0x12: {  	s1 =	sld [smem:$0x3F80];
	s0 =	simm.s32 @p0 $0x1  }
0x13: {  	[smem:$0x3F9B] =	sst s0;
	s0 =	simm.s32 @!p1 $0x0  }
0x14: {  	s2 =	sld [smem:$0x3F7F];
	s0 =	simm.s32 @p1 $0x1  }
0x15: {  	[smem:$0x3F9C] =	sst s0;
	s0 =	simm.s32 @!p2 $0x0  }
0x16: {  	s3 =	sld [smem:$0x3FDB];
	s0 =	simm.s32 @p2 $0x1  }
0x17: {  	s4 =	simm.s32 $0x1BF5;
	[smem:$0x3F9E] =	sst s0  }
0x18: {  	s0 =	sld [smem:$0x3F81];
	_ =	swait.ge [sflag:s4], $0x0  }
0x19: {  	s7 =	sld [smem:$0x3F82]  }
0x1a: {  	s8 =	sadd.s32 $0xFFFFE003, lr  }
0x1b: {  	s9 =	sadd.s32 $0xFFFFFEF7, lr;
	s5 =	simm.s32 $0xFFFFFFFF;
	p2 =	slt.u32 s8, $0xFFFFF086  }
0x1c: {  	p1 =	slt.u32 s9, $0xF7A;
	s5 =	simm.s32 @!p2 $0x0  }
0x1d: {  	s5 =	simm.s32 @p1 $0x1;
	p0 =	seq.s32 s7, s2  }
0x1e: {  	s7 =	smul.u32 @!p0 $0xF7A, s2;
	p2 =	seq.s32 @!p0 s5, $0x0  }
0x1f: {  	s9 =	smul.u32 $0xF7A, s1;
	s8 =	simm.s32 @!p0 $0x1BF5;
	p2 =	por !p2, p0  }
0x20: {  	[sflag:s8] =	ssyncset.s32 @!p0 $0xFFFFF086;
	s6 =	sadd.s32 @!p0 s3, s7;
	s7 =	simm.s32 @!p0 $0x108  }
0x21: {  	s3 =	sadd.s32 s3, s9;
	s6 =	sadd.s32 @!p0 $0x88, s6;
	s7 =	simm.s32 @p2 $0x1082  }
0x22: {  	[simem:s7], [sflag:s8] =	dma.local @!p0 [hbm:s6], $0xF7A  }
0x23: {  	s9 =	sor.u32 $0xD0000000, s2;
	s6 =	simm.s32 $0x108;
	_ =	swait.ge @!p0 [sflag:s8], $0x0  }
0x24: {  	s3 =	sadd.s32 $0x88, s3;
	s6 =	simm.s32 @!p1 $0x1082;
	[sflag:s4] =	ssyncset.s32 $0xFFFFF086  }
0x25: {  	[simem:s6], [sflag:s4] =	dma.local [hbm:s3], $0xF7A  }
0x26: {  	[smem:$0x3F82] =	sst s1;
	(tag) =	ssettag s2;
	_ =	strace s9  }
0x27: {  	s1 =	sld [smem:$0x3F92]  }
0x28: {  	s2 =	sld [smem:$0x3F93]  }
0x29: {  	s4 =	sld [smem:$0x3F95]  }
0x2a: {  	p0 =	seq.s32 s5, $0x0;
	s5 =	sld [smem:$0x3F96]  }
0x2b: {  	s6 =	sld [smem:$0x3F97]  }
0x2c: {  	s7 =	sld [smem:$0x3F98]  }
0x2d: {  	s3 =	simm.s32 $0x108;
	s8 =	sld [smem:$0x3F99]  }
0x2e: {  	s3 =	simm.s32 @!p0 $0x1082;
	s9 =	sld [smem:$0x3F9A]  }
0x2f: {  	lr =	sadd.s32 s0, s3;
	s0 =	sld [smem:$0x3F91]  }
0x30: {  	s3 =	sld [smem:$0x3F94]  }
0x31: {  	[smem:$0x3F9D] =	sst s10  }
0x32: {  	s10 =	sld [smem:$0x3F9B];
	_ =	sdelay $0x3  }
0x33: {  	p0 =	seq.s32 s10, $0x1;
	s10 =	sld [smem:$0x3F9D];
	_ =	sdelay $0x3  }
0x34: {  	[smem:$0x3F9D] =	sst s10  }
0x35: {  	s10 =	sld [smem:$0x3F9C];
	_ =	sdelay $0x3  }
0x36: {  	p1 =	seq.s32 s10, $0x1;
	s10 =	sld [smem:$0x3F9D];
	_ =	sdelay $0x3  }
0x37: {  	[smem:$0x3F9D] =	sst s10  }
0x38: {  	s10 =	sld [smem:$0x3F9E]  }
0x39: {  	_ = 	snop;
	(pc) =	sbr.ind lr, $3  }
0x3a: {  	_ = 	snop  }
0x3b: {  	_ = 	snop  }
0x3c: {  	p2 =	seq.s32 s10, $0x1;
	s10 =	sld [smem:$0x3F9D]  }
0x3d: {  	_ =	shalt  }
0x3e: {  	_ =	shalt  }
0x3f: {  	_ =	shalt  }
0x40: {  	_ =	shalt  }
0x41: {  	_ =	shalt  }
0x42: {  	_ =	shalt  }
0x43: {  	_ =	shalt  }
0x44: {  	_ =	shalt  }
0x45: {  	_ =	shalt  }
0x46: {  	_ =	shalt  }
0x47: {  	_ =	shalt  }
0x48: {  	_ =	shalt  }
0x49: {  	_ =	shalt  }
0x4a: {  	_ =	shalt  }
0x4b: {  	_ =	shalt  }
0x4c: {  	_ =	shalt  }
0x4d: {  	_ =	shalt  }
0x4e: {  	_ =	shalt  }
0x4f: {  	_ =	shalt  }
0x50: {  	_ =	shalt  }
0x51: {  	_ =	shalt  }
0x52: {  	_ =	shalt  }
0x53: {  	_ =	shalt  }
0x54: {  	_ =	shalt  }
0x55: {  	_ =	shalt  }
0x56: {  	_ =	shalt  }
0x57: {  	_ =	shalt  }
0x58: {  	_ =	shalt  }
0x59: {  	_ =	shalt  }
0x5a: {  	_ =	shalt  }
0x5b: {  	_ =	shalt  }
0x5c: {  	_ =	shalt  }
0x5d: {  	_ =	shalt  }
0x5e: {  	_ =	shalt  }
0x5f: {  	_ =	shalt  }
0x60: {  	_ =	shalt  }
0x61: {  	_ =	shalt  }
0x62: {  	_ =	shalt  }
0x63: {  	_ =	shalt  }
0x64: {  	_ =	shalt  }
0x65: {  	_ =	shalt  }
0x66: {  	_ =	shalt  }
0x67: {  	_ =	shalt  }
0x68: {  	_ =	shalt  }
0x69: {  	_ =	shalt  }
0x6a: {  	_ =	shalt  }
0x6b: {  	_ =	shalt  }
0x6c: {  	_ =	shalt  }
0x6d: {  	_ =	shalt  }
0x6e: {  	_ =	shalt  }
0x6f: {  	_ =	shalt  }
0x70: {  	_ =	shalt  }
0x71: {  	_ =	shalt  }
0x72: {  	_ =	shalt  }
0x73: {  	_ =	shalt  }
0x74: {  	_ =	shalt  }
0x75: {  	_ =	shalt  }
0x76: {  	_ =	shalt  }
0x77: {  	_ =	shalt  }
0x78: {  	_ =	shalt  }
0x79: {  	_ =	shalt  }
0x7a: {  	_ =	shalt  }
0x7b: {  	_ =	shalt  }
0x7c: {  	_ =	shalt  }
0x7d: {  	_ =	shalt  }
0x7e: {  	_ =	shalt  }
0x7f: {  	_ =	shalt  }
0x80: {  	_ =	shalt  }
0x81: {  	_ =	shalt  }
0x82: {  	_ =	shalt  }
0x83: {  	_ =	shalt  }
0x84: {  	_ =	shalt  }
0x85: {  	_ =	shalt  }
0x86: {  	_ =	shalt  }
0x87: {  	_ =	shalt  }
.Lfunc_end0:
.L_simem_size_0:
called_computation.2_lowered:
.L_overlay_start_0:
0x88: {  	s2 =	sld [smem:$0x3FD9]  }
0x89: {  	s3 =	sld [smem:$0x3FFE];
	_ =	sdelay $0x1  }
0x8a: {  	s1 =	srdreg.scid  }
0x8b: {  	s0 =	sand.u32 $0x1, s1  }
0x8c: {  	s16 =	sshll.u32 s0, $0xA;
	s2 =	sadd.s32 s3, s2  }
0x8d: {  	s2 =	sadd.s32 s2, s16  }
0x8e: {  	[smem:$0x3FA9] =	sst s2  }
0x8f: {  	_ = 	snop  }
0x90: {  	(tm) =	ssettm $0x1  }
0x91: {  	s17 =	sld [smem:$0x3FFB];
	_ =	sdelay $0x3  }
0x92: {  	_ =	strace s17  }
0x93: {  	s2 =	sld [smem:$0x3FFC];
	_ =	sdelay $0x3  }
0x94: {  	_ =	strace s2  }
0x95: {  	s2 =	sld [smem:$0x3FFD];
	_ =	sdelay $0x3  }
0x96: {  	_ =	strace s2  }
0x97: {  	_ =	strace $0x8FFFFFFF  }
0x98: {  	s18 =	sld [smem:$0x3FDB];
	_ =	sdelay $0x1  }
0x99: {  	s19 =	simm.s32 $_scs_section_size  }
0x9a: {  	s4 =	simm.s32 $_size__tile_overlayer_lowered;
	s5 =	simm.s32 $_tile_overlayer_lowered  }
0x9b: {  	s22 =	simm.s32 $0x1BFF;
	s21 =	sshll.u32 s5, $0x1;
	s2 =	sadd.s32 s19, s18  }
0x9c: {  	s6 =	simm.s32 $0x0;
	s20 =	sshll.u32 s4, $0x1;
	s4 =	sadd.s32 s21, s2  }
0x9d: {  	[timem:s6], [sflag:s22] =	dma.local [hbm:s4], s20  }
0x9e: {  	_ =	swait.ge [sflag:s22], s20  }
0x9f: {  	s3 =	ssub.s32 $0x0, s20;
	[sflag:s22] =	ssyncset.done $0x0  }
0xa0: {  	[sflag:s22] =	ssyncadd.s32 s3;
	_ =	sdelay $0x1  }
0xa1: {  	s23 =	simm.s32 $0x1B8B  }
0xa2: {  	_ =	swait.ge [sflag:s23], $0x1  }
0xa3: {  	[sflag:s23] =	ssyncset.done $0x0  }
0xa4: {  	s25 =	simm.s32 $0x1B8E;
	s24 =	sld [smem:$0x3FFE];
	[sflag:s23] =	ssyncadd.s32 $0xFFFFFFFF  }
0xa5: {  	s26 =	simm.s32 $execute0_lowered;
	[smem:$0x3FD2] =	sst s25  }
0xa6: {  	s4 =	sshll.u32 s26, $0x1;
	_ =	strace $0x8000004C;
	[dreg:$0x1] =	wrdreg $0xFFFFFFFF  }
0xa7: {  	s28 =	simm.s32 $_size_execute0_lowered;
	s2 =	sadd.s32 s2, s4;
	[dreg:$0x0] =	wrdreg $0x0  }
0xa8: {  	s4 =	sshll.u32 s28, $0x1;
	[dreg:$0x2] =	wrdreg s2  }
0xa9: {  	[dreg:$0x3] =	wrdreg s4  }
0xaa: {  	[dreg:$0x4] =	wrdreg $0xC0  }
0xab: {  	_ =	task [dreg:s6], $0x5FFFF  }
0xac: {  	[dreg:$0x1] =	wrdreg $0xFFFFFFFF  }
0xad: {  	[dreg:$0x0] =	wrdreg $0x60  }
0xae: {  	[dreg:$0x2] =	wrdreg s24  }
0xaf: {  	[dreg:$0x3] =	wrdreg $0x41000  }
0xb0: {  	[dreg:$0x4] =	wrdreg $0x9  }
0xb1: {  	_ =	task.clear_ibuf [dreg:s6], $0x5FFFF;
	_ =	strace $0x9000004C  }
0xb2: {  	s29 =	simm.s32 $0x9;
	_ =	strace $0x8000004E  }
0xb3: {  	_ =	swait.ge [sflag:s29], $0x1  }
0xb4: {  	[sflag:s29] =	ssyncadd.s32 $0xFFFFFFFF  }
0xb5: {  	_ =	strace $0x9000004E  }
0xb6: {  	_ =	sfence  }
0xb7: {  	s30 =	sld [smem:$0x0];
	_ =	sdelay $0x2  }
0xb8: {  	s31 =	sshll.u32 s1, $0xD;
	s1 =	sshrl.u32 s1, $0x2  }
0xb9: {  	s3 =	sand.u32 $0x4000, s31;
	s1 =	sadd.s32 s1, s30  }
0xba: {  	s0 =	sor.u32 s3, s0;
	s1 =	sshll.u32 s1, $0x11  }
0xbb: {  	s0 =	sor.u32 s1, s0  }
0xbc: {  	s0 =	sadd.s32 $0x8F2B, s0  }
0xbd: {  	[sflag:s0] =	ssyncadd.remote.s32 $0x1  }
0xbe: {  	_ =	sfence.sel $0xFFFF  }
0xbf: {  	[dreg:$0x0] =	wrdreg $0xFFFFFFFF;
	(pc) =	sbr.abs _section_cstart, $3  }
0xc0: {  	[dreg:$0x1] =	wrdreg $0xFFFFFFFF  }
0xc1: {  	_ =	task.clear_ibuf [dreg:s6], $0x2FFFF;
	_ =	strace $0x9FFFFFFF  }
0xc2: {  	(tm) =	ssettm $0x7FFFFFFF  }
0xc3: {  	_ =	shalt  }
tec
execute0_lowered:
.L_overlay_start_1:
0x0: {  	(tag) =	ssettag $0x1  }
0x1: {  	s11 =	rddreg [dreg:$0x0]  }
0x2: {  	s1 =	rddreg [dreg:$0x1]  }
0x3: {  	s2 =	srdreg.scid;
	s0 =	rddreg [dreg:$0x2]  }
0x4: {  	s3 =	simm.s32 $0x0;
	s19 =	simm.s32 $0x2;
	s20 =	simm.s32 $0x80  }
0x5: {  	s21 =	simm.s32 $0x100;
	s22 =	simm.s32 $0x1;
	s23 =	simm.s32 $0x0  }
0x6: {  	s12 =	sand.u32 $0x1, s2;
	s2 =	stileid.u32;
	[smem:$0x7FF] =	sst s3  }
0x7: {  	s4 =	sadd.s32 $0x96C00, s11;
	s5 =	sadd.s32 $0x6EC00, s11;
	s8 =	smul.u32 $0x500000, s12  }
0x8: {  	s6 =	sadd.s32 $0x3C400, s11;
	s7 =	sadd.s32 $0x11C00, s11;
	s9 =	smul.u32 $0x14000, s2  }
0x9: {  	_ =	strace $0x8000004D;
	s28 =	ssub.s32 $0x2, s12;
	s12 =	sshll.u32 s12, $0x4  }
0xa: {  	s14 =	smul.u32 $0x50000, s2;
	s30 =	sshll.u32 s2, $0x6;
	s29 =	sshrl.u32 s28, $0x1  }
0xb: {  	s12 =	sor.u32 s2, s12;
	s10 =	sadd.s32 s9, s8;
	s8 =	sadd.s32 $0x64C00, s11  }
0xc: {  	s9 =	sadd.s32 $0x7C00, s11;
	s17 =	ssub.s32 s28, s29;
	s31 =	sshrl.u32 s14, $0x2  }
0xd: {  	s12 =	smul.u32 $0x2800, s12;
	s13 =	sshrl.u32 s10, $0x3;
	s10 =	sadd.s32 $0x39C00, s11  }
0xe: {  	s18 =	sadd.s32 s31, s1;
	s16 =	sadd.s32 s13, s11;
	s11 =	sor.u32 $0x1C02, s30  }
0xf: {  	s17 =	smax.u32 s17, $0x1;
	s13 =	sadd.s32 $0x24EC00, s16;
	s14 =	sadd.s32 $0x276C00, s16  }
0x10: {  	s18 =	sshrl.u32 s18, $0x3;
	s15 =	sadd.s32 $0x29EC00, s16;
	s16 =	sadd.s32 $0x2C6C00, s16  }
.LBB2_1:
0x11: {  	[spmem:s18], [sflag:s11] =	dma.local [hbm:s10], $0x2800  }
0x12: {  	s24 =	sand.u32 $0x3C00, s3  }
0x13: {  	s25 =	sand.u32 $0x380, s3;
	_ =	swait.ge [sflag:s19], $0x2800;
	s24 =	sadd.s32 s12, s24  }
0x14: {  	[sflag:s19] =	ssyncset.done $0x0;
	s24 =	sor.u32 s25, s24  }
0x15: {  	[sflag:s19] =	ssyncadd.s32 $0xFFFFD800;
	s24 =	sshrl.u32 s24, $0x3  }
0x16: {  	[bflag:$0x0] =	sbarrier.arrive $0xFFFF;
	s29 =	sadd.s32 s8, s24  }
0x17: {  	[tilespmem:s3], [sflag:$0x2] =	stream.linear.gather [hbm4b:s29+s3], $0x80, $0x38;
	[tilespmem:$0x18100] =	vst v63  }
0x18: {  	_ =	swait.ge [sflag:s19], $0x80  }
0x19: {  	[sflag:s19] =	ssyncset.done $0x0  }
0x1a: {  	s24 =	sadd.s32 s9, s24;
	[sflag:s19] =	ssyncadd.s32 $0xFFFFFF80  }
0x1b: {  	[tilespmem:s20], [sflag:$0x2] =	stream.linear.gather [hbm4b:s24+s3], $0x80, $0x38;
	[tilespmem:$0x18100] =	vst v63  }
0x1c: {  	_ =	swait.ge [sflag:s19], $0x80  }
0x1d: {  	[sflag:s19] =	ssyncset.done $0x0  }
0x1e: {  	[sflag:s19] =	ssyncadd.s32 $0xFFFFFF80  }
0x1f: {  	[tilespmem:s21], [sflag:$0x1] =	stream.indirect.gather [hbm4b:s4+s20], $0x80, s3, s20, $0xb8;
	[tilespmem:$0x18100] =	vst v63  }
0x20: {  	_ =	swait.ge [sflag:s22], $0x4000  }
0x21: {  	s30 =	simm.s32 $0x80;
	[sflag:s22] =	ssyncset.done $0x0  }
0x22: {  	s31 =	sand.u32 $0x3C00, s30;
	[sflag:s22] =	ssyncadd.s32 $0xFFFFC000  }
0x23: {  	[spmem:s1] =	stream.indirect.scatter.add.f32 [tilespmem:s21], [sflag:$0x2], $0x80, s20, s20, $0xb8;
	[tilespmem:$0x18100] =	vst v63  }
0x24: {  	s26 =	sand.u32 $0x380, s30;
	s25 =	sadd.s32 s12, s31;
	_ =	swait.ge [sflag:s19], $0x4000  }
0x25: {  	s25 =	sor.u32 s26, s25;
	s24 =	simm.s32 $0x100;
	[sflag:s19] =	ssyncset.done $0x0  }
.LBB2_2:
0x26: {  	s25 =	sshrl.u32 s25, $0x3  }
0x27: {  	[sflag:s19] =	ssyncadd.s32 $0xFFFFC000;
	s26 =	smov.u32 s24;
	s28 =	sadd.s32 $0x80, s24  }
0x28: {  	p0 =	sne.s32 s24, $0x2780;
	s24 =	sadd.s32 s8, s25  }
0x29: {  	[tilespmem:s3], [sflag:$0x2] =	stream.linear.gather [hbm4b:s24+s3], $0x80, $0x38;
	[tilespmem:$0x18100] =	vst v63  }
0x2a: {  	_ =	swait.ge [sflag:s19], $0x80  }
0x2b: {  	[sflag:s19] =	ssyncset.done $0x0  }
0x2c: {  	s24 =	sadd.s32 s9, s25;
	[sflag:s19] =	ssyncadd.s32 $0xFFFFFF80  }
0x2d: {  	[tilespmem:s20], [sflag:$0x2] =	stream.linear.gather [hbm4b:s24+s3], $0x80, $0x38;
	[tilespmem:$0x18100] =	vst v63  }
0x2e: {  	_ =	swait.ge [sflag:s19], $0x80  }
0x2f: {  	[sflag:s19] =	ssyncset.done $0x0  }
0x30: {  	[sflag:s19] =	ssyncadd.s32 $0xFFFFFF80  }
0x31: {  	[tilespmem:s21], [sflag:$0x1] =	stream.indirect.gather [hbm4b:s4+s20], $0x80, s3, s20, $0xb8;
	[tilespmem:$0x18100] =	vst v63  }
0x32: {  	_ =	swait.ge [sflag:s22], $0x4000  }
.Ltmp0:
0x33: {  	[sflag:s22] =	ssyncset.done $0x0;
	(pc) =	sbr.rel @p0 .LBB2_2-.Ltmp0, $4  }
0x34: {  	s24 =	sand.u32 $0x3C00, s26;
	[sflag:s22] =	ssyncadd.s32 $0xFFFFC000  }
0x35: {  	[spmem:s1] =	stream.indirect.scatter.add.f32 [tilespmem:s21], [sflag:$0x2], $0x80, s20, s20, $0xb8;
	[tilespmem:$0x18100] =	vst v63  }
0x36: {  	s25 =	sand.u32 $0x380, s26;
	s24 =	sadd.s32 s12, s24;
	_ =	swait.ge [sflag:s19], $0x4000  }
0x37: {  	s25 =	sor.u32 s25, s24;
	s24 =	smov.u32 s28;
	[sflag:s19] =	ssyncset.done $0x0  }
0x38: {  	s24 =	sshrl.u32 s25, $0x3  }
0x39: {  	[sflag:s19] =	ssyncadd.s32 $0xFFFFC000;
	s25 =	sadd.s32 s8, s24  }
0x3a: {  	[tilespmem:s3], [sflag:$0x2] =	stream.linear.gather [hbm4b:s25+s3], $0x80, $0x38;
	[tilespmem:$0x18100] =	vst v63  }
0x3b: {  	_ =	swait.ge [sflag:s19], $0x80  }
0x3c: {  	[sflag:s19] =	ssyncset.done $0x0  }
0x3d: {  	s24 =	sadd.s32 s9, s24;
	[sflag:s19] =	ssyncadd.s32 $0xFFFFFF80  }
0x3e: {  	[tilespmem:s20], [sflag:$0x2] =	stream.linear.gather [hbm4b:s24+s3], $0x80, $0x38;
	[tilespmem:$0x18100] =	vst v63  }
0x3f: {  	_ =	swait.ge [sflag:s19], $0x80  }
0x40: {  	[sflag:s19] =	ssyncset.done $0x0  }
0x41: {  	[sflag:s19] =	ssyncadd.s32 $0xFFFFFF80  }
0x42: {  	[tilespmem:s21], [sflag:$0x1] =	stream.indirect.gather [hbm4b:s4+s20], $0x80, s3, s20, $0xb8;
	[tilespmem:$0x18100] =	vst v63  }
0x43: {  	_ =	swait.ge [sflag:s22], $0x4000  }
0x44: {  	[sflag:s22] =	ssyncset.done $0x0  }
0x45: {  	[sflag:s22] =	ssyncadd.s32 $0xFFFFC000  }
0x46: {  	[spmem:s1] =	stream.indirect.scatter.add.f32 [tilespmem:s21], [sflag:$0x2], $0x80, s20, s20, $0xb8;
	[tilespmem:$0x18100] =	vst v63  }
0x47: {  	_ =	swait.ge [sflag:s19], $0x4000  }
0x48: {  	[sflag:s19] =	ssyncset.done $0x0  }
0x49: {  	[sflag:s19] =	ssyncadd.s32 $0xFFFFC000  }
0x4a: {  	[bflag:$0x0] =	sbarrier.arrive $0xFFFF  }
0x4b: {  	[hbm:s13], [sflag:s11] =	dma.local [spmem:s18], $0x2800  }
0x4c: {  	_ =	swait.ge [sflag:s19], $0x2800  }
0x4d: {  	[sflag:s19] =	ssyncset.done $0x0  }
0x4e: {  	s26 =	simm.s32 $0x0;
	[sflag:s19] =	ssyncadd.s32 $0xFFFFD800  }
0x4f: {  	s28 =	sand.u32 $0x3C00, s26;
	[bflag:$0x0] =	sbarrier.arrive $0xFFFF  }
0x50: {  	[spmem:s18], [sflag:s11] =	dma.local [hbm:s10], $0x2800  }
0x51: {  	s25 =	sadd.s32 s12, s28;
	s24 =	sand.u32 $0x380, s26;
	_ =	swait.ge [sflag:s19], $0x2800  }
0x52: {  	s24 =	sor.u32 s24, s25;
	[sflag:s19] =	ssyncset.done $0x0  }
0x53: {  	s24 =	sshrl.u32 s24, $0x3;
	[sflag:s19] =	ssyncadd.s32 $0xFFFFD800  }
0x54: {  	s29 =	sadd.s32 s8, s24;
	[bflag:$0x0] =	sbarrier.arrive $0xFFFF  }
0x55: {  	[tilespmem:s3], [sflag:$0x2] =	stream.linear.gather [hbm4b:s29+s3], $0x80, $0x38;
	[tilespmem:$0x18100] =	vst v63  }
0x56: {  	_ =	swait.ge [sflag:s19], $0x80  }
0x57: {  	[sflag:s19] =	ssyncset.done $0x0  }
0x58: {  	s24 =	sadd.s32 s9, s24;
	[sflag:s19] =	ssyncadd.s32 $0xFFFFFF80  }
0x59: {  	[tilespmem:s20], [sflag:$0x2] =	stream.linear.gather [hbm4b:s24+s3], $0x80, $0x38;
	[tilespmem:$0x18100] =	vst v63  }
0x5a: {  	_ =	swait.ge [sflag:s19], $0x80  }
0x5b: {  	[sflag:s19] =	ssyncset.done $0x0  }
0x5c: {  	[sflag:s19] =	ssyncadd.s32 $0xFFFFFF80  }
0x5d: {  	[tilespmem:s21], [sflag:$0x1] =	stream.indirect.gather [hbm4b:s5+s20], $0x80, s3, s20, $0xb8;
	[tilespmem:$0x18100] =	vst v63  }
0x5e: {  	_ =	swait.ge [sflag:s22], $0x4000  }
0x5f: {  	s30 =	simm.s32 $0x80;
	[sflag:s22] =	ssyncset.done $0x0  }
0x60: {  	s31 =	sand.u32 $0x3C00, s30;
	[sflag:s22] =	ssyncadd.s32 $0xFFFFC000  }
0x61: {  	[spmem:s1] =	stream.indirect.scatter.add.f32 [tilespmem:s21], [sflag:$0x2], $0x80, s20, s20, $0xb8;
	[tilespmem:$0x18100] =	vst v63  }
0x62: {  	s26 =	sand.u32 $0x380, s30;
	s25 =	sadd.s32 s12, s31;
	_ =	swait.ge [sflag:s19], $0x4000  }
0x63: {  	s25 =	sor.u32 s26, s25;
	s24 =	simm.s32 $0x100;
	[sflag:s19] =	ssyncset.done $0x0  }
.LBB2_4:
0x64: {  	s25 =	sshrl.u32 s25, $0x3  }
0x65: {  	[sflag:s19] =	ssyncadd.s32 $0xFFFFC000;
	s26 =	smov.u32 s24;
	s28 =	sadd.s32 $0x80, s24  }
0x66: {  	p0 =	sne.s32 s24, $0x2780;
	s24 =	sadd.s32 s8, s25  }
0x67: {  	[tilespmem:s3], [sflag:$0x2] =	stream.linear.gather [hbm4b:s24+s3], $0x80, $0x38;
	[tilespmem:$0x18100] =	vst v63  }
0x68: {  	_ =	swait.ge [sflag:s19], $0x80  }
0x69: {  	[sflag:s19] =	ssyncset.done $0x0  }
0x6a: {  	s24 =	sadd.s32 s9, s25;
	[sflag:s19] =	ssyncadd.s32 $0xFFFFFF80  }
0x6b: {  	[tilespmem:s20], [sflag:$0x2] =	stream.linear.gather [hbm4b:s24+s3], $0x80, $0x38;
	[tilespmem:$0x18100] =	vst v63  }
0x6c: {  	_ =	swait.ge [sflag:s19], $0x80  }
0x6d: {  	[sflag:s19] =	ssyncset.done $0x0  }
0x6e: {  	[sflag:s19] =	ssyncadd.s32 $0xFFFFFF80  }
0x6f: {  	[tilespmem:s21], [sflag:$0x1] =	stream.indirect.gather [hbm4b:s5+s20], $0x80, s3, s20, $0xb8;
	[tilespmem:$0x18100] =	vst v63  }
0x70: {  	_ =	swait.ge [sflag:s22], $0x4000  }
.Ltmp1:
0x71: {  	[sflag:s22] =	ssyncset.done $0x0;
	(pc) =	sbr.rel @p0 .LBB2_4-.Ltmp1, $4  }
0x72: {  	s24 =	sand.u32 $0x3C00, s26;
	[sflag:s22] =	ssyncadd.s32 $0xFFFFC000  }
0x73: {  	[spmem:s1] =	stream.indirect.scatter.add.f32 [tilespmem:s21], [sflag:$0x2], $0x80, s20, s20, $0xb8;
	[tilespmem:$0x18100] =	vst v63  }
0x74: {  	s25 =	sand.u32 $0x380, s26;
	s24 =	sadd.s32 s12, s24;
	_ =	swait.ge [sflag:s19], $0x4000  }
0x75: {  	s25 =	sor.u32 s25, s24;
	s24 =	smov.u32 s28;
	[sflag:s19] =	ssyncset.done $0x0  }
0x76: {  	s24 =	sshrl.u32 s25, $0x3  }
0x77: {  	[sflag:s19] =	ssyncadd.s32 $0xFFFFC000;
	s25 =	sadd.s32 s8, s24  }
0x78: {  	[tilespmem:s3], [sflag:$0x2] =	stream.linear.gather [hbm4b:s25+s3], $0x80, $0x38;
	[tilespmem:$0x18100] =	vst v63  }
0x79: {  	_ =	swait.ge [sflag:s19], $0x80  }
0x7a: {  	[sflag:s19] =	ssyncset.done $0x0  }
0x7b: {  	s24 =	sadd.s32 s9, s24;
	[sflag:s19] =	ssyncadd.s32 $0xFFFFFF80  }
0x7c: {  	[tilespmem:s20], [sflag:$0x2] =	stream.linear.gather [hbm4b:s24+s3], $0x80, $0x38;
	[tilespmem:$0x18100] =	vst v63  }
0x7d: {  	_ =	swait.ge [sflag:s19], $0x80  }
0x7e: {  	[sflag:s19] =	ssyncset.done $0x0  }
0x7f: {  	[sflag:s19] =	ssyncadd.s32 $0xFFFFFF80  }
0x80: {  	[tilespmem:s21], [sflag:$0x1] =	stream.indirect.gather [hbm4b:s5+s20], $0x80, s3, s20, $0xb8;
	[tilespmem:$0x18100] =	vst v63  }
0x81: {  	_ =	swait.ge [sflag:s22], $0x4000  }
0x82: {  	[sflag:s22] =	ssyncset.done $0x0  }
0x83: {  	[sflag:s22] =	ssyncadd.s32 $0xFFFFC000  }
0x84: {  	[spmem:s1] =	stream.indirect.scatter.add.f32 [tilespmem:s21], [sflag:$0x2], $0x80, s20, s20, $0xb8;
	[tilespmem:$0x18100] =	vst v63  }
0x85: {  	_ =	swait.ge [sflag:s19], $0x4000  }
0x86: {  	[sflag:s19] =	ssyncset.done $0x0  }
0x87: {  	[sflag:s19] =	ssyncadd.s32 $0xFFFFC000  }
0x88: {  	[bflag:$0x0] =	sbarrier.arrive $0xFFFF  }
0x89: {  	[hbm:s14], [sflag:s11] =	dma.local [spmem:s18], $0x2800  }
0x8a: {  	_ =	swait.ge [sflag:s19], $0x2800  }
0x8b: {  	[sflag:s19] =	ssyncset.done $0x0  }
0x8c: {  	s26 =	simm.s32 $0x0;
	[sflag:s19] =	ssyncadd.s32 $0xFFFFD800  }
0x8d: {  	s28 =	sand.u32 $0x3C00, s26;
	[bflag:$0x0] =	sbarrier.arrive $0xFFFF  }
0x8e: {  	[spmem:s18], [sflag:s11] =	dma.local [hbm:s10], $0x2800  }
0x8f: {  	s25 =	sadd.s32 s12, s28;
	s24 =	sand.u32 $0x380, s26;
	_ =	swait.ge [sflag:s19], $0x2800  }
0x90: {  	s24 =	sor.u32 s24, s25;
	[sflag:s19] =	ssyncset.done $0x0  }
0x91: {  	s24 =	sshrl.u32 s24, $0x3;
	[sflag:s19] =	ssyncadd.s32 $0xFFFFD800  }
0x92: {  	s29 =	sadd.s32 s8, s24;
	[bflag:$0x0] =	sbarrier.arrive $0xFFFF  }
0x93: {  	[tilespmem:s3], [sflag:$0x2] =	stream.linear.gather [hbm4b:s29+s3], $0x80, $0x38;
	[tilespmem:$0x18100] =	vst v63  }
0x94: {  	_ =	swait.ge [sflag:s19], $0x80  }
0x95: {  	[sflag:s19] =	ssyncset.done $0x0  }
0x96: {  	s24 =	sadd.s32 s9, s24;
	[sflag:s19] =	ssyncadd.s32 $0xFFFFFF80  }
0x97: {  	[tilespmem:s20], [sflag:$0x2] =	stream.linear.gather [hbm4b:s24+s3], $0x80, $0x38;
	[tilespmem:$0x18100] =	vst v63  }
0x98: {  	_ =	swait.ge [sflag:s19], $0x80  }
0x99: {  	[sflag:s19] =	ssyncset.done $0x0  }
0x9a: {  	[sflag:s19] =	ssyncadd.s32 $0xFFFFFF80  }
0x9b: {  	[tilespmem:s21], [sflag:$0x1] =	stream.indirect.gather [hbm4b:s6+s20], $0x80, s3, s20, $0xb8;
	[tilespmem:$0x18100] =	vst v63  }
0x9c: {  	_ =	swait.ge [sflag:s22], $0x4000  }
0x9d: {  	s30 =	simm.s32 $0x80;
	[sflag:s22] =	ssyncset.done $0x0  }
0x9e: {  	s31 =	sand.u32 $0x3C00, s30;
	[sflag:s22] =	ssyncadd.s32 $0xFFFFC000  }
0x9f: {  	[spmem:s1] =	stream.indirect.scatter.add.f32 [tilespmem:s21], [sflag:$0x2], $0x80, s20, s20, $0xb8;
	[tilespmem:$0x18100] =	vst v63  }
0xa0: {  	s26 =	sand.u32 $0x380, s30;
	s25 =	sadd.s32 s12, s31;
	_ =	swait.ge [sflag:s19], $0x4000  }
0xa1: {  	s25 =	sor.u32 s26, s25;
	s24 =	simm.s32 $0x100;
	[sflag:s19] =	ssyncset.done $0x0  }
.LBB2_6:
0xa2: {  	s25 =	sshrl.u32 s25, $0x3  }
0xa3: {  	[sflag:s19] =	ssyncadd.s32 $0xFFFFC000;
	s26 =	smov.u32 s24;
	s28 =	sadd.s32 $0x80, s24  }
0xa4: {  	p0 =	sne.s32 s24, $0x2780;
	s24 =	sadd.s32 s8, s25  }
0xa5: {  	[tilespmem:s3], [sflag:$0x2] =	stream.linear.gather [hbm4b:s24+s3], $0x80, $0x38;
	[tilespmem:$0x18100] =	vst v63  }
0xa6: {  	_ =	swait.ge [sflag:s19], $0x80  }
0xa7: {  	[sflag:s19] =	ssyncset.done $0x0  }
0xa8: {  	s24 =	sadd.s32 s9, s25;
	[sflag:s19] =	ssyncadd.s32 $0xFFFFFF80  }
0xa9: {  	[tilespmem:s20], [sflag:$0x2] =	stream.linear.gather [hbm4b:s24+s3], $0x80, $0x38;
	[tilespmem:$0x18100] =	vst v63  }
0xaa: {  	_ =	swait.ge [sflag:s19], $0x80  }
0xab: {  	[sflag:s19] =	ssyncset.done $0x0  }
0xac: {  	[sflag:s19] =	ssyncadd.s32 $0xFFFFFF80  }
0xad: {  	[tilespmem:s21], [sflag:$0x1] =	stream.indirect.gather [hbm4b:s6+s20], $0x80, s3, s20, $0xb8;
	[tilespmem:$0x18100] =	vst v63  }
0xae: {  	_ =	swait.ge [sflag:s22], $0x4000  }
.Ltmp2:
0xaf: {  	[sflag:s22] =	ssyncset.done $0x0;
	(pc) =	sbr.rel @p0 .LBB2_6-.Ltmp2, $4  }
0xb0: {  	s24 =	sand.u32 $0x3C00, s26;
	[sflag:s22] =	ssyncadd.s32 $0xFFFFC000  }
0xb1: {  	[spmem:s1] =	stream.indirect.scatter.add.f32 [tilespmem:s21], [sflag:$0x2], $0x80, s20, s20, $0xb8;
	[tilespmem:$0x18100] =	vst v63  }
0xb2: {  	s25 =	sand.u32 $0x380, s26;
	s24 =	sadd.s32 s12, s24;
	_ =	swait.ge [sflag:s19], $0x4000  }
0xb3: {  	s25 =	sor.u32 s25, s24;
	s24 =	smov.u32 s28;
	[sflag:s19] =	ssyncset.done $0x0  }
0xb4: {  	s24 =	sshrl.u32 s25, $0x3  }
0xb5: {  	[sflag:s19] =	ssyncadd.s32 $0xFFFFC000;
	s25 =	sadd.s32 s8, s24  }
0xb6: {  	[tilespmem:s3], [sflag:$0x2] =	stream.linear.gather [hbm4b:s25+s3], $0x80, $0x38;
	[tilespmem:$0x18100] =	vst v63  }
0xb7: {  	_ =	swait.ge [sflag:s19], $0x80  }
0xb8: {  	[sflag:s19] =	ssyncset.done $0x0  }
0xb9: {  	s24 =	sadd.s32 s9, s24;
	[sflag:s19] =	ssyncadd.s32 $0xFFFFFF80  }
0xba: {  	[tilespmem:s20], [sflag:$0x2] =	stream.linear.gather [hbm4b:s24+s3], $0x80, $0x38;
	[tilespmem:$0x18100] =	vst v63  }
0xbb: {  	_ =	swait.ge [sflag:s19], $0x80  }
0xbc: {  	[sflag:s19] =	ssyncset.done $0x0  }
0xbd: {  	[sflag:s19] =	ssyncadd.s32 $0xFFFFFF80  }
0xbe: {  	[tilespmem:s21], [sflag:$0x1] =	stream.indirect.gather [hbm4b:s6+s20], $0x80, s3, s20, $0xb8;
	[tilespmem:$0x18100] =	vst v63  }
0xbf: {  	_ =	swait.ge [sflag:s22], $0x4000  }
0xc0: {  	[sflag:s22] =	ssyncset.done $0x0  }
0xc1: {  	[sflag:s22] =	ssyncadd.s32 $0xFFFFC000  }
0xc2: {  	[spmem:s1] =	stream.indirect.scatter.add.f32 [tilespmem:s21], [sflag:$0x2], $0x80, s20, s20, $0xb8;
	[tilespmem:$0x18100] =	vst v63  }
0xc3: {  	_ =	swait.ge [sflag:s19], $0x4000  }
0xc4: {  	[sflag:s19] =	ssyncset.done $0x0  }
0xc5: {  	[sflag:s19] =	ssyncadd.s32 $0xFFFFC000  }
0xc6: {  	[bflag:$0x0] =	sbarrier.arrive $0xFFFF  }
0xc7: {  	[hbm:s15], [sflag:s11] =	dma.local [spmem:s18], $0x2800  }
0xc8: {  	_ =	swait.ge [sflag:s19], $0x2800  }
0xc9: {  	[sflag:s19] =	ssyncset.done $0x0  }
0xca: {  	s26 =	simm.s32 $0x0;
	[sflag:s19] =	ssyncadd.s32 $0xFFFFD800  }
0xcb: {  	s28 =	sand.u32 $0x3C00, s26;
	[bflag:$0x0] =	sbarrier.arrive $0xFFFF  }
0xcc: {  	[spmem:s18], [sflag:s11] =	dma.local [hbm:s10], $0x2800  }
0xcd: {  	s25 =	sadd.s32 s12, s28;
	s24 =	sand.u32 $0x380, s26;
	_ =	swait.ge [sflag:s19], $0x2800  }
0xce: {  	s24 =	sor.u32 s24, s25;
	[sflag:s19] =	ssyncset.done $0x0  }
0xcf: {  	s24 =	sshrl.u32 s24, $0x3;
	[sflag:s19] =	ssyncadd.s32 $0xFFFFD800  }
0xd0: {  	s29 =	sadd.s32 s8, s24;
	[bflag:$0x0] =	sbarrier.arrive $0xFFFF  }
0xd1: {  	[tilespmem:s3], [sflag:$0x2] =	stream.linear.gather [hbm4b:s29+s3], $0x80, $0x38;
	[tilespmem:$0x18100] =	vst v63  }
0xd2: {  	_ =	swait.ge [sflag:s19], $0x80  }
0xd3: {  	[sflag:s19] =	ssyncset.done $0x0  }
0xd4: {  	s24 =	sadd.s32 s9, s24;
	[sflag:s19] =	ssyncadd.s32 $0xFFFFFF80  }
0xd5: {  	[tilespmem:s20], [sflag:$0x2] =	stream.linear.gather [hbm4b:s24+s3], $0x80, $0x38;
	[tilespmem:$0x18100] =	vst v63  }
0xd6: {  	_ =	swait.ge [sflag:s19], $0x80  }
0xd7: {  	[sflag:s19] =	ssyncset.done $0x0  }
0xd8: {  	[sflag:s19] =	ssyncadd.s32 $0xFFFFFF80  }
0xd9: {  	[tilespmem:s21], [sflag:$0x1] =	stream.indirect.gather [hbm4b:s7+s20], $0x80, s3, s20, $0xb8;
	[tilespmem:$0x18100] =	vst v63  }
0xda: {  	_ =	swait.ge [sflag:s22], $0x4000  }
0xdb: {  	s30 =	simm.s32 $0x80;
	[sflag:s22] =	ssyncset.done $0x0  }
0xdc: {  	s31 =	sand.u32 $0x3C00, s30;
	[sflag:s22] =	ssyncadd.s32 $0xFFFFC000  }
0xdd: {  	[spmem:s1] =	stream.indirect.scatter.add.f32 [tilespmem:s21], [sflag:$0x2], $0x80, s20, s20, $0xb8;
	[tilespmem:$0x18100] =	vst v63  }
0xde: {  	s26 =	sand.u32 $0x380, s30;
	s25 =	sadd.s32 s12, s31;
	_ =	swait.ge [sflag:s19], $0x4000  }
0xdf: {  	s25 =	sor.u32 s26, s25;
	s24 =	simm.s32 $0x100;
	[sflag:s19] =	ssyncset.done $0x0  }
.LBB2_8:
0xe0: {  	s25 =	sshrl.u32 s25, $0x3  }
0xe1: {  	[sflag:s19] =	ssyncadd.s32 $0xFFFFC000;
	s26 =	smov.u32 s24;
	s28 =	sadd.s32 $0x80, s24  }
0xe2: {  	p0 =	sne.s32 s24, $0x2780;
	s24 =	sadd.s32 s8, s25  }
0xe3: {  	[tilespmem:s3], [sflag:$0x2] =	stream.linear.gather [hbm4b:s24+s3], $0x80, $0x38;
	[tilespmem:$0x18100] =	vst v63  }
0xe4: {  	_ =	swait.ge [sflag:s19], $0x80  }
0xe5: {  	[sflag:s19] =	ssyncset.done $0x0  }
0xe6: {  	s24 =	sadd.s32 s9, s25;
	[sflag:s19] =	ssyncadd.s32 $0xFFFFFF80  }
0xe7: {  	[tilespmem:s20], [sflag:$0x2] =	stream.linear.gather [hbm4b:s24+s3], $0x80, $0x38;
	[tilespmem:$0x18100] =	vst v63  }
0xe8: {  	_ =	swait.ge [sflag:s19], $0x80  }
0xe9: {  	[sflag:s19] =	ssyncset.done $0x0  }
0xea: {  	[sflag:s19] =	ssyncadd.s32 $0xFFFFFF80  }
0xeb: {  	[tilespmem:s21], [sflag:$0x1] =	stream.indirect.gather [hbm4b:s7+s20], $0x80, s3, s20, $0xb8;
	[tilespmem:$0x18100] =	vst v63  }
0xec: {  	_ =	swait.ge [sflag:s22], $0x4000  }
.Ltmp3:
0xed: {  	[sflag:s22] =	ssyncset.done $0x0;
	(pc) =	sbr.rel @p0 .LBB2_8-.Ltmp3, $4  }
0xee: {  	s24 =	sand.u32 $0x3C00, s26;
	[sflag:s22] =	ssyncadd.s32 $0xFFFFC000  }
0xef: {  	[spmem:s1] =	stream.indirect.scatter.add.f32 [tilespmem:s21], [sflag:$0x2], $0x80, s20, s20, $0xb8;
	[tilespmem:$0x18100] =	vst v63  }
0xf0: {  	s25 =	sand.u32 $0x380, s26;
	s24 =	sadd.s32 s12, s24;
	_ =	swait.ge [sflag:s19], $0x4000  }
0xf1: {  	s25 =	sor.u32 s25, s24;
	s24 =	smov.u32 s28;
	[sflag:s19] =	ssyncset.done $0x0  }
0xf2: {  	s24 =	sshrl.u32 s25, $0x3  }
0xf3: {  	[sflag:s19] =	ssyncadd.s32 $0xFFFFC000;
	s25 =	sadd.s32 s8, s24  }
0xf4: {  	[tilespmem:s3], [sflag:$0x2] =	stream.linear.gather [hbm4b:s25+s3], $0x80, $0x38;
	[tilespmem:$0x18100] =	vst v63  }
0xf5: {  	_ =	swait.ge [sflag:s19], $0x80  }
0xf6: {  	[sflag:s19] =	ssyncset.done $0x0  }
0xf7: {  	s24 =	sadd.s32 s9, s24;
	[sflag:s19] =	ssyncadd.s32 $0xFFFFFF80  }
0xf8: {  	[tilespmem:s20], [sflag:$0x2] =	stream.linear.gather [hbm4b:s24+s3], $0x80, $0x38;
	[tilespmem:$0x18100] =	vst v63  }
0xf9: {  	_ =	swait.ge [sflag:s19], $0x80  }
0xfa: {  	[sflag:s19] =	ssyncset.done $0x0  }
0xfb: {  	[sflag:s19] =	ssyncadd.s32 $0xFFFFFF80  }
0xfc: {  	[tilespmem:s21], [sflag:$0x1] =	stream.indirect.gather [hbm4b:s7+s20], $0x80, s3, s20, $0xb8;
	[tilespmem:$0x18100] =	vst v63  }
0xfd: {  	_ =	swait.ge [sflag:s22], $0x4000  }
0xfe: {  	[sflag:s22] =	ssyncset.done $0x0  }
0xff: {  	[sflag:s22] =	ssyncadd.s32 $0xFFFFC000  }
0x100: {  	[spmem:s1] =	stream.indirect.scatter.add.f32 [tilespmem:s21], [sflag:$0x2], $0x80, s20, s20, $0xb8;
	[tilespmem:$0x18100] =	vst v63  }
0x101: {  	_ =	swait.ge [sflag:s19], $0x4000  }
0x102: {  	[sflag:s19] =	ssyncset.done $0x0  }
0x103: {  	s23 =	sadd.s32 $0x1, s23;
	[sflag:s19] =	ssyncadd.s32 $0xFFFFC000  }
0x104: {  	p0 =	sne.s32 s23, s17;
	[bflag:$0x0] =	sbarrier.arrive $0xFFFF  }
0x105: {  	[hbm:s16], [sflag:s11] =	dma.local [spmem:s18], $0x2800  }
.Ltmp4:
0x106: {  	_ =	swait.ge [sflag:s19], $0x2800;
	(pc) =	sbr.rel @p0 .LBB2_1-.Ltmp4, $3  }
0x107: {  	[sflag:s19] =	ssyncset.done $0x0  }
0x108: {  	[sflag:s19] =	ssyncadd.s32 $0xFFFFD800  }
0x109: {  	[bflag:$0x0] =	sbarrier.arrive $0xFFFF;
	_ =	sdelay $0x1  }
0x10a: {  	_ =	sfence.sel $0x180000  }
0x10b: {  	[bflag:$0x0] =	sbarrier.arrive $0xFFFF  }
0x10c: {  	p0 =	sne.s32 s2, $0x0;
	_ =	strace $0x9000004D  }
0x10d: {  	s0 =	sadd.s32 @!p0 $0x100000, s0;
	[bflag:$0x2] =	sbarrier.arrive $0xFFFF  }
0x10e: {  	[sflag:s0] =	ssyncadd.tile.s32 @!p0 $0x1;
	_ =	shalt  }
.Lfunc_end2:
_tile_overlayer_lowered:
.L_overlay_start_2:
0x10f: {  	(tag) =	ssettag $0x2  }
0x110: {  	s0 =	rddreg [dreg:$0x0];
	s2 =	stileid.u32  }
0x111: {  	s1 =	rddreg [dreg:$0x1];
	p0 =	sne.s32 s2, $0x0  }
0x112: {  	s3 =	rddreg [dreg:$0x2];
	[bflag:$0x3] =	sbarrier.arrive $0xFFFF;
	s2 =	simm.s32 @!p0 $0x1C02  }
0x113: {  	[timem:s3], [sflag:s2] =	dma.local @!p0 [hbm:s0], s1  }
0x114: {  	s0 =	simm.s32 @!p0 $0x2  }
0x115: {  	_ =	swait.ge @!p0 [sflag:s0], s1  }
0x116: {  	s1 =	ssub.s32 @!p0 $0x0, s1;
	[sflag:s0] =	ssyncset.done @!p0 $0x0  }
0x117: {  	[sflag:s0] =	ssyncadd.s32 @!p0 s1  }
0x118: {  	[bflag:$0x3] =	sbarrier.arrive $0xFFFF  }
0x119: {  	_ =	shalt  }

// kernel: kernel.32.cloned.1.call-start
scs
__scs_entry_jumppad:
0x0: {  	(pc) =	sbr.rel $0x88, $3  }
0x1: {  	(tag) =	ssettag $0x0;
	lr =	simm.s32 $0x1  }
0x2: {  	[smem:$0x3F82] =	sst lr;
	_ =	strace $0xD0000000  }
0x3: {  	_ = 	snop  }
0x4: {  	_ = 	snop  }
0x5: {  	_ = 	snop  }
0x6: {  	_ = 	snop  }
0x7: {  	_ = 	snop  }
__scs_overlays_trampoline_lowered:
0x8: {  	[smem:$0x3F91] =	sst s0  }
0x9: {  	[smem:$0x3F92] =	sst s1  }
0xa: {  	[smem:$0x3F93] =	sst s2  }
0xb: {  	[smem:$0x3F94] =	sst s3  }
0xc: {  	[smem:$0x3F95] =	sst s4  }
0xd: {  	[smem:$0x3F96] =	sst s5  }
0xe: {  	[smem:$0x3F97] =	sst s6  }
0xf: {  	[smem:$0x3F98] =	sst s7  }
0x10: {  	[smem:$0x3F99] =	sst s8  }
0x11: {  	[smem:$0x3F9A] =	sst s9;
	s0 =	simm.s32 @!p0 $0x0  }
0x12: {  	s1 =	sld [smem:$0x3F80];
	s0 =	simm.s32 @p0 $0x1  }
0x13: {  	[smem:$0x3F9B] =	sst s0;
	s0 =	simm.s32 @!p1 $0x0  }
0x14: {  	s2 =	sld [smem:$0x3F7F];
	s0 =	simm.s32 @p1 $0x1  }
0x15: {  	[smem:$0x3F9C] =	sst s0;
	s0 =	simm.s32 @!p2 $0x0  }
0x16: {  	s3 =	sld [smem:$0x3FDB];
	s0 =	simm.s32 @p2 $0x1  }
0x17: {  	s4 =	simm.s32 $0x1BF5;
	[smem:$0x3F9E] =	sst s0  }
0x18: {  	s0 =	sld [smem:$0x3F81];
	_ =	swait.ge [sflag:s4], $0x0  }
0x19: {  	s7 =	sld [smem:$0x3F82]  }
0x1a: {  	s8 =	sadd.s32 $0xFFFFE003, lr  }
0x1b: {  	s9 =	sadd.s32 $0xFFFFFEF7, lr;
	s5 =	simm.s32 $0xFFFFFFFF;
	p2 =	slt.u32 s8, $0xFFFFF086  }
0x1c: {  	p1 =	slt.u32 s9, $0xF7A;
	s5 =	simm.s32 @!p2 $0x0  }
0x1d: {  	s5 =	simm.s32 @p1 $0x1;
	p0 =	seq.s32 s7, s2  }
0x1e: {  	s7 =	smul.u32 @!p0 $0xF7A, s2;
	p2 =	seq.s32 @!p0 s5, $0x0  }
0x1f: {  	s9 =	smul.u32 $0xF7A, s1;
	s8 =	simm.s32 @!p0 $0x1BF5;
	p2 =	por !p2, p0  }
0x20: {  	[sflag:s8] =	ssyncset.s32 @!p0 $0xFFFFF086;
	s6 =	sadd.s32 @!p0 s3, s7;
	s7 =	simm.s32 @!p0 $0x108  }
0x21: {  	s3 =	sadd.s32 s3, s9;
	s6 =	sadd.s32 @!p0 $0x88, s6;
	s7 =	simm.s32 @p2 $0x1082  }
0x22: {  	[simem:s7], [sflag:s8] =	dma.local @!p0 [hbm:s6], $0xF7A  }
0x23: {  	s9 =	sor.u32 $0xD0000000, s2;
	s6 =	simm.s32 $0x108;
	_ =	swait.ge @!p0 [sflag:s8], $0x0  }
0x24: {  	s3 =	sadd.s32 $0x88, s3;
	s6 =	simm.s32 @!p1 $0x1082;
	[sflag:s4] =	ssyncset.s32 $0xFFFFF086  }
0x25: {  	[simem:s6], [sflag:s4] =	dma.local [hbm:s3], $0xF7A  }
0x26: {  	[smem:$0x3F82] =	sst s1;
	(tag) =	ssettag s2;
	_ =	strace s9  }
0x27: {  	s1 =	sld [smem:$0x3F92]  }
0x28: {  	s2 =	sld [smem:$0x3F93]  }
0x29: {  	s4 =	sld [smem:$0x3F95]  }
0x2a: {  	p0 =	seq.s32 s5, $0x0;
	s5 =	sld [smem:$0x3F96]  }
0x2b: {  	s6 =	sld [smem:$0x3F97]  }
0x2c: {  	s7 =	sld [smem:$0x3F98]  }
0x2d: {  	s3 =	simm.s32 $0x108;
	s8 =	sld [smem:$0x3F99]  }
0x2e: {  	s3 =	simm.s32 @!p0 $0x1082;
	s9 =	sld [smem:$0x3F9A]  }
0x2f: {  	lr =	sadd.s32 s0, s3;
	s0 =	sld [smem:$0x3F91]  }
0x30: {  	s3 =	sld [smem:$0x3F94]  }
0x31: {  	[smem:$0x3F9D] =	sst s10  }
0x32: {  	s10 =	sld [smem:$0x3F9B];
	_ =	sdelay $0x3  }
0x33: {  	p0 =	seq.s32 s10, $0x1;
	s10 =	sld [smem:$0x3F9D];
	_ =	sdelay $0x3  }
0x34: {  	[smem:$0x3F9D] =	sst s10  }
0x35: {  	s10 =	sld [smem:$0x3F9C];
	_ =	sdelay $0x3  }
0x36: {  	p1 =	seq.s32 s10, $0x1;
	s10 =	sld [smem:$0x3F9D];
	_ =	sdelay $0x3  }
0x37: {  	[smem:$0x3F9D] =	sst s10  }
0x38: {  	s10 =	sld [smem:$0x3F9E]  }
0x39: {  	_ = 	snop;
	(pc) =	sbr.ind lr, $3  }
0x3a: {  	_ = 	snop  }
0x3b: {  	_ = 	snop  }
0x3c: {  	p2 =	seq.s32 s10, $0x1;
	s10 =	sld [smem:$0x3F9D]  }
0x3d: {  	_ =	shalt  }
0x3e: {  	_ =	shalt  }
0x3f: {  	_ =	shalt  }
0x40: {  	_ =	shalt  }
0x41: {  	_ =	shalt  }
0x42: {  	_ =	shalt  }
0x43: {  	_ =	shalt  }
0x44: {  	_ =	shalt  }
0x45: {  	_ =	shalt  }
0x46: {  	_ =	shalt  }
0x47: {  	_ =	shalt  }
0x48: {  	_ =	shalt  }
0x49: {  	_ =	shalt  }
0x4a: {  	_ =	shalt  }
0x4b: {  	_ =	shalt  }
0x4c: {  	_ =	shalt  }
0x4d: {  	_ =	shalt  }
0x4e: {  	_ =	shalt  }
0x4f: {  	_ =	shalt  }
0x50: {  	_ =	shalt  }
0x51: {  	_ =	shalt  }
0x52: {  	_ =	shalt  }
0x53: {  	_ =	shalt  }
0x54: {  	_ =	shalt  }
0x55: {  	_ =	shalt  }
0x56: {  	_ =	shalt  }
0x57: {  	_ =	shalt  }
0x58: {  	_ =	shalt  }
0x59: {  	_ =	shalt  }
0x5a: {  	_ =	shalt  }
0x5b: {  	_ =	shalt  }
0x5c: {  	_ =	shalt  }
0x5d: {  	_ =	shalt  }
0x5e: {  	_ =	shalt  }
0x5f: {  	_ =	shalt  }
0x60: {  	_ =	shalt  }
0x61: {  	_ =	shalt  }
0x62: {  	_ =	shalt  }
0x63: {  	_ =	shalt  }
0x64: {  	_ =	shalt  }
0x65: {  	_ =	shalt  }
0x66: {  	_ =	shalt  }
0x67: {  	_ =	shalt  }
0x68: {  	_ =	shalt  }
0x69: {  	_ =	shalt  }
0x6a: {  	_ =	shalt  }
0x6b: {  	_ =	shalt  }
0x6c: {  	_ =	shalt  }
0x6d: {  	_ =	shalt  }
0x6e: {  	_ =	shalt  }
0x6f: {  	_ =	shalt  }
0x70: {  	_ =	shalt  }
0x71: {  	_ =	shalt  }
0x72: {  	_ =	shalt  }
0x73: {  	_ =	shalt  }
0x74: {  	_ =	shalt  }
0x75: {  	_ =	shalt  }
0x76: {  	_ =	shalt  }
0x77: {  	_ =	shalt  }
0x78: {  	_ =	shalt  }
0x79: {  	_ =	shalt  }
0x7a: {  	_ =	shalt  }
0x7b: {  	_ =	shalt  }
0x7c: {  	_ =	shalt  }
0x7d: {  	_ =	shalt  }
0x7e: {  	_ =	shalt  }
0x7f: {  	_ =	shalt  }
0x80: {  	_ =	shalt  }
0x81: {  	_ =	shalt  }
0x82: {  	_ =	shalt  }
0x83: {  	_ =	shalt  }
0x84: {  	_ =	shalt  }
0x85: {  	_ =	shalt  }
0x86: {  	_ =	shalt  }
0x87: {  	_ =	shalt  }
.Lfunc_end0:
.L_simem_size_0:
called_computation.3_lowered:
.L_overlay_start_0:
0x88: {  	s2 =	sld [smem:$0x3FD9]  }
0x89: {  	s3 =	sld [smem:$0x3FFE];
	_ =	sdelay $0x1  }
0x8a: {  	s1 =	srdreg.scid  }
0x8b: {  	s0 =	sand.u32 $0x1, s1  }
0x8c: {  	s16 =	sshll.u32 s0, $0xA;
	s2 =	sadd.s32 s3, s2  }
0x8d: {  	s2 =	sadd.s32 s2, s16  }
0x8e: {  	[smem:$0x3FA9] =	sst s2  }
0x8f: {  	_ = 	snop  }
0x90: {  	(tm) =	ssettm $0x1  }
0x91: {  	s17 =	sld [smem:$0x3FFB];
	_ =	sdelay $0x3  }
0x92: {  	_ =	strace s17  }
0x93: {  	s2 =	sld [smem:$0x3FFC];
	_ =	sdelay $0x3  }
0x94: {  	_ =	strace s2  }
0x95: {  	s2 =	sld [smem:$0x3FFD];
	_ =	sdelay $0x3  }
0x96: {  	_ =	strace s2  }
0x97: {  	_ =	strace $0x8FFFFFFF  }
0x98: {  	s18 =	sld [smem:$0x3FDB];
	_ =	sdelay $0x1  }
0x99: {  	s19 =	simm.s32 $_scs_section_size  }
0x9a: {  	s4 =	simm.s32 $_size__tile_overlayer_lowered;
	s5 =	simm.s32 $_tile_overlayer_lowered  }
0x9b: {  	s22 =	simm.s32 $0x1BFF;
	s21 =	sshll.u32 s5, $0x1;
	s2 =	sadd.s32 s19, s18  }
0x9c: {  	s6 =	simm.s32 $0x0;
	s20 =	sshll.u32 s4, $0x1;
	s4 =	sadd.s32 s21, s2  }
0x9d: {  	[timem:s6], [sflag:s22] =	dma.local [hbm:s4], s20  }
0x9e: {  	_ =	swait.ge [sflag:s22], s20  }
0x9f: {  	s3 =	ssub.s32 $0x0, s20;
	[sflag:s22] =	ssyncset.done $0x0  }
0xa0: {  	[sflag:s22] =	ssyncadd.s32 s3;
	_ =	sdelay $0x1  }
0xa1: {  	s23 =	simm.s32 $0x1B8B  }
0xa2: {  	_ =	swait.ge [sflag:s23], $0x1  }
0xa3: {  	[sflag:s23] =	ssyncset.done $0x0  }
0xa4: {  	s25 =	simm.s32 $0x1B8E;
	s24 =	sld [smem:$0x3FFE];
	[sflag:s23] =	ssyncadd.s32 $0xFFFFFFFF  }
0xa5: {  	s26 =	simm.s32 $execute0_lowered;
	[smem:$0x3FD2] =	sst s25  }
0xa6: {  	s4 =	sshll.u32 s26, $0x1;
	_ =	strace $0x8000004F;
	[dreg:$0x1] =	wrdreg $0xFFFFFFFF  }
0xa7: {  	s28 =	simm.s32 $_size_execute0_lowered;
	s2 =	sadd.s32 s2, s4;
	[dreg:$0x0] =	wrdreg $0x0  }
0xa8: {  	s4 =	sshll.u32 s28, $0x1;
	[dreg:$0x2] =	wrdreg s2  }
0xa9: {  	[dreg:$0x3] =	wrdreg s4  }
0xaa: {  	[dreg:$0x4] =	wrdreg $0xC0  }
0xab: {  	_ =	task [dreg:s6], $0x5FFFF  }
0xac: {  	[dreg:$0x1] =	wrdreg $0xFFFFFFFF  }
0xad: {  	[dreg:$0x0] =	wrdreg $0x60  }
0xae: {  	[dreg:$0x2] =	wrdreg s24  }
0xaf: {  	[dreg:$0x3] =	wrdreg $0x41000  }
0xb0: {  	[dreg:$0x4] =	wrdreg $0x9  }
0xb1: {  	_ =	task.clear_ibuf [dreg:s6], $0x5FFFF;
	_ =	strace $0x9000004F  }
0xb2: {  	s29 =	simm.s32 $0x9;
	_ =	strace $0x80000051  }
0xb3: {  	_ =	swait.ge [sflag:s29], $0x1  }
0xb4: {  	[sflag:s29] =	ssyncadd.s32 $0xFFFFFFFF  }
0xb5: {  	_ =	strace $0x90000051  }
0xb6: {  	_ =	sfence  }
0xb7: {  	s30 =	sld [smem:$0x0];
	_ =	sdelay $0x2  }
0xb8: {  	s31 =	sshll.u32 s1, $0xD;
	s1 =	sshrl.u32 s1, $0x2  }
0xb9: {  	s3 =	sand.u32 $0x4000, s31;
	s1 =	sadd.s32 s1, s30  }
0xba: {  	s0 =	sor.u32 s3, s0;
	s1 =	sshll.u32 s1, $0x11  }
0xbb: {  	s0 =	sor.u32 s1, s0  }
0xbc: {  	s0 =	sadd.s32 $0x8F2B, s0  }
0xbd: {  	[sflag:s0] =	ssyncadd.remote.s32 $0x1  }
0xbe: {  	_ =	sfence.sel $0xFFFF  }
0xbf: {  	[dreg:$0x0] =	wrdreg $0xFFFFFFFF;
	(pc) =	sbr.abs _section_cstart, $3  }
0xc0: {  	[dreg:$0x1] =	wrdreg $0xFFFFFFFF  }
0xc1: {  	_ =	task.clear_ibuf [dreg:s6], $0x2FFFF;
	_ =	strace $0x9FFFFFFF  }
0xc2: {  	(tm) =	ssettm $0x7FFFFFFF  }
0xc3: {  	_ =	shalt  }
tec
execute0_lowered:
.L_overlay_start_1:
0x0: {  	(tag) =	ssettag $0x1  }
0x1: {  	s9 =	rddreg [dreg:$0x0]  }
0x2: {  	s1 =	rddreg [dreg:$0x1]  }
0x3: {  	s0 =	rddreg [dreg:$0x2]  }
0x4: {  	s3 =	simm.s32 $0x0;
	s2 =	srdreg.scid;
	s16 =	simm.s32 $0x80  }
0x5: {  	s17 =	simm.s32 $0x100;
	s18 =	simm.s32 $0x1;
	s19 =	simm.s32 $0x0  }
0x6: {  	[smem:$0x7FF] =	sst s3;
	s10 =	sand.u32 $0x1, s2;
	s2 =	stileid.u32  }
0x7: {  	s4 =	sadd.s32 $0x3C400, s9;
	s5 =	sadd.s32 $0x11C00, s9;
	s6 =	sadd.s32 $0x64C00, s9  }
0x8: {  	s7 =	sadd.s32 $0x7C00, s9;
	s8 =	sadd.s32 $0x39C00, s9;
	s11 =	smul.u32 $0x280000, s10  }
0x9: {  	_ =	strace $0x80000050;
	s12 =	smul.u32 $0x14000, s2;
	s28 =	ssub.s32 $0x2, s10  }
0xa: {  	s14 =	smul.u32 $0x50000, s2;
	s29 =	sshll.u32 s10, $0x4;
	s31 =	sshll.u32 s2, $0x6  }
0xb: {  	s13 =	sshrl.u32 s28, $0x1;
	s10 =	sor.u32 s2, s29;
	s11 =	sadd.s32 s12, s11  }
0xc: {  	s13 =	ssub.s32 s28, s13;
	s30 =	sshrl.u32 s14, $0x2;
	s10 =	smul.u32 $0x2800, s10  }
0xd: {  	s11 =	sshrl.u32 s11, $0x3;
	s14 =	sadd.s32 s30, s1;
	s13 =	smax.u32 s13, $0x1  }
0xe: {  	s15 =	sadd.s32 s11, s9;
	s9 =	sor.u32 $0x1C02, s31;
	s14 =	sshrl.u32 s14, $0x3  }
0xf: {  	s11 =	sadd.s32 $0xBEC00, s15;
	s12 =	sadd.s32 $0xE6C00, s15;
	s15 =	simm.s32 $0x2  }
.LBB2_1:
0x10: {  	[spmem:s14], [sflag:s9] =	dma.local [hbm:s8], $0x2800  }
0x11: {  	s20 =	sand.u32 $0x3C00, s3  }
0x12: {  	s21 =	sand.u32 $0x380, s3;
	_ =	swait.ge [sflag:s15], $0x2800;
	s20 =	sadd.s32 s10, s20  }
0x13: {  	[sflag:s15] =	ssyncset.done $0x0;
	s20 =	sor.u32 s21, s20  }
0x14: {  	[sflag:s15] =	ssyncadd.s32 $0xFFFFD800;
	s20 =	sshrl.u32 s20, $0x3  }
0x15: {  	[bflag:$0x0] =	sbarrier.arrive $0xFFFF;
	s29 =	sadd.s32 s6, s20  }
0x16: {  	[tilespmem:s3], [sflag:$0x2] =	stream.linear.gather [hbm4b:s29+s3], $0x80, $0x38;
	[tilespmem:$0x18100] =	vst v63  }
0x17: {  	_ =	swait.ge [sflag:s15], $0x80  }
0x18: {  	[sflag:s15] =	ssyncset.done $0x0  }
0x19: {  	s20 =	sadd.s32 s7, s20;
	[sflag:s15] =	ssyncadd.s32 $0xFFFFFF80  }
0x1a: {  	[tilespmem:s16], [sflag:$0x2] =	stream.linear.gather [hbm4b:s20+s3], $0x80, $0x38;
	[tilespmem:$0x18100] =	vst v63  }
0x1b: {  	_ =	swait.ge [sflag:s15], $0x80  }
0x1c: {  	[sflag:s15] =	ssyncset.done $0x0  }
0x1d: {  	[sflag:s15] =	ssyncadd.s32 $0xFFFFFF80  }
0x1e: {  	[tilespmem:s17], [sflag:$0x1] =	stream.indirect.gather [hbm4b:s4+s16], $0x80, s3, s16, $0xb8;
	[tilespmem:$0x18100] =	vst v63  }
0x1f: {  	_ =	swait.ge [sflag:s18], $0x4000  }
0x20: {  	s30 =	simm.s32 $0x80;
	[sflag:s18] =	ssyncset.done $0x0  }
0x21: {  	s31 =	sand.u32 $0x3C00, s30;
	[sflag:s18] =	ssyncadd.s32 $0xFFFFC000  }
0x22: {  	[spmem:s1] =	stream.indirect.scatter.add.f32 [tilespmem:s17], [sflag:$0x2], $0x80, s16, s16, $0xb8;
	[tilespmem:$0x18100] =	vst v63  }
0x23: {  	s22 =	sand.u32 $0x380, s30;
	s21 =	sadd.s32 s10, s31;
	_ =	swait.ge [sflag:s15], $0x4000  }
0x24: {  	s21 =	sor.u32 s22, s21;
	s20 =	simm.s32 $0x100;
	[sflag:s15] =	ssyncset.done $0x0  }
.LBB2_2:
0x25: {  	s21 =	sshrl.u32 s21, $0x3  }
0x26: {  	[sflag:s15] =	ssyncadd.s32 $0xFFFFC000;
	s22 =	smov.u32 s20;
	s23 =	sadd.s32 $0x80, s20  }
0x27: {  	p0 =	sne.s32 s20, $0x2780;
	s20 =	sadd.s32 s6, s21  }
0x28: {  	[tilespmem:s3], [sflag:$0x2] =	stream.linear.gather [hbm4b:s20+s3], $0x80, $0x38;
	[tilespmem:$0x18100] =	vst v63  }
0x29: {  	_ =	swait.ge [sflag:s15], $0x80  }
0x2a: {  	[sflag:s15] =	ssyncset.done $0x0  }
0x2b: {  	s20 =	sadd.s32 s7, s21;
	[sflag:s15] =	ssyncadd.s32 $0xFFFFFF80  }
0x2c: {  	[tilespmem:s16], [sflag:$0x2] =	stream.linear.gather [hbm4b:s20+s3], $0x80, $0x38;
	[tilespmem:$0x18100] =	vst v63  }
0x2d: {  	_ =	swait.ge [sflag:s15], $0x80  }
0x2e: {  	[sflag:s15] =	ssyncset.done $0x0  }
0x2f: {  	[sflag:s15] =	ssyncadd.s32 $0xFFFFFF80  }
0x30: {  	[tilespmem:s17], [sflag:$0x1] =	stream.indirect.gather [hbm4b:s4+s16], $0x80, s3, s16, $0xb8;
	[tilespmem:$0x18100] =	vst v63  }
0x31: {  	_ =	swait.ge [sflag:s18], $0x4000  }
.Ltmp0:
0x32: {  	[sflag:s18] =	ssyncset.done $0x0;
	(pc) =	sbr.rel @p0 .LBB2_2-.Ltmp0, $4  }
0x33: {  	s20 =	sand.u32 $0x3C00, s22;
	[sflag:s18] =	ssyncadd.s32 $0xFFFFC000  }
0x34: {  	[spmem:s1] =	stream.indirect.scatter.add.f32 [tilespmem:s17], [sflag:$0x2], $0x80, s16, s16, $0xb8;
	[tilespmem:$0x18100] =	vst v63  }
0x35: {  	s21 =	sand.u32 $0x380, s22;
	s20 =	sadd.s32 s10, s20;
	_ =	swait.ge [sflag:s15], $0x4000  }
0x36: {  	s21 =	sor.u32 s21, s20;
	s20 =	smov.u32 s23;
	[sflag:s15] =	ssyncset.done $0x0  }
0x37: {  	s20 =	sshrl.u32 s21, $0x3  }
0x38: {  	[sflag:s15] =	ssyncadd.s32 $0xFFFFC000;
	s21 =	sadd.s32 s6, s20  }
0x39: {  	[tilespmem:s3], [sflag:$0x2] =	stream.linear.gather [hbm4b:s21+s3], $0x80, $0x38;
	[tilespmem:$0x18100] =	vst v63  }
0x3a: {  	_ =	swait.ge [sflag:s15], $0x80  }
0x3b: {  	[sflag:s15] =	ssyncset.done $0x0  }
0x3c: {  	s20 =	sadd.s32 s7, s20;
	[sflag:s15] =	ssyncadd.s32 $0xFFFFFF80  }
0x3d: {  	[tilespmem:s16], [sflag:$0x2] =	stream.linear.gather [hbm4b:s20+s3], $0x80, $0x38;
	[tilespmem:$0x18100] =	vst v63  }
0x3e: {  	_ =	swait.ge [sflag:s15], $0x80  }
0x3f: {  	[sflag:s15] =	ssyncset.done $0x0  }
0x40: {  	[sflag:s15] =	ssyncadd.s32 $0xFFFFFF80  }
0x41: {  	[tilespmem:s17], [sflag:$0x1] =	stream.indirect.gather [hbm4b:s4+s16], $0x80, s3, s16, $0xb8;
	[tilespmem:$0x18100] =	vst v63  }
0x42: {  	_ =	swait.ge [sflag:s18], $0x4000  }
0x43: {  	[sflag:s18] =	ssyncset.done $0x0  }
0x44: {  	[sflag:s18] =	ssyncadd.s32 $0xFFFFC000  }
0x45: {  	[spmem:s1] =	stream.indirect.scatter.add.f32 [tilespmem:s17], [sflag:$0x2], $0x80, s16, s16, $0xb8;
	[tilespmem:$0x18100] =	vst v63  }
0x46: {  	_ =	swait.ge [sflag:s15], $0x4000  }
0x47: {  	[sflag:s15] =	ssyncset.done $0x0  }
0x48: {  	[sflag:s15] =	ssyncadd.s32 $0xFFFFC000  }
0x49: {  	[bflag:$0x0] =	sbarrier.arrive $0xFFFF  }
0x4a: {  	[hbm:s11], [sflag:s9] =	dma.local [spmem:s14], $0x2800  }
0x4b: {  	_ =	swait.ge [sflag:s15], $0x2800  }
0x4c: {  	[sflag:s15] =	ssyncset.done $0x0  }
0x4d: {  	s26 =	simm.s32 $0x0;
	[sflag:s15] =	ssyncadd.s32 $0xFFFFD800  }
0x4e: {  	s28 =	sand.u32 $0x3C00, s26;
	[bflag:$0x0] =	sbarrier.arrive $0xFFFF  }
0x4f: {  	[spmem:s14], [sflag:s9] =	dma.local [hbm:s8], $0x2800  }
0x50: {  	s21 =	sadd.s32 s10, s28;
	s20 =	sand.u32 $0x380, s26;
	_ =	swait.ge [sflag:s15], $0x2800  }
0x51: {  	s20 =	sor.u32 s20, s21;
	[sflag:s15] =	ssyncset.done $0x0  }
0x52: {  	s20 =	sshrl.u32 s20, $0x3;
	[sflag:s15] =	ssyncadd.s32 $0xFFFFD800  }
0x53: {  	s29 =	sadd.s32 s6, s20;
	[bflag:$0x0] =	sbarrier.arrive $0xFFFF  }
0x54: {  	[tilespmem:s3], [sflag:$0x2] =	stream.linear.gather [hbm4b:s29+s3], $0x80, $0x38;
	[tilespmem:$0x18100] =	vst v63  }
0x55: {  	_ =	swait.ge [sflag:s15], $0x80  }
0x56: {  	[sflag:s15] =	ssyncset.done $0x0  }
0x57: {  	s20 =	sadd.s32 s7, s20;
	[sflag:s15] =	ssyncadd.s32 $0xFFFFFF80  }
0x58: {  	[tilespmem:s16], [sflag:$0x2] =	stream.linear.gather [hbm4b:s20+s3], $0x80, $0x38;
	[tilespmem:$0x18100] =	vst v63  }
0x59: {  	_ =	swait.ge [sflag:s15], $0x80  }
0x5a: {  	[sflag:s15] =	ssyncset.done $0x0  }
0x5b: {  	[sflag:s15] =	ssyncadd.s32 $0xFFFFFF80  }
0x5c: {  	[tilespmem:s17], [sflag:$0x1] =	stream.indirect.gather [hbm4b:s5+s16], $0x80, s3, s16, $0xb8;
	[tilespmem:$0x18100] =	vst v63  }
0x5d: {  	_ =	swait.ge [sflag:s18], $0x4000  }
0x5e: {  	s30 =	simm.s32 $0x80;
	[sflag:s18] =	ssyncset.done $0x0  }
0x5f: {  	s31 =	sand.u32 $0x3C00, s30;
	[sflag:s18] =	ssyncadd.s32 $0xFFFFC000  }
0x60: {  	[spmem:s1] =	stream.indirect.scatter.add.f32 [tilespmem:s17], [sflag:$0x2], $0x80, s16, s16, $0xb8;
	[tilespmem:$0x18100] =	vst v63  }
0x61: {  	s22 =	sand.u32 $0x380, s30;
	s21 =	sadd.s32 s10, s31;
	_ =	swait.ge [sflag:s15], $0x4000  }
0x62: {  	s21 =	sor.u32 s22, s21;
	s20 =	simm.s32 $0x100;
	[sflag:s15] =	ssyncset.done $0x0  }
.LBB2_4:
0x63: {  	s21 =	sshrl.u32 s21, $0x3  }
0x64: {  	[sflag:s15] =	ssyncadd.s32 $0xFFFFC000;
	s22 =	smov.u32 s20;
	s23 =	sadd.s32 $0x80, s20  }
0x65: {  	p0 =	sne.s32 s20, $0x2780;
	s20 =	sadd.s32 s6, s21  }
0x66: {  	[tilespmem:s3], [sflag:$0x2] =	stream.linear.gather [hbm4b:s20+s3], $0x80, $0x38;
	[tilespmem:$0x18100] =	vst v63  }
0x67: {  	_ =	swait.ge [sflag:s15], $0x80  }
0x68: {  	[sflag:s15] =	ssyncset.done $0x0  }
0x69: {  	s20 =	sadd.s32 s7, s21;
	[sflag:s15] =	ssyncadd.s32 $0xFFFFFF80  }
0x6a: {  	[tilespmem:s16], [sflag:$0x2] =	stream.linear.gather [hbm4b:s20+s3], $0x80, $0x38;
	[tilespmem:$0x18100] =	vst v63  }
0x6b: {  	_ =	swait.ge [sflag:s15], $0x80  }
0x6c: {  	[sflag:s15] =	ssyncset.done $0x0  }
0x6d: {  	[sflag:s15] =	ssyncadd.s32 $0xFFFFFF80  }
0x6e: {  	[tilespmem:s17], [sflag:$0x1] =	stream.indirect.gather [hbm4b:s5+s16], $0x80, s3, s16, $0xb8;
	[tilespmem:$0x18100] =	vst v63  }
0x6f: {  	_ =	swait.ge [sflag:s18], $0x4000  }
.Ltmp1:
0x70: {  	[sflag:s18] =	ssyncset.done $0x0;
	(pc) =	sbr.rel @p0 .LBB2_4-.Ltmp1, $4  }
0x71: {  	s20 =	sand.u32 $0x3C00, s22;
	[sflag:s18] =	ssyncadd.s32 $0xFFFFC000  }
0x72: {  	[spmem:s1] =	stream.indirect.scatter.add.f32 [tilespmem:s17], [sflag:$0x2], $0x80, s16, s16, $0xb8;
	[tilespmem:$0x18100] =	vst v63  }
0x73: {  	s21 =	sand.u32 $0x380, s22;
	s20 =	sadd.s32 s10, s20;
	_ =	swait.ge [sflag:s15], $0x4000  }
0x74: {  	s21 =	sor.u32 s21, s20;
	s20 =	smov.u32 s23;
	[sflag:s15] =	ssyncset.done $0x0  }
0x75: {  	s20 =	sshrl.u32 s21, $0x3  }
0x76: {  	[sflag:s15] =	ssyncadd.s32 $0xFFFFC000;
	s21 =	sadd.s32 s6, s20  }
0x77: {  	[tilespmem:s3], [sflag:$0x2] =	stream.linear.gather [hbm4b:s21+s3], $0x80, $0x38;
	[tilespmem:$0x18100] =	vst v63  }
0x78: {  	_ =	swait.ge [sflag:s15], $0x80  }
0x79: {  	[sflag:s15] =	ssyncset.done $0x0  }
0x7a: {  	s20 =	sadd.s32 s7, s20;
	[sflag:s15] =	ssyncadd.s32 $0xFFFFFF80  }
0x7b: {  	[tilespmem:s16], [sflag:$0x2] =	stream.linear.gather [hbm4b:s20+s3], $0x80, $0x38;
	[tilespmem:$0x18100] =	vst v63  }
0x7c: {  	_ =	swait.ge [sflag:s15], $0x80  }
0x7d: {  	[sflag:s15] =	ssyncset.done $0x0  }
0x7e: {  	[sflag:s15] =	ssyncadd.s32 $0xFFFFFF80  }
0x7f: {  	[tilespmem:s17], [sflag:$0x1] =	stream.indirect.gather [hbm4b:s5+s16], $0x80, s3, s16, $0xb8;
	[tilespmem:$0x18100] =	vst v63  }
0x80: {  	_ =	swait.ge [sflag:s18], $0x4000  }
0x81: {  	[sflag:s18] =	ssyncset.done $0x0  }
0x82: {  	[sflag:s18] =	ssyncadd.s32 $0xFFFFC000  }
0x83: {  	[spmem:s1] =	stream.indirect.scatter.add.f32 [tilespmem:s17], [sflag:$0x2], $0x80, s16, s16, $0xb8;
	[tilespmem:$0x18100] =	vst v63  }
0x84: {  	_ =	swait.ge [sflag:s15], $0x4000  }
0x85: {  	[sflag:s15] =	ssyncset.done $0x0  }
0x86: {  	s19 =	sadd.s32 $0x1, s19;
	[sflag:s15] =	ssyncadd.s32 $0xFFFFC000  }
0x87: {  	p0 =	sne.s32 s19, s13;
	[bflag:$0x0] =	sbarrier.arrive $0xFFFF  }
0x88: {  	[hbm:s12], [sflag:s9] =	dma.local [spmem:s14], $0x2800  }
.Ltmp2:
0x89: {  	_ =	swait.ge [sflag:s15], $0x2800;
	(pc) =	sbr.rel @p0 .LBB2_1-.Ltmp2, $3  }
0x8a: {  	[sflag:s15] =	ssyncset.done $0x0  }
0x8b: {  	[sflag:s15] =	ssyncadd.s32 $0xFFFFD800  }
0x8c: {  	[bflag:$0x0] =	sbarrier.arrive $0xFFFF;
	_ =	sdelay $0x1  }
0x8d: {  	_ =	sfence.sel $0x180000  }
0x8e: {  	[bflag:$0x0] =	sbarrier.arrive $0xFFFF  }
0x8f: {  	p0 =	sne.s32 s2, $0x0;
	_ =	strace $0x90000050  }
0x90: {  	s0 =	sadd.s32 @!p0 $0x100000, s0;
	[bflag:$0x2] =	sbarrier.arrive $0xFFFF  }
0x91: {  	[sflag:s0] =	ssyncadd.tile.s32 @!p0 $0x1;
	_ =	shalt  }
.Lfunc_end2:
_tile_overlayer_lowered:
.L_overlay_start_2:
0x92: {  	(tag) =	ssettag $0x2  }
0x93: {  	s0 =	rddreg [dreg:$0x0];
	s2 =	stileid.u32  }
0x94: {  	s1 =	rddreg [dreg:$0x1];
	p0 =	sne.s32 s2, $0x0  }
0x95: {  	s3 =	rddreg [dreg:$0x2];
	[bflag:$0x3] =	sbarrier.arrive $0xFFFF;
	s2 =	simm.s32 @!p0 $0x1C02  }
0x96: {  	[timem:s3], [sflag:s2] =	dma.local @!p0 [hbm:s0], s1  }
0x97: {  	s0 =	simm.s32 @!p0 $0x2  }
0x98: {  	_ =	swait.ge @!p0 [sflag:s0], s1  }
0x99: {  	s1 =	ssub.s32 @!p0 $0x0, s1;
	[sflag:s0] =	ssyncset.done @!p0 $0x0  }
0x9a: {  	[sflag:s0] =	ssyncadd.s32 @!p0 s1  }
0x9b: {  	[bflag:$0x3] =	sbarrier.arrive $0xFFFF  }
0x9c: {  	_ =	shalt  }

// kernel: kernel.35.cloned.1.call-start
scs
__scs_entry_jumppad:
0x0: {  	(pc) =	sbr.rel $0x88, $3  }
0x1: {  	(tag) =	ssettag $0x0;
	lr =	simm.s32 $0x1  }
0x2: {  	[smem:$0x3F82] =	sst lr;
	_ =	strace $0xD0000000  }
0x3: {  	_ = 	snop  }
0x4: {  	_ = 	snop  }
0x5: {  	_ = 	snop  }
0x6: {  	_ = 	snop  }
0x7: {  	_ = 	snop  }
__scs_overlays_trampoline_lowered:
0x8: {  	[smem:$0x3F91] =	sst s0  }
0x9: {  	[smem:$0x3F92] =	sst s1  }
0xa: {  	[smem:$0x3F93] =	sst s2  }
0xb: {  	[smem:$0x3F94] =	sst s3  }
0xc: {  	[smem:$0x3F95] =	sst s4  }
0xd: {  	[smem:$0x3F96] =	sst s5  }
0xe: {  	[smem:$0x3F97] =	sst s6  }
0xf: {  	[smem:$0x3F98] =	sst s7  }
0x10: {  	[smem:$0x3F99] =	sst s8  }
0x11: {  	[smem:$0x3F9A] =	sst s9;
	s0 =	simm.s32 @!p0 $0x0  }
0x12: {  	s1 =	sld [smem:$0x3F80];
	s0 =	simm.s32 @p0 $0x1  }
0x13: {  	[smem:$0x3F9B] =	sst s0;
	s0 =	simm.s32 @!p1 $0x0  }
0x14: {  	s2 =	sld [smem:$0x3F7F];
	s0 =	simm.s32 @p1 $0x1  }
0x15: {  	[smem:$0x3F9C] =	sst s0;
	s0 =	simm.s32 @!p2 $0x0  }
0x16: {  	s3 =	sld [smem:$0x3FDB];
	s0 =	simm.s32 @p2 $0x1  }
0x17: {  	s4 =	simm.s32 $0x1BF5;
	[smem:$0x3F9E] =	sst s0  }
0x18: {  	s0 =	sld [smem:$0x3F81];
	_ =	swait.ge [sflag:s4], $0x0  }
0x19: {  	s7 =	sld [smem:$0x3F82]  }
0x1a: {  	s8 =	sadd.s32 $0xFFFFE003, lr  }
0x1b: {  	s9 =	sadd.s32 $0xFFFFFEF7, lr;
	s5 =	simm.s32 $0xFFFFFFFF;
	p2 =	slt.u32 s8, $0xFFFFF086  }
0x1c: {  	p1 =	slt.u32 s9, $0xF7A;
	s5 =	simm.s32 @!p2 $0x0  }
0x1d: {  	s5 =	simm.s32 @p1 $0x1;
	p0 =	seq.s32 s7, s2  }
0x1e: {  	s7 =	smul.u32 @!p0 $0xF7A, s2;
	p2 =	seq.s32 @!p0 s5, $0x0  }
0x1f: {  	s9 =	smul.u32 $0xF7A, s1;
	s8 =	simm.s32 @!p0 $0x1BF5;
	p2 =	por !p2, p0  }
0x20: {  	[sflag:s8] =	ssyncset.s32 @!p0 $0xFFFFF086;
	s6 =	sadd.s32 @!p0 s3, s7;
	s7 =	simm.s32 @!p0 $0x108  }
0x21: {  	s3 =	sadd.s32 s3, s9;
	s6 =	sadd.s32 @!p0 $0x88, s6;
	s7 =	simm.s32 @p2 $0x1082  }
0x22: {  	[simem:s7], [sflag:s8] =	dma.local @!p0 [hbm:s6], $0xF7A  }
0x23: {  	s9 =	sor.u32 $0xD0000000, s2;
	s6 =	simm.s32 $0x108;
	_ =	swait.ge @!p0 [sflag:s8], $0x0  }
0x24: {  	s3 =	sadd.s32 $0x88, s3;
	s6 =	simm.s32 @!p1 $0x1082;
	[sflag:s4] =	ssyncset.s32 $0xFFFFF086  }
0x25: {  	[simem:s6], [sflag:s4] =	dma.local [hbm:s3], $0xF7A  }
0x26: {  	[smem:$0x3F82] =	sst s1;
	(tag) =	ssettag s2;
	_ =	strace s9  }
0x27: {  	s1 =	sld [smem:$0x3F92]  }
0x28: {  	s2 =	sld [smem:$0x3F93]  }
0x29: {  	s4 =	sld [smem:$0x3F95]  }
0x2a: {  	p0 =	seq.s32 s5, $0x0;
	s5 =	sld [smem:$0x3F96]  }
0x2b: {  	s6 =	sld [smem:$0x3F97]  }
0x2c: {  	s7 =	sld [smem:$0x3F98]  }
0x2d: {  	s3 =	simm.s32 $0x108;
	s8 =	sld [smem:$0x3F99]  }
0x2e: {  	s3 =	simm.s32 @!p0 $0x1082;
	s9 =	sld [smem:$0x3F9A]  }
0x2f: {  	lr =	sadd.s32 s0, s3;
	s0 =	sld [smem:$0x3F91]  }
0x30: {  	s3 =	sld [smem:$0x3F94]  }
0x31: {  	[smem:$0x3F9D] =	sst s10  }
0x32: {  	s10 =	sld [smem:$0x3F9B];
	_ =	sdelay $0x3  }
0x33: {  	p0 =	seq.s32 s10, $0x1;
	s10 =	sld [smem:$0x3F9D];
	_ =	sdelay $0x3  }
0x34: {  	[smem:$0x3F9D] =	sst s10  }
0x35: {  	s10 =	sld [smem:$0x3F9C];
	_ =	sdelay $0x3  }
0x36: {  	p1 =	seq.s32 s10, $0x1;
	s10 =	sld [smem:$0x3F9D];
	_ =	sdelay $0x3  }
0x37: {  	[smem:$0x3F9D] =	sst s10  }
0x38: {  	s10 =	sld [smem:$0x3F9E]  }
0x39: {  	_ = 	snop;
	(pc) =	sbr.ind lr, $3  }
0x3a: {  	_ = 	snop  }
0x3b: {  	_ = 	snop  }
0x3c: {  	p2 =	seq.s32 s10, $0x1;
	s10 =	sld [smem:$0x3F9D]  }
0x3d: {  	_ =	shalt  }
0x3e: {  	_ =	shalt  }
0x3f: {  	_ =	shalt  }
0x40: {  	_ =	shalt  }
0x41: {  	_ =	shalt  }
0x42: {  	_ =	shalt  }
0x43: {  	_ =	shalt  }
0x44: {  	_ =	shalt  }
0x45: {  	_ =	shalt  }
0x46: {  	_ =	shalt  }
0x47: {  	_ =	shalt  }
0x48: {  	_ =	shalt  }
0x49: {  	_ =	shalt  }
0x4a: {  	_ =	shalt  }
0x4b: {  	_ =	shalt  }
0x4c: {  	_ =	shalt  }
0x4d: {  	_ =	shalt  }
0x4e: {  	_ =	shalt  }
0x4f: {  	_ =	shalt  }
0x50: {  	_ =	shalt  }
0x51: {  	_ =	shalt  }
0x52: {  	_ =	shalt  }
0x53: {  	_ =	shalt  }
0x54: {  	_ =	shalt  }
0x55: {  	_ =	shalt  }
0x56: {  	_ =	shalt  }
0x57: {  	_ =	shalt  }
0x58: {  	_ =	shalt  }
0x59: {  	_ =	shalt  }
0x5a: {  	_ =	shalt  }
0x5b: {  	_ =	shalt  }
0x5c: {  	_ =	shalt  }
0x5d: {  	_ =	shalt  }
0x5e: {  	_ =	shalt  }
0x5f: {  	_ =	shalt  }
0x60: {  	_ =	shalt  }
0x61: {  	_ =	shalt  }
0x62: {  	_ =	shalt  }
0x63: {  	_ =	shalt  }
0x64: {  	_ =	shalt  }
0x65: {  	_ =	shalt  }
0x66: {  	_ =	shalt  }
0x67: {  	_ =	shalt  }
0x68: {  	_ =	shalt  }
0x69: {  	_ =	shalt  }
0x6a: {  	_ =	shalt  }
0x6b: {  	_ =	shalt  }
0x6c: {  	_ =	shalt  }
0x6d: {  	_ =	shalt  }
0x6e: {  	_ =	shalt  }
0x6f: {  	_ =	shalt  }
0x70: {  	_ =	shalt  }
0x71: {  	_ =	shalt  }
0x72: {  	_ =	shalt  }
0x73: {  	_ =	shalt  }
0x74: {  	_ =	shalt  }
0x75: {  	_ =	shalt  }
0x76: {  	_ =	shalt  }
0x77: {  	_ =	shalt  }
0x78: {  	_ =	shalt  }
0x79: {  	_ =	shalt  }
0x7a: {  	_ =	shalt  }
0x7b: {  	_ =	shalt  }
0x7c: {  	_ =	shalt  }
0x7d: {  	_ =	shalt  }
0x7e: {  	_ =	shalt  }
0x7f: {  	_ =	shalt  }
0x80: {  	_ =	shalt  }
0x81: {  	_ =	shalt  }
0x82: {  	_ =	shalt  }
0x83: {  	_ =	shalt  }
0x84: {  	_ =	shalt  }
0x85: {  	_ =	shalt  }
0x86: {  	_ =	shalt  }
0x87: {  	_ =	shalt  }
.Lfunc_end0:
.L_simem_size_0:
called_computation.4_lowered:
.L_overlay_start_0:
0x88: {  	s2 =	sld [smem:$0x3FD9]  }
0x89: {  	s3 =	sld [smem:$0x3FFE];
	_ =	sdelay $0x1  }
0x8a: {  	s1 =	srdreg.scid  }
0x8b: {  	s0 =	sand.u32 $0x1, s1  }
0x8c: {  	s16 =	sshll.u32 s0, $0xA;
	s2 =	sadd.s32 s3, s2  }
0x8d: {  	s2 =	sadd.s32 s2, s16  }
0x8e: {  	[smem:$0x3FA9] =	sst s2  }
0x8f: {  	_ = 	snop  }
0x90: {  	(tm) =	ssettm $0x1  }
0x91: {  	s17 =	sld [smem:$0x3FFB];
	_ =	sdelay $0x3  }
0x92: {  	_ =	strace s17  }
0x93: {  	s2 =	sld [smem:$0x3FFC];
	_ =	sdelay $0x3  }
0x94: {  	_ =	strace s2  }
0x95: {  	s2 =	sld [smem:$0x3FFD];
	_ =	sdelay $0x3  }
0x96: {  	_ =	strace s2  }
0x97: {  	_ =	strace $0x8FFFFFFF  }
0x98: {  	s18 =	sld [smem:$0x3FDB];
	_ =	sdelay $0x1  }
0x99: {  	s19 =	simm.s32 $_scs_section_size  }
0x9a: {  	s4 =	simm.s32 $_size__tile_overlayer_lowered;
	s5 =	simm.s32 $_tile_overlayer_lowered  }
0x9b: {  	s22 =	simm.s32 $0x1BFF;
	s21 =	sshll.u32 s5, $0x1;
	s2 =	sadd.s32 s19, s18  }
0x9c: {  	s6 =	simm.s32 $0x0;
	s20 =	sshll.u32 s4, $0x1;
	s4 =	sadd.s32 s21, s2  }
0x9d: {  	[timem:s6], [sflag:s22] =	dma.local [hbm:s4], s20  }
0x9e: {  	_ =	swait.ge [sflag:s22], s20  }
0x9f: {  	s3 =	ssub.s32 $0x0, s20;
	[sflag:s22] =	ssyncset.done $0x0  }
0xa0: {  	[sflag:s22] =	ssyncadd.s32 s3;
	_ =	sdelay $0x1  }
0xa1: {  	s23 =	simm.s32 $0x1B8B  }
0xa2: {  	_ =	swait.ge [sflag:s23], $0x1  }
0xa3: {  	[sflag:s23] =	ssyncset.done $0x0  }
0xa4: {  	s25 =	simm.s32 $0x1B8E;
	s24 =	sld [smem:$0x3FFE];
	[sflag:s23] =	ssyncadd.s32 $0xFFFFFFFF  }
0xa5: {  	s26 =	simm.s32 $execute0_lowered;
	[smem:$0x3FD2] =	sst s25  }
0xa6: {  	s4 =	sshll.u32 s26, $0x1;
	_ =	strace $0x80000052;
	[dreg:$0x1] =	wrdreg $0xFFFFFFFF  }
0xa7: {  	s28 =	simm.s32 $_size_execute0_lowered;
	s2 =	sadd.s32 s2, s4;
	[dreg:$0x0] =	wrdreg $0x0  }
0xa8: {  	s4 =	sshll.u32 s28, $0x1;
	[dreg:$0x2] =	wrdreg s2  }
0xa9: {  	[dreg:$0x3] =	wrdreg s4  }
0xaa: {  	[dreg:$0x4] =	wrdreg $0xC0  }
0xab: {  	_ =	task [dreg:s6], $0x5FFFF  }
0xac: {  	[dreg:$0x1] =	wrdreg $0xFFFFFFFF  }
0xad: {  	[dreg:$0x0] =	wrdreg $0x60  }
0xae: {  	[dreg:$0x2] =	wrdreg s24  }
0xaf: {  	[dreg:$0x3] =	wrdreg $0x41000  }
0xb0: {  	[dreg:$0x4] =	wrdreg $0x9  }
0xb1: {  	_ =	task.clear_ibuf [dreg:s6], $0x5FFFF;
	_ =	strace $0x90000052  }
0xb2: {  	s29 =	simm.s32 $0x9;
	_ =	strace $0x80000054  }
0xb3: {  	_ =	swait.ge [sflag:s29], $0x1  }
0xb4: {  	[sflag:s29] =	ssyncadd.s32 $0xFFFFFFFF  }
0xb5: {  	_ =	strace $0x90000054  }
0xb6: {  	_ =	sfence  }
0xb7: {  	s30 =	sld [smem:$0x0];
	_ =	sdelay $0x2  }
0xb8: {  	s31 =	sshll.u32 s1, $0xD;
	s1 =	sshrl.u32 s1, $0x2  }
0xb9: {  	s3 =	sand.u32 $0x4000, s31;
	s1 =	sadd.s32 s1, s30  }
0xba: {  	s0 =	sor.u32 s3, s0;
	s1 =	sshll.u32 s1, $0x11  }
0xbb: {  	s0 =	sor.u32 s1, s0  }
0xbc: {  	s0 =	sadd.s32 $0x8F2B, s0  }
0xbd: {  	[sflag:s0] =	ssyncadd.remote.s32 $0x1  }
0xbe: {  	_ =	sfence.sel $0xFFFF  }
0xbf: {  	[dreg:$0x0] =	wrdreg $0xFFFFFFFF;
	(pc) =	sbr.abs _section_cstart, $3  }
0xc0: {  	[dreg:$0x1] =	wrdreg $0xFFFFFFFF  }
0xc1: {  	_ =	task.clear_ibuf [dreg:s6], $0x2FFFF;
	_ =	strace $0x9FFFFFFF  }
0xc2: {  	(tm) =	ssettm $0x7FFFFFFF  }
0xc3: {  	_ =	shalt  }
tec
execute0_lowered:
.L_overlay_start_1:
0x0: {  	(tag) =	ssettag $0x1  }
0x1: {  	s9 =	rddreg [dreg:$0x0]  }
0x2: {  	s1 =	rddreg [dreg:$0x1]  }
0x3: {  	s0 =	rddreg [dreg:$0x2]  }
0x4: {  	s3 =	simm.s32 $0x0;
	s2 =	srdreg.scid;
	s16 =	simm.s32 $0x80  }
0x5: {  	s17 =	simm.s32 $0x100;
	s18 =	simm.s32 $0x1;
	s19 =	simm.s32 $0x0  }
0x6: {  	[smem:$0x7FF] =	sst s3;
	s10 =	sand.u32 $0x1, s2;
	s2 =	stileid.u32  }
0x7: {  	s4 =	sadd.s32 $0x3C400, s9;
	s5 =	sadd.s32 $0x11C00, s9;
	s6 =	sadd.s32 $0x64C00, s9  }
0x8: {  	s7 =	sadd.s32 $0x7C00, s9;
	s8 =	sadd.s32 $0x39C00, s9;
	s11 =	smul.u32 $0x280000, s10  }
0x9: {  	_ =	strace $0x80000053;
	s12 =	smul.u32 $0x14000, s2;
	s28 =	ssub.s32 $0x2, s10  }
0xa: {  	s14 =	smul.u32 $0x50000, s2;
	s29 =	sshll.u32 s10, $0x4;
	s31 =	sshll.u32 s2, $0x6  }
0xb: {  	s13 =	sshrl.u32 s28, $0x1;
	s10 =	sor.u32 s2, s29;
	s11 =	sadd.s32 s12, s11  }
0xc: {  	s13 =	ssub.s32 s28, s13;
	s30 =	sshrl.u32 s14, $0x2;
	s10 =	smul.u32 $0x2800, s10  }
0xd: {  	s11 =	sshrl.u32 s11, $0x3;
	s14 =	sadd.s32 s30, s1;
	s13 =	smax.u32 s13, $0x1  }
0xe: {  	s15 =	sadd.s32 s11, s9;
	s9 =	sor.u32 $0x1C02, s31;
	s14 =	sshrl.u32 s14, $0x3  }
0xf: {  	s11 =	sadd.s32 $0xBEC00, s15;
	s12 =	sadd.s32 $0xE6C00, s15;
	s15 =	simm.s32 $0x2  }
.LBB2_1:
0x10: {  	[spmem:s14], [sflag:s9] =	dma.local [hbm:s8], $0x2800  }
0x11: {  	s20 =	sand.u32 $0x3C00, s3  }
0x12: {  	s21 =	sand.u32 $0x380, s3;
	_ =	swait.ge [sflag:s15], $0x2800;
	s20 =	sadd.s32 s10, s20  }
0x13: {  	[sflag:s15] =	ssyncset.done $0x0;
	s20 =	sor.u32 s21, s20  }
0x14: {  	[sflag:s15] =	ssyncadd.s32 $0xFFFFD800;
	s20 =	sshrl.u32 s20, $0x3  }
0x15: {  	[bflag:$0x0] =	sbarrier.arrive $0xFFFF;
	s29 =	sadd.s32 s6, s20  }
0x16: {  	[tilespmem:s3], [sflag:$0x2] =	stream.linear.gather [hbm4b:s29+s3], $0x80, $0x38;
	[tilespmem:$0x18100] =	vst v63  }
0x17: {  	_ =	swait.ge [sflag:s15], $0x80  }
0x18: {  	[sflag:s15] =	ssyncset.done $0x0  }
0x19: {  	s20 =	sadd.s32 s7, s20;
	[sflag:s15] =	ssyncadd.s32 $0xFFFFFF80  }
0x1a: {  	[tilespmem:s16], [sflag:$0x2] =	stream.linear.gather [hbm4b:s20+s3], $0x80, $0x38;
	[tilespmem:$0x18100] =	vst v63  }
0x1b: {  	_ =	swait.ge [sflag:s15], $0x80  }
0x1c: {  	[sflag:s15] =	ssyncset.done $0x0  }
0x1d: {  	[sflag:s15] =	ssyncadd.s32 $0xFFFFFF80  }
0x1e: {  	[tilespmem:s17], [sflag:$0x1] =	stream.indirect.gather [hbm4b:s4+s16], $0x80, s3, s16, $0xb8;
	[tilespmem:$0x18100] =	vst v63  }
0x1f: {  	_ =	swait.ge [sflag:s18], $0x4000  }
0x20: {  	s30 =	simm.s32 $0x80;
	[sflag:s18] =	ssyncset.done $0x0  }
0x21: {  	s31 =	sand.u32 $0x3C00, s30;
	[sflag:s18] =	ssyncadd.s32 $0xFFFFC000  }
0x22: {  	[spmem:s1] =	stream.indirect.scatter.add.f32 [tilespmem:s17], [sflag:$0x2], $0x80, s16, s16, $0xb8;
	[tilespmem:$0x18100] =	vst v63  }
0x23: {  	s22 =	sand.u32 $0x380, s30;
	s21 =	sadd.s32 s10, s31;
	_ =	swait.ge [sflag:s15], $0x4000  }
0x24: {  	s21 =	sor.u32 s22, s21;
	s20 =	simm.s32 $0x100;
	[sflag:s15] =	ssyncset.done $0x0  }
.LBB2_2:
0x25: {  	s21 =	sshrl.u32 s21, $0x3  }
0x26: {  	[sflag:s15] =	ssyncadd.s32 $0xFFFFC000;
	s22 =	smov.u32 s20;
	s23 =	sadd.s32 $0x80, s20  }
0x27: {  	p0 =	sne.s32 s20, $0x2780;
	s20 =	sadd.s32 s6, s21  }
0x28: {  	[tilespmem:s3], [sflag:$0x2] =	stream.linear.gather [hbm4b:s20+s3], $0x80, $0x38;
	[tilespmem:$0x18100] =	vst v63  }
0x29: {  	_ =	swait.ge [sflag:s15], $0x80  }
0x2a: {  	[sflag:s15] =	ssyncset.done $0x0  }
0x2b: {  	s20 =	sadd.s32 s7, s21;
	[sflag:s15] =	ssyncadd.s32 $0xFFFFFF80  }
0x2c: {  	[tilespmem:s16], [sflag:$0x2] =	stream.linear.gather [hbm4b:s20+s3], $0x80, $0x38;
	[tilespmem:$0x18100] =	vst v63  }
0x2d: {  	_ =	swait.ge [sflag:s15], $0x80  }
0x2e: {  	[sflag:s15] =	ssyncset.done $0x0  }
0x2f: {  	[sflag:s15] =	ssyncadd.s32 $0xFFFFFF80  }
0x30: {  	[tilespmem:s17], [sflag:$0x1] =	stream.indirect.gather [hbm4b:s4+s16], $0x80, s3, s16, $0xb8;
	[tilespmem:$0x18100] =	vst v63  }
0x31: {  	_ =	swait.ge [sflag:s18], $0x4000  }
.Ltmp0:
0x32: {  	[sflag:s18] =	ssyncset.done $0x0;
	(pc) =	sbr.rel @p0 .LBB2_2-.Ltmp0, $4  }
0x33: {  	s20 =	sand.u32 $0x3C00, s22;
	[sflag:s18] =	ssyncadd.s32 $0xFFFFC000  }
0x34: {  	[spmem:s1] =	stream.indirect.scatter.add.f32 [tilespmem:s17], [sflag:$0x2], $0x80, s16, s16, $0xb8;
	[tilespmem:$0x18100] =	vst v63  }
0x35: {  	s21 =	sand.u32 $0x380, s22;
	s20 =	sadd.s32 s10, s20;
	_ =	swait.ge [sflag:s15], $0x4000  }
0x36: {  	s21 =	sor.u32 s21, s20;
	s20 =	smov.u32 s23;
	[sflag:s15] =	ssyncset.done $0x0  }
0x37: {  	s20 =	sshrl.u32 s21, $0x3  }
0x38: {  	[sflag:s15] =	ssyncadd.s32 $0xFFFFC000;
	s21 =	sadd.s32 s6, s20  }
0x39: {  	[tilespmem:s3], [sflag:$0x2] =	stream.linear.gather [hbm4b:s21+s3], $0x80, $0x38;
	[tilespmem:$0x18100] =	vst v63  }
0x3a: {  	_ =	swait.ge [sflag:s15], $0x80  }
0x3b: {  	[sflag:s15] =	ssyncset.done $0x0  }
0x3c: {  	s20 =	sadd.s32 s7, s20;
	[sflag:s15] =	ssyncadd.s32 $0xFFFFFF80  }
0x3d: {  	[tilespmem:s16], [sflag:$0x2] =	stream.linear.gather [hbm4b:s20+s3], $0x80, $0x38;
	[tilespmem:$0x18100] =	vst v63  }
0x3e: {  	_ =	swait.ge [sflag:s15], $0x80  }
0x3f: {  	[sflag:s15] =	ssyncset.done $0x0  }
0x40: {  	[sflag:s15] =	ssyncadd.s32 $0xFFFFFF80  }
0x41: {  	[tilespmem:s17], [sflag:$0x1] =	stream.indirect.gather [hbm4b:s4+s16], $0x80, s3, s16, $0xb8;
	[tilespmem:$0x18100] =	vst v63  }
0x42: {  	_ =	swait.ge [sflag:s18], $0x4000  }
0x43: {  	[sflag:s18] =	ssyncset.done $0x0  }
0x44: {  	[sflag:s18] =	ssyncadd.s32 $0xFFFFC000  }
0x45: {  	[spmem:s1] =	stream.indirect.scatter.add.f32 [tilespmem:s17], [sflag:$0x2], $0x80, s16, s16, $0xb8;
	[tilespmem:$0x18100] =	vst v63  }
0x46: {  	_ =	swait.ge [sflag:s15], $0x4000  }
0x47: {  	[sflag:s15] =	ssyncset.done $0x0  }
0x48: {  	[sflag:s15] =	ssyncadd.s32 $0xFFFFC000  }
0x49: {  	[bflag:$0x0] =	sbarrier.arrive $0xFFFF  }
0x4a: {  	[hbm:s11], [sflag:s9] =	dma.local [spmem:s14], $0x2800  }
0x4b: {  	_ =	swait.ge [sflag:s15], $0x2800  }
0x4c: {  	[sflag:s15] =	ssyncset.done $0x0  }
0x4d: {  	s26 =	simm.s32 $0x0;
	[sflag:s15] =	ssyncadd.s32 $0xFFFFD800  }
0x4e: {  	s28 =	sand.u32 $0x3C00, s26;
	[bflag:$0x0] =	sbarrier.arrive $0xFFFF  }
0x4f: {  	[spmem:s14], [sflag:s9] =	dma.local [hbm:s8], $0x2800  }
0x50: {  	s21 =	sadd.s32 s10, s28;
	s20 =	sand.u32 $0x380, s26;
	_ =	swait.ge [sflag:s15], $0x2800  }
0x51: {  	s20 =	sor.u32 s20, s21;
	[sflag:s15] =	ssyncset.done $0x0  }
0x52: {  	s20 =	sshrl.u32 s20, $0x3;
	[sflag:s15] =	ssyncadd.s32 $0xFFFFD800  }
0x53: {  	s29 =	sadd.s32 s6, s20;
	[bflag:$0x0] =	sbarrier.arrive $0xFFFF  }
0x54: {  	[tilespmem:s3], [sflag:$0x2] =	stream.linear.gather [hbm4b:s29+s3], $0x80, $0x38;
	[tilespmem:$0x18100] =	vst v63  }
0x55: {  	_ =	swait.ge [sflag:s15], $0x80  }
0x56: {  	[sflag:s15] =	ssyncset.done $0x0  }
0x57: {  	s20 =	sadd.s32 s7, s20;
	[sflag:s15] =	ssyncadd.s32 $0xFFFFFF80  }
0x58: {  	[tilespmem:s16], [sflag:$0x2] =	stream.linear.gather [hbm4b:s20+s3], $0x80, $0x38;
	[tilespmem:$0x18100] =	vst v63  }
0x59: {  	_ =	swait.ge [sflag:s15], $0x80  }
0x5a: {  	[sflag:s15] =	ssyncset.done $0x0  }
0x5b: {  	[sflag:s15] =	ssyncadd.s32 $0xFFFFFF80  }
0x5c: {  	[tilespmem:s17], [sflag:$0x1] =	stream.indirect.gather [hbm4b:s5+s16], $0x80, s3, s16, $0xb8;
	[tilespmem:$0x18100] =	vst v63  }
0x5d: {  	_ =	swait.ge [sflag:s18], $0x4000  }
0x5e: {  	s30 =	simm.s32 $0x80;
	[sflag:s18] =	ssyncset.done $0x0  }
0x5f: {  	s31 =	sand.u32 $0x3C00, s30;
	[sflag:s18] =	ssyncadd.s32 $0xFFFFC000  }
0x60: {  	[spmem:s1] =	stream.indirect.scatter.add.f32 [tilespmem:s17], [sflag:$0x2], $0x80, s16, s16, $0xb8;
	[tilespmem:$0x18100] =	vst v63  }
0x61: {  	s22 =	sand.u32 $0x380, s30;
	s21 =	sadd.s32 s10, s31;
	_ =	swait.ge [sflag:s15], $0x4000  }
0x62: {  	s21 =	sor.u32 s22, s21;
	s20 =	simm.s32 $0x100;
	[sflag:s15] =	ssyncset.done $0x0  }
.LBB2_4:
0x63: {  	s21 =	sshrl.u32 s21, $0x3  }
0x64: {  	[sflag:s15] =	ssyncadd.s32 $0xFFFFC000;
	s22 =	smov.u32 s20;
	s23 =	sadd.s32 $0x80, s20  }
0x65: {  	p0 =	sne.s32 s20, $0x2780;
	s20 =	sadd.s32 s6, s21  }
0x66: {  	[tilespmem:s3], [sflag:$0x2] =	stream.linear.gather [hbm4b:s20+s3], $0x80, $0x38;
	[tilespmem:$0x18100] =	vst v63  }
0x67: {  	_ =	swait.ge [sflag:s15], $0x80  }
0x68: {  	[sflag:s15] =	ssyncset.done $0x0  }
0x69: {  	s20 =	sadd.s32 s7, s21;
	[sflag:s15] =	ssyncadd.s32 $0xFFFFFF80  }
0x6a: {  	[tilespmem:s16], [sflag:$0x2] =	stream.linear.gather [hbm4b:s20+s3], $0x80, $0x38;
	[tilespmem:$0x18100] =	vst v63  }
0x6b: {  	_ =	swait.ge [sflag:s15], $0x80  }
0x6c: {  	[sflag:s15] =	ssyncset.done $0x0  }
0x6d: {  	[sflag:s15] =	ssyncadd.s32 $0xFFFFFF80  }
0x6e: {  	[tilespmem:s17], [sflag:$0x1] =	stream.indirect.gather [hbm4b:s5+s16], $0x80, s3, s16, $0xb8;
	[tilespmem:$0x18100] =	vst v63  }
0x6f: {  	_ =	swait.ge [sflag:s18], $0x4000  }
.Ltmp1:
0x70: {  	[sflag:s18] =	ssyncset.done $0x0;
	(pc) =	sbr.rel @p0 .LBB2_4-.Ltmp1, $4  }
0x71: {  	s20 =	sand.u32 $0x3C00, s22;
	[sflag:s18] =	ssyncadd.s32 $0xFFFFC000  }
0x72: {  	[spmem:s1] =	stream.indirect.scatter.add.f32 [tilespmem:s17], [sflag:$0x2], $0x80, s16, s16, $0xb8;
	[tilespmem:$0x18100] =	vst v63  }
0x73: {  	s21 =	sand.u32 $0x380, s22;
	s20 =	sadd.s32 s10, s20;
	_ =	swait.ge [sflag:s15], $0x4000  }
0x74: {  	s21 =	sor.u32 s21, s20;
	s20 =	smov.u32 s23;
	[sflag:s15] =	ssyncset.done $0x0  }
0x75: {  	s20 =	sshrl.u32 s21, $0x3  }
0x76: {  	[sflag:s15] =	ssyncadd.s32 $0xFFFFC000;
	s21 =	sadd.s32 s6, s20  }
0x77: {  	[tilespmem:s3], [sflag:$0x2] =	stream.linear.gather [hbm4b:s21+s3], $0x80, $0x38;
	[tilespmem:$0x18100] =	vst v63  }
0x78: {  	_ =	swait.ge [sflag:s15], $0x80  }
0x79: {  	[sflag:s15] =	ssyncset.done $0x0  }
0x7a: {  	s20 =	sadd.s32 s7, s20;
	[sflag:s15] =	ssyncadd.s32 $0xFFFFFF80  }
0x7b: {  	[tilespmem:s16], [sflag:$0x2] =	stream.linear.gather [hbm4b:s20+s3], $0x80, $0x38;
	[tilespmem:$0x18100] =	vst v63  }
0x7c: {  	_ =	swait.ge [sflag:s15], $0x80  }
0x7d: {  	[sflag:s15] =	ssyncset.done $0x0  }
0x7e: {  	[sflag:s15] =	ssyncadd.s32 $0xFFFFFF80  }
0x7f: {  	[tilespmem:s17], [sflag:$0x1] =	stream.indirect.gather [hbm4b:s5+s16], $0x80, s3, s16, $0xb8;
	[tilespmem:$0x18100] =	vst v63  }
0x80: {  	_ =	swait.ge [sflag:s18], $0x4000  }
0x81: {  	[sflag:s18] =	ssyncset.done $0x0  }
0x82: {  	[sflag:s18] =	ssyncadd.s32 $0xFFFFC000  }
0x83: {  	[spmem:s1] =	stream.indirect.scatter.add.f32 [tilespmem:s17], [sflag:$0x2], $0x80, s16, s16, $0xb8;
	[tilespmem:$0x18100] =	vst v63  }
0x84: {  	_ =	swait.ge [sflag:s15], $0x4000  }
0x85: {  	[sflag:s15] =	ssyncset.done $0x0  }
0x86: {  	s19 =	sadd.s32 $0x1, s19;
	[sflag:s15] =	ssyncadd.s32 $0xFFFFC000  }
0x87: {  	p0 =	sne.s32 s19, s13;
	[bflag:$0x0] =	sbarrier.arrive $0xFFFF  }
0x88: {  	[hbm:s12], [sflag:s9] =	dma.local [spmem:s14], $0x2800  }
.Ltmp2:
0x89: {  	_ =	swait.ge [sflag:s15], $0x2800;
	(pc) =	sbr.rel @p0 .LBB2_1-.Ltmp2, $3  }
0x8a: {  	[sflag:s15] =	ssyncset.done $0x0  }
0x8b: {  	[sflag:s15] =	ssyncadd.s32 $0xFFFFD800  }
0x8c: {  	[bflag:$0x0] =	sbarrier.arrive $0xFFFF;
	_ =	sdelay $0x1  }
0x8d: {  	_ =	sfence.sel $0x180000  }
0x8e: {  	[bflag:$0x0] =	sbarrier.arrive $0xFFFF  }
0x8f: {  	p0 =	sne.s32 s2, $0x0;
	_ =	strace $0x90000053  }
0x90: {  	s0 =	sadd.s32 @!p0 $0x100000, s0;
	[bflag:$0x2] =	sbarrier.arrive $0xFFFF  }
0x91: {  	[sflag:s0] =	ssyncadd.tile.s32 @!p0 $0x1;
	_ =	shalt  }
.Lfunc_end2:
_tile_overlayer_lowered:
.L_overlay_start_2:
0x92: {  	(tag) =	ssettag $0x2  }
0x93: {  	s0 =	rddreg [dreg:$0x0];
	s2 =	stileid.u32  }
0x94: {  	s1 =	rddreg [dreg:$0x1];
	p0 =	sne.s32 s2, $0x0  }
0x95: {  	s3 =	rddreg [dreg:$0x2];
	[bflag:$0x3] =	sbarrier.arrive $0xFFFF;
	s2 =	simm.s32 @!p0 $0x1C02  }
0x96: {  	[timem:s3], [sflag:s2] =	dma.local @!p0 [hbm:s0], s1  }
0x97: {  	s0 =	simm.s32 @!p0 $0x2  }
0x98: {  	_ =	swait.ge @!p0 [sflag:s0], s1  }
0x99: {  	s1 =	ssub.s32 @!p0 $0x0, s1;
	[sflag:s0] =	ssyncset.done @!p0 $0x0  }
0x9a: {  	[sflag:s0] =	ssyncadd.s32 @!p0 s1  }
0x9b: {  	[bflag:$0x3] =	sbarrier.arrive $0xFFFF  }
0x9c: {  	_ =	shalt  }

// kernel: kernel.38.cloned.1.call-start
scs
__scs_entry_jumppad:
0x0: {  	(pc) =	sbr.rel $0x88, $3  }
0x1: {  	(tag) =	ssettag $0x0;
	lr =	simm.s32 $0x1  }
0x2: {  	[smem:$0x3F82] =	sst lr;
	_ =	strace $0xD0000000  }
0x3: {  	_ = 	snop  }
0x4: {  	_ = 	snop  }
0x5: {  	_ = 	snop  }
0x6: {  	_ = 	snop  }
0x7: {  	_ = 	snop  }
__scs_overlays_trampoline_lowered:
0x8: {  	[smem:$0x3F91] =	sst s0  }
0x9: {  	[smem:$0x3F92] =	sst s1  }
0xa: {  	[smem:$0x3F93] =	sst s2  }
0xb: {  	[smem:$0x3F94] =	sst s3  }
0xc: {  	[smem:$0x3F95] =	sst s4  }
0xd: {  	[smem:$0x3F96] =	sst s5  }
0xe: {  	[smem:$0x3F97] =	sst s6  }
0xf: {  	[smem:$0x3F98] =	sst s7  }
0x10: {  	[smem:$0x3F99] =	sst s8  }
0x11: {  	[smem:$0x3F9A] =	sst s9;
	s0 =	simm.s32 @!p0 $0x0  }
0x12: {  	s1 =	sld [smem:$0x3F80];
	s0 =	simm.s32 @p0 $0x1  }
0x13: {  	[smem:$0x3F9B] =	sst s0;
	s0 =	simm.s32 @!p1 $0x0  }
0x14: {  	s2 =	sld [smem:$0x3F7F];
	s0 =	simm.s32 @p1 $0x1  }
0x15: {  	[smem:$0x3F9C] =	sst s0;
	s0 =	simm.s32 @!p2 $0x0  }
0x16: {  	s3 =	sld [smem:$0x3FDB];
	s0 =	simm.s32 @p2 $0x1  }
0x17: {  	s4 =	simm.s32 $0x1BF5;
	[smem:$0x3F9E] =	sst s0  }
0x18: {  	s0 =	sld [smem:$0x3F81];
	_ =	swait.ge [sflag:s4], $0x0  }
0x19: {  	s7 =	sld [smem:$0x3F82]  }
0x1a: {  	s8 =	sadd.s32 $0xFFFFE003, lr  }
0x1b: {  	s9 =	sadd.s32 $0xFFFFFEF7, lr;
	s5 =	simm.s32 $0xFFFFFFFF;
	p2 =	slt.u32 s8, $0xFFFFF086  }
0x1c: {  	p1 =	slt.u32 s9, $0xF7A;
	s5 =	simm.s32 @!p2 $0x0  }
0x1d: {  	s5 =	simm.s32 @p1 $0x1;
	p0 =	seq.s32 s7, s2  }
0x1e: {  	s7 =	smul.u32 @!p0 $0xF7A, s2;
	p2 =	seq.s32 @!p0 s5, $0x0  }
0x1f: {  	s9 =	smul.u32 $0xF7A, s1;
	s8 =	simm.s32 @!p0 $0x1BF5;
	p2 =	por !p2, p0  }
0x20: {  	[sflag:s8] =	ssyncset.s32 @!p0 $0xFFFFF086;
	s6 =	sadd.s32 @!p0 s3, s7;
	s7 =	simm.s32 @!p0 $0x108  }
0x21: {  	s3 =	sadd.s32 s3, s9;
	s6 =	sadd.s32 @!p0 $0x88, s6;
	s7 =	simm.s32 @p2 $0x1082  }
0x22: {  	[simem:s7], [sflag:s8] =	dma.local @!p0 [hbm:s6], $0xF7A  }
0x23: {  	s9 =	sor.u32 $0xD0000000, s2;
	s6 =	simm.s32 $0x108;
	_ =	swait.ge @!p0 [sflag:s8], $0x0  }
0x24: {  	s3 =	sadd.s32 $0x88, s3;
	s6 =	simm.s32 @!p1 $0x1082;
	[sflag:s4] =	ssyncset.s32 $0xFFFFF086  }
0x25: {  	[simem:s6], [sflag:s4] =	dma.local [hbm:s3], $0xF7A  }
0x26: {  	[smem:$0x3F82] =	sst s1;
	(tag) =	ssettag s2;
	_ =	strace s9  }
0x27: {  	s1 =	sld [smem:$0x3F92]  }
0x28: {  	s2 =	sld [smem:$0x3F93]  }
0x29: {  	s4 =	sld [smem:$0x3F95]  }
0x2a: {  	p0 =	seq.s32 s5, $0x0;
	s5 =	sld [smem:$0x3F96]  }
0x2b: {  	s6 =	sld [smem:$0x3F97]  }
0x2c: {  	s7 =	sld [smem:$0x3F98]  }
0x2d: {  	s3 =	simm.s32 $0x108;
	s8 =	sld [smem:$0x3F99]  }
0x2e: {  	s3 =	simm.s32 @!p0 $0x1082;
	s9 =	sld [smem:$0x3F9A]  }
0x2f: {  	lr =	sadd.s32 s0, s3;
	s0 =	sld [smem:$0x3F91]  }
0x30: {  	s3 =	sld [smem:$0x3F94]  }
0x31: {  	[smem:$0x3F9D] =	sst s10  }
0x32: {  	s10 =	sld [smem:$0x3F9B];
	_ =	sdelay $0x3  }
0x33: {  	p0 =	seq.s32 s10, $0x1;
	s10 =	sld [smem:$0x3F9D];
	_ =	sdelay $0x3  }
0x34: {  	[smem:$0x3F9D] =	sst s10  }
0x35: {  	s10 =	sld [smem:$0x3F9C];
	_ =	sdelay $0x3  }
0x36: {  	p1 =	seq.s32 s10, $0x1;
	s10 =	sld [smem:$0x3F9D];
	_ =	sdelay $0x3  }
0x37: {  	[smem:$0x3F9D] =	sst s10  }
0x38: {  	s10 =	sld [smem:$0x3F9E]  }
0x39: {  	_ = 	snop;
	(pc) =	sbr.ind lr, $3  }
0x3a: {  	_ = 	snop  }
0x3b: {  	_ = 	snop  }
0x3c: {  	p2 =	seq.s32 s10, $0x1;
	s10 =	sld [smem:$0x3F9D]  }
0x3d: {  	_ =	shalt  }
0x3e: {  	_ =	shalt  }
0x3f: {  	_ =	shalt  }
0x40: {  	_ =	shalt  }
0x41: {  	_ =	shalt  }
0x42: {  	_ =	shalt  }
0x43: {  	_ =	shalt  }
0x44: {  	_ =	shalt  }
0x45: {  	_ =	shalt  }
0x46: {  	_ =	shalt  }
0x47: {  	_ =	shalt  }
0x48: {  	_ =	shalt  }
0x49: {  	_ =	shalt  }
0x4a: {  	_ =	shalt  }
0x4b: {  	_ =	shalt  }
0x4c: {  	_ =	shalt  }
0x4d: {  	_ =	shalt  }
0x4e: {  	_ =	shalt  }
0x4f: {  	_ =	shalt  }
0x50: {  	_ =	shalt  }
0x51: {  	_ =	shalt  }
0x52: {  	_ =	shalt  }
0x53: {  	_ =	shalt  }
0x54: {  	_ =	shalt  }
0x55: {  	_ =	shalt  }
0x56: {  	_ =	shalt  }
0x57: {  	_ =	shalt  }
0x58: {  	_ =	shalt  }
0x59: {  	_ =	shalt  }
0x5a: {  	_ =	shalt  }
0x5b: {  	_ =	shalt  }
0x5c: {  	_ =	shalt  }
0x5d: {  	_ =	shalt  }
0x5e: {  	_ =	shalt  }
0x5f: {  	_ =	shalt  }
0x60: {  	_ =	shalt  }
0x61: {  	_ =	shalt  }
0x62: {  	_ =	shalt  }
0x63: {  	_ =	shalt  }
0x64: {  	_ =	shalt  }
0x65: {  	_ =	shalt  }
0x66: {  	_ =	shalt  }
0x67: {  	_ =	shalt  }
0x68: {  	_ =	shalt  }
0x69: {  	_ =	shalt  }
0x6a: {  	_ =	shalt  }
0x6b: {  	_ =	shalt  }
0x6c: {  	_ =	shalt  }
0x6d: {  	_ =	shalt  }
0x6e: {  	_ =	shalt  }
0x6f: {  	_ =	shalt  }
0x70: {  	_ =	shalt  }
0x71: {  	_ =	shalt  }
0x72: {  	_ =	shalt  }
0x73: {  	_ =	shalt  }
0x74: {  	_ =	shalt  }
0x75: {  	_ =	shalt  }
0x76: {  	_ =	shalt  }
0x77: {  	_ =	shalt  }
0x78: {  	_ =	shalt  }
0x79: {  	_ =	shalt  }
0x7a: {  	_ =	shalt  }
0x7b: {  	_ =	shalt  }
0x7c: {  	_ =	shalt  }
0x7d: {  	_ =	shalt  }
0x7e: {  	_ =	shalt  }
0x7f: {  	_ =	shalt  }
0x80: {  	_ =	shalt  }
0x81: {  	_ =	shalt  }
0x82: {  	_ =	shalt  }
0x83: {  	_ =	shalt  }
0x84: {  	_ =	shalt  }
0x85: {  	_ =	shalt  }
0x86: {  	_ =	shalt  }
0x87: {  	_ =	shalt  }
.Lfunc_end0:
.L_simem_size_0:
called_computation.5_lowered:
.L_overlay_start_0:
0x88: {  	s2 =	sld [smem:$0x3FD9]  }
0x89: {  	s3 =	sld [smem:$0x3FFE];
	_ =	sdelay $0x1  }
0x8a: {  	s1 =	srdreg.scid  }
0x8b: {  	s0 =	sand.u32 $0x1, s1  }
0x8c: {  	s16 =	sshll.u32 s0, $0xA;
	s2 =	sadd.s32 s3, s2  }
0x8d: {  	s2 =	sadd.s32 s2, s16  }
0x8e: {  	[smem:$0x3FA9] =	sst s2  }
0x8f: {  	_ = 	snop  }
0x90: {  	(tm) =	ssettm $0x1  }
0x91: {  	s17 =	sld [smem:$0x3FFB];
	_ =	sdelay $0x3  }
0x92: {  	_ =	strace s17  }
0x93: {  	s2 =	sld [smem:$0x3FFC];
	_ =	sdelay $0x3  }
0x94: {  	_ =	strace s2  }
0x95: {  	s2 =	sld [smem:$0x3FFD];
	_ =	sdelay $0x3  }
0x96: {  	_ =	strace s2  }
0x97: {  	_ =	strace $0x8FFFFFFF  }
0x98: {  	s18 =	sld [smem:$0x3FDB];
	_ =	sdelay $0x1  }
0x99: {  	s19 =	simm.s32 $_scs_section_size  }
0x9a: {  	s4 =	simm.s32 $_size__tile_overlayer_lowered;
	s5 =	simm.s32 $_tile_overlayer_lowered  }
0x9b: {  	s22 =	simm.s32 $0x1BFF;
	s21 =	sshll.u32 s5, $0x1;
	s2 =	sadd.s32 s19, s18  }
0x9c: {  	s6 =	simm.s32 $0x0;
	s20 =	sshll.u32 s4, $0x1;
	s4 =	sadd.s32 s21, s2  }
0x9d: {  	[timem:s6], [sflag:s22] =	dma.local [hbm:s4], s20  }
0x9e: {  	_ =	swait.ge [sflag:s22], s20  }
0x9f: {  	s3 =	ssub.s32 $0x0, s20;
	[sflag:s22] =	ssyncset.done $0x0  }
0xa0: {  	[sflag:s22] =	ssyncadd.s32 s3;
	_ =	sdelay $0x1  }
0xa1: {  	s23 =	simm.s32 $0x1B8B  }
0xa2: {  	_ =	swait.ge [sflag:s23], $0x1  }
0xa3: {  	[sflag:s23] =	ssyncset.done $0x0  }
0xa4: {  	s25 =	simm.s32 $0x1B8E;
	s24 =	sld [smem:$0x3FFE];
	[sflag:s23] =	ssyncadd.s32 $0xFFFFFFFF  }
0xa5: {  	s26 =	simm.s32 $execute0_lowered;
	[smem:$0x3FD2] =	sst s25  }
0xa6: {  	s4 =	sshll.u32 s26, $0x1;
	_ =	strace $0x80000055;
	[dreg:$0x1] =	wrdreg $0xFFFFFFFF  }
0xa7: {  	s28 =	simm.s32 $_size_execute0_lowered;
	s2 =	sadd.s32 s2, s4;
	[dreg:$0x0] =	wrdreg $0x0  }
0xa8: {  	s4 =	sshll.u32 s28, $0x1;
	[dreg:$0x2] =	wrdreg s2  }
0xa9: {  	[dreg:$0x3] =	wrdreg s4  }
0xaa: {  	[dreg:$0x4] =	wrdreg $0xC0  }
0xab: {  	_ =	task [dreg:s6], $0x5FFFF  }
0xac: {  	[dreg:$0x1] =	wrdreg $0xFFFFFFFF  }
0xad: {  	[dreg:$0x0] =	wrdreg $0x60  }
0xae: {  	[dreg:$0x2] =	wrdreg s24  }
0xaf: {  	[dreg:$0x3] =	wrdreg $0x41000  }
0xb0: {  	[dreg:$0x4] =	wrdreg $0x9  }
0xb1: {  	_ =	task.clear_ibuf [dreg:s6], $0x5FFFF;
	_ =	strace $0x90000055  }
0xb2: {  	s29 =	simm.s32 $0x9;
	_ =	strace $0x80000057  }
0xb3: {  	_ =	swait.ge [sflag:s29], $0x1  }
0xb4: {  	[sflag:s29] =	ssyncadd.s32 $0xFFFFFFFF  }
0xb5: {  	_ =	strace $0x90000057  }
0xb6: {  	_ =	sfence  }
0xb7: {  	s30 =	sld [smem:$0x0];
	_ =	sdelay $0x2  }
0xb8: {  	s31 =	sshll.u32 s1, $0xD;
	s1 =	sshrl.u32 s1, $0x2  }
0xb9: {  	s3 =	sand.u32 $0x4000, s31;
	s1 =	sadd.s32 s1, s30  }
0xba: {  	s0 =	sor.u32 s3, s0;
	s1 =	sshll.u32 s1, $0x11  }
0xbb: {  	s0 =	sor.u32 s1, s0  }
0xbc: {  	s0 =	sadd.s32 $0x8F2B, s0  }
0xbd: {  	[sflag:s0] =	ssyncadd.remote.s32 $0x1  }
0xbe: {  	_ =	sfence.sel $0xFFFF  }
0xbf: {  	[dreg:$0x0] =	wrdreg $0xFFFFFFFF;
	(pc) =	sbr.abs _section_cstart, $3  }
0xc0: {  	[dreg:$0x1] =	wrdreg $0xFFFFFFFF  }
0xc1: {  	_ =	task.clear_ibuf [dreg:s6], $0x2FFFF;
	_ =	strace $0x9FFFFFFF  }
0xc2: {  	(tm) =	ssettm $0x7FFFFFFF  }
0xc3: {  	_ =	shalt  }
tec
execute0_lowered:
.L_overlay_start_1:
0x0: {  	(tag) =	ssettag $0x1  }
0x1: {  	s11 =	rddreg [dreg:$0x0]  }
0x2: {  	s1 =	rddreg [dreg:$0x1]  }
0x3: {  	s2 =	srdreg.scid;
	s0 =	rddreg [dreg:$0x2]  }
0x4: {  	s3 =	simm.s32 $0x0;
	s19 =	simm.s32 $0x2;
	s20 =	simm.s32 $0x80  }
0x5: {  	s21 =	simm.s32 $0x100;
	s22 =	simm.s32 $0x1;
	s23 =	simm.s32 $0x0  }
0x6: {  	s12 =	sand.u32 $0x1, s2;
	s2 =	stileid.u32;
	[smem:$0x7FF] =	sst s3  }
0x7: {  	s4 =	sadd.s32 $0x96C00, s11;
	s5 =	sadd.s32 $0x6EC00, s11;
	s8 =	smul.u32 $0x500000, s12  }
0x8: {  	s6 =	sadd.s32 $0x3C400, s11;
	s7 =	sadd.s32 $0x11C00, s11;
	s9 =	smul.u32 $0x14000, s2  }
0x9: {  	_ =	strace $0x80000056;
	s28 =	ssub.s32 $0x2, s12;
	s12 =	sshll.u32 s12, $0x4  }
0xa: {  	s14 =	smul.u32 $0x50000, s2;
	s30 =	sshll.u32 s2, $0x6;
	s29 =	sshrl.u32 s28, $0x1  }
0xb: {  	s12 =	sor.u32 s2, s12;
	s10 =	sadd.s32 s9, s8;
	s8 =	sadd.s32 $0x64C00, s11  }
0xc: {  	s9 =	sadd.s32 $0x7C00, s11;
	s17 =	ssub.s32 s28, s29;
	s31 =	sshrl.u32 s14, $0x2  }
0xd: {  	s12 =	smul.u32 $0x2800, s12;
	s13 =	sshrl.u32 s10, $0x3;
	s10 =	sadd.s32 $0x39C00, s11  }
0xe: {  	s18 =	sadd.s32 s31, s1;
	s16 =	sadd.s32 s13, s11;
	s11 =	sor.u32 $0x1C02, s30  }
0xf: {  	s17 =	smax.u32 s17, $0x1;
	s13 =	sadd.s32 $0x1FEC00, s16;
	s14 =	sadd.s32 $0x226C00, s16  }
0x10: {  	s18 =	sshrl.u32 s18, $0x3;
	s15 =	sadd.s32 $0x24EC00, s16;
	s16 =	sadd.s32 $0x276C00, s16  }
.LBB2_1:
0x11: {  	[spmem:s18], [sflag:s11] =	dma.local [hbm:s10], $0x2800  }
0x12: {  	s24 =	sand.u32 $0x3C00, s3  }
0x13: {  	s25 =	sand.u32 $0x380, s3;
	_ =	swait.ge [sflag:s19], $0x2800;
	s24 =	sadd.s32 s12, s24  }
0x14: {  	[sflag:s19] =	ssyncset.done $0x0;
	s24 =	sor.u32 s25, s24  }
0x15: {  	[sflag:s19] =	ssyncadd.s32 $0xFFFFD800;
	s24 =	sshrl.u32 s24, $0x3  }
0x16: {  	[bflag:$0x0] =	sbarrier.arrive $0xFFFF;
	s29 =	sadd.s32 s8, s24  }
0x17: {  	[tilespmem:s3], [sflag:$0x2] =	stream.linear.gather [hbm4b:s29+s3], $0x80, $0x38;
	[tilespmem:$0x18100] =	vst v63  }
0x18: {  	_ =	swait.ge [sflag:s19], $0x80  }
0x19: {  	[sflag:s19] =	ssyncset.done $0x0  }
0x1a: {  	s24 =	sadd.s32 s9, s24;
	[sflag:s19] =	ssyncadd.s32 $0xFFFFFF80  }
0x1b: {  	[tilespmem:s20], [sflag:$0x2] =	stream.linear.gather [hbm4b:s24+s3], $0x80, $0x38;
	[tilespmem:$0x18100] =	vst v63  }
0x1c: {  	_ =	swait.ge [sflag:s19], $0x80  }
0x1d: {  	[sflag:s19] =	ssyncset.done $0x0  }
0x1e: {  	[sflag:s19] =	ssyncadd.s32 $0xFFFFFF80  }
0x1f: {  	[tilespmem:s21], [sflag:$0x1] =	stream.indirect.gather [hbm4b:s4+s20], $0x80, s3, s20, $0xb8;
	[tilespmem:$0x18100] =	vst v63  }
0x20: {  	_ =	swait.ge [sflag:s22], $0x4000  }
0x21: {  	s30 =	simm.s32 $0x80;
	[sflag:s22] =	ssyncset.done $0x0  }
0x22: {  	s31 =	sand.u32 $0x3C00, s30;
	[sflag:s22] =	ssyncadd.s32 $0xFFFFC000  }
0x23: {  	[spmem:s1] =	stream.indirect.scatter.add.f32 [tilespmem:s21], [sflag:$0x2], $0x80, s20, s20, $0xb8;
	[tilespmem:$0x18100] =	vst v63  }
0x24: {  	s26 =	sand.u32 $0x380, s30;
	s25 =	sadd.s32 s12, s31;
	_ =	swait.ge [sflag:s19], $0x4000  }
0x25: {  	s25 =	sor.u32 s26, s25;
	s24 =	simm.s32 $0x100;
	[sflag:s19] =	ssyncset.done $0x0  }
.LBB2_2:
0x26: {  	s25 =	sshrl.u32 s25, $0x3  }
0x27: {  	[sflag:s19] =	ssyncadd.s32 $0xFFFFC000;
	s26 =	smov.u32 s24;
	s28 =	sadd.s32 $0x80, s24  }
0x28: {  	p0 =	sne.s32 s24, $0x2780;
	s24 =	sadd.s32 s8, s25  }
0x29: {  	[tilespmem:s3], [sflag:$0x2] =	stream.linear.gather [hbm4b:s24+s3], $0x80, $0x38;
	[tilespmem:$0x18100] =	vst v63  }
0x2a: {  	_ =	swait.ge [sflag:s19], $0x80  }
0x2b: {  	[sflag:s19] =	ssyncset.done $0x0  }
0x2c: {  	s24 =	sadd.s32 s9, s25;
	[sflag:s19] =	ssyncadd.s32 $0xFFFFFF80  }
0x2d: {  	[tilespmem:s20], [sflag:$0x2] =	stream.linear.gather [hbm4b:s24+s3], $0x80, $0x38;
	[tilespmem:$0x18100] =	vst v63  }
0x2e: {  	_ =	swait.ge [sflag:s19], $0x80  }
0x2f: {  	[sflag:s19] =	ssyncset.done $0x0  }
0x30: {  	[sflag:s19] =	ssyncadd.s32 $0xFFFFFF80  }
0x31: {  	[tilespmem:s21], [sflag:$0x1] =	stream.indirect.gather [hbm4b:s4+s20], $0x80, s3, s20, $0xb8;
	[tilespmem:$0x18100] =	vst v63  }
0x32: {  	_ =	swait.ge [sflag:s22], $0x4000  }
.Ltmp0:
0x33: {  	[sflag:s22] =	ssyncset.done $0x0;
	(pc) =	sbr.rel @p0 .LBB2_2-.Ltmp0, $4  }
0x34: {  	s24 =	sand.u32 $0x3C00, s26;
	[sflag:s22] =	ssyncadd.s32 $0xFFFFC000  }
0x35: {  	[spmem:s1] =	stream.indirect.scatter.add.f32 [tilespmem:s21], [sflag:$0x2], $0x80, s20, s20, $0xb8;
	[tilespmem:$0x18100] =	vst v63  }
0x36: {  	s25 =	sand.u32 $0x380, s26;
	s24 =	sadd.s32 s12, s24;
	_ =	swait.ge [sflag:s19], $0x4000  }
0x37: {  	s25 =	sor.u32 s25, s24;
	s24 =	smov.u32 s28;
	[sflag:s19] =	ssyncset.done $0x0  }
0x38: {  	s24 =	sshrl.u32 s25, $0x3  }
0x39: {  	[sflag:s19] =	ssyncadd.s32 $0xFFFFC000;
	s25 =	sadd.s32 s8, s24  }
0x3a: {  	[tilespmem:s3], [sflag:$0x2] =	stream.linear.gather [hbm4b:s25+s3], $0x80, $0x38;
	[tilespmem:$0x18100] =	vst v63  }
0x3b: {  	_ =	swait.ge [sflag:s19], $0x80  }
0x3c: {  	[sflag:s19] =	ssyncset.done $0x0  }
0x3d: {  	s24 =	sadd.s32 s9, s24;
	[sflag:s19] =	ssyncadd.s32 $0xFFFFFF80  }
0x3e: {  	[tilespmem:s20], [sflag:$0x2] =	stream.linear.gather [hbm4b:s24+s3], $0x80, $0x38;
	[tilespmem:$0x18100] =	vst v63  }
0x3f: {  	_ =	swait.ge [sflag:s19], $0x80  }
0x40: {  	[sflag:s19] =	ssyncset.done $0x0  }
0x41: {  	[sflag:s19] =	ssyncadd.s32 $0xFFFFFF80  }
0x42: {  	[tilespmem:s21], [sflag:$0x1] =	stream.indirect.gather [hbm4b:s4+s20], $0x80, s3, s20, $0xb8;
	[tilespmem:$0x18100] =	vst v63  }
0x43: {  	_ =	swait.ge [sflag:s22], $0x4000  }
0x44: {  	[sflag:s22] =	ssyncset.done $0x0  }
0x45: {  	[sflag:s22] =	ssyncadd.s32 $0xFFFFC000  }
0x46: {  	[spmem:s1] =	stream.indirect.scatter.add.f32 [tilespmem:s21], [sflag:$0x2], $0x80, s20, s20, $0xb8;
	[tilespmem:$0x18100] =	vst v63  }
0x47: {  	_ =	swait.ge [sflag:s19], $0x4000  }
0x48: {  	[sflag:s19] =	ssyncset.done $0x0  }
0x49: {  	[sflag:s19] =	ssyncadd.s32 $0xFFFFC000  }
0x4a: {  	[bflag:$0x0] =	sbarrier.arrive $0xFFFF  }
0x4b: {  	[hbm:s13], [sflag:s11] =	dma.local [spmem:s18], $0x2800  }
0x4c: {  	_ =	swait.ge [sflag:s19], $0x2800  }
0x4d: {  	[sflag:s19] =	ssyncset.done $0x0  }
0x4e: {  	s26 =	simm.s32 $0x0;
	[sflag:s19] =	ssyncadd.s32 $0xFFFFD800  }
0x4f: {  	s28 =	sand.u32 $0x3C00, s26;
	[bflag:$0x0] =	sbarrier.arrive $0xFFFF  }
0x50: {  	[spmem:s18], [sflag:s11] =	dma.local [hbm:s10], $0x2800  }
0x51: {  	s25 =	sadd.s32 s12, s28;
	s24 =	sand.u32 $0x380, s26;
	_ =	swait.ge [sflag:s19], $0x2800  }
0x52: {  	s24 =	sor.u32 s24, s25;
	[sflag:s19] =	ssyncset.done $0x0  }
0x53: {  	s24 =	sshrl.u32 s24, $0x3;
	[sflag:s19] =	ssyncadd.s32 $0xFFFFD800  }
0x54: {  	s29 =	sadd.s32 s8, s24;
	[bflag:$0x0] =	sbarrier.arrive $0xFFFF  }
0x55: {  	[tilespmem:s3], [sflag:$0x2] =	stream.linear.gather [hbm4b:s29+s3], $0x80, $0x38;
	[tilespmem:$0x18100] =	vst v63  }
0x56: {  	_ =	swait.ge [sflag:s19], $0x80  }
0x57: {  	[sflag:s19] =	ssyncset.done $0x0  }
0x58: {  	s24 =	sadd.s32 s9, s24;
	[sflag:s19] =	ssyncadd.s32 $0xFFFFFF80  }
0x59: {  	[tilespmem:s20], [sflag:$0x2] =	stream.linear.gather [hbm4b:s24+s3], $0x80, $0x38;
	[tilespmem:$0x18100] =	vst v63  }
0x5a: {  	_ =	swait.ge [sflag:s19], $0x80  }
0x5b: {  	[sflag:s19] =	ssyncset.done $0x0  }
0x5c: {  	[sflag:s19] =	ssyncadd.s32 $0xFFFFFF80  }
0x5d: {  	[tilespmem:s21], [sflag:$0x1] =	stream.indirect.gather [hbm4b:s5+s20], $0x80, s3, s20, $0xb8;
	[tilespmem:$0x18100] =	vst v63  }
0x5e: {  	_ =	swait.ge [sflag:s22], $0x4000  }
0x5f: {  	s30 =	simm.s32 $0x80;
	[sflag:s22] =	ssyncset.done $0x0  }
0x60: {  	s31 =	sand.u32 $0x3C00, s30;
	[sflag:s22] =	ssyncadd.s32 $0xFFFFC000  }
0x61: {  	[spmem:s1] =	stream.indirect.scatter.add.f32 [tilespmem:s21], [sflag:$0x2], $0x80, s20, s20, $0xb8;
	[tilespmem:$0x18100] =	vst v63  }
0x62: {  	s26 =	sand.u32 $0x380, s30;
	s25 =	sadd.s32 s12, s31;
	_ =	swait.ge [sflag:s19], $0x4000  }
0x63: {  	s25 =	sor.u32 s26, s25;
	s24 =	simm.s32 $0x100;
	[sflag:s19] =	ssyncset.done $0x0  }
.LBB2_4:
0x64: {  	s25 =	sshrl.u32 s25, $0x3  }
0x65: {  	[sflag:s19] =	ssyncadd.s32 $0xFFFFC000;
	s26 =	smov.u32 s24;
	s28 =	sadd.s32 $0x80, s24  }
0x66: {  	p0 =	sne.s32 s24, $0x2780;
	s24 =	sadd.s32 s8, s25  }
0x67: {  	[tilespmem:s3], [sflag:$0x2] =	stream.linear.gather [hbm4b:s24+s3], $0x80, $0x38;
	[tilespmem:$0x18100] =	vst v63  }
0x68: {  	_ =	swait.ge [sflag:s19], $0x80  }
0x69: {  	[sflag:s19] =	ssyncset.done $0x0  }
0x6a: {  	s24 =	sadd.s32 s9, s25;
	[sflag:s19] =	ssyncadd.s32 $0xFFFFFF80  }
0x6b: {  	[tilespmem:s20], [sflag:$0x2] =	stream.linear.gather [hbm4b:s24+s3], $0x80, $0x38;
	[tilespmem:$0x18100] =	vst v63  }
0x6c: {  	_ =	swait.ge [sflag:s19], $0x80  }
0x6d: {  	[sflag:s19] =	ssyncset.done $0x0  }
0x6e: {  	[sflag:s19] =	ssyncadd.s32 $0xFFFFFF80  }
0x6f: {  	[tilespmem:s21], [sflag:$0x1] =	stream.indirect.gather [hbm4b:s5+s20], $0x80, s3, s20, $0xb8;
	[tilespmem:$0x18100] =	vst v63  }
0x70: {  	_ =	swait.ge [sflag:s22], $0x4000  }
.Ltmp1:
0x71: {  	[sflag:s22] =	ssyncset.done $0x0;
	(pc) =	sbr.rel @p0 .LBB2_4-.Ltmp1, $4  }
0x72: {  	s24 =	sand.u32 $0x3C00, s26;
	[sflag:s22] =	ssyncadd.s32 $0xFFFFC000  }
0x73: {  	[spmem:s1] =	stream.indirect.scatter.add.f32 [tilespmem:s21], [sflag:$0x2], $0x80, s20, s20, $0xb8;
	[tilespmem:$0x18100] =	vst v63  }
0x74: {  	s25 =	sand.u32 $0x380, s26;
	s24 =	sadd.s32 s12, s24;
	_ =	swait.ge [sflag:s19], $0x4000  }
0x75: {  	s25 =	sor.u32 s25, s24;
	s24 =	smov.u32 s28;
	[sflag:s19] =	ssyncset.done $0x0  }
0x76: {  	s24 =	sshrl.u32 s25, $0x3  }
0x77: {  	[sflag:s19] =	ssyncadd.s32 $0xFFFFC000;
	s25 =	sadd.s32 s8, s24  }
0x78: {  	[tilespmem:s3], [sflag:$0x2] =	stream.linear.gather [hbm4b:s25+s3], $0x80, $0x38;
	[tilespmem:$0x18100] =	vst v63  }
0x79: {  	_ =	swait.ge [sflag:s19], $0x80  }
0x7a: {  	[sflag:s19] =	ssyncset.done $0x0  }
0x7b: {  	s24 =	sadd.s32 s9, s24;
	[sflag:s19] =	ssyncadd.s32 $0xFFFFFF80  }
0x7c: {  	[tilespmem:s20], [sflag:$0x2] =	stream.linear.gather [hbm4b:s24+s3], $0x80, $0x38;
	[tilespmem:$0x18100] =	vst v63  }
0x7d: {  	_ =	swait.ge [sflag:s19], $0x80  }
0x7e: {  	[sflag:s19] =	ssyncset.done $0x0  }
0x7f: {  	[sflag:s19] =	ssyncadd.s32 $0xFFFFFF80  }
0x80: {  	[tilespmem:s21], [sflag:$0x1] =	stream.indirect.gather [hbm4b:s5+s20], $0x80, s3, s20, $0xb8;
	[tilespmem:$0x18100] =	vst v63  }
0x81: {  	_ =	swait.ge [sflag:s22], $0x4000  }
0x82: {  	[sflag:s22] =	ssyncset.done $0x0  }
0x83: {  	[sflag:s22] =	ssyncadd.s32 $0xFFFFC000  }
0x84: {  	[spmem:s1] =	stream.indirect.scatter.add.f32 [tilespmem:s21], [sflag:$0x2], $0x80, s20, s20, $0xb8;
	[tilespmem:$0x18100] =	vst v63  }
0x85: {  	_ =	swait.ge [sflag:s19], $0x4000  }
0x86: {  	[sflag:s19] =	ssyncset.done $0x0  }
0x87: {  	[sflag:s19] =	ssyncadd.s32 $0xFFFFC000  }
0x88: {  	[bflag:$0x0] =	sbarrier.arrive $0xFFFF  }
0x89: {  	[hbm:s14], [sflag:s11] =	dma.local [spmem:s18], $0x2800  }
0x8a: {  	_ =	swait.ge [sflag:s19], $0x2800  }
0x8b: {  	[sflag:s19] =	ssyncset.done $0x0  }
0x8c: {  	s26 =	simm.s32 $0x0;
	[sflag:s19] =	ssyncadd.s32 $0xFFFFD800  }
0x8d: {  	s28 =	sand.u32 $0x3C00, s26;
	[bflag:$0x0] =	sbarrier.arrive $0xFFFF  }
0x8e: {  	[spmem:s18], [sflag:s11] =	dma.local [hbm:s10], $0x2800  }
0x8f: {  	s25 =	sadd.s32 s12, s28;
	s24 =	sand.u32 $0x380, s26;
	_ =	swait.ge [sflag:s19], $0x2800  }
0x90: {  	s24 =	sor.u32 s24, s25;
	[sflag:s19] =	ssyncset.done $0x0  }
0x91: {  	s24 =	sshrl.u32 s24, $0x3;
	[sflag:s19] =	ssyncadd.s32 $0xFFFFD800  }
0x92: {  	s29 =	sadd.s32 s8, s24;
	[bflag:$0x0] =	sbarrier.arrive $0xFFFF  }
0x93: {  	[tilespmem:s3], [sflag:$0x2] =	stream.linear.gather [hbm4b:s29+s3], $0x80, $0x38;
	[tilespmem:$0x18100] =	vst v63  }
0x94: {  	_ =	swait.ge [sflag:s19], $0x80  }
0x95: {  	[sflag:s19] =	ssyncset.done $0x0  }
0x96: {  	s24 =	sadd.s32 s9, s24;
	[sflag:s19] =	ssyncadd.s32 $0xFFFFFF80  }
0x97: {  	[tilespmem:s20], [sflag:$0x2] =	stream.linear.gather [hbm4b:s24+s3], $0x80, $0x38;
	[tilespmem:$0x18100] =	vst v63  }
0x98: {  	_ =	swait.ge [sflag:s19], $0x80  }
0x99: {  	[sflag:s19] =	ssyncset.done $0x0  }
0x9a: {  	[sflag:s19] =	ssyncadd.s32 $0xFFFFFF80  }
0x9b: {  	[tilespmem:s21], [sflag:$0x1] =	stream.indirect.gather [hbm4b:s6+s20], $0x80, s3, s20, $0xb8;
	[tilespmem:$0x18100] =	vst v63  }
0x9c: {  	_ =	swait.ge [sflag:s22], $0x4000  }
0x9d: {  	s30 =	simm.s32 $0x80;
	[sflag:s22] =	ssyncset.done $0x0  }
0x9e: {  	s31 =	sand.u32 $0x3C00, s30;
	[sflag:s22] =	ssyncadd.s32 $0xFFFFC000  }
0x9f: {  	[spmem:s1] =	stream.indirect.scatter.add.f32 [tilespmem:s21], [sflag:$0x2], $0x80, s20, s20, $0xb8;
	[tilespmem:$0x18100] =	vst v63  }
0xa0: {  	s26 =	sand.u32 $0x380, s30;
	s25 =	sadd.s32 s12, s31;
	_ =	swait.ge [sflag:s19], $0x4000  }
0xa1: {  	s25 =	sor.u32 s26, s25;
	s24 =	simm.s32 $0x100;
	[sflag:s19] =	ssyncset.done $0x0  }
.LBB2_6:
0xa2: {  	s25 =	sshrl.u32 s25, $0x3  }
0xa3: {  	[sflag:s19] =	ssyncadd.s32 $0xFFFFC000;
	s26 =	smov.u32 s24;
	s28 =	sadd.s32 $0x80, s24  }
0xa4: {  	p0 =	sne.s32 s24, $0x2780;
	s24 =	sadd.s32 s8, s25  }
0xa5: {  	[tilespmem:s3], [sflag:$0x2] =	stream.linear.gather [hbm4b:s24+s3], $0x80, $0x38;
	[tilespmem:$0x18100] =	vst v63  }
0xa6: {  	_ =	swait.ge [sflag:s19], $0x80  }
0xa7: {  	[sflag:s19] =	ssyncset.done $0x0  }
0xa8: {  	s24 =	sadd.s32 s9, s25;
	[sflag:s19] =	ssyncadd.s32 $0xFFFFFF80  }
0xa9: {  	[tilespmem:s20], [sflag:$0x2] =	stream.linear.gather [hbm4b:s24+s3], $0x80, $0x38;
	[tilespmem:$0x18100] =	vst v63  }
0xaa: {  	_ =	swait.ge [sflag:s19], $0x80  }
0xab: {  	[sflag:s19] =	ssyncset.done $0x0  }
0xac: {  	[sflag:s19] =	ssyncadd.s32 $0xFFFFFF80  }
0xad: {  	[tilespmem:s21], [sflag:$0x1] =	stream.indirect.gather [hbm4b:s6+s20], $0x80, s3, s20, $0xb8;
	[tilespmem:$0x18100] =	vst v63  }
0xae: {  	_ =	swait.ge [sflag:s22], $0x4000  }
.Ltmp2:
0xaf: {  	[sflag:s22] =	ssyncset.done $0x0;
	(pc) =	sbr.rel @p0 .LBB2_6-.Ltmp2, $4  }
0xb0: {  	s24 =	sand.u32 $0x3C00, s26;
	[sflag:s22] =	ssyncadd.s32 $0xFFFFC000  }
0xb1: {  	[spmem:s1] =	stream.indirect.scatter.add.f32 [tilespmem:s21], [sflag:$0x2], $0x80, s20, s20, $0xb8;
	[tilespmem:$0x18100] =	vst v63  }
0xb2: {  	s25 =	sand.u32 $0x380, s26;
	s24 =	sadd.s32 s12, s24;
	_ =	swait.ge [sflag:s19], $0x4000  }
0xb3: {  	s25 =	sor.u32 s25, s24;
	s24 =	smov.u32 s28;
	[sflag:s19] =	ssyncset.done $0x0  }
0xb4: {  	s24 =	sshrl.u32 s25, $0x3  }
0xb5: {  	[sflag:s19] =	ssyncadd.s32 $0xFFFFC000;
	s25 =	sadd.s32 s8, s24  }
0xb6: {  	[tilespmem:s3], [sflag:$0x2] =	stream.linear.gather [hbm4b:s25+s3], $0x80, $0x38;
	[tilespmem:$0x18100] =	vst v63  }
0xb7: {  	_ =	swait.ge [sflag:s19], $0x80  }
0xb8: {  	[sflag:s19] =	ssyncset.done $0x0  }
0xb9: {  	s24 =	sadd.s32 s9, s24;
	[sflag:s19] =	ssyncadd.s32 $0xFFFFFF80  }
0xba: {  	[tilespmem:s20], [sflag:$0x2] =	stream.linear.gather [hbm4b:s24+s3], $0x80, $0x38;
	[tilespmem:$0x18100] =	vst v63  }
0xbb: {  	_ =	swait.ge [sflag:s19], $0x80  }
0xbc: {  	[sflag:s19] =	ssyncset.done $0x0  }
0xbd: {  	[sflag:s19] =	ssyncadd.s32 $0xFFFFFF80  }
0xbe: {  	[tilespmem:s21], [sflag:$0x1] =	stream.indirect.gather [hbm4b:s6+s20], $0x80, s3, s20, $0xb8;
	[tilespmem:$0x18100] =	vst v63  }
0xbf: {  	_ =	swait.ge [sflag:s22], $0x4000  }
0xc0: {  	[sflag:s22] =	ssyncset.done $0x0  }
0xc1: {  	[sflag:s22] =	ssyncadd.s32 $0xFFFFC000  }
0xc2: {  	[spmem:s1] =	stream.indirect.scatter.add.f32 [tilespmem:s21], [sflag:$0x2], $0x80, s20, s20, $0xb8;
	[tilespmem:$0x18100] =	vst v63  }
0xc3: {  	_ =	swait.ge [sflag:s19], $0x4000  }
0xc4: {  	[sflag:s19] =	ssyncset.done $0x0  }
0xc5: {  	[sflag:s19] =	ssyncadd.s32 $0xFFFFC000  }
0xc6: {  	[bflag:$0x0] =	sbarrier.arrive $0xFFFF  }
0xc7: {  	[hbm:s15], [sflag:s11] =	dma.local [spmem:s18], $0x2800  }
0xc8: {  	_ =	swait.ge [sflag:s19], $0x2800  }
0xc9: {  	[sflag:s19] =	ssyncset.done $0x0  }
0xca: {  	s26 =	simm.s32 $0x0;
	[sflag:s19] =	ssyncadd.s32 $0xFFFFD800  }
0xcb: {  	s28 =	sand.u32 $0x3C00, s26;
	[bflag:$0x0] =	sbarrier.arrive $0xFFFF  }
0xcc: {  	[spmem:s18], [sflag:s11] =	dma.local [hbm:s10], $0x2800  }
0xcd: {  	s25 =	sadd.s32 s12, s28;
	s24 =	sand.u32 $0x380, s26;
	_ =	swait.ge [sflag:s19], $0x2800  }
0xce: {  	s24 =	sor.u32 s24, s25;
	[sflag:s19] =	ssyncset.done $0x0  }
0xcf: {  	s24 =	sshrl.u32 s24, $0x3;
	[sflag:s19] =	ssyncadd.s32 $0xFFFFD800  }
0xd0: {  	s29 =	sadd.s32 s8, s24;
	[bflag:$0x0] =	sbarrier.arrive $0xFFFF  }
0xd1: {  	[tilespmem:s3], [sflag:$0x2] =	stream.linear.gather [hbm4b:s29+s3], $0x80, $0x38;
	[tilespmem:$0x18100] =	vst v63  }
0xd2: {  	_ =	swait.ge [sflag:s19], $0x80  }
0xd3: {  	[sflag:s19] =	ssyncset.done $0x0  }
0xd4: {  	s24 =	sadd.s32 s9, s24;
	[sflag:s19] =	ssyncadd.s32 $0xFFFFFF80  }
0xd5: {  	[tilespmem:s20], [sflag:$0x2] =	stream.linear.gather [hbm4b:s24+s3], $0x80, $0x38;
	[tilespmem:$0x18100] =	vst v63  }
0xd6: {  	_ =	swait.ge [sflag:s19], $0x80  }
0xd7: {  	[sflag:s19] =	ssyncset.done $0x0  }
0xd8: {  	[sflag:s19] =	ssyncadd.s32 $0xFFFFFF80  }
0xd9: {  	[tilespmem:s21], [sflag:$0x1] =	stream.indirect.gather [hbm4b:s7+s20], $0x80, s3, s20, $0xb8;
	[tilespmem:$0x18100] =	vst v63  }
0xda: {  	_ =	swait.ge [sflag:s22], $0x4000  }
0xdb: {  	s30 =	simm.s32 $0x80;
	[sflag:s22] =	ssyncset.done $0x0  }
0xdc: {  	s31 =	sand.u32 $0x3C00, s30;
	[sflag:s22] =	ssyncadd.s32 $0xFFFFC000  }
0xdd: {  	[spmem:s1] =	stream.indirect.scatter.add.f32 [tilespmem:s21], [sflag:$0x2], $0x80, s20, s20, $0xb8;
	[tilespmem:$0x18100] =	vst v63  }
0xde: {  	s26 =	sand.u32 $0x380, s30;
	s25 =	sadd.s32 s12, s31;
	_ =	swait.ge [sflag:s19], $0x4000  }
0xdf: {  	s25 =	sor.u32 s26, s25;
	s24 =	simm.s32 $0x100;
	[sflag:s19] =	ssyncset.done $0x0  }
.LBB2_8:
0xe0: {  	s25 =	sshrl.u32 s25, $0x3  }
0xe1: {  	[sflag:s19] =	ssyncadd.s32 $0xFFFFC000;
	s26 =	smov.u32 s24;
	s28 =	sadd.s32 $0x80, s24  }
0xe2: {  	p0 =	sne.s32 s24, $0x2780;
	s24 =	sadd.s32 s8, s25  }
0xe3: {  	[tilespmem:s3], [sflag:$0x2] =	stream.linear.gather [hbm4b:s24+s3], $0x80, $0x38;
	[tilespmem:$0x18100] =	vst v63  }
0xe4: {  	_ =	swait.ge [sflag:s19], $0x80  }
0xe5: {  	[sflag:s19] =	ssyncset.done $0x0  }
0xe6: {  	s24 =	sadd.s32 s9, s25;
	[sflag:s19] =	ssyncadd.s32 $0xFFFFFF80  }
0xe7: {  	[tilespmem:s20], [sflag:$0x2] =	stream.linear.gather [hbm4b:s24+s3], $0x80, $0x38;
	[tilespmem:$0x18100] =	vst v63  }
0xe8: {  	_ =	swait.ge [sflag:s19], $0x80  }
0xe9: {  	[sflag:s19] =	ssyncset.done $0x0  }
0xea: {  	[sflag:s19] =	ssyncadd.s32 $0xFFFFFF80  }
0xeb: {  	[tilespmem:s21], [sflag:$0x1] =	stream.indirect.gather [hbm4b:s7+s20], $0x80, s3, s20, $0xb8;
	[tilespmem:$0x18100] =	vst v63  }
0xec: {  	_ =	swait.ge [sflag:s22], $0x4000  }
.Ltmp3:
0xed: {  	[sflag:s22] =	ssyncset.done $0x0;
	(pc) =	sbr.rel @p0 .LBB2_8-.Ltmp3, $4  }
0xee: {  	s24 =	sand.u32 $0x3C00, s26;
	[sflag:s22] =	ssyncadd.s32 $0xFFFFC000  }
0xef: {  	[spmem:s1] =	stream.indirect.scatter.add.f32 [tilespmem:s21], [sflag:$0x2], $0x80, s20, s20, $0xb8;
	[tilespmem:$0x18100] =	vst v63  }
0xf0: {  	s25 =	sand.u32 $0x380, s26;
	s24 =	sadd.s32 s12, s24;
	_ =	swait.ge [sflag:s19], $0x4000  }
0xf1: {  	s25 =	sor.u32 s25, s24;
	s24 =	smov.u32 s28;
	[sflag:s19] =	ssyncset.done $0x0  }
0xf2: {  	s24 =	sshrl.u32 s25, $0x3  }
0xf3: {  	[sflag:s19] =	ssyncadd.s32 $0xFFFFC000;
	s25 =	sadd.s32 s8, s24  }
0xf4: {  	[tilespmem:s3], [sflag:$0x2] =	stream.linear.gather [hbm4b:s25+s3], $0x80, $0x38;
	[tilespmem:$0x18100] =	vst v63  }
0xf5: {  	_ =	swait.ge [sflag:s19], $0x80  }
0xf6: {  	[sflag:s19] =	ssyncset.done $0x0  }
0xf7: {  	s24 =	sadd.s32 s9, s24;
	[sflag:s19] =	ssyncadd.s32 $0xFFFFFF80  }
0xf8: {  	[tilespmem:s20], [sflag:$0x2] =	stream.linear.gather [hbm4b:s24+s3], $0x80, $0x38;
	[tilespmem:$0x18100] =	vst v63  }
0xf9: {  	_ =	swait.ge [sflag:s19], $0x80  }
0xfa: {  	[sflag:s19] =	ssyncset.done $0x0  }
0xfb: {  	[sflag:s19] =	ssyncadd.s32 $0xFFFFFF80  }
0xfc: {  	[tilespmem:s21], [sflag:$0x1] =	stream.indirect.gather [hbm4b:s7+s20], $0x80, s3, s20, $0xb8;
	[tilespmem:$0x18100] =	vst v63  }
0xfd: {  	_ =	swait.ge [sflag:s22], $0x4000  }
0xfe: {  	[sflag:s22] =	ssyncset.done $0x0  }
0xff: {  	[sflag:s22] =	ssyncadd.s32 $0xFFFFC000  }
0x100: {  	[spmem:s1] =	stream.indirect.scatter.add.f32 [tilespmem:s21], [sflag:$0x2], $0x80, s20, s20, $0xb8;
	[tilespmem:$0x18100] =	vst v63  }
0x101: {  	_ =	swait.ge [sflag:s19], $0x4000  }
0x102: {  	[sflag:s19] =	ssyncset.done $0x0  }
0x103: {  	s23 =	sadd.s32 $0x1, s23;
	[sflag:s19] =	ssyncadd.s32 $0xFFFFC000  }
0x104: {  	p0 =	sne.s32 s23, s17;
	[bflag:$0x0] =	sbarrier.arrive $0xFFFF  }
0x105: {  	[hbm:s16], [sflag:s11] =	dma.local [spmem:s18], $0x2800  }
.Ltmp4:
0x106: {  	_ =	swait.ge [sflag:s19], $0x2800;
	(pc) =	sbr.rel @p0 .LBB2_1-.Ltmp4, $3  }
0x107: {  	[sflag:s19] =	ssyncset.done $0x0  }
0x108: {  	[sflag:s19] =	ssyncadd.s32 $0xFFFFD800  }
0x109: {  	[bflag:$0x0] =	sbarrier.arrive $0xFFFF;
	_ =	sdelay $0x1  }
0x10a: {  	_ =	sfence.sel $0x180000  }
0x10b: {  	[bflag:$0x0] =	sbarrier.arrive $0xFFFF  }
0x10c: {  	p0 =	sne.s32 s2, $0x0;
	_ =	strace $0x90000056  }
0x10d: {  	s0 =	sadd.s32 @!p0 $0x100000, s0;
	[bflag:$0x2] =	sbarrier.arrive $0xFFFF  }
0x10e: {  	[sflag:s0] =	ssyncadd.tile.s32 @!p0 $0x1;
	_ =	shalt  }
.Lfunc_end2:
_tile_overlayer_lowered:
.L_overlay_start_2:
0x10f: {  	(tag) =	ssettag $0x2  }
0x110: {  	s0 =	rddreg [dreg:$0x0];
	s2 =	stileid.u32  }
0x111: {  	s1 =	rddreg [dreg:$0x1];
	p0 =	sne.s32 s2, $0x0  }
0x112: {  	s3 =	rddreg [dreg:$0x2];
	[bflag:$0x3] =	sbarrier.arrive $0xFFFF;
	s2 =	simm.s32 @!p0 $0x1C02  }
0x113: {  	[timem:s3], [sflag:s2] =	dma.local @!p0 [hbm:s0], s1  }
0x114: {  	s0 =	simm.s32 @!p0 $0x2  }
0x115: {  	_ =	swait.ge @!p0 [sflag:s0], s1  }
0x116: {  	s1 =	ssub.s32 @!p0 $0x0, s1;
	[sflag:s0] =	ssyncset.done @!p0 $0x0  }
0x117: {  	[sflag:s0] =	ssyncadd.s32 @!p0 s1  }
0x118: {  	[bflag:$0x3] =	sbarrier.arrive $0xFFFF  }
0x119: {  	_ =	shalt  }

</sc_bundles>
